<compile_context>
chip_gen: v7x
topology: tpu7x:2x2x1
jax: 0.10.2.dev20260603
libtpu: 0.0.44.dev20260713+nightly
codegen_flags: <defaults>
</compile_context>

<pallas_src>
import functools

import jax
import jax.numpy as jnp
from jax import lax
from jax.experimental import pallas as pl
from jax.experimental.pallas import tpu as pltpu
from jax.experimental.pallas import tpu_sc as plsc

N_NODES = 10000
N_EDGES = 320000
D = 128
NUM_RELS = 50
BN_EPS = 1e-5

NC = 2
NS = 16
NW = NC * NS
EW = N_EDGES // NW
B = 80
NB = EW // B
AW = D + 16
NCHUNKS = N_NODES // B



def _dense_body(x_ref, wk_ref, bk_ref, wq_ref, bq_ref, wv_ref, bv_ref,
                ws_ref, bs_ref, wc_ref, ra_ref, rf_ref, wr_ref, br_ref,
                kv_ref, q_ref, s_ref, relw_ref, rout_ref):
    x = x_ref[...]

    def proj(w_ref, b_ref):
        return lax.dot_general(x, w_ref[...], (((1,), (1,)), ((), ())),
                               preferred_element_type=jnp.float32) + b_ref[...]

    def pack_halves(x):
        w = x.shape[1] // 2

        def rne(y):
            t = lax.bitcast_convert_type(y, jnp.int32)
            return t + 0x7FFF + ((t >> 16) & 1)

        lo = lax.shift_right_logical(rne(x[:, :w]), 16)
        hi = lax.bitwise_and(rne(x[:, w:]), jnp.int32(-65536))
        return lax.bitwise_or(hi, lo)

    kv_ref[:, :D // 2] = pack_halves(proj(wk_ref, bk_ref))
    kv_ref[:, D // 2:] = pack_halves(proj(wv_ref, bv_ref))
    q_ref[...] = pack_halves(proj(wq_ref, bq_ref))
    s_ref[...] = proj(ws_ref, bs_ref)
    relw_ref[...] = pack_halves(lax.dot_general(
        wc_ref[...], ra_ref[...], (((1,), (0,)), ((), ())),
        preferred_element_type=jnp.float32))
    rout_ref[...] = lax.dot_general(rf_ref[...], wr_ref[...],
                                    (((1,), (1,)), ((), ())),
                                    preferred_element_type=jnp.float32) + br_ref[...]


_dense_call = pl.pallas_call(
    _dense_body,
    out_shape=[
        jax.ShapeDtypeStruct((N_NODES, D), jnp.int32),
        jax.ShapeDtypeStruct((N_NODES, D // 2), jnp.int32),
        jax.ShapeDtypeStruct((N_NODES, D), jnp.float32),
        jax.ShapeDtypeStruct((NUM_RELS, D // 2), jnp.int32),
        jax.ShapeDtypeStruct((NUM_RELS - 1, D), jnp.float32),
    ],
)



def _edge_body(kv_hbm, q_hbm, relw_hbm, eidx_hbm, et_hbm, outv_hbm,
               outd_hbm,
               idx_v, relw_v, kv_v, q_v, pv_v, pd_v, acc_sh, den_sh,
               sem_k, sem_q, sem_i, sem_s, sem_d):
    c = lax.axis_index("c")
    s = lax.axis_index("s")
    wid = s * NC + c
    DW = D // 2

    pltpu.sync_copy(relw_hbm, relw_v)

    z16 = jnp.zeros((16,), jnp.float32)

    def zero_row(r, _):
        for cc in range(D // 16):
            pv_v[r, pl.ds(cc * 16, 16)] = z16
        pd_v[r, pl.ds(0, 16)] = z16
        return 0

    lax.fori_loop(0, B, zero_row, 0)

    for i in range(-(-NCHUNKS // NS)):
        ch = s + i * NS

        @pl.when(ch < NCHUNKS)
        def _():
            pltpu.sync_copy(pv_v, acc_sh.at[pl.ds(ch * B, B)])
            pltpu.sync_copy(pd_v, den_sh.at[pl.ds(ch * B, B)])
    plsc.subcore_barrier()

    lanes = lax.iota(jnp.int32, 16)

    def idx_src(i, batch):
        if i < 2:
            return eidx_hbm.at[i, wid * NB + batch]
        return et_hbm.at[wid * NB + batch]

    def idx_fetch(slot, batch, sync):
        for i in range(3):
            if sync:
                pltpu.sync_copy(idx_src(i, batch), idx_v.at[slot, i])
            else:
                pltpu.async_copy(idx_src(i, batch), idx_v.at[slot, i], sem_i)

    idx_fetch(0, 0, True)
    idx_fetch(1, lax.min(1, NB - 1), False)
    pltpu.async_copy(kv_hbm.at[idx_v.at[0].at[0]], kv_v, sem_k)
    pltpu.async_copy(q_hbm.at[idx_v.at[0].at[1]], q_v.at[0], sem_q)

    def batch_body(b, _):
        m = lax.rem(b, 3)
        m1 = lax.rem(b + 1, 3)
        m2 = lax.rem(b + 2, 3)
        mq = lax.rem(b, 2)
        bn = lax.min(b + 1, NB - 1)
        bn2 = lax.min(b + 2, NB - 1)
        cur = idx_v.at[m]
        nxt = idx_v.at[m1]
        with jax.named_scope("ph_gwait"):
            pltpu.make_async_copy(kv_hbm.at[cur.at[0]], kv_v, sem_k).wait()
            pltpu.make_async_copy(q_hbm.at[cur.at[1]], q_v.at[mq],
                                  sem_q).wait()

            @pl.when(b > 0)
            def _():
                pltpu.make_async_copy(pd_v, den_sh.at[cur.at[1]],
                                      sem_d).wait()
        with jax.named_scope("ph_qissue"):
            for i in range(3):
                pltpu.make_async_copy(idx_src(i, bn), idx_v.at[m1, i],
                                      sem_i).wait()
            pltpu.async_copy(q_hbm.at[nxt.at[1]], q_v.at[1 - mq], sem_q)
        ns_att = jax.named_scope("ph_att"); ns_att.__enter__()
        for g in range(B // 16):
            row = lanes + (g * 16)
            et = idx_v[m, 2, pl.ds(g * 16, 16)]

            def att_body(j, acc4):
                accs = list(acc4)
                for t in range(2):
                    jc = (jnp.full((16,), j, jnp.int32) + t + lanes) & (DW - 1)
                    kk = plsc.bitcast(plsc.load_gather(kv_v, [row, jc]),
                                      jnp.bfloat16)
                    ww = plsc.bitcast(plsc.load_gather(relw_v, [et, jc]),
                                      jnp.bfloat16)
                    qq = plsc.bitcast(
                        plsc.load_gather(q_v.at[mq], [row, jc]),
                        jnp.bfloat16)
                    lo, hi = plsc.unpack(kk * ww * qq,
                                         format=plsc.PackFormat.INTERLEAVED)
                    accs[2 * t] = accs[2 * t] + lo
                    accs[2 * t + 1] = accs[2 * t + 1] + hi
                return tuple(accs)

            z = jnp.zeros((16,), jnp.float32)
            a0, a1, a2, a3 = plsc.parallel_loop(
                0, DW, 2, unroll=4, carry=(z, z, z, z))(att_body)
            att = (a0 + a1) + (a2 + a3)
            plsc.store_scatter(pd_v, [row, lanes], jnp.exp(att))
        ns_att.__exit__(None, None, None)
        with jax.named_scope("ph_issue"):
            pltpu.async_copy(kv_hbm.at[nxt.at[0]], kv_v, sem_k)
        with jax.named_scope("ph_vwait"):
            @pl.when(b > 0)
            def _():
                pltpu.make_async_copy(pv_v, acc_sh.at[cur.at[1]],
                                      sem_s).wait()
        ns_pv = jax.named_scope("ph_pv"); ns_pv.__enter__()
        for g in range(B // 16):
            row = lanes + (g * 16)
            p = plsc.load_gather(pd_v, [row, lanes])

            @plsc.parallel_loop(0, DW, 2, unroll=2)
            def pv_body(j):
                for t in range(2):
                    jc = (jnp.full((16,), j, jnp.int32) + t + lanes) & (DW - 1)
                    vv = plsc.bitcast(plsc.load_gather(kv_v, [row, jc + DW]),
                                      jnp.bfloat16)
                    lo, hi = plsc.unpack(vv,
                                         format=plsc.PackFormat.INTERLEAVED)
                    plsc.store_scatter(pv_v, [row, jc], p * lo)
                    plsc.store_scatter(pv_v, [row, jc + DW], p * hi)
        ns_pv.__exit__(None, None, None)
        with jax.named_scope("ph_scat"):
            pltpu.async_copy(pv_v, acc_sh.at[cur.at[1]], sem_s, add=True)
            pltpu.async_copy(pd_v, den_sh.at[cur.at[1]], sem_d, add=True)
        with jax.named_scope("ph_ipf"):
            idx_fetch(m2, bn2, False)
        return 0

    lax.fori_loop(0, NB, batch_body, 0)
    pltpu.make_async_copy(kv_hbm.at[idx_v.at[0].at[0]], kv_v, sem_k).wait()
    pltpu.make_async_copy(q_hbm.at[idx_v.at[0].at[1]], q_v.at[0],
                          sem_q).wait()
    for i in range(3):
        pltpu.make_async_copy(idx_src(i, 0), idx_v.at[0, i], sem_i).wait()
    pltpu.make_async_copy(pv_v, acc_sh.at[idx_v.at[0].at[1]], sem_s).wait()
    pltpu.make_async_copy(pd_v, den_sh.at[idx_v.at[0].at[1]], sem_d).wait()
    plsc.subcore_barrier()

    for i in range(-(-NCHUNKS // NS)):
        ch = s + i * NS

        @pl.when(ch < NCHUNKS)
        def _():
            pltpu.sync_copy(acc_sh.at[pl.ds(ch * B, B)],
                            outv_hbm.at[c, pl.ds(ch * B, B)])
            pltpu.sync_copy(den_sh.at[pl.ds(ch * B, B)],
                            outd_hbm.at[c, pl.ds(ch * B, B)])


_edge_call = functools.partial(
    pl.kernel,
    out_type=[
        jax.ShapeDtypeStruct((NC, N_NODES, D), jnp.float32),
        jax.ShapeDtypeStruct((NC, N_NODES, 16), jnp.float32),
    ],
    mesh=plsc.VectorSubcoreMesh(core_axis_name="c", subcore_axis_name="s",
                                num_cores=NC, num_subcores=NS),
    compiler_params=pltpu.CompilerParams(use_tc_tiling_on_sc=False,
                                         needs_layout_passes=False),
    scratch_types=[
        pltpu.VMEM((3, 3, B), jnp.int32),
        pltpu.VMEM((NUM_RELS, D // 2), jnp.int32),
        pltpu.VMEM((B, D), jnp.int32),
        pltpu.VMEM((2, B, D // 2), jnp.int32),
        pltpu.VMEM((B, D), jnp.float32),
        pltpu.VMEM((B, 16), jnp.float32),
        pltpu.VMEM_SHARED((N_NODES, D), jnp.float32),
        pltpu.VMEM_SHARED((N_NODES, 16), jnp.float32),
        pltpu.SemaphoreType.DMA,
        pltpu.SemaphoreType.DMA,
        pltpu.SemaphoreType.DMA,
        pltpu.SemaphoreType.DMA,
        pltpu.SemaphoreType.DMA,
    ],
)(_edge_body)



def _fin_body(acc_ref, den_ref, s_ref, alpha_ref, g_ref, b_ref, out_ref):
    num = acc_ref[0] + acc_ref[1]
    den = jnp.sum(den_ref[0] + den_ref[1], axis=1, keepdims=True)
    final = num / jnp.where(den > 0.0, den, 1.0)
    a = jax.nn.sigmoid(alpha_ref[0, 0])
    n_out = a * s_ref[...] + (1.0 - a) * final
    mean = jnp.mean(n_out, axis=0, keepdims=True)
    var = jnp.mean((n_out - mean) ** 2, axis=0, keepdims=True)
    out_ref[...] = jnp.tanh((n_out - mean) * lax.rsqrt(var + BN_EPS)
                            * g_ref[...] + b_ref[...])


_fin_call = pl.pallas_call(
    _fin_body,
    out_shape=jax.ShapeDtypeStruct((N_NODES, D), jnp.float32),
)



def kernel(n_in_feats, r_feats, edge_index, etype, norm,
           W_S_w, W_S_b, Wk_w, Wk_b, Wq_w, Wq_b, Wv_w, Wv_b,
           W_R_w, W_R_b, relation_att, w_comp, alpha, loop_rel,
           bn_gamma, bn_beta):
    del norm, loop_rel
    eidx = edge_index.reshape(2, NW * NB, B)
    et = etype.reshape(NW * NB, B)

    kv, q, s, relw, r_out = _dense_call(
        n_in_feats, Wk_w, Wk_b.reshape(1, D), Wq_w, Wq_b.reshape(1, D),
        Wv_w, Wv_b.reshape(1, D), W_S_w, W_S_b.reshape(1, D),
        w_comp, relation_att, r_feats, W_R_w, W_R_b.reshape(1, D))

    acc, den = _edge_call(kv, q, relw, eidx, et)

    n_out = _fin_call(acc, den, s, alpha.reshape(1, 1),
                      bn_gamma.reshape(1, D), bn_beta.reshape(1, D))
    return n_out, r_out

# --- scband reference (transcript-rebuilt; emitter-appended) ---
"""Pipeline reference for scband-comp-graph-conv-60559038873715 (READ-ONLY COPY).

The authoritative reference and input builder live on the scoring server;
editing this copy changes nothing except your own understanding.
"""

import jax, jax.numpy as jnp
import numpy as np

N_NODES = 10000
N_EDGES = 320000
IN_DIM = 128
OUT_DIM = 128
NUM_RELS = 50
NUM_BASES = 25
BN_EPS = 1e-5


def setup_inputs(seed: int = 0) -> dict:
    key = jax.random.key(seed)
    ks = jax.random.split(key, 16)
    s_in = 1.0 / np.sqrt(IN_DIM)
    s_b = 1.0 / np.sqrt(NUM_BASES)
    inp = {}
    inp['n_in_feats'] = jax.random.normal(ks[0], (N_NODES, IN_DIM), jnp.float32)
    inp['r_feats'] = jax.random.normal(ks[1], (NUM_RELS - 1, IN_DIM), jnp.float32)
    inp['edge_index'] = jax.random.randint(ks[2], (2, N_EDGES), 0, N_NODES, dtype=jnp.int32)
    inp['etype'] = jax.random.randint(ks[3], (N_EDGES,), 0, NUM_RELS, dtype=jnp.int32)
    inp['norm'] = jax.random.uniform(ks[4], (N_EDGES, 1), jnp.float32)
    # learned parameters (torch nn.Linear convention: W [out, in], y = x @ W.T + b)
    inp['W_S_w'] = jax.random.normal(ks[5], (OUT_DIM, IN_DIM), jnp.float32) * s_in
    inp['W_S_b'] = jnp.zeros((OUT_DIM,), jnp.float32)
    inp['Wk_w'] = jax.random.normal(ks[6], (OUT_DIM, IN_DIM), jnp.float32) * s_in
    inp['Wk_b'] = jnp.zeros((OUT_DIM,), jnp.float32)
    inp['Wq_w'] = jax.random.normal(ks[7], (OUT_DIM, IN_DIM), jnp.float32) * s_in
    inp['Wq_b'] = jnp.zeros((OUT_DIM,), jnp.float32)
    inp['Wv_w'] = jax.random.normal(ks[8], (OUT_DIM, IN_DIM), jnp.float32) * s_in
    inp['Wv_b'] = jnp.zeros((OUT_DIM,), jnp.float32)
    inp['W_R_w'] = jax.random.normal(ks[9], (OUT_DIM, IN_DIM), jnp.float32) * s_in
    inp['W_R_b'] = jnp.zeros((OUT_DIM,), jnp.float32)
    inp['relation_att'] = jax.random.normal(ks[10], (NUM_BASES, OUT_DIM), jnp.float32) * s_in
    inp['w_comp'] = jax.random.normal(ks[11], (NUM_RELS, NUM_BASES), jnp.float32) * s_b
    inp['alpha'] = jnp.ones((1,), jnp.float32)
    inp['loop_rel'] = jax.random.normal(ks[12], (1, IN_DIM), jnp.float32) * s_in
    inp['bn_gamma'] = jnp.ones((OUT_DIM,), jnp.float32)
    inp['bn_beta'] = jnp.zeros((OUT_DIM,), jnp.float32)
    return inp


def reference(n_in_feats, r_feats, edge_index, etype, norm,
              W_S_w, W_S_b, Wk_w, Wk_b, Wq_w, Wq_b, Wv_w, Wv_b,
              W_R_w, W_R_b, relation_att, w_comp, alpha, loop_rel,
              bn_gamma, bn_beta):
    N = n_in_feats.shape[0]
    src = edge_index[0]
    dst = edge_index[1]
    # r_feats = cat(r_feats, loop_rel)
    r_all = jnp.concatenate([r_feats, loop_rel], axis=0)  # [NUM_RELS, IN_DIM]
    # g.edata['h'] = r_feats[etype] * norm  (computed in original forward; unused downstream)
    edge_h = r_all[etype] * norm
    # relations_weights = w_comp @ relation_att  -> [NUM_RELS, OUT_DIM]
    rel_w = jnp.matmul(w_comp, relation_att)
    # apply_edges: k/q/v projections (computed on nodes, gathered per edge)
    k = n_in_feats @ Wk_w.T + Wk_b
    q = n_in_feats @ Wq_w.T + Wq_b
    v = n_in_feats @ Wv_w.T + Wv_b
    # message: att = sum(k_src * w[etype] * q_dst, -1)
    att = jnp.sum(k[src] * rel_w[etype] * q[dst], axis=-1)  # [E]
    # reduce: softmax over incoming edges per dst node, then weighted sum of v_src
    att_max = jax.ops.segment_max(att, dst, num_segments=N)
    att_max = jnp.where(jnp.isfinite(att_max), att_max, 0.0)
    e = jnp.exp(att - att_max[dst])
    denom = jax.ops.segment_sum(e, dst, num_segments=N)
    w_e = e / jnp.where(denom > 0, denom, 1.0)[dst]
    final = jax.ops.segment_sum(w_e[:, None] * v[src], dst, num_segments=N)  # [N, OUT_DIM]
    # combine (dropout is identity in eval)
    a = jax.nn.sigmoid(alpha[0])
    n_out = a * (n_in_feats @ W_S_w.T + W_S_b) + (1.0 - a) * final
    # BatchNorm1d (training-mode batch statistics, biased variance)
    mean = jnp.mean(n_out, axis=0)
    var = jnp.mean((n_out - mean) ** 2, axis=0)
    n_out = (n_out - mean) / jnp.sqrt(var + BN_EPS) * bn_gamma + bn_beta
    n_out = jnp.tanh(n_out)
    r_out = r_all @ W_R_w.T + W_R_b
    return n_out, r_out[:-1]


if False:  # reference __main__ guard neutralized (emitter)
    out = reference(**setup_inputs())
    print(out[0].shape, out[1].shape)

if __name__ == "__main__":
    import jax
    _d = setup_inputs()
    print(jax.jit(kernel)(*tuple(_d.values())))

</pallas_src>

<mosaic_0001>
#map = affine_map<(d0, d1) -> (0, 0)>
#map1 = affine_map<(d0, d1) -> (0, 0, 0)>
module attributes {stable_mosaic.version = 14 : i64} {
  func.func @_edge_body(%arg0: i32, %arg1: i32, %arg2: memref<10000x128xi32, #tpu.memory_space<hbm>>, %arg3: memref<10000x64xi32, #tpu.memory_space<hbm>>, %arg4: memref<50x64xi32, #tpu.memory_space<hbm>>, %arg5: memref<2x4000x80xi32, #tpu.memory_space<hbm>>, %arg6: memref<4000x80xi32, #tpu.memory_space<hbm>>, %arg7: memref<2x10000x128xf32, #tpu.memory_space<hbm>>, %arg8: memref<2x10000x16xf32, #tpu.memory_space<hbm>>, %arg9: memref<3x3x80xi32, #tpu.memory_space<vmem>>, %arg10: memref<50x64xi32, #tpu.memory_space<vmem>>, %arg11: memref<80x128xi32, #tpu.memory_space<vmem>>, %arg12: memref<2x80x64xi32, #tpu.memory_space<vmem>>, %arg13: memref<80x128xf32, #tpu.memory_space<vmem>>, %arg14: memref<80x16xf32, #tpu.memory_space<vmem>>, %arg15: memref<10000x128xf32, #tpu.memory_space<vmem_shared>>, %arg16: memref<10000x16xf32, #tpu.memory_space<vmem_shared>>, %arg17: memref<!tpu.dma_semaphore, #tpu.memory_space<semaphore_mem>>, %arg18: memref<!tpu.dma_semaphore, #tpu.memory_space<semaphore_mem>>, %arg19: memref<!tpu.dma_semaphore, #tpu.memory_space<semaphore_mem>>, %arg20: memref<!tpu.dma_semaphore, #tpu.memory_space<semaphore_mem>>, %arg21: memref<!tpu.dma_semaphore, #tpu.memory_space<semaphore_mem>>) attributes {dimension_semantics = [#tpu.dimension_semantics<core_parallel>, #tpu.dimension_semantics<subcore_parallel>], iteration_bounds = array<i64: 2, 16>, scalar_prefetch = 0 : i64, scratch_operands = 13 : i64, tpu.core_type = #tpu.core_type<sc_vector_subcore>, window_params = [{transform_indices = #map}, {transform_indices = #map}, {transform_indices = #map}, {transform_indices = #map1}, {transform_indices = #map}, {transform_indices = #map1}, {transform_indices = #map1}]} {
    %mul3A = arith.constant 2 : i32
    %mul3A_0 = arith.muli %arg1, %mul3A : i32
    %add3A = arith.addi %mul3A_0, %arg0 : i32
    "tpu.region"() ({
      %run_scoped3A_335 = tpu.sem_alloc : memref<!tpu.dma_semaphore, #tpu.memory_space<semaphore_mem>>
      tpu.enqueue_dma source(%arg4 : memref<50x64xi32, #tpu.memory_space<hbm>>) target(%arg10 : memref<50x64xi32, #tpu.memory_space<vmem>>) target_semaphore(%run_scoped3A_335 : memref<!tpu.dma_semaphore, #tpu.memory_space<semaphore_mem>>)
      tpu.wait_dma2 semaphore(%run_scoped3A_335 : memref<!tpu.dma_semaphore, #tpu.memory_space<semaphore_mem>>) src(%arg4 : memref<50x64xi32, #tpu.memory_space<hbm>>) dst(%arg10 : memref<50x64xi32, #tpu.memory_space<vmem>>)
      tpu.yield
    }) : () -> ()
    %broadcast_in_dim3A = arith.constant 0.000000e+00 : f32
    %broadcast_in_dim3A_1 = vector.broadcast %broadcast_in_dim3A : f32 to vector<16xf32>
    %scan3A = arith.constant 0 : i32
    %scan3A_2 = arith.constant 0 : i32
    %scan3A_3 = arith.constant 80 : i32
    %scan3A_4 = arith.addi %scan3A_2, %scan3A_3 : i32
    %scan3A_5 = arith.constant 1 : i32
    %scan3A_6 = scf.for %scan3A_335 = %scan3A_2 to %scan3A_4 step %scan3A_5 iter_args(%scan3A_336 = %scan3A) -> (i32)  : i32 {
      %swap3A = arith.index_cast %scan3A_335 : i32 to index
      %swap3A_337 = arith.constant 0 : index
      %swap3A_338 = tpu.vector_load %arg13[%swap3A, %swap3A_337] {strides = array<i32>} : memref<80x128xf32, #tpu.memory_space<vmem>>, vector<16xf32>,
      tpu.vector_store %arg13[%swap3A, %swap3A_337], %broadcast_in_dim3A_1 {strides = array<i32>} : memref<80x128xf32, #tpu.memory_space<vmem>>, vector<16xf32>,
      %swap3A_339 = arith.index_cast %scan3A_335 : i32 to index
      %swap3A_340 = arith.constant 16 : index
      %swap3A_341 = tpu.vector_load %arg13[%swap3A_339, %swap3A_340] {strides = array<i32>} : memref<80x128xf32, #tpu.memory_space<vmem>>, vector<16xf32>,
      tpu.vector_store %arg13[%swap3A_339, %swap3A_340], %broadcast_in_dim3A_1 {strides = array<i32>} : memref<80x128xf32, #tpu.memory_space<vmem>>, vector<16xf32>,
      %swap3A_342 = arith.index_cast %scan3A_335 : i32 to index
      %swap3A_343 = arith.constant 32 : index
      %swap3A_344 = tpu.vector_load %arg13[%swap3A_342, %swap3A_343] {strides = array<i32>} : memref<80x128xf32, #tpu.memory_space<vmem>>, vector<16xf32>,
      tpu.vector_store %arg13[%swap3A_342, %swap3A_343], %broadcast_in_dim3A_1 {strides = array<i32>} : memref<80x128xf32, #tpu.memory_space<vmem>>, vector<16xf32>,
      %swap3A_345 = arith.index_cast %scan3A_335 : i32 to index
      %swap3A_346 = arith.constant 48 : index
      %swap3A_347 = tpu.vector_load %arg13[%swap3A_345, %swap3A_346] {strides = array<i32>} : memref<80x128xf32, #tpu.memory_space<vmem>>, vector<16xf32>,
      tpu.vector_store %arg13[%swap3A_345, %swap3A_346], %broadcast_in_dim3A_1 {strides = array<i32>} : memref<80x128xf32, #tpu.memory_space<vmem>>, vector<16xf32>,
      %swap3A_348 = arith.index_cast %scan3A_335 : i32 to index
      %swap3A_349 = arith.constant 64 : index
      %swap3A_350 = tpu.vector_load %arg13[%swap3A_348, %swap3A_349] {strides = array<i32>} : memref<80x128xf32, #tpu.memory_space<vmem>>, vector<16xf32>,
      tpu.vector_store %arg13[%swap3A_348, %swap3A_349], %broadcast_in_dim3A_1 {strides = array<i32>} : memref<80x128xf32, #tpu.memory_space<vmem>>, vector<16xf32>,
      %swap3A_351 = arith.index_cast %scan3A_335 : i32 to index
      %swap3A_352 = arith.constant 80 : index
      %swap3A_353 = tpu.vector_load %arg13[%swap3A_351, %swap3A_352] {strides = array<i32>} : memref<80x128xf32, #tpu.memory_space<vmem>>, vector<16xf32>,
      tpu.vector_store %arg13[%swap3A_351, %swap3A_352], %broadcast_in_dim3A_1 {strides = array<i32>} : memref<80x128xf32, #tpu.memory_space<vmem>>, vector<16xf32>,
      %swap3A_354 = arith.index_cast %scan3A_335 : i32 to index
      %swap3A_355 = arith.constant 96 : index
      %swap3A_356 = tpu.vector_load %arg13[%swap3A_354, %swap3A_355] {strides = array<i32>} : memref<80x128xf32, #tpu.memory_space<vmem>>, vector<16xf32>,
      tpu.vector_store %arg13[%swap3A_354, %swap3A_355], %broadcast_in_dim3A_1 {strides = array<i32>} : memref<80x128xf32, #tpu.memory_space<vmem>>, vector<16xf32>,
      %swap3A_357 = arith.index_cast %scan3A_335 : i32 to index
      %swap3A_358 = arith.constant 112 : index
      %swap3A_359 = tpu.vector_load %arg13[%swap3A_357, %swap3A_358] {strides = array<i32>} : memref<80x128xf32, #tpu.memory_space<vmem>>, vector<16xf32>,
      tpu.vector_store %arg13[%swap3A_357, %swap3A_358], %broadcast_in_dim3A_1 {strides = array<i32>} : memref<80x128xf32, #tpu.memory_space<vmem>>, vector<16xf32>,
      %swap3A_360 = arith.index_cast %scan3A_335 : i32 to index
      %swap3A_361 = arith.constant 0 : index
      %swap3A_362 = tpu.vector_load %arg14[%swap3A_360, %swap3A_361] {strides = array<i32>} : memref<80x16xf32, #tpu.memory_space<vmem>>, vector<16xf32>,
      tpu.vector_store %arg14[%swap3A_360, %swap3A_361], %broadcast_in_dim3A_1 {strides = array<i32>} : memref<80x16xf32, #tpu.memory_space<vmem>>, vector<16xf32>,
      %scan3A_363 = arith.constant 0 : i32
      scf.yield %scan3A_363 : i32
    }
    %scan3A_7 = arith.constant 80 : i32
    %add3A_8 = arith.constant 0 : i32
    %add3A_9 = arith.addi %arg1, %add3A_8 : i32
    %lt3A = arith.constant 125 : i32
    %lt3A_10 = arith.cmpi slt, %add3A_9, %lt3A : i32
    %convert_element_type3A = arith.extui %lt3A_10 : i1 to i32
    %cond3A = arith.constant 0 : i32
    %cond3A_11 = arith.cmpi ne, %convert_element_type3A, %cond3A : i32
    scf.if %cond3A_11 {
      %mul3A_335 = arith.constant 80 : i32
      %mul3A_336 = arith.muli %add3A_9, %mul3A_335 : i32
      "tpu.region"() ({
        %run_scoped3A_339 = tpu.sem_alloc : memref<!tpu.dma_semaphore, #tpu.memory_space<semaphore_mem>>
        %dma_start3A_340 = arith.constant 0 : i32
        %dma_start3A_341 = tpu.memref_slice %arg15[%mul3A_336, %dma_start3A_340] : memref<10000x128xf32, #tpu.memory_space<vmem_shared>> -> memref<80x128xf32, #tpu.memory_space<vmem_shared>>
        %dma_start3A_342 = arith.constant 0 : i32
        %dma_start3A_343 = tpu.memref_slice %arg15[%mul3A_336, %dma_start3A_342] : memref<10000x128xf32, #tpu.memory_space<vmem_shared>> -> memref<80x128xf32, #tpu.memory_space<vmem_shared>>
        tpu.enqueue_dma source(%arg13 : memref<80x128xf32, #tpu.memory_space<vmem>>) target(%dma_start3A_343 : memref<80x128xf32, #tpu.memory_space<vmem_shared>>) target_semaphore(%run_scoped3A_339 : memref<!tpu.dma_semaphore, #tpu.memory_space<semaphore_mem>>)
        %dma_wait3A_344 = arith.constant 0 : i32
        %dma_wait3A_345 = tpu.memref_slice %arg15[%mul3A_336, %dma_wait3A_344] : memref<10000x128xf32, #tpu.memory_space<vmem_shared>> -> memref<80x128xf32, #tpu.memory_space<vmem_shared>>
        %dma_wait3A_346 = arith.constant 0 : i32
        %dma_wait3A_347 = tpu.memref_slice %arg15[%mul3A_336, %dma_wait3A_346] : memref<10000x128xf32, #tpu.memory_space<vmem_shared>> -> memref<80x128xf32, #tpu.memory_space<vmem_shared>>
        tpu.wait_dma2 semaphore(%run_scoped3A_339 : memref<!tpu.dma_semaphore, #tpu.memory_space<semaphore_mem>>) src(%arg13 : memref<80x128xf32, #tpu.memory_space<vmem>>) dst(%dma_wait3A_347 : memref<80x128xf32, #tpu.memory_space<vmem_shared>>)
        tpu.yield
      }) : () -> ()
      %mul3A_337 = arith.constant 80 : i32
      %mul3A_338 = arith.muli %add3A_9, %mul3A_337 : i32
      "tpu.region"() ({
        %run_scoped3A_339 = tpu.sem_alloc : memref<!tpu.dma_semaphore, #tpu.memory_space<semaphore_mem>>
        %dma_start3A_340 = arith.constant 0 : i32
        %dma_start3A_341 = tpu.memref_slice %arg16[%mul3A_338, %dma_start3A_340] : memref<10000x16xf32, #tpu.memory_space<vmem_shared>> -> memref<80x16xf32, #tpu.memory_space<vmem_shared>>
        %dma_start3A_342 = arith.constant 0 : i32
        %dma_start3A_343 = tpu.memref_slice %arg16[%mul3A_338, %dma_start3A_342] : memref<10000x16xf32, #tpu.memory_space<vmem_shared>> -> memref<80x16xf32, #tpu.memory_space<vmem_shared>>
        tpu.enqueue_dma source(%arg14 : memref<80x16xf32, #tpu.memory_space<vmem>>) target(%dma_start3A_343 : memref<80x16xf32, #tpu.memory_space<vmem_shared>>) target_semaphore(%run_scoped3A_339 : memref<!tpu.dma_semaphore, #tpu.memory_space<semaphore_mem>>)
        %dma_wait3A_344 = arith.constant 0 : i32
        %dma_wait3A_345 = tpu.memref_slice %arg16[%mul3A_338, %dma_wait3A_344] : memref<10000x16xf32, #tpu.memory_space<vmem_shared>> -> memref<80x16xf32, #tpu.memory_space<vmem_shared>>
        %dma_wait3A_346 = arith.constant 0 : i32
        %dma_wait3A_347 = tpu.memref_slice %arg16[%mul3A_338, %dma_wait3A_346] : memref<10000x16xf32, #tpu.memory_space<vmem_shared>> -> memref<80x16xf32, #tpu.memory_space<vmem_shared>>
        tpu.wait_dma2 semaphore(%run_scoped3A_339 : memref<!tpu.dma_semaphore, #tpu.memory_space<semaphore_mem>>) src(%arg14 : memref<80x16xf32, #tpu.memory_space<vmem>>) dst(%dma_wait3A_347 : memref<80x16xf32, #tpu.memory_space<vmem_shared>>)
        tpu.yield
      }) : () -> ()
    } else {
    }
    %add3A_12 = arith.constant 16 : i32
    %add3A_13 = arith.addi %arg1, %add3A_12 : i32
    %lt3A_14 = arith.constant 125 : i32
    %lt3A_15 = arith.cmpi slt, %add3A_13, %lt3A_14 : i32
    %convert_element_type3A_16 = arith.extui %lt3A_15 : i1 to i32
    %cond3A_17 = arith.constant 0 : i32
    %cond3A_18 = arith.cmpi ne, %convert_element_type3A_16, %cond3A_17 : i32
    scf.if %cond3A_18 {
      %mul3A_335 = arith.constant 80 : i32
      %mul3A_336 = arith.muli %add3A_13, %mul3A_335 : i32
      "tpu.region"() ({
        %run_scoped3A_339 = tpu.sem_alloc : memref<!tpu.dma_semaphore, #tpu.memory_space<semaphore_mem>>
        %dma_start3A_340 = arith.constant 0 : i32
        %dma_start3A_341 = tpu.memref_slice %arg15[%mul3A_336, %dma_start3A_340] : memref<10000x128xf32, #tpu.memory_space<vmem_shared>> -> memref<80x128xf32, #tpu.memory_space<vmem_shared>>
        %dma_start3A_342 = arith.constant 0 : i32
        %dma_start3A_343 = tpu.memref_slice %arg15[%mul3A_336, %dma_start3A_342] : memref<10000x128xf32, #tpu.memory_space<vmem_shared>> -> memref<80x128xf32, #tpu.memory_space<vmem_shared>>
        tpu.enqueue_dma source(%arg13 : memref<80x128xf32, #tpu.memory_space<vmem>>) target(%dma_start3A_343 : memref<80x128xf32, #tpu.memory_space<vmem_shared>>) target_semaphore(%run_scoped3A_339 : memref<!tpu.dma_semaphore, #tpu.memory_space<semaphore_mem>>)
        %dma_wait3A_344 = arith.constant 0 : i32
        %dma_wait3A_345 = tpu.memref_slice %arg15[%mul3A_336, %dma_wait3A_344] : memref<10000x128xf32, #tpu.memory_space<vmem_shared>> -> memref<80x128xf32, #tpu.memory_space<vmem_shared>>
        %dma_wait3A_346 = arith.constant 0 : i32
        %dma_wait3A_347 = tpu.memref_slice %arg15[%mul3A_336, %dma_wait3A_346] : memref<10000x128xf32, #tpu.memory_space<vmem_shared>> -> memref<80x128xf32, #tpu.memory_space<vmem_shared>>
        tpu.wait_dma2 semaphore(%run_scoped3A_339 : memref<!tpu.dma_semaphore, #tpu.memory_space<semaphore_mem>>) src(%arg13 : memref<80x128xf32, #tpu.memory_space<vmem>>) dst(%dma_wait3A_347 : memref<80x128xf32, #tpu.memory_space<vmem_shared>>)
        tpu.yield
      }) : () -> ()
      %mul3A_337 = arith.constant 80 : i32
      %mul3A_338 = arith.muli %add3A_13, %mul3A_337 : i32
      "tpu.region"() ({
        %run_scoped3A_339 = tpu.sem_alloc : memref<!tpu.dma_semaphore, #tpu.memory_space<semaphore_mem>>
        %dma_start3A_340 = arith.constant 0 : i32
        %dma_start3A_341 = tpu.memref_slice %arg16[%mul3A_338, %dma_start3A_340] : memref<10000x16xf32, #tpu.memory_space<vmem_shared>> -> memref<80x16xf32, #tpu.memory_space<vmem_shared>>
        %dma_start3A_342 = arith.constant 0 : i32
        %dma_start3A_343 = tpu.memref_slice %arg16[%mul3A_338, %dma_start3A_342] : memref<10000x16xf32, #tpu.memory_space<vmem_shared>> -> memref<80x16xf32, #tpu.memory_space<vmem_shared>>
        tpu.enqueue_dma source(%arg14 : memref<80x16xf32, #tpu.memory_space<vmem>>) target(%dma_start3A_343 : memref<80x16xf32, #tpu.memory_space<vmem_shared>>) target_semaphore(%run_scoped3A_339 : memref<!tpu.dma_semaphore, #tpu.memory_space<semaphore_mem>>)
        %dma_wait3A_344 = arith.constant 0 : i32
        %dma_wait3A_345 = tpu.memref_slice %arg16[%mul3A_338, %dma_wait3A_344] : memref<10000x16xf32, #tpu.memory_space<vmem_shared>> -> memref<80x16xf32, #tpu.memory_space<vmem_shared>>
        %dma_wait3A_346 = arith.constant 0 : i32
        %dma_wait3A_347 = tpu.memref_slice %arg16[%mul3A_338, %dma_wait3A_346] : memref<10000x16xf32, #tpu.memory_space<vmem_shared>> -> memref<80x16xf32, #tpu.memory_space<vmem_shared>>
        tpu.wait_dma2 semaphore(%run_scoped3A_339 : memref<!tpu.dma_semaphore, #tpu.memory_space<semaphore_mem>>) src(%arg14 : memref<80x16xf32, #tpu.memory_space<vmem>>) dst(%dma_wait3A_347 : memref<80x16xf32, #tpu.memory_space<vmem_shared>>)
        tpu.yield
      }) : () -> ()
    } else {
    }
    %add3A_19 = arith.constant 32 : i32
    %add3A_20 = arith.addi %arg1, %add3A_19 : i32
    %lt3A_21 = arith.constant 125 : i32
    %lt3A_22 = arith.cmpi slt, %add3A_20, %lt3A_21 : i32
    %convert_element_type3A_23 = arith.extui %lt3A_22 : i1 to i32
    %cond3A_24 = arith.constant 0 : i32
    %cond3A_25 = arith.cmpi ne, %convert_element_type3A_23, %cond3A_24 : i32
    scf.if %cond3A_25 {
      %mul3A_335 = arith.constant 80 : i32
      %mul3A_336 = arith.muli %add3A_20, %mul3A_335 : i32
      "tpu.region"() ({
        %run_scoped3A_339 = tpu.sem_alloc : memref<!tpu.dma_semaphore, #tpu.memory_space<semaphore_mem>>
        %dma_start3A_340 = arith.constant 0 : i32
        %dma_start3A_341 = tpu.memref_slice %arg15[%mul3A_336, %dma_start3A_340] : memref<10000x128xf32, #tpu.memory_space<vmem_shared>> -> memref<80x128xf32, #tpu.memory_space<vmem_shared>>
        %dma_start3A_342 = arith.constant 0 : i32
        %dma_start3A_343 = tpu.memref_slice %arg15[%mul3A_336, %dma_start3A_342] : memref<10000x128xf32, #tpu.memory_space<vmem_shared>> -> memref<80x128xf32, #tpu.memory_space<vmem_shared>>
        tpu.enqueue_dma source(%arg13 : memref<80x128xf32, #tpu.memory_space<vmem>>) target(%dma_start3A_343 : memref<80x128xf32, #tpu.memory_space<vmem_shared>>) target_semaphore(%run_scoped3A_339 : memref<!tpu.dma_semaphore, #tpu.memory_space<semaphore_mem>>)
        %dma_wait3A_344 = arith.constant 0 : i32
        %dma_wait3A_345 = tpu.memref_slice %arg15[%mul3A_336, %dma_wait3A_344] : memref<10000x128xf32, #tpu.memory_space<vmem_shared>> -> memref<80x128xf32, #tpu.memory_space<vmem_shared>>
        %dma_wait3A_346 = arith.constant 0 : i32
        %dma_wait3A_347 = tpu.memref_slice %arg15[%mul3A_336, %dma_wait3A_346] : memref<10000x128xf32, #tpu.memory_space<vmem_shared>> -> memref<80x128xf32, #tpu.memory_space<vmem_shared>>
        tpu.wait_dma2 semaphore(%run_scoped3A_339 : memref<!tpu.dma_semaphore, #tpu.memory_space<semaphore_mem>>) src(%arg13 : memref<80x128xf32, #tpu.memory_space<vmem>>) dst(%dma_wait3A_347 : memref<80x128xf32, #tpu.memory_space<vmem_shared>>)
        tpu.yield
      }) : () -> ()
      %mul3A_337 = arith.constant 80 : i32
      %mul3A_338 = arith.muli %add3A_20, %mul3A_337 : i32
      "tpu.region"() ({
        %run_scoped3A_339 = tpu.sem_alloc : memref<!tpu.dma_semaphore, #tpu.memory_space<semaphore_mem>>
        %dma_start3A_340 = arith.constant 0 : i32
        %dma_start3A_341 = tpu.memref_slice %arg16[%mul3A_338, %dma_start3A_340] : memref<10000x16xf32, #tpu.memory_space<vmem_shared>> -> memref<80x16xf32, #tpu.memory_space<vmem_shared>>
        %dma_start3A_342 = arith.constant 0 : i32
        %dma_start3A_343 = tpu.memref_slice %arg16[%mul3A_338, %dma_start3A_342] : memref<10000x16xf32, #tpu.memory_space<vmem_shared>> -> memref<80x16xf32, #tpu.memory_space<vmem_shared>>
        tpu.enqueue_dma source(%arg14 : memref<80x16xf32, #tpu.memory_space<vmem>>) target(%dma_start3A_343 : memref<80x16xf32, #tpu.memory_space<vmem_shared>>) target_semaphore(%run_scoped3A_339 : memref<!tpu.dma_semaphore, #tpu.memory_space<semaphore_mem>>)
        %dma_wait3A_344 = arith.constant 0 : i32
        %dma_wait3A_345 = tpu.memref_slice %arg16[%mul3A_338, %dma_wait3A_344] : memref<10000x16xf32, #tpu.memory_space<vmem_shared>> -> memref<80x16xf32, #tpu.memory_space<vmem_shared>>
        %dma_wait3A_346 = arith.constant 0 : i32
        %dma_wait3A_347 = tpu.memref_slice %arg16[%mul3A_338, %dma_wait3A_346] : memref<10000x16xf32, #tpu.memory_space<vmem_shared>> -> memref<80x16xf32, #tpu.memory_space<vmem_shared>>
        tpu.wait_dma2 semaphore(%run_scoped3A_339 : memref<!tpu.dma_semaphore, #tpu.memory_space<semaphore_mem>>) src(%arg14 : memref<80x16xf32, #tpu.memory_space<vmem>>) dst(%dma_wait3A_347 : memref<80x16xf32, #tpu.memory_space<vmem_shared>>)
        tpu.yield
      }) : () -> ()
    } else {
    }
    %add3A_26 = arith.constant 48 : i32
    %add3A_27 = arith.addi %arg1, %add3A_26 : i32
    %lt3A_28 = arith.constant 125 : i32
    %lt3A_29 = arith.cmpi slt, %add3A_27, %lt3A_28 : i32
    %convert_element_type3A_30 = arith.extui %lt3A_29 : i1 to i32
    %cond3A_31 = arith.constant 0 : i32
    %cond3A_32 = arith.cmpi ne, %convert_element_type3A_30, %cond3A_31 : i32
    scf.if %cond3A_32 {
      %mul3A_335 = arith.constant 80 : i32
      %mul3A_336 = arith.muli %add3A_27, %mul3A_335 : i32
      "tpu.region"() ({
        %run_scoped3A_339 = tpu.sem_alloc : memref<!tpu.dma_semaphore, #tpu.memory_space<semaphore_mem>>
        %dma_start3A_340 = arith.constant 0 : i32
        %dma_start3A_341 = tpu.memref_slice %arg15[%mul3A_336, %dma_start3A_340] : memref<10000x128xf32, #tpu.memory_space<vmem_shared>> -> memref<80x128xf32, #tpu.memory_space<vmem_shared>>
        %dma_start3A_342 = arith.constant 0 : i32
        %dma_start3A_343 = tpu.memref_slice %arg15[%mul3A_336, %dma_start3A_342] : memref<10000x128xf32, #tpu.memory_space<vmem_shared>> -> memref<80x128xf32, #tpu.memory_space<vmem_shared>>
        tpu.enqueue_dma source(%arg13 : memref<80x128xf32, #tpu.memory_space<vmem>>) target(%dma_start3A_343 : memref<80x128xf32, #tpu.memory_space<vmem_shared>>) target_semaphore(%run_scoped3A_339 : memref<!tpu.dma_semaphore, #tpu.memory_space<semaphore_mem>>)
        %dma_wait3A_344 = arith.constant 0 : i32
        %dma_wait3A_345 = tpu.memref_slice %arg15[%mul3A_336, %dma_wait3A_344] : memref<10000x128xf32, #tpu.memory_space<vmem_shared>> -> memref<80x128xf32, #tpu.memory_space<vmem_shared>>
        %dma_wait3A_346 = arith.constant 0 : i32
        %dma_wait3A_347 = tpu.memref_slice %arg15[%mul3A_336, %dma_wait3A_346] : memref<10000x128xf32, #tpu.memory_space<vmem_shared>> -> memref<80x128xf32, #tpu.memory_space<vmem_shared>>
        tpu.wait_dma2 semaphore(%run_scoped3A_339 : memref<!tpu.dma_semaphore, #tpu.memory_space<semaphore_mem>>) src(%arg13 : memref<80x128xf32, #tpu.memory_space<vmem>>) dst(%dma_wait3A_347 : memref<80x128xf32, #tpu.memory_space<vmem_shared>>)
        tpu.yield
      }) : () -> ()
      %mul3A_337 = arith.constant 80 : i32
      %mul3A_338 = arith.muli %add3A_27, %mul3A_337 : i32
      "tpu.region"() ({
        %run_scoped3A_339 = tpu.sem_alloc : memref<!tpu.dma_semaphore, #tpu.memory_space<semaphore_mem>>
        %dma_start3A_340 = arith.constant 0 : i32
        %dma_start3A_341 = tpu.memref_slice %arg16[%mul3A_338, %dma_start3A_340] : memref<10000x16xf32, #tpu.memory_space<vmem_shared>> -> memref<80x16xf32, #tpu.memory_space<vmem_shared>>
        %dma_start3A_342 = arith.constant 0 : i32
        %dma_start3A_343 = tpu.memref_slice %arg16[%mul3A_338, %dma_start3A_342] : memref<10000x16xf32, #tpu.memory_space<vmem_shared>> -> memref<80x16xf32, #tpu.memory_space<vmem_shared>>
        tpu.enqueue_dma source(%arg14 : memref<80x16xf32, #tpu.memory_space<vmem>>) target(%dma_start3A_343 : memref<80x16xf32, #tpu.memory_space<vmem_shared>>) target_semaphore(%run_scoped3A_339 : memref<!tpu.dma_semaphore, #tpu.memory_space<semaphore_mem>>)
        %dma_wait3A_344 = arith.constant 0 : i32
        %dma_wait3A_345 = tpu.memref_slice %arg16[%mul3A_338, %dma_wait3A_344] : memref<10000x16xf32, #tpu.memory_space<vmem_shared>> -> memref<80x16xf32, #tpu.memory_space<vmem_shared>>
        %dma_wait3A_346 = arith.constant 0 : i32
        %dma_wait3A_347 = tpu.memref_slice %arg16[%mul3A_338, %dma_wait3A_346] : memref<10000x16xf32, #tpu.memory_space<vmem_shared>> -> memref<80x16xf32, #tpu.memory_space<vmem_shared>>
        tpu.wait_dma2 semaphore(%run_scoped3A_339 : memref<!tpu.dma_semaphore, #tpu.memory_space<semaphore_mem>>) src(%arg14 : memref<80x16xf32, #tpu.memory_space<vmem>>) dst(%dma_wait3A_347 : memref<80x16xf32, #tpu.memory_space<vmem_shared>>)
        tpu.yield
      }) : () -> ()
    } else {
    }
    %add3A_33 = arith.constant 64 : i32
    %add3A_34 = arith.addi %arg1, %add3A_33 : i32
    %lt3A_35 = arith.constant 125 : i32
    %lt3A_36 = arith.cmpi slt, %add3A_34, %lt3A_35 : i32
    %convert_element_type3A_37 = arith.extui %lt3A_36 : i1 to i32
    %cond3A_38 = arith.constant 0 : i32
    %cond3A_39 = arith.cmpi ne, %convert_element_type3A_37, %cond3A_38 : i32
    scf.if %cond3A_39 {
      %mul3A_335 = arith.constant 80 : i32
      %mul3A_336 = arith.muli %add3A_34, %mul3A_335 : i32
      "tpu.region"() ({
        %run_scoped3A_339 = tpu.sem_alloc : memref<!tpu.dma_semaphore, #tpu.memory_space<semaphore_mem>>
        %dma_start3A_340 = arith.constant 0 : i32
        %dma_start3A_341 = tpu.memref_slice %arg15[%mul3A_336, %dma_start3A_340] : memref<10000x128xf32, #tpu.memory_space<vmem_shared>> -> memref<80x128xf32, #tpu.memory_space<vmem_shared>>
        %dma_start3A_342 = arith.constant 0 : i32
        %dma_start3A_343 = tpu.memref_slice %arg15[%mul3A_336, %dma_start3A_342] : memref<10000x128xf32, #tpu.memory_space<vmem_shared>> -> memref<80x128xf32, #tpu.memory_space<vmem_shared>>
        tpu.enqueue_dma source(%arg13 : memref<80x128xf32, #tpu.memory_space<vmem>>) target(%dma_start3A_343 : memref<80x128xf32, #tpu.memory_space<vmem_shared>>) target_semaphore(%run_scoped3A_339 : memref<!tpu.dma_semaphore, #tpu.memory_space<semaphore_mem>>)
        %dma_wait3A_344 = arith.constant 0 : i32
        %dma_wait3A_345 = tpu.memref_slice %arg15[%mul3A_336, %dma_wait3A_344] : memref<10000x128xf32, #tpu.memory_space<vmem_shared>> -> memref<80x128xf32, #tpu.memory_space<vmem_shared>>
        %dma_wait3A_346 = arith.constant 0 : i32
        %dma_wait3A_347 = tpu.memref_slice %arg15[%mul3A_336, %dma_wait3A_346] : memref<10000x128xf32, #tpu.memory_space<vmem_shared>> -> memref<80x128xf32, #tpu.memory_space<vmem_shared>>
        tpu.wait_dma2 semaphore(%run_scoped3A_339 : memref<!tpu.dma_semaphore, #tpu.memory_space<semaphore_mem>>) src(%arg13 : memref<80x128xf32, #tpu.memory_space<vmem>>) dst(%dma_wait3A_347 : memref<80x128xf32, #tpu.memory_space<vmem_shared>>)
        tpu.yield
      }) : () -> ()
      %mul3A_337 = arith.constant 80 : i32
      %mul3A_338 = arith.muli %add3A_34, %mul3A_337 : i32
      "tpu.region"() ({
        %run_scoped3A_339 = tpu.sem_alloc : memref<!tpu.dma_semaphore, #tpu.memory_space<semaphore_mem>>
        %dma_start3A_340 = arith.constant 0 : i32
        %dma_start3A_341 = tpu.memref_slice %arg16[%mul3A_338, %dma_start3A_340] : memref<10000x16xf32, #tpu.memory_space<vmem_shared>> -> memref<80x16xf32, #tpu.memory_space<vmem_shared>>
        %dma_start3A_342 = arith.constant 0 : i32
        %dma_start3A_343 = tpu.memref_slice %arg16[%mul3A_338, %dma_start3A_342] : memref<10000x16xf32, #tpu.memory_space<vmem_shared>> -> memref<80x16xf32, #tpu.memory_space<vmem_shared>>
        tpu.enqueue_dma source(%arg14 : memref<80x16xf32, #tpu.memory_space<vmem>>) target(%dma_start3A_343 : memref<80x16xf32, #tpu.memory_space<vmem_shared>>) target_semaphore(%run_scoped3A_339 : memref<!tpu.dma_semaphore, #tpu.memory_space<semaphore_mem>>)
        %dma_wait3A_344 = arith.constant 0 : i32
        %dma_wait3A_345 = tpu.memref_slice %arg16[%mul3A_338, %dma_wait3A_344] : memref<10000x16xf32, #tpu.memory_space<vmem_shared>> -> memref<80x16xf32, #tpu.memory_space<vmem_shared>>
        %dma_wait3A_346 = arith.constant 0 : i32
        %dma_wait3A_347 = tpu.memref_slice %arg16[%mul3A_338, %dma_wait3A_346] : memref<10000x16xf32, #tpu.memory_space<vmem_shared>> -> memref<80x16xf32, #tpu.memory_space<vmem_shared>>
        tpu.wait_dma2 semaphore(%run_scoped3A_339 : memref<!tpu.dma_semaphore, #tpu.memory_space<semaphore_mem>>) src(%arg14 : memref<80x16xf32, #tpu.memory_space<vmem>>) dst(%dma_wait3A_347 : memref<80x16xf32, #tpu.memory_space<vmem_shared>>)
        tpu.yield
      }) : () -> ()
    } else {
    }
    %add3A_40 = arith.constant 80 : i32
    %add3A_41 = arith.addi %arg1, %add3A_40 : i32
    %lt3A_42 = arith.constant 125 : i32
    %lt3A_43 = arith.cmpi slt, %add3A_41, %lt3A_42 : i32
    %convert_element_type3A_44 = arith.extui %lt3A_43 : i1 to i32
    %cond3A_45 = arith.constant 0 : i32
    %cond3A_46 = arith.cmpi ne, %convert_element_type3A_44, %cond3A_45 : i32
    scf.if %cond3A_46 {
      %mul3A_335 = arith.constant 80 : i32
      %mul3A_336 = arith.muli %add3A_41, %mul3A_335 : i32
      "tpu.region"() ({
        %run_scoped3A_339 = tpu.sem_alloc : memref<!tpu.dma_semaphore, #tpu.memory_space<semaphore_mem>>
        %dma_start3A_340 = arith.constant 0 : i32
        %dma_start3A_341 = tpu.memref_slice %arg15[%mul3A_336, %dma_start3A_340] : memref<10000x128xf32, #tpu.memory_space<vmem_shared>> -> memref<80x128xf32, #tpu.memory_space<vmem_shared>>
        %dma_start3A_342 = arith.constant 0 : i32
        %dma_start3A_343 = tpu.memref_slice %arg15[%mul3A_336, %dma_start3A_342] : memref<10000x128xf32, #tpu.memory_space<vmem_shared>> -> memref<80x128xf32, #tpu.memory_space<vmem_shared>>
        tpu.enqueue_dma source(%arg13 : memref<80x128xf32, #tpu.memory_space<vmem>>) target(%dma_start3A_343 : memref<80x128xf32, #tpu.memory_space<vmem_shared>>) target_semaphore(%run_scoped3A_339 : memref<!tpu.dma_semaphore, #tpu.memory_space<semaphore_mem>>)
        %dma_wait3A_344 = arith.constant 0 : i32
        %dma_wait3A_345 = tpu.memref_slice %arg15[%mul3A_336, %dma_wait3A_344] : memref<10000x128xf32, #tpu.memory_space<vmem_shared>> -> memref<80x128xf32, #tpu.memory_space<vmem_shared>>
        %dma_wait3A_346 = arith.constant 0 : i32
        %dma_wait3A_347 = tpu.memref_slice %arg15[%mul3A_336, %dma_wait3A_346] : memref<10000x128xf32, #tpu.memory_space<vmem_shared>> -> memref<80x128xf32, #tpu.memory_space<vmem_shared>>
        tpu.wait_dma2 semaphore(%run_scoped3A_339 : memref<!tpu.dma_semaphore, #tpu.memory_space<semaphore_mem>>) src(%arg13 : memref<80x128xf32, #tpu.memory_space<vmem>>) dst(%dma_wait3A_347 : memref<80x128xf32, #tpu.memory_space<vmem_shared>>)
        tpu.yield
      }) : () -> ()
      %mul3A_337 = arith.constant 80 : i32
      %mul3A_338 = arith.muli %add3A_41, %mul3A_337 : i32
      "tpu.region"() ({
        %run_scoped3A_339 = tpu.sem_alloc : memref<!tpu.dma_semaphore, #tpu.memory_space<semaphore_mem>>
        %dma_start3A_340 = arith.constant 0 : i32
        %dma_start3A_341 = tpu.memref_slice %arg16[%mul3A_338, %dma_start3A_340] : memref<10000x16xf32, #tpu.memory_space<vmem_shared>> -> memref<80x16xf32, #tpu.memory_space<vmem_shared>>
        %dma_start3A_342 = arith.constant 0 : i32
        %dma_start3A_343 = tpu.memref_slice %arg16[%mul3A_338, %dma_start3A_342] : memref<10000x16xf32, #tpu.memory_space<vmem_shared>> -> memref<80x16xf32, #tpu.memory_space<vmem_shared>>
        tpu.enqueue_dma source(%arg14 : memref<80x16xf32, #tpu.memory_space<vmem>>) target(%dma_start3A_343 : memref<80x16xf32, #tpu.memory_space<vmem_shared>>) target_semaphore(%run_scoped3A_339 : memref<!tpu.dma_semaphore, #tpu.memory_space<semaphore_mem>>)
        %dma_wait3A_344 = arith.constant 0 : i32
        %dma_wait3A_345 = tpu.memref_slice %arg16[%mul3A_338, %dma_wait3A_344] : memref<10000x16xf32, #tpu.memory_space<vmem_shared>> -> memref<80x16xf32, #tpu.memory_space<vmem_shared>>
        %dma_wait3A_346 = arith.constant 0 : i32
        %dma_wait3A_347 = tpu.memref_slice %arg16[%mul3A_338, %dma_wait3A_346] : memref<10000x16xf32, #tpu.memory_space<vmem_shared>> -> memref<80x16xf32, #tpu.memory_space<vmem_shared>>
        tpu.wait_dma2 semaphore(%run_scoped3A_339 : memref<!tpu.dma_semaphore, #tpu.memory_space<semaphore_mem>>) src(%arg14 : memref<80x16xf32, #tpu.memory_space<vmem>>) dst(%dma_wait3A_347 : memref<80x16xf32, #tpu.memory_space<vmem_shared>>)
        tpu.yield
      }) : () -> ()
    } else {
    }
    %add3A_47 = arith.constant 96 : i32
    %add3A_48 = arith.addi %arg1, %add3A_47 : i32
    %lt3A_49 = arith.constant 125 : i32
    %lt3A_50 = arith.cmpi slt, %add3A_48, %lt3A_49 : i32
    %convert_element_type3A_51 = arith.extui %lt3A_50 : i1 to i32
    %cond3A_52 = arith.constant 0 : i32
    %cond3A_53 = arith.cmpi ne, %convert_element_type3A_51, %cond3A_52 : i32
    scf.if %cond3A_53 {
      %mul3A_335 = arith.constant 80 : i32
      %mul3A_336 = arith.muli %add3A_48, %mul3A_335 : i32
      "tpu.region"() ({
        %run_scoped3A_339 = tpu.sem_alloc : memref<!tpu.dma_semaphore, #tpu.memory_space<semaphore_mem>>
        %dma_start3A_340 = arith.constant 0 : i32
        %dma_start3A_341 = tpu.memref_slice %arg15[%mul3A_336, %dma_start3A_340] : memref<10000x128xf32, #tpu.memory_space<vmem_shared>> -> memref<80x128xf32, #tpu.memory_space<vmem_shared>>
        %dma_start3A_342 = arith.constant 0 : i32
        %dma_start3A_343 = tpu.memref_slice %arg15[%mul3A_336, %dma_start3A_342] : memref<10000x128xf32, #tpu.memory_space<vmem_shared>> -> memref<80x128xf32, #tpu.memory_space<vmem_shared>>
        tpu.enqueue_dma source(%arg13 : memref<80x128xf32, #tpu.memory_space<vmem>>) target(%dma_start3A_343 : memref<80x128xf32, #tpu.memory_space<vmem_shared>>) target_semaphore(%run_scoped3A_339 : memref<!tpu.dma_semaphore, #tpu.memory_space<semaphore_mem>>)
        %dma_wait3A_344 = arith.constant 0 : i32
        %dma_wait3A_345 = tpu.memref_slice %arg15[%mul3A_336, %dma_wait3A_344] : memref<10000x128xf32, #tpu.memory_space<vmem_shared>> -> memref<80x128xf32, #tpu.memory_space<vmem_shared>>
        %dma_wait3A_346 = arith.constant 0 : i32
        %dma_wait3A_347 = tpu.memref_slice %arg15[%mul3A_336, %dma_wait3A_346] : memref<10000x128xf32, #tpu.memory_space<vmem_shared>> -> memref<80x128xf32, #tpu.memory_space<vmem_shared>>
        tpu.wait_dma2 semaphore(%run_scoped3A_339 : memref<!tpu.dma_semaphore, #tpu.memory_space<semaphore_mem>>) src(%arg13 : memref<80x128xf32, #tpu.memory_space<vmem>>) dst(%dma_wait3A_347 : memref<80x128xf32, #tpu.memory_space<vmem_shared>>)
        tpu.yield
      }) : () -> ()
      %mul3A_337 = arith.constant 80 : i32
      %mul3A_338 = arith.muli %add3A_48, %mul3A_337 : i32
      "tpu.region"() ({
        %run_scoped3A_339 = tpu.sem_alloc : memref<!tpu.dma_semaphore, #tpu.memory_space<semaphore_mem>>
        %dma_start3A_340 = arith.constant 0 : i32
        %dma_start3A_341 = tpu.memref_slice %arg16[%mul3A_338, %dma_start3A_340] : memref<10000x16xf32, #tpu.memory_space<vmem_shared>> -> memref<80x16xf32, #tpu.memory_space<vmem_shared>>
        %dma_start3A_342 = arith.constant 0 : i32
        %dma_start3A_343 = tpu.memref_slice %arg16[%mul3A_338, %dma_start3A_342] : memref<10000x16xf32, #tpu.memory_space<vmem_shared>> -> memref<80x16xf32, #tpu.memory_space<vmem_shared>>
        tpu.enqueue_dma source(%arg14 : memref<80x16xf32, #tpu.memory_space<vmem>>) target(%dma_start3A_343 : memref<80x16xf32, #tpu.memory_space<vmem_shared>>) target_semaphore(%run_scoped3A_339 : memref<!tpu.dma_semaphore, #tpu.memory_space<semaphore_mem>>)
        %dma_wait3A_344 = arith.constant 0 : i32
        %dma_wait3A_345 = tpu.memref_slice %arg16[%mul3A_338, %dma_wait3A_344] : memref<10000x16xf32, #tpu.memory_space<vmem_shared>> -> memref<80x16xf32, #tpu.memory_space<vmem_shared>>
        %dma_wait3A_346 = arith.constant 0 : i32
        %dma_wait3A_347 = tpu.memref_slice %arg16[%mul3A_338, %dma_wait3A_346] : memref<10000x16xf32, #tpu.memory_space<vmem_shared>> -> memref<80x16xf32, #tpu.memory_space<vmem_shared>>
        tpu.wait_dma2 semaphore(%run_scoped3A_339 : memref<!tpu.dma_semaphore, #tpu.memory_space<semaphore_mem>>) src(%arg14 : memref<80x16xf32, #tpu.memory_space<vmem>>) dst(%dma_wait3A_347 : memref<80x16xf32, #tpu.memory_space<vmem_shared>>)
        tpu.yield
      }) : () -> ()
    } else {
    }
    %add3A_54 = arith.constant 112 : i32
    %add3A_55 = arith.addi %arg1, %add3A_54 : i32
    %lt3A_56 = arith.constant 125 : i32
    %lt3A_57 = arith.cmpi slt, %add3A_55, %lt3A_56 : i32
    %convert_element_type3A_58 = arith.extui %lt3A_57 : i1 to i32
    %cond3A_59 = arith.constant 0 : i32
    %cond3A_60 = arith.cmpi ne, %convert_element_type3A_58, %cond3A_59 : i32
    scf.if %cond3A_60 {
      %mul3A_335 = arith.constant 80 : i32
      %mul3A_336 = arith.muli %add3A_55, %mul3A_335 : i32
      "tpu.region"() ({
        %run_scoped3A_339 = tpu.sem_alloc : memref<!tpu.dma_semaphore, #tpu.memory_space<semaphore_mem>>
        %dma_start3A_340 = arith.constant 0 : i32
        %dma_start3A_341 = tpu.memref_slice %arg15[%mul3A_336, %dma_start3A_340] : memref<10000x128xf32, #tpu.memory_space<vmem_shared>> -> memref<80x128xf32, #tpu.memory_space<vmem_shared>>
        %dma_start3A_342 = arith.constant 0 : i32
        %dma_start3A_343 = tpu.memref_slice %arg15[%mul3A_336, %dma_start3A_342] : memref<10000x128xf32, #tpu.memory_space<vmem_shared>> -> memref<80x128xf32, #tpu.memory_space<vmem_shared>>
        tpu.enqueue_dma source(%arg13 : memref<80x128xf32, #tpu.memory_space<vmem>>) target(%dma_start3A_343 : memref<80x128xf32, #tpu.memory_space<vmem_shared>>) target_semaphore(%run_scoped3A_339 : memref<!tpu.dma_semaphore, #tpu.memory_space<semaphore_mem>>)
        %dma_wait3A_344 = arith.constant 0 : i32
        %dma_wait3A_345 = tpu.memref_slice %arg15[%mul3A_336, %dma_wait3A_344] : memref<10000x128xf32, #tpu.memory_space<vmem_shared>> -> memref<80x128xf32, #tpu.memory_space<vmem_shared>>
        %dma_wait3A_346 = arith.constant 0 : i32
        %dma_wait3A_347 = tpu.memref_slice %arg15[%mul3A_336, %dma_wait3A_346] : memref<10000x128xf32, #tpu.memory_space<vmem_shared>> -> memref<80x128xf32, #tpu.memory_space<vmem_shared>>
        tpu.wait_dma2 semaphore(%run_scoped3A_339 : memref<!tpu.dma_semaphore, #tpu.memory_space<semaphore_mem>>) src(%arg13 : memref<80x128xf32, #tpu.memory_space<vmem>>) dst(%dma_wait3A_347 : memref<80x128xf32, #tpu.memory_space<vmem_shared>>)
        tpu.yield
      }) : () -> ()
      %mul3A_337 = arith.constant 80 : i32
      %mul3A_338 = arith.muli %add3A_55, %mul3A_337 : i32
      "tpu.region"() ({
        %run_scoped3A_339 = tpu.sem_alloc : memref<!tpu.dma_semaphore, #tpu.memory_space<semaphore_mem>>
        %dma_start3A_340 = arith.constant 0 : i32
        %dma_start3A_341 = tpu.memref_slice %arg16[%mul3A_338, %dma_start3A_340] : memref<10000x16xf32, #tpu.memory_space<vmem_shared>> -> memref<80x16xf32, #tpu.memory_space<vmem_shared>>
        %dma_start3A_342 = arith.constant 0 : i32
        %dma_start3A_343 = tpu.memref_slice %arg16[%mul3A_338, %dma_start3A_342] : memref<10000x16xf32, #tpu.memory_space<vmem_shared>> -> memref<80x16xf32, #tpu.memory_space<vmem_shared>>
        tpu.enqueue_dma source(%arg14 : memref<80x16xf32, #tpu.memory_space<vmem>>) target(%dma_start3A_343 : memref<80x16xf32, #tpu.memory_space<vmem_shared>>) target_semaphore(%run_scoped3A_339 : memref<!tpu.dma_semaphore, #tpu.memory_space<semaphore_mem>>)
        %dma_wait3A_344 = arith.constant 0 : i32
        %dma_wait3A_345 = tpu.memref_slice %arg16[%mul3A_338, %dma_wait3A_344] : memref<10000x16xf32, #tpu.memory_space<vmem_shared>> -> memref<80x16xf32, #tpu.memory_space<vmem_shared>>
        %dma_wait3A_346 = arith.constant 0 : i32
        %dma_wait3A_347 = tpu.memref_slice %arg16[%mul3A_338, %dma_wait3A_346] : memref<10000x16xf32, #tpu.memory_space<vmem_shared>> -> memref<80x16xf32, #tpu.memory_space<vmem_shared>>
        tpu.wait_dma2 semaphore(%run_scoped3A_339 : memref<!tpu.dma_semaphore, #tpu.memory_space<semaphore_mem>>) src(%arg14 : memref<80x16xf32, #tpu.memory_space<vmem>>) dst(%dma_wait3A_347 : memref<80x16xf32, #tpu.memory_space<vmem_shared>>)
        tpu.yield
      }) : () -> ()
    } else {
    }
    %barrier3A = arith.constant 0 : index
    tpu.barrier barrier_id(%barrier3A)
    %iota3A = tpu.iota {dimensions = array<i32: 0>} : vector<16xi32>
    %mul3A_61 = arith.constant 125 : i32
    %mul3A_62 = arith.muli %add3A, %mul3A_61 : i32
    %add3A_63 = arith.constant 0 : i32
    %add3A_64 = arith.addi %mul3A_62, %add3A_63 : i32
    %run_scoped3A = arith.constant 0 : i32
    %run_scoped3A_65 = arith.constant 0 : i32
    %run_scoped3A_66 = arith.constant 0 : i32
    "tpu.region"() ({
      %run_scoped3A_335 = tpu.sem_alloc : memref<!tpu.dma_semaphore, #tpu.memory_space<semaphore_mem>>
      %dma_start3A_336 = arith.constant 0 : i32
      %dma_start3A_337 = tpu.memref_slice %arg9[%run_scoped3A_65, %run_scoped3A_66, %dma_start3A_336] : memref<3x3x80xi32, #tpu.memory_space<vmem>> -> memref<1x1x80xi32, #tpu.memory_space<vmem>>
      %dma_start3A_338 = tpu.memref_squeeze %dma_start3A_337 : memref<1x1x80xi32, #tpu.memory_space<vmem>> -> memref<80xi32, #tpu.memory_space<vmem>>
      %dma_start3A_339 = arith.constant 0 : i32
      %dma_start3A_340 = tpu.memref_slice %arg5[%run_scoped3A, %add3A_64, %dma_start3A_339] : memref<2x4000x80xi32, #tpu.memory_space<hbm>> -> memref<1x1x80xi32, #tpu.memory_space<hbm>>
      %dma_start3A_341 = tpu.memref_squeeze %dma_start3A_340 : memref<1x1x80xi32, #tpu.memory_space<hbm>> -> memref<80xi32, #tpu.memory_space<hbm>>
      %dma_start3A_342 = arith.constant 0 : i32
      %dma_start3A_343 = tpu.memref_slice %arg9[%run_scoped3A_65, %run_scoped3A_66, %dma_start3A_342] : memref<3x3x80xi32, #tpu.memory_space<vmem>> -> memref<1x1x80xi32, #tpu.memory_space<vmem>>
      %dma_start3A_344 = tpu.memref_squeeze %dma_start3A_343 : memref<1x1x80xi32, #tpu.memory_space<vmem>> -> memref<80xi32, #tpu.memory_space<vmem>>
      %dma_start3A_345 = arith.constant 0 : i32
      %dma_start3A_346 = tpu.memref_slice %arg5[%run_scoped3A, %add3A_64, %dma_start3A_345] : memref<2x4000x80xi32, #tpu.memory_space<hbm>> -> memref<1x1x80xi32, #tpu.memory_space<hbm>>
      %dma_start3A_347 = tpu.memref_squeeze %dma_start3A_346 : memref<1x1x80xi32, #tpu.memory_space<hbm>> -> memref<80xi32, #tpu.memory_space<hbm>>
      tpu.enqueue_dma source(%dma_start3A_347 : memref<80xi32, #tpu.memory_space<hbm>>) target(%dma_start3A_344 : memref<80xi32, #tpu.memory_space<vmem>>) target_semaphore(%run_scoped3A_335 : memref<!tpu.dma_semaphore, #tpu.memory_space<semaphore_mem>>)
      %dma_wait3A_348 = arith.constant 0 : i32
      %dma_wait3A_349 = tpu.memref_slice %arg9[%run_scoped3A_65, %run_scoped3A_66, %dma_wait3A_348] : memref<3x3x80xi32, #tpu.memory_space<vmem>> -> memref<1x1x80xi32, #tpu.memory_space<vmem>>
      %dma_wait3A_350 = tpu.memref_squeeze %dma_wait3A_349 : memref<1x1x80xi32, #tpu.memory_space<vmem>> -> memref<80xi32, #tpu.memory_space<vmem>>
      %dma_wait3A_351 = arith.constant 0 : i32
      %dma_wait3A_352 = tpu.memref_slice %arg5[%run_scoped3A, %add3A_64, %dma_wait3A_351] : memref<2x4000x80xi32, #tpu.memory_space<hbm>> -> memref<1x1x80xi32, #tpu.memory_space<hbm>>
      %dma_wait3A_353 = tpu.memref_squeeze %dma_wait3A_352 : memref<1x1x80xi32, #tpu.memory_space<hbm>> -> memref<80xi32, #tpu.memory_space<hbm>>
      %dma_wait3A_354 = arith.constant 0 : i32
      %dma_wait3A_355 = tpu.memref_slice %arg9[%run_scoped3A_65, %run_scoped3A_66, %dma_wait3A_354] : memref<3x3x80xi32, #tpu.memory_space<vmem>> -> memref<1x1x80xi32, #tpu.memory_space<vmem>>
      %dma_wait3A_356 = tpu.memref_squeeze %dma_wait3A_355 : memref<1x1x80xi32, #tpu.memory_space<vmem>> -> memref<80xi32, #tpu.memory_space<vmem>>
      %dma_wait3A_357 = arith.constant 0 : i32
      %dma_wait3A_358 = tpu.memref_slice %arg5[%run_scoped3A, %add3A_64, %dma_wait3A_357] : memref<2x4000x80xi32, #tpu.memory_space<hbm>> -> memref<1x1x80xi32, #tpu.memory_space<hbm>>
      %dma_wait3A_359 = tpu.memref_squeeze %dma_wait3A_358 : memref<1x1x80xi32, #tpu.memory_space<hbm>> -> memref<80xi32, #tpu.memory_space<hbm>>
      tpu.wait_dma2 semaphore(%run_scoped3A_335 : memref<!tpu.dma_semaphore, #tpu.memory_space<semaphore_mem>>) src(%dma_wait3A_359 : memref<80xi32, #tpu.memory_space<hbm>>) dst(%dma_wait3A_356 : memref<80xi32, #tpu.memory_space<vmem>>)
      tpu.yield
    }) : () -> ()
    %mul3A_67 = arith.constant 125 : i32
    %mul3A_68 = arith.muli %add3A, %mul3A_67 : i32
    %add3A_69 = arith.constant 0 : i32
    %add3A_70 = arith.addi %mul3A_68, %add3A_69 : i32
    %run_scoped3A_71 = arith.constant 1 : i32
    %run_scoped3A_72 = arith.constant 0 : i32
    %run_scoped3A_73 = arith.constant 1 : i32
    "tpu.region"() ({
      %run_scoped3A_335 = tpu.sem_alloc : memref<!tpu.dma_semaphore, #tpu.memory_space<semaphore_mem>>
      %dma_start3A_336 = arith.constant 0 : i32
      %dma_start3A_337 = tpu.memref_slice %arg9[%run_scoped3A_72, %run_scoped3A_73, %dma_start3A_336] : memref<3x3x80xi32, #tpu.memory_space<vmem>> -> memref<1x1x80xi32, #tpu.memory_space<vmem>>
      %dma_start3A_338 = tpu.memref_squeeze %dma_start3A_337 : memref<1x1x80xi32, #tpu.memory_space<vmem>> -> memref<80xi32, #tpu.memory_space<vmem>>
      %dma_start3A_339 = arith.constant 0 : i32
      %dma_start3A_340 = tpu.memref_slice %arg5[%run_scoped3A_71, %add3A_70, %dma_start3A_339] : memref<2x4000x80xi32, #tpu.memory_space<hbm>> -> memref<1x1x80xi32, #tpu.memory_space<hbm>>
      %dma_start3A_341 = tpu.memref_squeeze %dma_start3A_340 : memref<1x1x80xi32, #tpu.memory_space<hbm>> -> memref<80xi32, #tpu.memory_space<hbm>>
      %dma_start3A_342 = arith.constant 0 : i32
      %dma_start3A_343 = tpu.memref_slice %arg9[%run_scoped3A_72, %run_scoped3A_73, %dma_start3A_342] : memref<3x3x80xi32, #tpu.memory_space<vmem>> -> memref<1x1x80xi32, #tpu.memory_space<vmem>>
      %dma_start3A_344 = tpu.memref_squeeze %dma_start3A_343 : memref<1x1x80xi32, #tpu.memory_space<vmem>> -> memref<80xi32, #tpu.memory_space<vmem>>
      %dma_start3A_345 = arith.constant 0 : i32
      %dma_start3A_346 = tpu.memref_slice %arg5[%run_scoped3A_71, %add3A_70, %dma_start3A_345] : memref<2x4000x80xi32, #tpu.memory_space<hbm>> -> memref<1x1x80xi32, #tpu.memory_space<hbm>>
      %dma_start3A_347 = tpu.memref_squeeze %dma_start3A_346 : memref<1x1x80xi32, #tpu.memory_space<hbm>> -> memref<80xi32, #tpu.memory_space<hbm>>
      tpu.enqueue_dma source(%dma_start3A_347 : memref<80xi32, #tpu.memory_space<hbm>>) target(%dma_start3A_344 : memref<80xi32, #tpu.memory_space<vmem>>) target_semaphore(%run_scoped3A_335 : memref<!tpu.dma_semaphore, #tpu.memory_space<semaphore_mem>>)
      %dma_wait3A_348 = arith.constant 0 : i32
      %dma_wait3A_349 = tpu.memref_slice %arg9[%run_scoped3A_72, %run_scoped3A_73, %dma_wait3A_348] : memref<3x3x80xi32, #tpu.memory_space<vmem>> -> memref<1x1x80xi32, #tpu.memory_space<vmem>>
      %dma_wait3A_350 = tpu.memref_squeeze %dma_wait3A_349 : memref<1x1x80xi32, #tpu.memory_space<vmem>> -> memref<80xi32, #tpu.memory_space<vmem>>
      %dma_wait3A_351 = arith.constant 0 : i32
      %dma_wait3A_352 = tpu.memref_slice %arg5[%run_scoped3A_71, %add3A_70, %dma_wait3A_351] : memref<2x4000x80xi32, #tpu.memory_space<hbm>> -> memref<1x1x80xi32, #tpu.memory_space<hbm>>
      %dma_wait3A_353 = tpu.memref_squeeze %dma_wait3A_352 : memref<1x1x80xi32, #tpu.memory_space<hbm>> -> memref<80xi32, #tpu.memory_space<hbm>>
      %dma_wait3A_354 = arith.constant 0 : i32
      %dma_wait3A_355 = tpu.memref_slice %arg9[%run_scoped3A_72, %run_scoped3A_73, %dma_wait3A_354] : memref<3x3x80xi32, #tpu.memory_space<vmem>> -> memref<1x1x80xi32, #tpu.memory_space<vmem>>
      %dma_wait3A_356 = tpu.memref_squeeze %dma_wait3A_355 : memref<1x1x80xi32, #tpu.memory_space<vmem>> -> memref<80xi32, #tpu.memory_space<vmem>>
      %dma_wait3A_357 = arith.constant 0 : i32
      %dma_wait3A_358 = tpu.memref_slice %arg5[%run_scoped3A_71, %add3A_70, %dma_wait3A_357] : memref<2x4000x80xi32, #tpu.memory_space<hbm>> -> memref<1x1x80xi32, #tpu.memory_space<hbm>>
      %dma_wait3A_359 = tpu.memref_squeeze %dma_wait3A_358 : memref<1x1x80xi32, #tpu.memory_space<hbm>> -> memref<80xi32, #tpu.memory_space<hbm>>
      tpu.wait_dma2 semaphore(%run_scoped3A_335 : memref<!tpu.dma_semaphore, #tpu.memory_space<semaphore_mem>>) src(%dma_wait3A_359 : memref<80xi32, #tpu.memory_space<hbm>>) dst(%dma_wait3A_356 : memref<80xi32, #tpu.memory_space<vmem>>)
      tpu.yield
    }) : () -> ()
    %mul3A_74 = arith.constant 125 : i32
    %mul3A_75 = arith.muli %add3A, %mul3A_74 : i32
    %add3A_76 = arith.constant 0 : i32
    %add3A_77 = arith.addi %mul3A_75, %add3A_76 : i32
    %run_scoped3A_78 = arith.constant 0 : i32
    %run_scoped3A_79 = arith.constant 2 : i32
    "tpu.region"() ({
      %run_scoped3A_335 = tpu.sem_alloc : memref<!tpu.dma_semaphore, #tpu.memory_space<semaphore_mem>>
      %dma_start3A_336 = arith.constant 0 : i32
      %dma_start3A_337 = tpu.memref_slice %arg9[%run_scoped3A_78, %run_scoped3A_79, %dma_start3A_336] : memref<3x3x80xi32, #tpu.memory_space<vmem>> -> memref<1x1x80xi32, #tpu.memory_space<vmem>>
      %dma_start3A_338 = tpu.memref_squeeze %dma_start3A_337 : memref<1x1x80xi32, #tpu.memory_space<vmem>> -> memref<80xi32, #tpu.memory_space<vmem>>
      %dma_start3A_339 = arith.constant 0 : i32
      %dma_start3A_340 = tpu.memref_slice %arg6[%add3A_77, %dma_start3A_339] : memref<4000x80xi32, #tpu.memory_space<hbm>> -> memref<1x80xi32, #tpu.memory_space<hbm>>
      %dma_start3A_341 = tpu.memref_squeeze %dma_start3A_340 : memref<1x80xi32, #tpu.memory_space<hbm>> -> memref<80xi32, #tpu.memory_space<hbm>>
      %dma_start3A_342 = arith.constant 0 : i32
      %dma_start3A_343 = tpu.memref_slice %arg9[%run_scoped3A_78, %run_scoped3A_79, %dma_start3A_342] : memref<3x3x80xi32, #tpu.memory_space<vmem>> -> memref<1x1x80xi32, #tpu.memory_space<vmem>>
      %dma_start3A_344 = tpu.memref_squeeze %dma_start3A_343 : memref<1x1x80xi32, #tpu.memory_space<vmem>> -> memref<80xi32, #tpu.memory_space<vmem>>
      %dma_start3A_345 = arith.constant 0 : i32
      %dma_start3A_346 = tpu.memref_slice %arg6[%add3A_77, %dma_start3A_345] : memref<4000x80xi32, #tpu.memory_space<hbm>> -> memref<1x80xi32, #tpu.memory_space<hbm>>
      %dma_start3A_347 = tpu.memref_squeeze %dma_start3A_346 : memref<1x80xi32, #tpu.memory_space<hbm>> -> memref<80xi32, #tpu.memory_space<hbm>>
      tpu.enqueue_dma source(%dma_start3A_347 : memref<80xi32, #tpu.memory_space<hbm>>) target(%dma_start3A_344 : memref<80xi32, #tpu.memory_space<vmem>>) target_semaphore(%run_scoped3A_335 : memref<!tpu.dma_semaphore, #tpu.memory_space<semaphore_mem>>)
      %dma_wait3A_348 = arith.constant 0 : i32
      %dma_wait3A_349 = tpu.memref_slice %arg9[%run_scoped3A_78, %run_scoped3A_79, %dma_wait3A_348] : memref<3x3x80xi32, #tpu.memory_space<vmem>> -> memref<1x1x80xi32, #tpu.memory_space<vmem>>
      %dma_wait3A_350 = tpu.memref_squeeze %dma_wait3A_349 : memref<1x1x80xi32, #tpu.memory_space<vmem>> -> memref<80xi32, #tpu.memory_space<vmem>>
      %dma_wait3A_351 = arith.constant 0 : i32
      %dma_wait3A_352 = tpu.memref_slice %arg6[%add3A_77, %dma_wait3A_351] : memref<4000x80xi32, #tpu.memory_space<hbm>> -> memref<1x80xi32, #tpu.memory_space<hbm>>
      %dma_wait3A_353 = tpu.memref_squeeze %dma_wait3A_352 : memref<1x80xi32, #tpu.memory_space<hbm>> -> memref<80xi32, #tpu.memory_space<hbm>>
      %dma_wait3A_354 = arith.constant 0 : i32
      %dma_wait3A_355 = tpu.memref_slice %arg9[%run_scoped3A_78, %run_scoped3A_79, %dma_wait3A_354] : memref<3x3x80xi32, #tpu.memory_space<vmem>> -> memref<1x1x80xi32, #tpu.memory_space<vmem>>
      %dma_wait3A_356 = tpu.memref_squeeze %dma_wait3A_355 : memref<1x1x80xi32, #tpu.memory_space<vmem>> -> memref<80xi32, #tpu.memory_space<vmem>>
      %dma_wait3A_357 = arith.constant 0 : i32
      %dma_wait3A_358 = tpu.memref_slice %arg6[%add3A_77, %dma_wait3A_357] : memref<4000x80xi32, #tpu.memory_space<hbm>> -> memref<1x80xi32, #tpu.memory_space<hbm>>
      %dma_wait3A_359 = tpu.memref_squeeze %dma_wait3A_358 : memref<1x80xi32, #tpu.memory_space<hbm>> -> memref<80xi32, #tpu.memory_space<hbm>>
      tpu.wait_dma2 semaphore(%run_scoped3A_335 : memref<!tpu.dma_semaphore, #tpu.memory_space<semaphore_mem>>) src(%dma_wait3A_359 : memref<80xi32, #tpu.memory_space<hbm>>) dst(%dma_wait3A_356 : memref<80xi32, #tpu.memory_space<vmem>>)
      tpu.yield
    }) : () -> ()
    %min3A = arith.constant 1 : i32
    %min3A_80 = arith.constant 124 : i32
    %min3A_81 = arith.minsi %min3A, %min3A_80 : i32
    %mul3A_82 = arith.constant 125 : i32
    %mul3A_83 = arith.muli %add3A, %mul3A_82 : i32
    %add3A_84 = arith.addi %mul3A_83, %min3A_81 : i32
    %dma_start3A = arith.constant 0 : i32
    %dma_start3A_85 = arith.constant 1 : i32
    %dma_start3A_86 = arith.constant 0 : i32
    %dma_start3A_87 = arith.constant 0 : i32
    %dma_start3A_88 = tpu.memref_slice %arg9[%dma_start3A_85, %dma_start3A_86, %dma_start3A_87] : memref<3x3x80xi32, #tpu.memory_space<vmem>> -> memref<1x1x80xi32, #tpu.memory_space<vmem>>
    %dma_start3A_89 = tpu.memref_squeeze %dma_start3A_88 : memref<1x1x80xi32, #tpu.memory_space<vmem>> -> memref<80xi32, #tpu.memory_space<vmem>>
    %dma_start3A_90 = arith.constant 0 : i32
    %dma_start3A_91 = tpu.memref_slice %arg5[%dma_start3A, %add3A_84, %dma_start3A_90] : memref<2x4000x80xi32, #tpu.memory_space<hbm>> -> memref<1x1x80xi32, #tpu.memory_space<hbm>>
    %dma_start3A_92 = tpu.memref_squeeze %dma_start3A_91 : memref<1x1x80xi32, #tpu.memory_space<hbm>> -> memref<80xi32, #tpu.memory_space<hbm>>
    %dma_start3A_93 = arith.constant 0 : i32
    %dma_start3A_94 = tpu.memref_slice %arg9[%dma_start3A_85, %dma_start3A_86, %dma_start3A_93] : memref<3x3x80xi32, #tpu.memory_space<vmem>> -> memref<1x1x80xi32, #tpu.memory_space<vmem>>
    %dma_start3A_95 = tpu.memref_squeeze %dma_start3A_94 : memref<1x1x80xi32, #tpu.memory_space<vmem>> -> memref<80xi32, #tpu.memory_space<vmem>>
    %dma_start3A_96 = arith.constant 0 : i32
    %dma_start3A_97 = tpu.memref_slice %arg5[%dma_start3A, %add3A_84, %dma_start3A_96] : memref<2x4000x80xi32, #tpu.memory_space<hbm>> -> memref<1x1x80xi32, #tpu.memory_space<hbm>>
    %dma_start3A_98 = tpu.memref_squeeze %dma_start3A_97 : memref<1x1x80xi32, #tpu.memory_space<hbm>> -> memref<80xi32, #tpu.memory_space<hbm>>
    tpu.enqueue_dma source(%dma_start3A_98 : memref<80xi32, #tpu.memory_space<hbm>>) target(%dma_start3A_95 : memref<80xi32, #tpu.memory_space<vmem>>) target_semaphore(%arg19 : memref<!tpu.dma_semaphore, #tpu.memory_space<semaphore_mem>>)
    %mul3A_99 = arith.constant 125 : i32
    %mul3A_100 = arith.muli %add3A, %mul3A_99 : i32
    %add3A_101 = arith.addi %mul3A_100, %min3A_81 : i32
    %dma_start3A_102 = arith.constant 1 : i32
    %dma_start3A_103 = arith.constant 1 : i32
    %dma_start3A_104 = arith.constant 1 : i32
    %dma_start3A_105 = arith.constant 0 : i32
    %dma_start3A_106 = tpu.memref_slice %arg9[%dma_start3A_103, %dma_start3A_104, %dma_start3A_105] : memref<3x3x80xi32, #tpu.memory_space<vmem>> -> memref<1x1x80xi32, #tpu.memory_space<vmem>>
    %dma_start3A_107 = tpu.memref_squeeze %dma_start3A_106 : memref<1x1x80xi32, #tpu.memory_space<vmem>> -> memref<80xi32, #tpu.memory_space<vmem>>
    %dma_start3A_108 = arith.constant 0 : i32
    %dma_start3A_109 = tpu.memref_slice %arg5[%dma_start3A_102, %add3A_101, %dma_start3A_108] : memref<2x4000x80xi32, #tpu.memory_space<hbm>> -> memref<1x1x80xi32, #tpu.memory_space<hbm>>
    %dma_start3A_110 = tpu.memref_squeeze %dma_start3A_109 : memref<1x1x80xi32, #tpu.memory_space<hbm>> -> memref<80xi32, #tpu.memory_space<hbm>>
    %dma_start3A_111 = arith.constant 0 : i32
    %dma_start3A_112 = tpu.memref_slice %arg9[%dma_start3A_103, %dma_start3A_104, %dma_start3A_111] : memref<3x3x80xi32, #tpu.memory_space<vmem>> -> memref<1x1x80xi32, #tpu.memory_space<vmem>>
    %dma_start3A_113 = tpu.memref_squeeze %dma_start3A_112 : memref<1x1x80xi32, #tpu.memory_space<vmem>> -> memref<80xi32, #tpu.memory_space<vmem>>
    %dma_start3A_114 = arith.constant 0 : i32
    %dma_start3A_115 = tpu.memref_slice %arg5[%dma_start3A_102, %add3A_101, %dma_start3A_114] : memref<2x4000x80xi32, #tpu.memory_space<hbm>> -> memref<1x1x80xi32, #tpu.memory_space<hbm>>
    %dma_start3A_116 = tpu.memref_squeeze %dma_start3A_115 : memref<1x1x80xi32, #tpu.memory_space<hbm>> -> memref<80xi32, #tpu.memory_space<hbm>>
    tpu.enqueue_dma source(%dma_start3A_116 : memref<80xi32, #tpu.memory_space<hbm>>) target(%dma_start3A_113 : memref<80xi32, #tpu.memory_space<vmem>>) target_semaphore(%arg19 : memref<!tpu.dma_semaphore, #tpu.memory_space<semaphore_mem>>)
    %mul3A_117 = arith.constant 125 : i32
    %mul3A_118 = arith.muli %add3A, %mul3A_117 : i32
    %add3A_119 = arith.addi %mul3A_118, %min3A_81 : i32
    %dma_start3A_120 = arith.constant 1 : i32
    %dma_start3A_121 = arith.constant 2 : i32
    %dma_start3A_122 = arith.constant 0 : i32
    %dma_start3A_123 = tpu.memref_slice %arg9[%dma_start3A_120, %dma_start3A_121, %dma_start3A_122] : memref<3x3x80xi32, #tpu.memory_space<vmem>> -> memref<1x1x80xi32, #tpu.memory_space<vmem>>
    %dma_start3A_124 = tpu.memref_squeeze %dma_start3A_123 : memref<1x1x80xi32, #tpu.memory_space<vmem>> -> memref<80xi32, #tpu.memory_space<vmem>>
    %dma_start3A_125 = arith.constant 0 : i32
    %dma_start3A_126 = tpu.memref_slice %arg6[%add3A_119, %dma_start3A_125] : memref<4000x80xi32, #tpu.memory_space<hbm>> -> memref<1x80xi32, #tpu.memory_space<hbm>>
    %dma_start3A_127 = tpu.memref_squeeze %dma_start3A_126 : memref<1x80xi32, #tpu.memory_space<hbm>> -> memref<80xi32, #tpu.memory_space<hbm>>
    %dma_start3A_128 = arith.constant 0 : i32
    %dma_start3A_129 = tpu.memref_slice %arg9[%dma_start3A_120, %dma_start3A_121, %dma_start3A_128] : memref<3x3x80xi32, #tpu.memory_space<vmem>> -> memref<1x1x80xi32, #tpu.memory_space<vmem>>
    %dma_start3A_130 = tpu.memref_squeeze %dma_start3A_129 : memref<1x1x80xi32, #tpu.memory_space<vmem>> -> memref<80xi32, #tpu.memory_space<vmem>>
    %dma_start3A_131 = arith.constant 0 : i32
    %dma_start3A_132 = tpu.memref_slice %arg6[%add3A_119, %dma_start3A_131] : memref<4000x80xi32, #tpu.memory_space<hbm>> -> memref<1x80xi32, #tpu.memory_space<hbm>>
    %dma_start3A_133 = tpu.memref_squeeze %dma_start3A_132 : memref<1x80xi32, #tpu.memory_space<hbm>> -> memref<80xi32, #tpu.memory_space<hbm>>
    tpu.enqueue_dma source(%dma_start3A_133 : memref<80xi32, #tpu.memory_space<hbm>>) target(%dma_start3A_130 : memref<80xi32, #tpu.memory_space<vmem>>) target_semaphore(%arg19 : memref<!tpu.dma_semaphore, #tpu.memory_space<semaphore_mem>>)
    %dma_start3A_134 = arith.constant 0 : i32
    %dma_start3A_135 = arith.constant 0 : i32
    %dma_start3A_136 = arith.constant 0 : i32
    %dma_start3A_137 = arith.constant 0 : i32
    %dma_start3A_138 = tpu.memref_slice %arg9[%dma_start3A_134, %dma_start3A_136, %dma_start3A_137] : memref<3x3x80xi32, #tpu.memory_space<vmem>> -> memref<1x3x80xi32, #tpu.memory_space<vmem>>
    %dma_start3A_139 = tpu.memref_squeeze %dma_start3A_138 : memref<1x3x80xi32, #tpu.memory_space<vmem>> -> memref<3x80xi32, #tpu.memory_space<vmem>>
    %dma_start3A_140 = arith.constant 0 : i32
    %dma_start3A_141 = tpu.memref_slice %dma_start3A_139[%dma_start3A_135, %dma_start3A_140] : memref<3x80xi32, #tpu.memory_space<vmem>> -> memref<1x80xi32, #tpu.memory_space<vmem>>
    %dma_start3A_142 = tpu.memref_squeeze %dma_start3A_141 : memref<1x80xi32, #tpu.memory_space<vmem>> -> memref<80xi32, #tpu.memory_space<vmem>>
    %dma_start3A_143 = arith.constant 0 : i32
    %dma_start3A_144 = arith.constant 0 : i32
    %dma_start3A_145 = tpu.memref_slice %arg2[%dma_start3A_143, %dma_start3A_144] : memref<10000x128xi32, #tpu.memory_space<hbm>> -> memref<10000x128xi32, #tpu.memory_space<hbm>>
    tpu.enqueue_indirect_dma source(%dma_start3A_145 : memref<10000x128xi32, #tpu.memory_space<hbm>>) target(%arg11 : memref<80x128xi32, #tpu.memory_space<vmem>>) offsets(%dma_start3A_142 : memref<80xi32, #tpu.memory_space<vmem>>) semaphore(%arg17 : memref<!tpu.dma_semaphore, #tpu.memory_space<semaphore_mem>>)
    %dma_start3A_146 = arith.constant 0 : i32
    %dma_start3A_147 = arith.constant 1 : i32
    %dma_start3A_148 = arith.constant 0 : i32
    %dma_start3A_149 = arith.constant 0 : i32
    %dma_start3A_150 = arith.constant 0 : i32
    %dma_start3A_151 = tpu.memref_slice %arg12[%dma_start3A_148, %dma_start3A_149, %dma_start3A_150] : memref<2x80x64xi32, #tpu.memory_space<vmem>> -> memref<1x80x64xi32, #tpu.memory_space<vmem>>
    %dma_start3A_152 = tpu.memref_squeeze %dma_start3A_151 : memref<1x80x64xi32, #tpu.memory_space<vmem>> -> memref<80x64xi32, #tpu.memory_space<vmem>>
    %dma_start3A_153 = arith.constant 0 : i32
    %dma_start3A_154 = arith.constant 0 : i32
    %dma_start3A_155 = tpu.memref_slice %arg9[%dma_start3A_146, %dma_start3A_153, %dma_start3A_154] : memref<3x3x80xi32, #tpu.memory_space<vmem>> -> memref<1x3x80xi32, #tpu.memory_space<vmem>>
    %dma_start3A_156 = tpu.memref_squeeze %dma_start3A_155 : memref<1x3x80xi32, #tpu.memory_space<vmem>> -> memref<3x80xi32, #tpu.memory_space<vmem>>
    %dma_start3A_157 = arith.constant 0 : i32
    %dma_start3A_158 = tpu.memref_slice %dma_start3A_156[%dma_start3A_147, %dma_start3A_157] : memref<3x80xi32, #tpu.memory_space<vmem>> -> memref<1x80xi32, #tpu.memory_space<vmem>>
    %dma_start3A_159 = tpu.memref_squeeze %dma_start3A_158 : memref<1x80xi32, #tpu.memory_space<vmem>> -> memref<80xi32, #tpu.memory_space<vmem>>
    %dma_start3A_160 = arith.constant 0 : i32
    %dma_start3A_161 = arith.constant 0 : i32
    %dma_start3A_162 = tpu.memref_slice %arg3[%dma_start3A_160, %dma_start3A_161] : memref<10000x64xi32, #tpu.memory_space<hbm>> -> memref<10000x64xi32, #tpu.memory_space<hbm>>
    tpu.enqueue_indirect_dma source(%dma_start3A_162 : memref<10000x64xi32, #tpu.memory_space<hbm>>) target(%dma_start3A_152 : memref<80x64xi32, #tpu.memory_space<vmem>>) offsets(%dma_start3A_159 : memref<80xi32, #tpu.memory_space<vmem>>) semaphore(%arg18 : memref<!tpu.dma_semaphore, #tpu.memory_space<semaphore_mem>>)
    %scan3A_163 = arith.constant 0 : i32
    %scan3A_164 = arith.constant 0 : i32
    %scan3A_165 = arith.constant 125 : i32
    %scan3A_166 = arith.addi %scan3A_164, %scan3A_165 : i32
    %scan3A_167 = arith.constant 1 : i32
    %scan3A_168 = scf.for %scan3A_335 = %scan3A_164 to %scan3A_166 step %scan3A_167 iter_args(%scan3A_336 = %scan3A_163) -> (i32)  : i32 {
      %rem3A = arith.constant 3 : i32
      %rem3A_337 = arith.remsi %scan3A_335, %rem3A : i32
      %add3A_338 = arith.constant 1 : i32
      %add3A_339 = arith.addi %scan3A_335, %add3A_338 : i32
      %rem3A_340 = arith.constant 3 : i32
      %rem3A_341 = arith.remsi %add3A_339, %rem3A_340 : i32
      %add3A_342 = arith.constant 2 : i32
      %add3A_343 = arith.addi %scan3A_335, %add3A_342 : i32
      %rem3A_344 = arith.constant 3 : i32
      %rem3A_345 = arith.remsi %add3A_343, %rem3A_344 : i32
      %rem3A_346 = arith.constant 2 : i32
      %rem3A_347 = arith.remsi %scan3A_335, %rem3A_346 : i32
      %add3A_348 = arith.constant 1 : i32
      %add3A_349 = arith.addi %scan3A_335, %add3A_348 : i32
      %min3A_350 = arith.constant 124 : i32
      %min3A_351 = arith.minsi %add3A_349, %min3A_350 : i32
      %add3A_352 = arith.constant 2 : i32
      %add3A_353 = arith.addi %scan3A_335, %add3A_352 : i32
      %min3A_354 = arith.constant 124 : i32
      %min3A_355 = arith.minsi %add3A_353, %min3A_354 : i32
      %dma_wait3A_356 = arith.constant 0 : i32
      "tpu.trace_start"() <{level = 10 : i32, message = "ph_gwait"}> : () -> ()
      %dma_wait3A_357 = arith.constant 0 : i32
      %dma_wait3A_358 = arith.constant 0 : i32
      %dma_wait3A_359 = tpu.memref_slice %arg9[%rem3A_337, %dma_wait3A_357, %dma_wait3A_358] : memref<3x3x80xi32, #tpu.memory_space<vmem>> -> memref<1x3x80xi32, #tpu.memory_space<vmem>>
      %dma_wait3A_360 = tpu.memref_squeeze %dma_wait3A_359 : memref<1x3x80xi32, #tpu.memory_space<vmem>> -> memref<3x80xi32, #tpu.memory_space<vmem>>
      %dma_wait3A_361 = arith.constant 0 : i32
      %dma_wait3A_362 = tpu.memref_slice %dma_wait3A_360[%dma_wait3A_356, %dma_wait3A_361] : memref<3x80xi32, #tpu.memory_space<vmem>> -> memref<1x80xi32, #tpu.memory_space<vmem>>
      %dma_wait3A_363 = tpu.memref_squeeze %dma_wait3A_362 : memref<1x80xi32, #tpu.memory_space<vmem>> -> memref<80xi32, #tpu.memory_space<vmem>>
      %dma_wait3A_364 = arith.constant 0 : i32
      %dma_wait3A_365 = arith.constant 0 : i32
      %dma_wait3A_366 = tpu.memref_slice %arg2[%dma_wait3A_364, %dma_wait3A_365] : memref<10000x128xi32, #tpu.memory_space<hbm>> -> memref<10000x128xi32, #tpu.memory_space<hbm>>
      tpu.wait_indirect_dma semaphore(%arg17 : memref<!tpu.dma_semaphore, #tpu.memory_space<semaphore_mem>>) src(%dma_wait3A_366 : memref<10000x128xi32, #tpu.memory_space<hbm>>) dst(%arg11 : memref<80x128xi32, #tpu.memory_space<vmem>>)
      %dma_wait3A_367 = arith.constant 1 : i32
      %dma_wait3A_368 = arith.constant 0 : i32
      %dma_wait3A_369 = arith.constant 0 : i32
      %dma_wait3A_370 = tpu.memref_slice %arg12[%rem3A_347, %dma_wait3A_368, %dma_wait3A_369] : memref<2x80x64xi32, #tpu.memory_space<vmem>> -> memref<1x80x64xi32, #tpu.memory_space<vmem>>
      %dma_wait3A_371 = tpu.memref_squeeze %dma_wait3A_370 : memref<1x80x64xi32, #tpu.memory_space<vmem>> -> memref<80x64xi32, #tpu.memory_space<vmem>>
      %dma_wait3A_372 = arith.constant 0 : i32
      %dma_wait3A_373 = arith.constant 0 : i32
      %dma_wait3A_374 = tpu.memref_slice %arg9[%rem3A_337, %dma_wait3A_372, %dma_wait3A_373] : memref<3x3x80xi32, #tpu.memory_space<vmem>> -> memref<1x3x80xi32, #tpu.memory_space<vmem>>
      %dma_wait3A_375 = tpu.memref_squeeze %dma_wait3A_374 : memref<1x3x80xi32, #tpu.memory_space<vmem>> -> memref<3x80xi32, #tpu.memory_space<vmem>>
      %dma_wait3A_376 = arith.constant 0 : i32
      %dma_wait3A_377 = tpu.memref_slice %dma_wait3A_375[%dma_wait3A_367, %dma_wait3A_376] : memref<3x80xi32, #tpu.memory_space<vmem>> -> memref<1x80xi32, #tpu.memory_space<vmem>>
      %dma_wait3A_378 = tpu.memref_squeeze %dma_wait3A_377 : memref<1x80xi32, #tpu.memory_space<vmem>> -> memref<80xi32, #tpu.memory_space<vmem>>
      %dma_wait3A_379 = arith.constant 0 : i32
      %dma_wait3A_380 = arith.constant 0 : i32
      %dma_wait3A_381 = tpu.memref_slice %arg3[%dma_wait3A_379, %dma_wait3A_380] : memref<10000x64xi32, #tpu.memory_space<hbm>> -> memref<10000x64xi32, #tpu.memory_space<hbm>>
      tpu.wait_indirect_dma semaphore(%arg18 : memref<!tpu.dma_semaphore, #tpu.memory_space<semaphore_mem>>) src(%dma_wait3A_381 : memref<10000x64xi32, #tpu.memory_space<hbm>>) dst(%dma_wait3A_371 : memref<80x64xi32, #tpu.memory_space<vmem>>)
      %gt3A = arith.constant 0 : i32
      %gt3A_382 = arith.cmpi sgt, %scan3A_335, %gt3A : i32
      %convert_element_type3A_383 = arith.extui %gt3A_382 : i1 to i32
      %cond3A_384 = arith.constant 0 : i32
      %cond3A_385 = arith.cmpi ne, %convert_element_type3A_383, %cond3A_384 : i32
      scf.if %cond3A_385 {
        %dma_wait3A_662 = arith.constant 1 : i32
        %dma_wait3A_663 = arith.constant 0 : i32
        %dma_wait3A_664 = arith.constant 0 : i32
        %dma_wait3A_665 = tpu.memref_slice %arg9[%rem3A_337, %dma_wait3A_663, %dma_wait3A_664] : memref<3x3x80xi32, #tpu.memory_space<vmem>> -> memref<1x3x80xi32, #tpu.memory_space<vmem>>
        %dma_wait3A_666 = tpu.memref_squeeze %dma_wait3A_665 : memref<1x3x80xi32, #tpu.memory_space<vmem>> -> memref<3x80xi32, #tpu.memory_space<vmem>>
        %dma_wait3A_667 = arith.constant 0 : i32
        %dma_wait3A_668 = tpu.memref_slice %dma_wait3A_666[%dma_wait3A_662, %dma_wait3A_667] : memref<3x80xi32, #tpu.memory_space<vmem>> -> memref<1x80xi32, #tpu.memory_space<vmem>>
        %dma_wait3A_669 = tpu.memref_squeeze %dma_wait3A_668 : memref<1x80xi32, #tpu.memory_space<vmem>> -> memref<80xi32, #tpu.memory_space<vmem>>
        %dma_wait3A_670 = arith.constant 0 : i32
        %dma_wait3A_671 = arith.constant 0 : i32
        %dma_wait3A_672 = tpu.memref_slice %arg16[%dma_wait3A_670, %dma_wait3A_671] : memref<10000x16xf32, #tpu.memory_space<vmem_shared>> -> memref<10000x16xf32, #tpu.memory_space<vmem_shared>>
        tpu.wait_indirect_dma semaphore(%arg21 : memref<!tpu.dma_semaphore, #tpu.memory_space<semaphore_mem>>) src(%arg14 : memref<80x16xf32, #tpu.memory_space<vmem>>) dst(%dma_wait3A_672 : memref<10000x16xf32, #tpu.memory_space<vmem_shared>>)
      } else {
      }
      "tpu.trace_stop"() : () -> ()
      "tpu.trace_start"() <{level = 10 : i32, message = "ph_qissue"}> : () -> ()
      %mul3A_386 = arith.constant 125 : i32
      %mul3A_387 = arith.muli %add3A, %mul3A_386 : i32
      %add3A_388 = arith.addi %mul3A_387, %min3A_351 : i32
      %dma_wait3A_389 = arith.constant 0 : i32
      %dma_wait3A_390 = arith.constant 0 : i32
      %dma_wait3A_391 = arith.constant 0 : i32
      %dma_wait3A_392 = tpu.memref_slice %arg9[%rem3A_341, %dma_wait3A_390, %dma_wait3A_391] : memref<3x3x80xi32, #tpu.memory_space<vmem>> -> memref<1x1x80xi32, #tpu.memory_space<vmem>>
      %dma_wait3A_393 = tpu.memref_squeeze %dma_wait3A_392 : memref<1x1x80xi32, #tpu.memory_space<vmem>> -> memref<80xi32, #tpu.memory_space<vmem>>
      %dma_wait3A_394 = arith.constant 0 : i32
      %dma_wait3A_395 = tpu.memref_slice %arg5[%dma_wait3A_389, %add3A_388, %dma_wait3A_394] : memref<2x4000x80xi32, #tpu.memory_space<hbm>> -> memref<1x1x80xi32, #tpu.memory_space<hbm>>
      %dma_wait3A_396 = tpu.memref_squeeze %dma_wait3A_395 : memref<1x1x80xi32, #tpu.memory_space<hbm>> -> memref<80xi32, #tpu.memory_space<hbm>>
      %dma_wait3A_397 = arith.constant 0 : i32
      %dma_wait3A_398 = tpu.memref_slice %arg9[%rem3A_341, %dma_wait3A_390, %dma_wait3A_397] : memref<3x3x80xi32, #tpu.memory_space<vmem>> -> memref<1x1x80xi32, #tpu.memory_space<vmem>>
      %dma_wait3A_399 = tpu.memref_squeeze %dma_wait3A_398 : memref<1x1x80xi32, #tpu.memory_space<vmem>> -> memref<80xi32, #tpu.memory_space<vmem>>
      %dma_wait3A_400 = arith.constant 0 : i32
      %dma_wait3A_401 = tpu.memref_slice %arg5[%dma_wait3A_389, %add3A_388, %dma_wait3A_400] : memref<2x4000x80xi32, #tpu.memory_space<hbm>> -> memref<1x1x80xi32, #tpu.memory_space<hbm>>
      %dma_wait3A_402 = tpu.memref_squeeze %dma_wait3A_401 : memref<1x1x80xi32, #tpu.memory_space<hbm>> -> memref<80xi32, #tpu.memory_space<hbm>>
      tpu.wait_dma2 semaphore(%arg19 : memref<!tpu.dma_semaphore, #tpu.memory_space<semaphore_mem>>) src(%dma_wait3A_402 : memref<80xi32, #tpu.memory_space<hbm>>) dst(%dma_wait3A_399 : memref<80xi32, #tpu.memory_space<vmem>>)
      %mul3A_403 = arith.constant 125 : i32
      %mul3A_404 = arith.muli %add3A, %mul3A_403 : i32
      %add3A_405 = arith.addi %mul3A_404, %min3A_351 : i32
      %dma_wait3A_406 = arith.constant 1 : i32
      %dma_wait3A_407 = arith.constant 1 : i32
      %dma_wait3A_408 = arith.constant 0 : i32
      %dma_wait3A_409 = tpu.memref_slice %arg9[%rem3A_341, %dma_wait3A_407, %dma_wait3A_408] : memref<3x3x80xi32, #tpu.memory_space<vmem>> -> memref<1x1x80xi32, #tpu.memory_space<vmem>>
      %dma_wait3A_410 = tpu.memref_squeeze %dma_wait3A_409 : memref<1x1x80xi32, #tpu.memory_space<vmem>> -> memref<80xi32, #tpu.memory_space<vmem>>
      %dma_wait3A_411 = arith.constant 0 : i32
      %dma_wait3A_412 = tpu.memref_slice %arg5[%dma_wait3A_406, %add3A_405, %dma_wait3A_411] : memref<2x4000x80xi32, #tpu.memory_space<hbm>> -> memref<1x1x80xi32, #tpu.memory_space<hbm>>
      %dma_wait3A_413 = tpu.memref_squeeze %dma_wait3A_412 : memref<1x1x80xi32, #tpu.memory_space<hbm>> -> memref<80xi32, #tpu.memory_space<hbm>>
      %dma_wait3A_414 = arith.constant 0 : i32
      %dma_wait3A_415 = tpu.memref_slice %arg9[%rem3A_341, %dma_wait3A_407, %dma_wait3A_414] : memref<3x3x80xi32, #tpu.memory_space<vmem>> -> memref<1x1x80xi32, #tpu.memory_space<vmem>>
      %dma_wait3A_416 = tpu.memref_squeeze %dma_wait3A_415 : memref<1x1x80xi32, #tpu.memory_space<vmem>> -> memref<80xi32, #tpu.memory_space<vmem>>
      %dma_wait3A_417 = arith.constant 0 : i32
      %dma_wait3A_418 = tpu.memref_slice %arg5[%dma_wait3A_406, %add3A_405, %dma_wait3A_417] : memref<2x4000x80xi32, #tpu.memory_space<hbm>> -> memref<1x1x80xi32, #tpu.memory_space<hbm>>
      %dma_wait3A_419 = tpu.memref_squeeze %dma_wait3A_418 : memref<1x1x80xi32, #tpu.memory_space<hbm>> -> memref<80xi32, #tpu.memory_space<hbm>>
      tpu.wait_dma2 semaphore(%arg19 : memref<!tpu.dma_semaphore, #tpu.memory_space<semaphore_mem>>) src(%dma_wait3A_419 : memref<80xi32, #tpu.memory_space<hbm>>) dst(%dma_wait3A_416 : memref<80xi32, #tpu.memory_space<vmem>>)
      %mul3A_420 = arith.constant 125 : i32
      %mul3A_421 = arith.muli %add3A, %mul3A_420 : i32
      %add3A_422 = arith.addi %mul3A_421, %min3A_351 : i32
      %dma_wait3A_423 = arith.constant 2 : i32
      %dma_wait3A_424 = arith.constant 0 : i32
      %dma_wait3A_425 = tpu.memref_slice %arg9[%rem3A_341, %dma_wait3A_423, %dma_wait3A_424] : memref<3x3x80xi32, #tpu.memory_space<vmem>> -> memref<1x1x80xi32, #tpu.memory_space<vmem>>
      %dma_wait3A_426 = tpu.memref_squeeze %dma_wait3A_425 : memref<1x1x80xi32, #tpu.memory_space<vmem>> -> memref<80xi32, #tpu.memory_space<vmem>>
      %dma_wait3A_427 = arith.constant 0 : i32
      %dma_wait3A_428 = tpu.memref_slice %arg6[%add3A_422, %dma_wait3A_427] : memref<4000x80xi32, #tpu.memory_space<hbm>> -> memref<1x80xi32, #tpu.memory_space<hbm>>
      %dma_wait3A_429 = tpu.memref_squeeze %dma_wait3A_428 : memref<1x80xi32, #tpu.memory_space<hbm>> -> memref<80xi32, #tpu.memory_space<hbm>>
      %dma_wait3A_430 = arith.constant 0 : i32
      %dma_wait3A_431 = tpu.memref_slice %arg9[%rem3A_341, %dma_wait3A_423, %dma_wait3A_430] : memref<3x3x80xi32, #tpu.memory_space<vmem>> -> memref<1x1x80xi32, #tpu.memory_space<vmem>>
      %dma_wait3A_432 = tpu.memref_squeeze %dma_wait3A_431 : memref<1x1x80xi32, #tpu.memory_space<vmem>> -> memref<80xi32, #tpu.memory_space<vmem>>
      %dma_wait3A_433 = arith.constant 0 : i32
      %dma_wait3A_434 = tpu.memref_slice %arg6[%add3A_422, %dma_wait3A_433] : memref<4000x80xi32, #tpu.memory_space<hbm>> -> memref<1x80xi32, #tpu.memory_space<hbm>>
      %dma_wait3A_435 = tpu.memref_squeeze %dma_wait3A_434 : memref<1x80xi32, #tpu.memory_space<hbm>> -> memref<80xi32, #tpu.memory_space<hbm>>
      tpu.wait_dma2 semaphore(%arg19 : memref<!tpu.dma_semaphore, #tpu.memory_space<semaphore_mem>>) src(%dma_wait3A_435 : memref<80xi32, #tpu.memory_space<hbm>>) dst(%dma_wait3A_432 : memref<80xi32, #tpu.memory_space<vmem>>)
      %sub3A = arith.constant 1 : i32
      %sub3A_436 = arith.subi %sub3A, %rem3A_347 : i32
      %dma_start3A_437 = arith.constant 1 : i32
      %dma_start3A_438 = arith.constant 0 : i32
      %dma_start3A_439 = arith.constant 0 : i32
      %dma_start3A_440 = tpu.memref_slice %arg12[%sub3A_436, %dma_start3A_438, %dma_start3A_439] : memref<2x80x64xi32, #tpu.memory_space<vmem>> -> memref<1x80x64xi32, #tpu.memory_space<vmem>>
      %dma_start3A_441 = tpu.memref_squeeze %dma_start3A_440 : memref<1x80x64xi32, #tpu.memory_space<vmem>> -> memref<80x64xi32, #tpu.memory_space<vmem>>
      %dma_start3A_442 = arith.constant 0 : i32
      %dma_start3A_443 = arith.constant 0 : i32
      %dma_start3A_444 = tpu.memref_slice %arg9[%rem3A_341, %dma_start3A_442, %dma_start3A_443] : memref<3x3x80xi32, #tpu.memory_space<vmem>> -> memref<1x3x80xi32, #tpu.memory_space<vmem>>
      %dma_start3A_445 = tpu.memref_squeeze %dma_start3A_444 : memref<1x3x80xi32, #tpu.memory_space<vmem>> -> memref<3x80xi32, #tpu.memory_space<vmem>>
      %dma_start3A_446 = arith.constant 0 : i32
      %dma_start3A_447 = tpu.memref_slice %dma_start3A_445[%dma_start3A_437, %dma_start3A_446] : memref<3x80xi32, #tpu.memory_space<vmem>> -> memref<1x80xi32, #tpu.memory_space<vmem>>
      %dma_start3A_448 = tpu.memref_squeeze %dma_start3A_447 : memref<1x80xi32, #tpu.memory_space<vmem>> -> memref<80xi32, #tpu.memory_space<vmem>>
      %dma_start3A_449 = arith.constant 0 : i32
      %dma_start3A_450 = arith.constant 0 : i32
      %dma_start3A_451 = tpu.memref_slice %arg3[%dma_start3A_449, %dma_start3A_450] : memref<10000x64xi32, #tpu.memory_space<hbm>> -> memref<10000x64xi32, #tpu.memory_space<hbm>>
      tpu.enqueue_indirect_dma source(%dma_start3A_451 : memref<10000x64xi32, #tpu.memory_space<hbm>>) target(%dma_start3A_441 : memref<80x64xi32, #tpu.memory_space<vmem>>) offsets(%dma_start3A_448 : memref<80xi32, #tpu.memory_space<vmem>>) semaphore(%arg18 : memref<!tpu.dma_semaphore, #tpu.memory_space<semaphore_mem>>)
      "tpu.trace_stop"() : () -> ()
      "tpu.trace_start"() <{level = 10 : i32, message = "ph_att"}> : () -> ()
      %add3A_452 = arith.constant 0 : i32
      %add3A_453 = vector.broadcast %add3A_452 : i32 to vector<16xi32>
      %add3A_454 = arith.addi %iota3A, %add3A_453 : vector<16xi32>
      %get3A = arith.constant 2 : i32
      %get3A_455 = arith.index_cast %rem3A_337 : i32 to index
      %get3A_456 = arith.index_cast %get3A : i32 to index
      %get3A_457 = arith.constant 0 : index
      %get3A_458 = tpu.vector_load %arg9[%get3A_455, %get3A_456, %get3A_457] {strides = array<i32>} : memref<3x3x80xi32, #tpu.memory_space<vmem>>, vector<16xi32>,
      %broadcast_in_dim3A_459 = arith.constant 0.000000e+00 : f32
      %broadcast_in_dim3A_460 = vector.broadcast %broadcast_in_dim3A_459 : f32 to vector<16xf32>
      %parallel_loop3A = arith.constant 0 : i32
      %parallel_loop3A_461 = arith.constant 64 : i32
      %parallel_loop3A_462 = arith.constant 2 : i32
      %parallel_loop3A_463:4 = scf.for %parallel_loop3A_662 = %parallel_loop3A to %parallel_loop3A_461 step %parallel_loop3A_462 iter_args(%parallel_loop3A_663 = %broadcast_in_dim3A_460, %parallel_loop3A_664 = %broadcast_in_dim3A_460, %parallel_loop3A_665 = %broadcast_in_dim3A_460, %parallel_loop3A_666 = %broadcast_in_dim3A_460) -> (vector<16xf32>, vector<16xf32>, vector<16xf32>, vector<16xf32>)  : i32 {
        %parallel_loop3A_667 = vector.broadcast %parallel_loop3A_662 : i32 to vector<16xi32>
        %parallel_loop3A_668 = arith.constant 0 : i32
        %parallel_loop3A_669 = vector.broadcast %parallel_loop3A_668 : i32 to vector<16xi32>
        %parallel_loop3A_670 = arith.addi %parallel_loop3A_667, %parallel_loop3A_669 : vector<16xi32>
        %parallel_loop3A_671 = arith.addi %parallel_loop3A_670, %iota3A : vector<16xi32>
        %parallel_loop3A_672 = arith.constant 63 : i32
        %parallel_loop3A_673 = vector.broadcast %parallel_loop3A_672 : i32 to vector<16xi32>
        %parallel_loop3A_674 = arith.andi %parallel_loop3A_671, %parallel_loop3A_673 : vector<16xi32>
        %parallel_loop3A_675 = tpu.vector_load_idx %arg11[%add3A_454, %parallel_loop3A_674] : memref<80x128xi32, #tpu.memory_space<vmem>>[vector<16xi32>, vector<16xi32>], vector<16xi32>,
        %parallel_loop3A_676 = vector.bitcast %parallel_loop3A_675 : vector<16xi32> to vector<32xbf16>
        %parallel_loop3A_677 = tpu.vector_load_idx %arg10[%get3A_458, %parallel_loop3A_674] : memref<50x64xi32, #tpu.memory_space<vmem>>[vector<16xi32>, vector<16xi32>], vector<16xi32>,
        %parallel_loop3A_678 = vector.bitcast %parallel_loop3A_677 : vector<16xi32> to vector<32xbf16>
        %parallel_loop3A_679 = arith.constant 0 : i32
        %parallel_loop3A_680 = arith.constant 0 : i32
        %parallel_loop3A_681 = tpu.memref_slice %arg12[%rem3A_347, %parallel_loop3A_679, %parallel_loop3A_680] : memref<2x80x64xi32, #tpu.memory_space<vmem>> -> memref<1x80x64xi32, #tpu.memory_space<vmem>>
        %parallel_loop3A_682 = tpu.memref_squeeze %parallel_loop3A_681 : memref<1x80x64xi32, #tpu.memory_space<vmem>> -> memref<80x64xi32, #tpu.memory_space<vmem>>
        %parallel_loop3A_683 = tpu.vector_load_idx %parallel_loop3A_682[%add3A_454, %parallel_loop3A_674] : memref<80x64xi32, #tpu.memory_space<vmem>>[vector<16xi32>, vector<16xi32>], vector<16xi32>,
        %parallel_loop3A_684 = vector.bitcast %parallel_loop3A_683 : vector<16xi32> to vector<32xbf16>
        %parallel_loop3A_685 = arith.mulf %parallel_loop3A_676, %parallel_loop3A_678 : vector<32xbf16>
        %parallel_loop3A_686 = arith.mulf %parallel_loop3A_685, %parallel_loop3A_684 : vector<32xbf16>
        %parallel_loop3A_687 = tpu.unpack_subelements %parallel_loop3A_686, 0 {pack_format = #tpu.pack_format<interleaved>} : vector<32xbf16> -> vector<16xf32>
        %parallel_loop3A_688 = tpu.unpack_subelements %parallel_loop3A_686, 1 {pack_format = #tpu.pack_format<interleaved>} : vector<32xbf16> -> vector<16xf32>
        %parallel_loop3A_689 = arith.addf %parallel_loop3A_663, %parallel_loop3A_687 : vector<16xf32>
        %parallel_loop3A_690 = arith.addf %parallel_loop3A_664, %parallel_loop3A_688 : vector<16xf32>
        %parallel_loop3A_691 = vector.broadcast %parallel_loop3A_662 : i32 to vector<16xi32>
        %parallel_loop3A_692 = arith.constant 1 : i32
        %parallel_loop3A_693 = vector.broadcast %parallel_loop3A_692 : i32 to vector<16xi32>
        %parallel_loop3A_694 = arith.addi %parallel_loop3A_691, %parallel_loop3A_693 : vector<16xi32>
        %parallel_loop3A_695 = arith.addi %parallel_loop3A_694, %iota3A : vector<16xi32>
        %parallel_loop3A_696 = arith.constant 63 : i32
        %parallel_loop3A_697 = vector.broadcast %parallel_loop3A_696 : i32 to vector<16xi32>
        %parallel_loop3A_698 = arith.andi %parallel_loop3A_695, %parallel_loop3A_697 : vector<16xi32>
        %parallel_loop3A_699 = tpu.vector_load_idx %arg11[%add3A_454, %parallel_loop3A_698] : memref<80x128xi32, #tpu.memory_space<vmem>>[vector<16xi32>, vector<16xi32>], vector<16xi32>,
        %parallel_loop3A_700 = vector.bitcast %parallel_loop3A_699 : vector<16xi32> to vector<32xbf16>
        %parallel_loop3A_701 = tpu.vector_load_idx %arg10[%get3A_458, %parallel_loop3A_698] : memref<50x64xi32, #tpu.memory_space<vmem>>[vector<16xi32>, vector<16xi32>], vector<16xi32>,
        %parallel_loop3A_702 = vector.bitcast %parallel_loop3A_701 : vector<16xi32> to vector<32xbf16>
        %parallel_loop3A_703 = arith.constant 0 : i32
        %parallel_loop3A_704 = arith.constant 0 : i32
        %parallel_loop3A_705 = tpu.memref_slice %arg12[%rem3A_347, %parallel_loop3A_703, %parallel_loop3A_704] : memref<2x80x64xi32, #tpu.memory_space<vmem>> -> memref<1x80x64xi32, #tpu.memory_space<vmem>>
        %parallel_loop3A_706 = tpu.memref_squeeze %parallel_loop3A_705 : memref<1x80x64xi32, #tpu.memory_space<vmem>> -> memref<80x64xi32, #tpu.memory_space<vmem>>
        %parallel_loop3A_707 = tpu.vector_load_idx %parallel_loop3A_706[%add3A_454, %parallel_loop3A_698] : memref<80x64xi32, #tpu.memory_space<vmem>>[vector<16xi32>, vector<16xi32>], vector<16xi32>,
        %parallel_loop3A_708 = vector.bitcast %parallel_loop3A_707 : vector<16xi32> to vector<32xbf16>
        %parallel_loop3A_709 = arith.mulf %parallel_loop3A_700, %parallel_loop3A_702 : vector<32xbf16>
        %parallel_loop3A_710 = arith.mulf %parallel_loop3A_709, %parallel_loop3A_708 : vector<32xbf16>
        %parallel_loop3A_711 = tpu.unpack_subelements %parallel_loop3A_710, 0 {pack_format = #tpu.pack_format<interleaved>} : vector<32xbf16> -> vector<16xf32>
        %parallel_loop3A_712 = tpu.unpack_subelements %parallel_loop3A_710, 1 {pack_format = #tpu.pack_format<interleaved>} : vector<32xbf16> -> vector<16xf32>
        %parallel_loop3A_713 = arith.addf %parallel_loop3A_665, %parallel_loop3A_711 : vector<16xf32>
        %parallel_loop3A_714 = arith.addf %parallel_loop3A_666, %parallel_loop3A_712 : vector<16xf32>
        scf.yield %parallel_loop3A_689, %parallel_loop3A_690, %parallel_loop3A_713, %parallel_loop3A_714 : vector<16xf32>, vector<16xf32>, vector<16xf32>, vector<16xf32>
      } {sc.loop_unroll_factor = 4 : i64, sc.parallel_access}
      %add3A_464 = arith.addf %parallel_loop3A_463#0, %parallel_loop3A_463#1 : vector<16xf32>
      %add3A_465 = arith.addf %parallel_loop3A_463#2, %parallel_loop3A_463#3 : vector<16xf32>
      %add3A_466 = arith.addf %add3A_464, %add3A_465 : vector<16xf32>
      %exp3A = math.exp %add3A_466 : vector<16xf32>
      tpu.vector_store_idx %arg14[%add3A_454, %iota3A], %exp3A : memref<80x16xf32, #tpu.memory_space<vmem>>[vector<16xi32>, vector<16xi32>], vector<16xf32>,
      %add3A_467 = arith.constant 16 : i32
      %add3A_468 = vector.broadcast %add3A_467 : i32 to vector<16xi32>
      %add3A_469 = arith.addi %iota3A, %add3A_468 : vector<16xi32>
      %get3A_470 = arith.constant 2 : i32
      %get3A_471 = arith.index_cast %rem3A_337 : i32 to index
      %get3A_472 = arith.index_cast %get3A_470 : i32 to index
      %get3A_473 = arith.constant 16 : index
      %get3A_474 = tpu.vector_load %arg9[%get3A_471, %get3A_472, %get3A_473] {strides = array<i32>} : memref<3x3x80xi32, #tpu.memory_space<vmem>>, vector<16xi32>,
      %broadcast_in_dim3A_475 = arith.constant 0.000000e+00 : f32
      %broadcast_in_dim3A_476 = vector.broadcast %broadcast_in_dim3A_475 : f32 to vector<16xf32>
      %parallel_loop3A_477 = arith.constant 0 : i32
      %parallel_loop3A_478 = arith.constant 64 : i32
      %parallel_loop3A_479 = arith.constant 2 : i32
      %parallel_loop3A_480:4 = scf.for %parallel_loop3A_662 = %parallel_loop3A_477 to %parallel_loop3A_478 step %parallel_loop3A_479 iter_args(%parallel_loop3A_663 = %broadcast_in_dim3A_476, %parallel_loop3A_664 = %broadcast_in_dim3A_476, %parallel_loop3A_665 = %broadcast_in_dim3A_476, %parallel_loop3A_666 = %broadcast_in_dim3A_476) -> (vector<16xf32>, vector<16xf32>, vector<16xf32>, vector<16xf32>)  : i32 {
        %parallel_loop3A_667 = vector.broadcast %parallel_loop3A_662 : i32 to vector<16xi32>
        %parallel_loop3A_668 = arith.constant 0 : i32
        %parallel_loop3A_669 = vector.broadcast %parallel_loop3A_668 : i32 to vector<16xi32>
        %parallel_loop3A_670 = arith.addi %parallel_loop3A_667, %parallel_loop3A_669 : vector<16xi32>
        %parallel_loop3A_671 = arith.addi %parallel_loop3A_670, %iota3A : vector<16xi32>
        %parallel_loop3A_672 = arith.constant 63 : i32
        %parallel_loop3A_673 = vector.broadcast %parallel_loop3A_672 : i32 to vector<16xi32>
        %parallel_loop3A_674 = arith.andi %parallel_loop3A_671, %parallel_loop3A_673 : vector<16xi32>
        %parallel_loop3A_675 = tpu.vector_load_idx %arg11[%add3A_469, %parallel_loop3A_674] : memref<80x128xi32, #tpu.memory_space<vmem>>[vector<16xi32>, vector<16xi32>], vector<16xi32>,
        %parallel_loop3A_676 = vector.bitcast %parallel_loop3A_675 : vector<16xi32> to vector<32xbf16>
        %parallel_loop3A_677 = tpu.vector_load_idx %arg10[%get3A_474, %parallel_loop3A_674] : memref<50x64xi32, #tpu.memory_space<vmem>>[vector<16xi32>, vector<16xi32>], vector<16xi32>,
        %parallel_loop3A_678 = vector.bitcast %parallel_loop3A_677 : vector<16xi32> to vector<32xbf16>
        %parallel_loop3A_679 = arith.constant 0 : i32
        %parallel_loop3A_680 = arith.constant 0 : i32
        %parallel_loop3A_681 = tpu.memref_slice %arg12[%rem3A_347, %parallel_loop3A_679, %parallel_loop3A_680] : memref<2x80x64xi32, #tpu.memory_space<vmem>> -> memref<1x80x64xi32, #tpu.memory_space<vmem>>
        %parallel_loop3A_682 = tpu.memref_squeeze %parallel_loop3A_681 : memref<1x80x64xi32, #tpu.memory_space<vmem>> -> memref<80x64xi32, #tpu.memory_space<vmem>>
        %parallel_loop3A_683 = tpu.vector_load_idx %parallel_loop3A_682[%add3A_469, %parallel_loop3A_674] : memref<80x64xi32, #tpu.memory_space<vmem>>[vector<16xi32>, vector<16xi32>], vector<16xi32>,
        %parallel_loop3A_684 = vector.bitcast %parallel_loop3A_683 : vector<16xi32> to vector<32xbf16>
        %parallel_loop3A_685 = arith.mulf %parallel_loop3A_676, %parallel_loop3A_678 : vector<32xbf16>
        %parallel_loop3A_686 = arith.mulf %parallel_loop3A_685, %parallel_loop3A_684 : vector<32xbf16>
        %parallel_loop3A_687 = tpu.unpack_subelements %parallel_loop3A_686, 0 {pack_format = #tpu.pack_format<interleaved>} : vector<32xbf16> -> vector<16xf32>
        %parallel_loop3A_688 = tpu.unpack_subelements %parallel_loop3A_686, 1 {pack_format = #tpu.pack_format<interleaved>} : vector<32xbf16> -> vector<16xf32>
        %parallel_loop3A_689 = arith.addf %parallel_loop3A_663, %parallel_loop3A_687 : vector<16xf32>
        %parallel_loop3A_690 = arith.addf %parallel_loop3A_664, %parallel_loop3A_688 : vector<16xf32>
        %parallel_loop3A_691 = vector.broadcast %parallel_loop3A_662 : i32 to vector<16xi32>
        %parallel_loop3A_692 = arith.constant 1 : i32
        %parallel_loop3A_693 = vector.broadcast %parallel_loop3A_692 : i32 to vector<16xi32>
        %parallel_loop3A_694 = arith.addi %parallel_loop3A_691, %parallel_loop3A_693 : vector<16xi32>
        %parallel_loop3A_695 = arith.addi %parallel_loop3A_694, %iota3A : vector<16xi32>
        %parallel_loop3A_696 = arith.constant 63 : i32
        %parallel_loop3A_697 = vector.broadcast %parallel_loop3A_696 : i32 to vector<16xi32>
        %parallel_loop3A_698 = arith.andi %parallel_loop3A_695, %parallel_loop3A_697 : vector<16xi32>
        %parallel_loop3A_699 = tpu.vector_load_idx %arg11[%add3A_469, %parallel_loop3A_698] : memref<80x128xi32, #tpu.memory_space<vmem>>[vector<16xi32>, vector<16xi32>], vector<16xi32>,
        %parallel_loop3A_700 = vector.bitcast %parallel_loop3A_699 : vector<16xi32> to vector<32xbf16>
        %parallel_loop3A_701 = tpu.vector_load_idx %arg10[%get3A_474, %parallel_loop3A_698] : memref<50x64xi32, #tpu.memory_space<vmem>>[vector<16xi32>, vector<16xi32>], vector<16xi32>,
        %parallel_loop3A_702 = vector.bitcast %parallel_loop3A_701 : vector<16xi32> to vector<32xbf16>
        %parallel_loop3A_703 = arith.constant 0 : i32
        %parallel_loop3A_704 = arith.constant 0 : i32
        %parallel_loop3A_705 = tpu.memref_slice %arg12[%rem3A_347, %parallel_loop3A_703, %parallel_loop3A_704] : memref<2x80x64xi32, #tpu.memory_space<vmem>> -> memref<1x80x64xi32, #tpu.memory_space<vmem>>
        %parallel_loop3A_706 = tpu.memref_squeeze %parallel_loop3A_705 : memref<1x80x64xi32, #tpu.memory_space<vmem>> -> memref<80x64xi32, #tpu.memory_space<vmem>>
        %parallel_loop3A_707 = tpu.vector_load_idx %parallel_loop3A_706[%add3A_469, %parallel_loop3A_698] : memref<80x64xi32, #tpu.memory_space<vmem>>[vector<16xi32>, vector<16xi32>], vector<16xi32>,
        %parallel_loop3A_708 = vector.bitcast %parallel_loop3A_707 : vector<16xi32> to vector<32xbf16>
        %parallel_loop3A_709 = arith.mulf %parallel_loop3A_700, %parallel_loop3A_702 : vector<32xbf16>
        %parallel_loop3A_710 = arith.mulf %parallel_loop3A_709, %parallel_loop3A_708 : vector<32xbf16>
        %parallel_loop3A_711 = tpu.unpack_subelements %parallel_loop3A_710, 0 {pack_format = #tpu.pack_format<interleaved>} : vector<32xbf16> -> vector<16xf32>
        %parallel_loop3A_712 = tpu.unpack_subelements %parallel_loop3A_710, 1 {pack_format = #tpu.pack_format<interleaved>} : vector<32xbf16> -> vector<16xf32>
        %parallel_loop3A_713 = arith.addf %parallel_loop3A_665, %parallel_loop3A_711 : vector<16xf32>
        %parallel_loop3A_714 = arith.addf %parallel_loop3A_666, %parallel_loop3A_712 : vector<16xf32>
        scf.yield %parallel_loop3A_689, %parallel_loop3A_690, %parallel_loop3A_713, %parallel_loop3A_714 : vector<16xf32>, vector<16xf32>, vector<16xf32>, vector<16xf32>
      } {sc.loop_unroll_factor = 4 : i64, sc.parallel_access}
      %add3A_481 = arith.addf %parallel_loop3A_480#0, %parallel_loop3A_480#1 : vector<16xf32>
      %add3A_482 = arith.addf %parallel_loop3A_480#2, %parallel_loop3A_480#3 : vector<16xf32>
      %add3A_483 = arith.addf %add3A_481, %add3A_482 : vector<16xf32>
      %exp3A_484 = math.exp %add3A_483 : vector<16xf32>
      tpu.vector_store_idx %arg14[%add3A_469, %iota3A], %exp3A_484 : memref<80x16xf32, #tpu.memory_space<vmem>>[vector<16xi32>, vector<16xi32>], vector<16xf32>,
      %add3A_485 = arith.constant 32 : i32
      %add3A_486 = vector.broadcast %add3A_485 : i32 to vector<16xi32>
      %add3A_487 = arith.addi %iota3A, %add3A_486 : vector<16xi32>
      %get3A_488 = arith.constant 2 : i32
      %get3A_489 = arith.index_cast %rem3A_337 : i32 to index
      %get3A_490 = arith.index_cast %get3A_488 : i32 to index
      %get3A_491 = arith.constant 32 : index
      %get3A_492 = tpu.vector_load %arg9[%get3A_489, %get3A_490, %get3A_491] {strides = array<i32>} : memref<3x3x80xi32, #tpu.memory_space<vmem>>, vector<16xi32>,
      %broadcast_in_dim3A_493 = arith.constant 0.000000e+00 : f32
      %broadcast_in_dim3A_494 = vector.broadcast %broadcast_in_dim3A_493 : f32 to vector<16xf32>
      %parallel_loop3A_495 = arith.constant 0 : i32
      %parallel_loop3A_496 = arith.constant 64 : i32
      %parallel_loop3A_497 = arith.constant 2 : i32
      %parallel_loop3A_498:4 = scf.for %parallel_loop3A_662 = %parallel_loop3A_495 to %parallel_loop3A_496 step %parallel_loop3A_497 iter_args(%parallel_loop3A_663 = %broadcast_in_dim3A_494, %parallel_loop3A_664 = %broadcast_in_dim3A_494, %parallel_loop3A_665 = %broadcast_in_dim3A_494, %parallel_loop3A_666 = %broadcast_in_dim3A_494) -> (vector<16xf32>, vector<16xf32>, vector<16xf32>, vector<16xf32>)  : i32 {
        %parallel_loop3A_667 = vector.broadcast %parallel_loop3A_662 : i32 to vector<16xi32>
        %parallel_loop3A_668 = arith.constant 0 : i32
        %parallel_loop3A_669 = vector.broadcast %parallel_loop3A_668 : i32 to vector<16xi32>
        %parallel_loop3A_670 = arith.addi %parallel_loop3A_667, %parallel_loop3A_669 : vector<16xi32>
        %parallel_loop3A_671 = arith.addi %parallel_loop3A_670, %iota3A : vector<16xi32>
        %parallel_loop3A_672 = arith.constant 63 : i32
        %parallel_loop3A_673 = vector.broadcast %parallel_loop3A_672 : i32 to vector<16xi32>
        %parallel_loop3A_674 = arith.andi %parallel_loop3A_671, %parallel_loop3A_673 : vector<16xi32>
        %parallel_loop3A_675 = tpu.vector_load_idx %arg11[%add3A_487, %parallel_loop3A_674] : memref<80x128xi32, #tpu.memory_space<vmem>>[vector<16xi32>, vector<16xi32>], vector<16xi32>,
        %parallel_loop3A_676 = vector.bitcast %parallel_loop3A_675 : vector<16xi32> to vector<32xbf16>
        %parallel_loop3A_677 = tpu.vector_load_idx %arg10[%get3A_492, %parallel_loop3A_674] : memref<50x64xi32, #tpu.memory_space<vmem>>[vector<16xi32>, vector<16xi32>], vector<16xi32>,
        %parallel_loop3A_678 = vector.bitcast %parallel_loop3A_677 : vector<16xi32> to vector<32xbf16>
        %parallel_loop3A_679 = arith.constant 0 : i32
        %parallel_loop3A_680 = arith.constant 0 : i32
        %parallel_loop3A_681 = tpu.memref_slice %arg12[%rem3A_347, %parallel_loop3A_679, %parallel_loop3A_680] : memref<2x80x64xi32, #tpu.memory_space<vmem>> -> memref<1x80x64xi32, #tpu.memory_space<vmem>>
        %parallel_loop3A_682 = tpu.memref_squeeze %parallel_loop3A_681 : memref<1x80x64xi32, #tpu.memory_space<vmem>> -> memref<80x64xi32, #tpu.memory_space<vmem>>
        %parallel_loop3A_683 = tpu.vector_load_idx %parallel_loop3A_682[%add3A_487, %parallel_loop3A_674] : memref<80x64xi32, #tpu.memory_space<vmem>>[vector<16xi32>, vector<16xi32>], vector<16xi32>,
        %parallel_loop3A_684 = vector.bitcast %parallel_loop3A_683 : vector<16xi32> to vector<32xbf16>
        %parallel_loop3A_685 = arith.mulf %parallel_loop3A_676, %parallel_loop3A_678 : vector<32xbf16>
        %parallel_loop3A_686 = arith.mulf %parallel_loop3A_685, %parallel_loop3A_684 : vector<32xbf16>
        %parallel_loop3A_687 = tpu.unpack_subelements %parallel_loop3A_686, 0 {pack_format = #tpu.pack_format<interleaved>} : vector<32xbf16> -> vector<16xf32>
        %parallel_loop3A_688 = tpu.unpack_subelements %parallel_loop3A_686, 1 {pack_format = #tpu.pack_format<interleaved>} : vector<32xbf16> -> vector<16xf32>
        %parallel_loop3A_689 = arith.addf %parallel_loop3A_663, %parallel_loop3A_687 : vector<16xf32>
        %parallel_loop3A_690 = arith.addf %parallel_loop3A_664, %parallel_loop3A_688 : vector<16xf32>
        %parallel_loop3A_691 = vector.broadcast %parallel_loop3A_662 : i32 to vector<16xi32>
        %parallel_loop3A_692 = arith.constant 1 : i32
        %parallel_loop3A_693 = vector.broadcast %parallel_loop3A_692 : i32 to vector<16xi32>
        %parallel_loop3A_694 = arith.addi %parallel_loop3A_691, %parallel_loop3A_693 : vector<16xi32>
        %parallel_loop3A_695 = arith.addi %parallel_loop3A_694, %iota3A : vector<16xi32>
        %parallel_loop3A_696 = arith.constant 63 : i32
        %parallel_loop3A_697 = vector.broadcast %parallel_loop3A_696 : i32 to vector<16xi32>
        %parallel_loop3A_698 = arith.andi %parallel_loop3A_695, %parallel_loop3A_697 : vector<16xi32>
        %parallel_loop3A_699 = tpu.vector_load_idx %arg11[%add3A_487, %parallel_loop3A_698] : memref<80x128xi32, #tpu.memory_space<vmem>>[vector<16xi32>, vector<16xi32>], vector<16xi32>,
        %parallel_loop3A_700 = vector.bitcast %parallel_loop3A_699 : vector<16xi32> to vector<32xbf16>
        %parallel_loop3A_701 = tpu.vector_load_idx %arg10[%get3A_492, %parallel_loop3A_698] : memref<50x64xi32, #tpu.memory_space<vmem>>[vector<16xi32>, vector<16xi32>], vector<16xi32>,
        %parallel_loop3A_702 = vector.bitcast %parallel_loop3A_701 : vector<16xi32> to vector<32xbf16>
        %parallel_loop3A_703 = arith.constant 0 : i32
        %parallel_loop3A_704 = arith.constant 0 : i32
        %parallel_loop3A_705 = tpu.memref_slice %arg12[%rem3A_347, %parallel_loop3A_703, %parallel_loop3A_704] : memref<2x80x64xi32, #tpu.memory_space<vmem>> -> memref<1x80x64xi32, #tpu.memory_space<vmem>>
        %parallel_loop3A_706 = tpu.memref_squeeze %parallel_loop3A_705 : memref<1x80x64xi32, #tpu.memory_space<vmem>> -> memref<80x64xi32, #tpu.memory_space<vmem>>
        %parallel_loop3A_707 = tpu.vector_load_idx %parallel_loop3A_706[%add3A_487, %parallel_loop3A_698] : memref<80x64xi32, #tpu.memory_space<vmem>>[vector<16xi32>, vector<16xi32>], vector<16xi32>,
        %parallel_loop3A_708 = vector.bitcast %parallel_loop3A_707 : vector<16xi32> to vector<32xbf16>
        %parallel_loop3A_709 = arith.mulf %parallel_loop3A_700, %parallel_loop3A_702 : vector<32xbf16>
        %parallel_loop3A_710 = arith.mulf %parallel_loop3A_709, %parallel_loop3A_708 : vector<32xbf16>
        %parallel_loop3A_711 = tpu.unpack_subelements %parallel_loop3A_710, 0 {pack_format = #tpu.pack_format<interleaved>} : vector<32xbf16> -> vector<16xf32>
        %parallel_loop3A_712 = tpu.unpack_subelements %parallel_loop3A_710, 1 {pack_format = #tpu.pack_format<interleaved>} : vector<32xbf16> -> vector<16xf32>
        %parallel_loop3A_713 = arith.addf %parallel_loop3A_665, %parallel_loop3A_711 : vector<16xf32>
        %parallel_loop3A_714 = arith.addf %parallel_loop3A_666, %parallel_loop3A_712 : vector<16xf32>
        scf.yield %parallel_loop3A_689, %parallel_loop3A_690, %parallel_loop3A_713, %parallel_loop3A_714 : vector<16xf32>, vector<16xf32>, vector<16xf32>, vector<16xf32>
      } {sc.loop_unroll_factor = 4 : i64, sc.parallel_access}
      %add3A_499 = arith.addf %parallel_loop3A_498#0, %parallel_loop3A_498#1 : vector<16xf32>
      %add3A_500 = arith.addf %parallel_loop3A_498#2, %parallel_loop3A_498#3 : vector<16xf32>
      %add3A_501 = arith.addf %add3A_499, %add3A_500 : vector<16xf32>
      %exp3A_502 = math.exp %add3A_501 : vector<16xf32>
      tpu.vector_store_idx %arg14[%add3A_487, %iota3A], %exp3A_502 : memref<80x16xf32, #tpu.memory_space<vmem>>[vector<16xi32>, vector<16xi32>], vector<16xf32>,
      %add3A_503 = arith.constant 48 : i32
      %add3A_504 = vector.broadcast %add3A_503 : i32 to vector<16xi32>
      %add3A_505 = arith.addi %iota3A, %add3A_504 : vector<16xi32>
      %get3A_506 = arith.constant 2 : i32
      %get3A_507 = arith.index_cast %rem3A_337 : i32 to index
      %get3A_508 = arith.index_cast %get3A_506 : i32 to index
      %get3A_509 = arith.constant 48 : index
      %get3A_510 = tpu.vector_load %arg9[%get3A_507, %get3A_508, %get3A_509] {strides = array<i32>} : memref<3x3x80xi32, #tpu.memory_space<vmem>>, vector<16xi32>,
      %broadcast_in_dim3A_511 = arith.constant 0.000000e+00 : f32
      %broadcast_in_dim3A_512 = vector.broadcast %broadcast_in_dim3A_511 : f32 to vector<16xf32>
      %parallel_loop3A_513 = arith.constant 0 : i32
      %parallel_loop3A_514 = arith.constant 64 : i32
      %parallel_loop3A_515 = arith.constant 2 : i32
      %parallel_loop3A_516:4 = scf.for %parallel_loop3A_662 = %parallel_loop3A_513 to %parallel_loop3A_514 step %parallel_loop3A_515 iter_args(%parallel_loop3A_663 = %broadcast_in_dim3A_512, %parallel_loop3A_664 = %broadcast_in_dim3A_512, %parallel_loop3A_665 = %broadcast_in_dim3A_512, %parallel_loop3A_666 = %broadcast_in_dim3A_512) -> (vector<16xf32>, vector<16xf32>, vector<16xf32>, vector<16xf32>)  : i32 {
        %parallel_loop3A_667 = vector.broadcast %parallel_loop3A_662 : i32 to vector<16xi32>
        %parallel_loop3A_668 = arith.constant 0 : i32
        %parallel_loop3A_669 = vector.broadcast %parallel_loop3A_668 : i32 to vector<16xi32>
        %parallel_loop3A_670 = arith.addi %parallel_loop3A_667, %parallel_loop3A_669 : vector<16xi32>
        %parallel_loop3A_671 = arith.addi %parallel_loop3A_670, %iota3A : vector<16xi32>
        %parallel_loop3A_672 = arith.constant 63 : i32
        %parallel_loop3A_673 = vector.broadcast %parallel_loop3A_672 : i32 to vector<16xi32>
        %parallel_loop3A_674 = arith.andi %parallel_loop3A_671, %parallel_loop3A_673 : vector<16xi32>
        %parallel_loop3A_675 = tpu.vector_load_idx %arg11[%add3A_505, %parallel_loop3A_674] : memref<80x128xi32, #tpu.memory_space<vmem>>[vector<16xi32>, vector<16xi32>], vector<16xi32>,
        %parallel_loop3A_676 = vector.bitcast %parallel_loop3A_675 : vector<16xi32> to vector<32xbf16>
        %parallel_loop3A_677 = tpu.vector_load_idx %arg10[%get3A_510, %parallel_loop3A_674] : memref<50x64xi32, #tpu.memory_space<vmem>>[vector<16xi32>, vector<16xi32>], vector<16xi32>,
        %parallel_loop3A_678 = vector.bitcast %parallel_loop3A_677 : vector<16xi32> to vector<32xbf16>
        %parallel_loop3A_679 = arith.constant 0 : i32
        %parallel_loop3A_680 = arith.constant 0 : i32
        %parallel_loop3A_681 = tpu.memref_slice %arg12[%rem3A_347, %parallel_loop3A_679, %parallel_loop3A_680] : memref<2x80x64xi32, #tpu.memory_space<vmem>> -> memref<1x80x64xi32, #tpu.memory_space<vmem>>
        %parallel_loop3A_682 = tpu.memref_squeeze %parallel_loop3A_681 : memref<1x80x64xi32, #tpu.memory_space<vmem>> -> memref<80x64xi32, #tpu.memory_space<vmem>>
        %parallel_loop3A_683 = tpu.vector_load_idx %parallel_loop3A_682[%add3A_505, %parallel_loop3A_674] : memref<80x64xi32, #tpu.memory_space<vmem>>[vector<16xi32>, vector<16xi32>], vector<16xi32>,
        %parallel_loop3A_684 = vector.bitcast %parallel_loop3A_683 : vector<16xi32> to vector<32xbf16>
        %parallel_loop3A_685 = arith.mulf %parallel_loop3A_676, %parallel_loop3A_678 : vector<32xbf16>
        %parallel_loop3A_686 = arith.mulf %parallel_loop3A_685, %parallel_loop3A_684 : vector<32xbf16>
        %parallel_loop3A_687 = tpu.unpack_subelements %parallel_loop3A_686, 0 {pack_format = #tpu.pack_format<interleaved>} : vector<32xbf16> -> vector<16xf32>
        %parallel_loop3A_688 = tpu.unpack_subelements %parallel_loop3A_686, 1 {pack_format = #tpu.pack_format<interleaved>} : vector<32xbf16> -> vector<16xf32>
        %parallel_loop3A_689 = arith.addf %parallel_loop3A_663, %parallel_loop3A_687 : vector<16xf32>
        %parallel_loop3A_690 = arith.addf %parallel_loop3A_664, %parallel_loop3A_688 : vector<16xf32>
        %parallel_loop3A_691 = vector.broadcast %parallel_loop3A_662 : i32 to vector<16xi32>
        %parallel_loop3A_692 = arith.constant 1 : i32
        %parallel_loop3A_693 = vector.broadcast %parallel_loop3A_692 : i32 to vector<16xi32>
        %parallel_loop3A_694 = arith.addi %parallel_loop3A_691, %parallel_loop3A_693 : vector<16xi32>
        %parallel_loop3A_695 = arith.addi %parallel_loop3A_694, %iota3A : vector<16xi32>
        %parallel_loop3A_696 = arith.constant 63 : i32
        %parallel_loop3A_697 = vector.broadcast %parallel_loop3A_696 : i32 to vector<16xi32>
        %parallel_loop3A_698 = arith.andi %parallel_loop3A_695, %parallel_loop3A_697 : vector<16xi32>
        %parallel_loop3A_699 = tpu.vector_load_idx %arg11[%add3A_505, %parallel_loop3A_698] : memref<80x128xi32, #tpu.memory_space<vmem>>[vector<16xi32>, vector<16xi32>], vector<16xi32>,
        %parallel_loop3A_700 = vector.bitcast %parallel_loop3A_699 : vector<16xi32> to vector<32xbf16>
        %parallel_loop3A_701 = tpu.vector_load_idx %arg10[%get3A_510, %parallel_loop3A_698] : memref<50x64xi32, #tpu.memory_space<vmem>>[vector<16xi32>, vector<16xi32>], vector<16xi32>,
        %parallel_loop3A_702 = vector.bitcast %parallel_loop3A_701 : vector<16xi32> to vector<32xbf16>
        %parallel_loop3A_703 = arith.constant 0 : i32
        %parallel_loop3A_704 = arith.constant 0 : i32
        %parallel_loop3A_705 = tpu.memref_slice %arg12[%rem3A_347, %parallel_loop3A_703, %parallel_loop3A_704] : memref<2x80x64xi32, #tpu.memory_space<vmem>> -> memref<1x80x64xi32, #tpu.memory_space<vmem>>
        %parallel_loop3A_706 = tpu.memref_squeeze %parallel_loop3A_705 : memref<1x80x64xi32, #tpu.memory_space<vmem>> -> memref<80x64xi32, #tpu.memory_space<vmem>>
        %parallel_loop3A_707 = tpu.vector_load_idx %parallel_loop3A_706[%add3A_505, %parallel_loop3A_698] : memref<80x64xi32, #tpu.memory_space<vmem>>[vector<16xi32>, vector<16xi32>], vector<16xi32>,
        %parallel_loop3A_708 = vector.bitcast %parallel_loop3A_707 : vector<16xi32> to vector<32xbf16>
        %parallel_loop3A_709 = arith.mulf %parallel_loop3A_700, %parallel_loop3A_702 : vector<32xbf16>
        %parallel_loop3A_710 = arith.mulf %parallel_loop3A_709, %parallel_loop3A_708 : vector<32xbf16>
        %parallel_loop3A_711 = tpu.unpack_subelements %parallel_loop3A_710, 0 {pack_format = #tpu.pack_format<interleaved>} : vector<32xbf16> -> vector<16xf32>
        %parallel_loop3A_712 = tpu.unpack_subelements %parallel_loop3A_710, 1 {pack_format = #tpu.pack_format<interleaved>} : vector<32xbf16> -> vector<16xf32>
        %parallel_loop3A_713 = arith.addf %parallel_loop3A_665, %parallel_loop3A_711 : vector<16xf32>
        %parallel_loop3A_714 = arith.addf %parallel_loop3A_666, %parallel_loop3A_712 : vector<16xf32>
        scf.yield %parallel_loop3A_689, %parallel_loop3A_690, %parallel_loop3A_713, %parallel_loop3A_714 : vector<16xf32>, vector<16xf32>, vector<16xf32>, vector<16xf32>
      } {sc.loop_unroll_factor = 4 : i64, sc.parallel_access}
      %add3A_517 = arith.addf %parallel_loop3A_516#0, %parallel_loop3A_516#1 : vector<16xf32>
      %add3A_518 = arith.addf %parallel_loop3A_516#2, %parallel_loop3A_516#3 : vector<16xf32>
      %add3A_519 = arith.addf %add3A_517, %add3A_518 : vector<16xf32>
      %exp3A_520 = math.exp %add3A_519 : vector<16xf32>
      tpu.vector_store_idx %arg14[%add3A_505, %iota3A], %exp3A_520 : memref<80x16xf32, #tpu.memory_space<vmem>>[vector<16xi32>, vector<16xi32>], vector<16xf32>,
      %add3A_521 = arith.constant 64 : i32
      %add3A_522 = vector.broadcast %add3A_521 : i32 to vector<16xi32>
      %add3A_523 = arith.addi %iota3A, %add3A_522 : vector<16xi32>
      %get3A_524 = arith.constant 2 : i32
      %get3A_525 = arith.index_cast %rem3A_337 : i32 to index
      %get3A_526 = arith.index_cast %get3A_524 : i32 to index
      %get3A_527 = arith.constant 64 : index
      %get3A_528 = tpu.vector_load %arg9[%get3A_525, %get3A_526, %get3A_527] {strides = array<i32>} : memref<3x3x80xi32, #tpu.memory_space<vmem>>, vector<16xi32>,
      %broadcast_in_dim3A_529 = arith.constant 0.000000e+00 : f32
      %broadcast_in_dim3A_530 = vector.broadcast %broadcast_in_dim3A_529 : f32 to vector<16xf32>
      %parallel_loop3A_531 = arith.constant 0 : i32
      %parallel_loop3A_532 = arith.constant 64 : i32
      %parallel_loop3A_533 = arith.constant 2 : i32
      %parallel_loop3A_534:4 = scf.for %parallel_loop3A_662 = %parallel_loop3A_531 to %parallel_loop3A_532 step %parallel_loop3A_533 iter_args(%parallel_loop3A_663 = %broadcast_in_dim3A_530, %parallel_loop3A_664 = %broadcast_in_dim3A_530, %parallel_loop3A_665 = %broadcast_in_dim3A_530, %parallel_loop3A_666 = %broadcast_in_dim3A_530) -> (vector<16xf32>, vector<16xf32>, vector<16xf32>, vector<16xf32>)  : i32 {
        %parallel_loop3A_667 = vector.broadcast %parallel_loop3A_662 : i32 to vector<16xi32>
        %parallel_loop3A_668 = arith.constant 0 : i32
        %parallel_loop3A_669 = vector.broadcast %parallel_loop3A_668 : i32 to vector<16xi32>
        %parallel_loop3A_670 = arith.addi %parallel_loop3A_667, %parallel_loop3A_669 : vector<16xi32>
        %parallel_loop3A_671 = arith.addi %parallel_loop3A_670, %iota3A : vector<16xi32>
        %parallel_loop3A_672 = arith.constant 63 : i32
        %parallel_loop3A_673 = vector.broadcast %parallel_loop3A_672 : i32 to vector<16xi32>
        %parallel_loop3A_674 = arith.andi %parallel_loop3A_671, %parallel_loop3A_673 : vector<16xi32>
        %parallel_loop3A_675 = tpu.vector_load_idx %arg11[%add3A_523, %parallel_loop3A_674] : memref<80x128xi32, #tpu.memory_space<vmem>>[vector<16xi32>, vector<16xi32>], vector<16xi32>,
        %parallel_loop3A_676 = vector.bitcast %parallel_loop3A_675 : vector<16xi32> to vector<32xbf16>
        %parallel_loop3A_677 = tpu.vector_load_idx %arg10[%get3A_528, %parallel_loop3A_674] : memref<50x64xi32, #tpu.memory_space<vmem>>[vector<16xi32>, vector<16xi32>], vector<16xi32>,
        %parallel_loop3A_678 = vector.bitcast %parallel_loop3A_677 : vector<16xi32> to vector<32xbf16>
        %parallel_loop3A_679 = arith.constant 0 : i32
        %parallel_loop3A_680 = arith.constant 0 : i32
        %parallel_loop3A_681 = tpu.memref_slice %arg12[%rem3A_347, %parallel_loop3A_679, %parallel_loop3A_680] : memref<2x80x64xi32, #tpu.memory_space<vmem>> -> memref<1x80x64xi32, #tpu.memory_space<vmem>>
        %parallel_loop3A_682 = tpu.memref_squeeze %parallel_loop3A_681 : memref<1x80x64xi32, #tpu.memory_space<vmem>> -> memref<80x64xi32, #tpu.memory_space<vmem>>
        %parallel_loop3A_683 = tpu.vector_load_idx %parallel_loop3A_682[%add3A_523, %parallel_loop3A_674] : memref<80x64xi32, #tpu.memory_space<vmem>>[vector<16xi32>, vector<16xi32>], vector<16xi32>,
        %parallel_loop3A_684 = vector.bitcast %parallel_loop3A_683 : vector<16xi32> to vector<32xbf16>
        %parallel_loop3A_685 = arith.mulf %parallel_loop3A_676, %parallel_loop3A_678 : vector<32xbf16>
        %parallel_loop3A_686 = arith.mulf %parallel_loop3A_685, %parallel_loop3A_684 : vector<32xbf16>
        %parallel_loop3A_687 = tpu.unpack_subelements %parallel_loop3A_686, 0 {pack_format = #tpu.pack_format<interleaved>} : vector<32xbf16> -> vector<16xf32>
        %parallel_loop3A_688 = tpu.unpack_subelements %parallel_loop3A_686, 1 {pack_format = #tpu.pack_format<interleaved>} : vector<32xbf16> -> vector<16xf32>
        %parallel_loop3A_689 = arith.addf %parallel_loop3A_663, %parallel_loop3A_687 : vector<16xf32>
        %parallel_loop3A_690 = arith.addf %parallel_loop3A_664, %parallel_loop3A_688 : vector<16xf32>
        %parallel_loop3A_691 = vector.broadcast %parallel_loop3A_662 : i32 to vector<16xi32>
        %parallel_loop3A_692 = arith.constant 1 : i32
        %parallel_loop3A_693 = vector.broadcast %parallel_loop3A_692 : i32 to vector<16xi32>
        %parallel_loop3A_694 = arith.addi %parallel_loop3A_691, %parallel_loop3A_693 : vector<16xi32>
        %parallel_loop3A_695 = arith.addi %parallel_loop3A_694, %iota3A : vector<16xi32>
        %parallel_loop3A_696 = arith.constant 63 : i32
        %parallel_loop3A_697 = vector.broadcast %parallel_loop3A_696 : i32 to vector<16xi32>
        %parallel_loop3A_698 = arith.andi %parallel_loop3A_695, %parallel_loop3A_697 : vector<16xi32>
        %parallel_loop3A_699 = tpu.vector_load_idx %arg11[%add3A_523, %parallel_loop3A_698] : memref<80x128xi32, #tpu.memory_space<vmem>>[vector<16xi32>, vector<16xi32>], vector<16xi32>,
        %parallel_loop3A_700 = vector.bitcast %parallel_loop3A_699 : vector<16xi32> to vector<32xbf16>
        %parallel_loop3A_701 = tpu.vector_load_idx %arg10[%get3A_528, %parallel_loop3A_698] : memref<50x64xi32, #tpu.memory_space<vmem>>[vector<16xi32>, vector<16xi32>], vector<16xi32>,
        %parallel_loop3A_702 = vector.bitcast %parallel_loop3A_701 : vector<16xi32> to vector<32xbf16>
        %parallel_loop3A_703 = arith.constant 0 : i32
        %parallel_loop3A_704 = arith.constant 0 : i32
        %parallel_loop3A_705 = tpu.memref_slice %arg12[%rem3A_347, %parallel_loop3A_703, %parallel_loop3A_704] : memref<2x80x64xi32, #tpu.memory_space<vmem>> -> memref<1x80x64xi32, #tpu.memory_space<vmem>>
        %parallel_loop3A_706 = tpu.memref_squeeze %parallel_loop3A_705 : memref<1x80x64xi32, #tpu.memory_space<vmem>> -> memref<80x64xi32, #tpu.memory_space<vmem>>
        %parallel_loop3A_707 = tpu.vector_load_idx %parallel_loop3A_706[%add3A_523, %parallel_loop3A_698] : memref<80x64xi32, #tpu.memory_space<vmem>>[vector<16xi32>, vector<16xi32>], vector<16xi32>,
        %parallel_loop3A_708 = vector.bitcast %parallel_loop3A_707 : vector<16xi32> to vector<32xbf16>
        %parallel_loop3A_709 = arith.mulf %parallel_loop3A_700, %parallel_loop3A_702 : vector<32xbf16>
        %parallel_loop3A_710 = arith.mulf %parallel_loop3A_709, %parallel_loop3A_708 : vector<32xbf16>
        %parallel_loop3A_711 = tpu.unpack_subelements %parallel_loop3A_710, 0 {pack_format = #tpu.pack_format<interleaved>} : vector<32xbf16> -> vector<16xf32>
        %parallel_loop3A_712 = tpu.unpack_subelements %parallel_loop3A_710, 1 {pack_format = #tpu.pack_format<interleaved>} : vector<32xbf16> -> vector<16xf32>
        %parallel_loop3A_713 = arith.addf %parallel_loop3A_665, %parallel_loop3A_711 : vector<16xf32>
        %parallel_loop3A_714 = arith.addf %parallel_loop3A_666, %parallel_loop3A_712 : vector<16xf32>
        scf.yield %parallel_loop3A_689, %parallel_loop3A_690, %parallel_loop3A_713, %parallel_loop3A_714 : vector<16xf32>, vector<16xf32>, vector<16xf32>, vector<16xf32>
      } {sc.loop_unroll_factor = 4 : i64, sc.parallel_access}
      %add3A_535 = arith.addf %parallel_loop3A_534#0, %parallel_loop3A_534#1 : vector<16xf32>
      %add3A_536 = arith.addf %parallel_loop3A_534#2, %parallel_loop3A_534#3 : vector<16xf32>
      %add3A_537 = arith.addf %add3A_535, %add3A_536 : vector<16xf32>
      %exp3A_538 = math.exp %add3A_537 : vector<16xf32>
      tpu.vector_store_idx %arg14[%add3A_523, %iota3A], %exp3A_538 : memref<80x16xf32, #tpu.memory_space<vmem>>[vector<16xi32>, vector<16xi32>], vector<16xf32>,
      %dma_start3A_539 = arith.constant 0 : i32
      "tpu.trace_stop"() : () -> ()
      "tpu.trace_start"() <{level = 10 : i32, message = "ph_issue"}> : () -> ()
      %dma_start3A_540 = arith.constant 0 : i32
      %dma_start3A_541 = arith.constant 0 : i32
      %dma_start3A_542 = tpu.memref_slice %arg9[%rem3A_341, %dma_start3A_540, %dma_start3A_541] : memref<3x3x80xi32, #tpu.memory_space<vmem>> -> memref<1x3x80xi32, #tpu.memory_space<vmem>>
      %dma_start3A_543 = tpu.memref_squeeze %dma_start3A_542 : memref<1x3x80xi32, #tpu.memory_space<vmem>> -> memref<3x80xi32, #tpu.memory_space<vmem>>
      %dma_start3A_544 = arith.constant 0 : i32
      %dma_start3A_545 = tpu.memref_slice %dma_start3A_543[%dma_start3A_539, %dma_start3A_544] : memref<3x80xi32, #tpu.memory_space<vmem>> -> memref<1x80xi32, #tpu.memory_space<vmem>>
      %dma_start3A_546 = tpu.memref_squeeze %dma_start3A_545 : memref<1x80xi32, #tpu.memory_space<vmem>> -> memref<80xi32, #tpu.memory_space<vmem>>
      %dma_start3A_547 = arith.constant 0 : i32
      %dma_start3A_548 = arith.constant 0 : i32
      %dma_start3A_549 = tpu.memref_slice %arg2[%dma_start3A_547, %dma_start3A_548] : memref<10000x128xi32, #tpu.memory_space<hbm>> -> memref<10000x128xi32, #tpu.memory_space<hbm>>
      tpu.enqueue_indirect_dma source(%dma_start3A_549 : memref<10000x128xi32, #tpu.memory_space<hbm>>) target(%arg11 : memref<80x128xi32, #tpu.memory_space<vmem>>) offsets(%dma_start3A_546 : memref<80xi32, #tpu.memory_space<vmem>>) semaphore(%arg17 : memref<!tpu.dma_semaphore, #tpu.memory_space<semaphore_mem>>)
      %gt3A_550 = arith.constant 0 : i32
      "tpu.trace_stop"() : () -> ()
      "tpu.trace_start"() <{level = 10 : i32, message = "ph_vwait"}> : () -> ()
      %gt3A_551 = arith.cmpi sgt, %scan3A_335, %gt3A_550 : i32
      %convert_element_type3A_552 = arith.extui %gt3A_551 : i1 to i32
      %cond3A_553 = arith.constant 0 : i32
      %cond3A_554 = arith.cmpi ne, %convert_element_type3A_552, %cond3A_553 : i32
      scf.if %cond3A_554 {
        %dma_wait3A_662 = arith.constant 1 : i32
        %dma_wait3A_663 = arith.constant 0 : i32
        %dma_wait3A_664 = arith.constant 0 : i32
        %dma_wait3A_665 = tpu.memref_slice %arg9[%rem3A_337, %dma_wait3A_663, %dma_wait3A_664] : memref<3x3x80xi32, #tpu.memory_space<vmem>> -> memref<1x3x80xi32, #tpu.memory_space<vmem>>
        %dma_wait3A_666 = tpu.memref_squeeze %dma_wait3A_665 : memref<1x3x80xi32, #tpu.memory_space<vmem>> -> memref<3x80xi32, #tpu.memory_space<vmem>>
        %dma_wait3A_667 = arith.constant 0 : i32
        %dma_wait3A_668 = tpu.memref_slice %dma_wait3A_666[%dma_wait3A_662, %dma_wait3A_667] : memref<3x80xi32, #tpu.memory_space<vmem>> -> memref<1x80xi32, #tpu.memory_space<vmem>>
        %dma_wait3A_669 = tpu.memref_squeeze %dma_wait3A_668 : memref<1x80xi32, #tpu.memory_space<vmem>> -> memref<80xi32, #tpu.memory_space<vmem>>
        %dma_wait3A_670 = arith.constant 0 : i32
        %dma_wait3A_671 = arith.constant 0 : i32
        %dma_wait3A_672 = tpu.memref_slice %arg15[%dma_wait3A_670, %dma_wait3A_671] : memref<10000x128xf32, #tpu.memory_space<vmem_shared>> -> memref<10000x128xf32, #tpu.memory_space<vmem_shared>>
        tpu.wait_indirect_dma semaphore(%arg20 : memref<!tpu.dma_semaphore, #tpu.memory_space<semaphore_mem>>) src(%arg13 : memref<80x128xf32, #tpu.memory_space<vmem>>) dst(%dma_wait3A_672 : memref<10000x128xf32, #tpu.memory_space<vmem_shared>>)
      } else {
      }
      "tpu.trace_stop"() : () -> ()
      "tpu.trace_start"() <{level = 10 : i32, message = "ph_pv"}> : () -> ()
      %add3A_555 = arith.constant 0 : i32
      %add3A_556 = vector.broadcast %add3A_555 : i32 to vector<16xi32>
      %add3A_557 = arith.addi %iota3A, %add3A_556 : vector<16xi32>
      %gather3A = tpu.vector_load_idx %arg14[%add3A_557, %iota3A] : memref<80x16xf32, #tpu.memory_space<vmem>>[vector<16xi32>, vector<16xi32>], vector<16xf32>,
      %parallel_loop3A_558 = arith.constant 0 : i32
      %parallel_loop3A_559 = arith.constant 64 : i32
      %parallel_loop3A_560 = arith.constant 2 : i32
      scf.for %parallel_loop3A_662 = %parallel_loop3A_558 to %parallel_loop3A_559 step %parallel_loop3A_560  : i32 {
        %parallel_loop3A_663 = vector.broadcast %parallel_loop3A_662 : i32 to vector<16xi32>
        %parallel_loop3A_664 = arith.constant 0 : i32
        %parallel_loop3A_665 = vector.broadcast %parallel_loop3A_664 : i32 to vector<16xi32>
        %parallel_loop3A_666 = arith.addi %parallel_loop3A_663, %parallel_loop3A_665 : vector<16xi32>
        %parallel_loop3A_667 = arith.addi %parallel_loop3A_666, %iota3A : vector<16xi32>
        %parallel_loop3A_668 = arith.constant 63 : i32
        %parallel_loop3A_669 = vector.broadcast %parallel_loop3A_668 : i32 to vector<16xi32>
        %parallel_loop3A_670 = arith.andi %parallel_loop3A_667, %parallel_loop3A_669 : vector<16xi32>
        %parallel_loop3A_671 = arith.constant 64 : i32
        %parallel_loop3A_672 = vector.broadcast %parallel_loop3A_671 : i32 to vector<16xi32>
        %parallel_loop3A_673 = arith.addi %parallel_loop3A_670, %parallel_loop3A_672 : vector<16xi32>
        %parallel_loop3A_674 = tpu.vector_load_idx %arg11[%add3A_557, %parallel_loop3A_673] : memref<80x128xi32, #tpu.memory_space<vmem>>[vector<16xi32>, vector<16xi32>], vector<16xi32>,
        %parallel_loop3A_675 = vector.bitcast %parallel_loop3A_674 : vector<16xi32> to vector<32xbf16>
        %parallel_loop3A_676 = tpu.unpack_subelements %parallel_loop3A_675, 0 {pack_format = #tpu.pack_format<interleaved>} : vector<32xbf16> -> vector<16xf32>
        %parallel_loop3A_677 = tpu.unpack_subelements %parallel_loop3A_675, 1 {pack_format = #tpu.pack_format<interleaved>} : vector<32xbf16> -> vector<16xf32>
        %parallel_loop3A_678 = arith.mulf %gather3A, %parallel_loop3A_676 : vector<16xf32>
        tpu.vector_store_idx %arg13[%add3A_557, %parallel_loop3A_670], %parallel_loop3A_678 : memref<80x128xf32, #tpu.memory_space<vmem>>[vector<16xi32>, vector<16xi32>], vector<16xf32>,
        %parallel_loop3A_679 = arith.constant 64 : i32
        %parallel_loop3A_680 = vector.broadcast %parallel_loop3A_679 : i32 to vector<16xi32>
        %parallel_loop3A_681 = arith.addi %parallel_loop3A_670, %parallel_loop3A_680 : vector<16xi32>
        %parallel_loop3A_682 = arith.mulf %gather3A, %parallel_loop3A_677 : vector<16xf32>
        tpu.vector_store_idx %arg13[%add3A_557, %parallel_loop3A_681], %parallel_loop3A_682 : memref<80x128xf32, #tpu.memory_space<vmem>>[vector<16xi32>, vector<16xi32>], vector<16xf32>,
        %parallel_loop3A_683 = vector.broadcast %parallel_loop3A_662 : i32 to vector<16xi32>
        %parallel_loop3A_684 = arith.constant 1 : i32
        %parallel_loop3A_685 = vector.broadcast %parallel_loop3A_684 : i32 to vector<16xi32>
        %parallel_loop3A_686 = arith.addi %parallel_loop3A_683, %parallel_loop3A_685 : vector<16xi32>
        %parallel_loop3A_687 = arith.addi %parallel_loop3A_686, %iota3A : vector<16xi32>
        %parallel_loop3A_688 = arith.constant 63 : i32
        %parallel_loop3A_689 = vector.broadcast %parallel_loop3A_688 : i32 to vector<16xi32>
        %parallel_loop3A_690 = arith.andi %parallel_loop3A_687, %parallel_loop3A_689 : vector<16xi32>
        %parallel_loop3A_691 = arith.constant 64 : i32
        %parallel_loop3A_692 = vector.broadcast %parallel_loop3A_691 : i32 to vector<16xi32>
        %parallel_loop3A_693 = arith.addi %parallel_loop3A_690, %parallel_loop3A_692 : vector<16xi32>
        %parallel_loop3A_694 = tpu.vector_load_idx %arg11[%add3A_557, %parallel_loop3A_693] : memref<80x128xi32, #tpu.memory_space<vmem>>[vector<16xi32>, vector<16xi32>], vector<16xi32>,
        %parallel_loop3A_695 = vector.bitcast %parallel_loop3A_694 : vector<16xi32> to vector<32xbf16>
        %parallel_loop3A_696 = tpu.unpack_subelements %parallel_loop3A_695, 0 {pack_format = #tpu.pack_format<interleaved>} : vector<32xbf16> -> vector<16xf32>
        %parallel_loop3A_697 = tpu.unpack_subelements %parallel_loop3A_695, 1 {pack_format = #tpu.pack_format<interleaved>} : vector<32xbf16> -> vector<16xf32>
        %parallel_loop3A_698 = arith.mulf %gather3A, %parallel_loop3A_696 : vector<16xf32>
        tpu.vector_store_idx %arg13[%add3A_557, %parallel_loop3A_690], %parallel_loop3A_698 : memref<80x128xf32, #tpu.memory_space<vmem>>[vector<16xi32>, vector<16xi32>], vector<16xf32>,
        %parallel_loop3A_699 = arith.constant 64 : i32
        %parallel_loop3A_700 = vector.broadcast %parallel_loop3A_699 : i32 to vector<16xi32>
        %parallel_loop3A_701 = arith.addi %parallel_loop3A_690, %parallel_loop3A_700 : vector<16xi32>
        %parallel_loop3A_702 = arith.mulf %gather3A, %parallel_loop3A_697 : vector<16xf32>
        tpu.vector_store_idx %arg13[%add3A_557, %parallel_loop3A_701], %parallel_loop3A_702 : memref<80x128xf32, #tpu.memory_space<vmem>>[vector<16xi32>, vector<16xi32>], vector<16xf32>,
      } {sc.loop_unroll_factor = 2 : i64, sc.parallel_access}
      %add3A_561 = arith.constant 16 : i32
      %add3A_562 = vector.broadcast %add3A_561 : i32 to vector<16xi32>
      %add3A_563 = arith.addi %iota3A, %add3A_562 : vector<16xi32>
      %gather3A_564 = tpu.vector_load_idx %arg14[%add3A_563, %iota3A] : memref<80x16xf32, #tpu.memory_space<vmem>>[vector<16xi32>, vector<16xi32>], vector<16xf32>,
      %parallel_loop3A_565 = arith.constant 0 : i32
      %parallel_loop3A_566 = arith.constant 64 : i32
      %parallel_loop3A_567 = arith.constant 2 : i32
      scf.for %parallel_loop3A_662 = %parallel_loop3A_565 to %parallel_loop3A_566 step %parallel_loop3A_567  : i32 {
        %parallel_loop3A_663 = vector.broadcast %parallel_loop3A_662 : i32 to vector<16xi32>
        %parallel_loop3A_664 = arith.constant 0 : i32
        %parallel_loop3A_665 = vector.broadcast %parallel_loop3A_664 : i32 to vector<16xi32>
        %parallel_loop3A_666 = arith.addi %parallel_loop3A_663, %parallel_loop3A_665 : vector<16xi32>
        %parallel_loop3A_667 = arith.addi %parallel_loop3A_666, %iota3A : vector<16xi32>
        %parallel_loop3A_668 = arith.constant 63 : i32
        %parallel_loop3A_669 = vector.broadcast %parallel_loop3A_668 : i32 to vector<16xi32>
        %parallel_loop3A_670 = arith.andi %parallel_loop3A_667, %parallel_loop3A_669 : vector<16xi32>
        %parallel_loop3A_671 = arith.constant 64 : i32
        %parallel_loop3A_672 = vector.broadcast %parallel_loop3A_671 : i32 to vector<16xi32>
        %parallel_loop3A_673 = arith.addi %parallel_loop3A_670, %parallel_loop3A_672 : vector<16xi32>
        %parallel_loop3A_674 = tpu.vector_load_idx %arg11[%add3A_563, %parallel_loop3A_673] : memref<80x128xi32, #tpu.memory_space<vmem>>[vector<16xi32>, vector<16xi32>], vector<16xi32>,
        %parallel_loop3A_675 = vector.bitcast %parallel_loop3A_674 : vector<16xi32> to vector<32xbf16>
        %parallel_loop3A_676 = tpu.unpack_subelements %parallel_loop3A_675, 0 {pack_format = #tpu.pack_format<interleaved>} : vector<32xbf16> -> vector<16xf32>
        %parallel_loop3A_677 = tpu.unpack_subelements %parallel_loop3A_675, 1 {pack_format = #tpu.pack_format<interleaved>} : vector<32xbf16> -> vector<16xf32>
        %parallel_loop3A_678 = arith.mulf %gather3A_564, %parallel_loop3A_676 : vector<16xf32>
        tpu.vector_store_idx %arg13[%add3A_563, %parallel_loop3A_670], %parallel_loop3A_678 : memref<80x128xf32, #tpu.memory_space<vmem>>[vector<16xi32>, vector<16xi32>], vector<16xf32>,
        %parallel_loop3A_679 = arith.constant 64 : i32
        %parallel_loop3A_680 = vector.broadcast %parallel_loop3A_679 : i32 to vector<16xi32>
        %parallel_loop3A_681 = arith.addi %parallel_loop3A_670, %parallel_loop3A_680 : vector<16xi32>
        %parallel_loop3A_682 = arith.mulf %gather3A_564, %parallel_loop3A_677 : vector<16xf32>
        tpu.vector_store_idx %arg13[%add3A_563, %parallel_loop3A_681], %parallel_loop3A_682 : memref<80x128xf32, #tpu.memory_space<vmem>>[vector<16xi32>, vector<16xi32>], vector<16xf32>,
        %parallel_loop3A_683 = vector.broadcast %parallel_loop3A_662 : i32 to vector<16xi32>
        %parallel_loop3A_684 = arith.constant 1 : i32
        %parallel_loop3A_685 = vector.broadcast %parallel_loop3A_684 : i32 to vector<16xi32>
        %parallel_loop3A_686 = arith.addi %parallel_loop3A_683, %parallel_loop3A_685 : vector<16xi32>
        %parallel_loop3A_687 = arith.addi %parallel_loop3A_686, %iota3A : vector<16xi32>
        %parallel_loop3A_688 = arith.constant 63 : i32
        %parallel_loop3A_689 = vector.broadcast %parallel_loop3A_688 : i32 to vector<16xi32>
        %parallel_loop3A_690 = arith.andi %parallel_loop3A_687, %parallel_loop3A_689 : vector<16xi32>
        %parallel_loop3A_691 = arith.constant 64 : i32
        %parallel_loop3A_692 = vector.broadcast %parallel_loop3A_691 : i32 to vector<16xi32>
        %parallel_loop3A_693 = arith.addi %parallel_loop3A_690, %parallel_loop3A_692 : vector<16xi32>
        %parallel_loop3A_694 = tpu.vector_load_idx %arg11[%add3A_563, %parallel_loop3A_693] : memref<80x128xi32, #tpu.memory_space<vmem>>[vector<16xi32>, vector<16xi32>], vector<16xi32>,
        %parallel_loop3A_695 = vector.bitcast %parallel_loop3A_694 : vector<16xi32> to vector<32xbf16>
        %parallel_loop3A_696 = tpu.unpack_subelements %parallel_loop3A_695, 0 {pack_format = #tpu.pack_format<interleaved>} : vector<32xbf16> -> vector<16xf32>
        %parallel_loop3A_697 = tpu.unpack_subelements %parallel_loop3A_695, 1 {pack_format = #tpu.pack_format<interleaved>} : vector<32xbf16> -> vector<16xf32>
        %parallel_loop3A_698 = arith.mulf %gather3A_564, %parallel_loop3A_696 : vector<16xf32>
        tpu.vector_store_idx %arg13[%add3A_563, %parallel_loop3A_690], %parallel_loop3A_698 : memref<80x128xf32, #tpu.memory_space<vmem>>[vector<16xi32>, vector<16xi32>], vector<16xf32>,
        %parallel_loop3A_699 = arith.constant 64 : i32
        %parallel_loop3A_700 = vector.broadcast %parallel_loop3A_699 : i32 to vector<16xi32>
        %parallel_loop3A_701 = arith.addi %parallel_loop3A_690, %parallel_loop3A_700 : vector<16xi32>
        %parallel_loop3A_702 = arith.mulf %gather3A_564, %parallel_loop3A_697 : vector<16xf32>
        tpu.vector_store_idx %arg13[%add3A_563, %parallel_loop3A_701], %parallel_loop3A_702 : memref<80x128xf32, #tpu.memory_space<vmem>>[vector<16xi32>, vector<16xi32>], vector<16xf32>,
      } {sc.loop_unroll_factor = 2 : i64, sc.parallel_access}
      %add3A_568 = arith.constant 32 : i32
      %add3A_569 = vector.broadcast %add3A_568 : i32 to vector<16xi32>
      %add3A_570 = arith.addi %iota3A, %add3A_569 : vector<16xi32>
      %gather3A_571 = tpu.vector_load_idx %arg14[%add3A_570, %iota3A] : memref<80x16xf32, #tpu.memory_space<vmem>>[vector<16xi32>, vector<16xi32>], vector<16xf32>,
      %parallel_loop3A_572 = arith.constant 0 : i32
      %parallel_loop3A_573 = arith.constant 64 : i32
      %parallel_loop3A_574 = arith.constant 2 : i32
      scf.for %parallel_loop3A_662 = %parallel_loop3A_572 to %parallel_loop3A_573 step %parallel_loop3A_574  : i32 {
        %parallel_loop3A_663 = vector.broadcast %parallel_loop3A_662 : i32 to vector<16xi32>
        %parallel_loop3A_664 = arith.constant 0 : i32
        %parallel_loop3A_665 = vector.broadcast %parallel_loop3A_664 : i32 to vector<16xi32>
        %parallel_loop3A_666 = arith.addi %parallel_loop3A_663, %parallel_loop3A_665 : vector<16xi32>
        %parallel_loop3A_667 = arith.addi %parallel_loop3A_666, %iota3A : vector<16xi32>
        %parallel_loop3A_668 = arith.constant 63 : i32
        %parallel_loop3A_669 = vector.broadcast %parallel_loop3A_668 : i32 to vector<16xi32>
        %parallel_loop3A_670 = arith.andi %parallel_loop3A_667, %parallel_loop3A_669 : vector<16xi32>
        %parallel_loop3A_671 = arith.constant 64 : i32
        %parallel_loop3A_672 = vector.broadcast %parallel_loop3A_671 : i32 to vector<16xi32>
        %parallel_loop3A_673 = arith.addi %parallel_loop3A_670, %parallel_loop3A_672 : vector<16xi32>
        %parallel_loop3A_674 = tpu.vector_load_idx %arg11[%add3A_570, %parallel_loop3A_673] : memref<80x128xi32, #tpu.memory_space<vmem>>[vector<16xi32>, vector<16xi32>], vector<16xi32>,
        %parallel_loop3A_675 = vector.bitcast %parallel_loop3A_674 : vector<16xi32> to vector<32xbf16>
        %parallel_loop3A_676 = tpu.unpack_subelements %parallel_loop3A_675, 0 {pack_format = #tpu.pack_format<interleaved>} : vector<32xbf16> -> vector<16xf32>
        %parallel_loop3A_677 = tpu.unpack_subelements %parallel_loop3A_675, 1 {pack_format = #tpu.pack_format<interleaved>} : vector<32xbf16> -> vector<16xf32>
        %parallel_loop3A_678 = arith.mulf %gather3A_571, %parallel_loop3A_676 : vector<16xf32>
        tpu.vector_store_idx %arg13[%add3A_570, %parallel_loop3A_670], %parallel_loop3A_678 : memref<80x128xf32, #tpu.memory_space<vmem>>[vector<16xi32>, vector<16xi32>], vector<16xf32>,
        %parallel_loop3A_679 = arith.constant 64 : i32
        %parallel_loop3A_680 = vector.broadcast %parallel_loop3A_679 : i32 to vector<16xi32>
        %parallel_loop3A_681 = arith.addi %parallel_loop3A_670, %parallel_loop3A_680 : vector<16xi32>
        %parallel_loop3A_682 = arith.mulf %gather3A_571, %parallel_loop3A_677 : vector<16xf32>
        tpu.vector_store_idx %arg13[%add3A_570, %parallel_loop3A_681], %parallel_loop3A_682 : memref<80x128xf32, #tpu.memory_space<vmem>>[vector<16xi32>, vector<16xi32>], vector<16xf32>,
        %parallel_loop3A_683 = vector.broadcast %parallel_loop3A_662 : i32 to vector<16xi32>
        %parallel_loop3A_684 = arith.constant 1 : i32
        %parallel_loop3A_685 = vector.broadcast %parallel_loop3A_684 : i32 to vector<16xi32>
        %parallel_loop3A_686 = arith.addi %parallel_loop3A_683, %parallel_loop3A_685 : vector<16xi32>
        %parallel_loop3A_687 = arith.addi %parallel_loop3A_686, %iota3A : vector<16xi32>
        %parallel_loop3A_688 = arith.constant 63 : i32
        %parallel_loop3A_689 = vector.broadcast %parallel_loop3A_688 : i32 to vector<16xi32>
        %parallel_loop3A_690 = arith.andi %parallel_loop3A_687, %parallel_loop3A_689 : vector<16xi32>
        %parallel_loop3A_691 = arith.constant 64 : i32
        %parallel_loop3A_692 = vector.broadcast %parallel_loop3A_691 : i32 to vector<16xi32>
        %parallel_loop3A_693 = arith.addi %parallel_loop3A_690, %parallel_loop3A_692 : vector<16xi32>
        %parallel_loop3A_694 = tpu.vector_load_idx %arg11[%add3A_570, %parallel_loop3A_693] : memref<80x128xi32, #tpu.memory_space<vmem>>[vector<16xi32>, vector<16xi32>], vector<16xi32>,
        %parallel_loop3A_695 = vector.bitcast %parallel_loop3A_694 : vector<16xi32> to vector<32xbf16>
        %parallel_loop3A_696 = tpu.unpack_subelements %parallel_loop3A_695, 0 {pack_format = #tpu.pack_format<interleaved>} : vector<32xbf16> -> vector<16xf32>
        %parallel_loop3A_697 = tpu.unpack_subelements %parallel_loop3A_695, 1 {pack_format = #tpu.pack_format<interleaved>} : vector<32xbf16> -> vector<16xf32>
        %parallel_loop3A_698 = arith.mulf %gather3A_571, %parallel_loop3A_696 : vector<16xf32>
        tpu.vector_store_idx %arg13[%add3A_570, %parallel_loop3A_690], %parallel_loop3A_698 : memref<80x128xf32, #tpu.memory_space<vmem>>[vector<16xi32>, vector<16xi32>], vector<16xf32>,
        %parallel_loop3A_699 = arith.constant 64 : i32
        %parallel_loop3A_700 = vector.broadcast %parallel_loop3A_699 : i32 to vector<16xi32>
        %parallel_loop3A_701 = arith.addi %parallel_loop3A_690, %parallel_loop3A_700 : vector<16xi32>
        %parallel_loop3A_702 = arith.mulf %gather3A_571, %parallel_loop3A_697 : vector<16xf32>
        tpu.vector_store_idx %arg13[%add3A_570, %parallel_loop3A_701], %parallel_loop3A_702 : memref<80x128xf32, #tpu.memory_space<vmem>>[vector<16xi32>, vector<16xi32>], vector<16xf32>,
      } {sc.loop_unroll_factor = 2 : i64, sc.parallel_access}
      %add3A_575 = arith.constant 48 : i32
      %add3A_576 = vector.broadcast %add3A_575 : i32 to vector<16xi32>
      %add3A_577 = arith.addi %iota3A, %add3A_576 : vector<16xi32>
      %gather3A_578 = tpu.vector_load_idx %arg14[%add3A_577, %iota3A] : memref<80x16xf32, #tpu.memory_space<vmem>>[vector<16xi32>, vector<16xi32>], vector<16xf32>,
      %parallel_loop3A_579 = arith.constant 0 : i32
      %parallel_loop3A_580 = arith.constant 64 : i32
      %parallel_loop3A_581 = arith.constant 2 : i32
      scf.for %parallel_loop3A_662 = %parallel_loop3A_579 to %parallel_loop3A_580 step %parallel_loop3A_581  : i32 {
        %parallel_loop3A_663 = vector.broadcast %parallel_loop3A_662 : i32 to vector<16xi32>
        %parallel_loop3A_664 = arith.constant 0 : i32
        %parallel_loop3A_665 = vector.broadcast %parallel_loop3A_664 : i32 to vector<16xi32>
        %parallel_loop3A_666 = arith.addi %parallel_loop3A_663, %parallel_loop3A_665 : vector<16xi32>
        %parallel_loop3A_667 = arith.addi %parallel_loop3A_666, %iota3A : vector<16xi32>
        %parallel_loop3A_668 = arith.constant 63 : i32
        %parallel_loop3A_669 = vector.broadcast %parallel_loop3A_668 : i32 to vector<16xi32>
        %parallel_loop3A_670 = arith.andi %parallel_loop3A_667, %parallel_loop3A_669 : vector<16xi32>
        %parallel_loop3A_671 = arith.constant 64 : i32
        %parallel_loop3A_672 = vector.broadcast %parallel_loop3A_671 : i32 to vector<16xi32>
        %parallel_loop3A_673 = arith.addi %parallel_loop3A_670, %parallel_loop3A_672 : vector<16xi32>
        %parallel_loop3A_674 = tpu.vector_load_idx %arg11[%add3A_577, %parallel_loop3A_673] : memref<80x128xi32, #tpu.memory_space<vmem>>[vector<16xi32>, vector<16xi32>], vector<16xi32>,
        %parallel_loop3A_675 = vector.bitcast %parallel_loop3A_674 : vector<16xi32> to vector<32xbf16>
        %parallel_loop3A_676 = tpu.unpack_subelements %parallel_loop3A_675, 0 {pack_format = #tpu.pack_format<interleaved>} : vector<32xbf16> -> vector<16xf32>
        %parallel_loop3A_677 = tpu.unpack_subelements %parallel_loop3A_675, 1 {pack_format = #tpu.pack_format<interleaved>} : vector<32xbf16> -> vector<16xf32>
        %parallel_loop3A_678 = arith.mulf %gather3A_578, %parallel_loop3A_676 : vector<16xf32>
        tpu.vector_store_idx %arg13[%add3A_577, %parallel_loop3A_670], %parallel_loop3A_678 : memref<80x128xf32, #tpu.memory_space<vmem>>[vector<16xi32>, vector<16xi32>], vector<16xf32>,
        %parallel_loop3A_679 = arith.constant 64 : i32
        %parallel_loop3A_680 = vector.broadcast %parallel_loop3A_679 : i32 to vector<16xi32>
        %parallel_loop3A_681 = arith.addi %parallel_loop3A_670, %parallel_loop3A_680 : vector<16xi32>
        %parallel_loop3A_682 = arith.mulf %gather3A_578, %parallel_loop3A_677 : vector<16xf32>
        tpu.vector_store_idx %arg13[%add3A_577, %parallel_loop3A_681], %parallel_loop3A_682 : memref<80x128xf32, #tpu.memory_space<vmem>>[vector<16xi32>, vector<16xi32>], vector<16xf32>,
        %parallel_loop3A_683 = vector.broadcast %parallel_loop3A_662 : i32 to vector<16xi32>
        %parallel_loop3A_684 = arith.constant 1 : i32
        %parallel_loop3A_685 = vector.broadcast %parallel_loop3A_684 : i32 to vector<16xi32>
        %parallel_loop3A_686 = arith.addi %parallel_loop3A_683, %parallel_loop3A_685 : vector<16xi32>
        %parallel_loop3A_687 = arith.addi %parallel_loop3A_686, %iota3A : vector<16xi32>
        %parallel_loop3A_688 = arith.constant 63 : i32
        %parallel_loop3A_689 = vector.broadcast %parallel_loop3A_688 : i32 to vector<16xi32>
        %parallel_loop3A_690 = arith.andi %parallel_loop3A_687, %parallel_loop3A_689 : vector<16xi32>
        %parallel_loop3A_691 = arith.constant 64 : i32
        %parallel_loop3A_692 = vector.broadcast %parallel_loop3A_691 : i32 to vector<16xi32>
        %parallel_loop3A_693 = arith.addi %parallel_loop3A_690, %parallel_loop3A_692 : vector<16xi32>
        %parallel_loop3A_694 = tpu.vector_load_idx %arg11[%add3A_577, %parallel_loop3A_693] : memref<80x128xi32, #tpu.memory_space<vmem>>[vector<16xi32>, vector<16xi32>], vector<16xi32>,
        %parallel_loop3A_695 = vector.bitcast %parallel_loop3A_694 : vector<16xi32> to vector<32xbf16>
        %parallel_loop3A_696 = tpu.unpack_subelements %parallel_loop3A_695, 0 {pack_format = #tpu.pack_format<interleaved>} : vector<32xbf16> -> vector<16xf32>
        %parallel_loop3A_697 = tpu.unpack_subelements %parallel_loop3A_695, 1 {pack_format = #tpu.pack_format<interleaved>} : vector<32xbf16> -> vector<16xf32>
        %parallel_loop3A_698 = arith.mulf %gather3A_578, %parallel_loop3A_696 : vector<16xf32>
        tpu.vector_store_idx %arg13[%add3A_577, %parallel_loop3A_690], %parallel_loop3A_698 : memref<80x128xf32, #tpu.memory_space<vmem>>[vector<16xi32>, vector<16xi32>], vector<16xf32>,
        %parallel_loop3A_699 = arith.constant 64 : i32
        %parallel_loop3A_700 = vector.broadcast %parallel_loop3A_699 : i32 to vector<16xi32>
        %parallel_loop3A_701 = arith.addi %parallel_loop3A_690, %parallel_loop3A_700 : vector<16xi32>
        %parallel_loop3A_702 = arith.mulf %gather3A_578, %parallel_loop3A_697 : vector<16xf32>
        tpu.vector_store_idx %arg13[%add3A_577, %parallel_loop3A_701], %parallel_loop3A_702 : memref<80x128xf32, #tpu.memory_space<vmem>>[vector<16xi32>, vector<16xi32>], vector<16xf32>,
      } {sc.loop_unroll_factor = 2 : i64, sc.parallel_access}
      %add3A_582 = arith.constant 64 : i32
      %add3A_583 = vector.broadcast %add3A_582 : i32 to vector<16xi32>
      %add3A_584 = arith.addi %iota3A, %add3A_583 : vector<16xi32>
      %gather3A_585 = tpu.vector_load_idx %arg14[%add3A_584, %iota3A] : memref<80x16xf32, #tpu.memory_space<vmem>>[vector<16xi32>, vector<16xi32>], vector<16xf32>,
      %parallel_loop3A_586 = arith.constant 0 : i32
      %parallel_loop3A_587 = arith.constant 64 : i32
      %parallel_loop3A_588 = arith.constant 2 : i32
      scf.for %parallel_loop3A_662 = %parallel_loop3A_586 to %parallel_loop3A_587 step %parallel_loop3A_588  : i32 {
        %parallel_loop3A_663 = vector.broadcast %parallel_loop3A_662 : i32 to vector<16xi32>
        %parallel_loop3A_664 = arith.constant 0 : i32
        %parallel_loop3A_665 = vector.broadcast %parallel_loop3A_664 : i32 to vector<16xi32>
        %parallel_loop3A_666 = arith.addi %parallel_loop3A_663, %parallel_loop3A_665 : vector<16xi32>
        %parallel_loop3A_667 = arith.addi %parallel_loop3A_666, %iota3A : vector<16xi32>
        %parallel_loop3A_668 = arith.constant 63 : i32
        %parallel_loop3A_669 = vector.broadcast %parallel_loop3A_668 : i32 to vector<16xi32>
        %parallel_loop3A_670 = arith.andi %parallel_loop3A_667, %parallel_loop3A_669 : vector<16xi32>
        %parallel_loop3A_671 = arith.constant 64 : i32
        %parallel_loop3A_672 = vector.broadcast %parallel_loop3A_671 : i32 to vector<16xi32>
        %parallel_loop3A_673 = arith.addi %parallel_loop3A_670, %parallel_loop3A_672 : vector<16xi32>
        %parallel_loop3A_674 = tpu.vector_load_idx %arg11[%add3A_584, %parallel_loop3A_673] : memref<80x128xi32, #tpu.memory_space<vmem>>[vector<16xi32>, vector<16xi32>], vector<16xi32>,
        %parallel_loop3A_675 = vector.bitcast %parallel_loop3A_674 : vector<16xi32> to vector<32xbf16>
        %parallel_loop3A_676 = tpu.unpack_subelements %parallel_loop3A_675, 0 {pack_format = #tpu.pack_format<interleaved>} : vector<32xbf16> -> vector<16xf32>
        %parallel_loop3A_677 = tpu.unpack_subelements %parallel_loop3A_675, 1 {pack_format = #tpu.pack_format<interleaved>} : vector<32xbf16> -> vector<16xf32>
        %parallel_loop3A_678 = arith.mulf %gather3A_585, %parallel_loop3A_676 : vector<16xf32>
        tpu.vector_store_idx %arg13[%add3A_584, %parallel_loop3A_670], %parallel_loop3A_678 : memref<80x128xf32, #tpu.memory_space<vmem>>[vector<16xi32>, vector<16xi32>], vector<16xf32>,
        %parallel_loop3A_679 = arith.constant 64 : i32
        %parallel_loop3A_680 = vector.broadcast %parallel_loop3A_679 : i32 to vector<16xi32>
        %parallel_loop3A_681 = arith.addi %parallel_loop3A_670, %parallel_loop3A_680 : vector<16xi32>
        %parallel_loop3A_682 = arith.mulf %gather3A_585, %parallel_loop3A_677 : vector<16xf32>
        tpu.vector_store_idx %arg13[%add3A_584, %parallel_loop3A_681], %parallel_loop3A_682 : memref<80x128xf32, #tpu.memory_space<vmem>>[vector<16xi32>, vector<16xi32>], vector<16xf32>,
        %parallel_loop3A_683 = vector.broadcast %parallel_loop3A_662 : i32 to vector<16xi32>
        %parallel_loop3A_684 = arith.constant 1 : i32
        %parallel_loop3A_685 = vector.broadcast %parallel_loop3A_684 : i32 to vector<16xi32>
        %parallel_loop3A_686 = arith.addi %parallel_loop3A_683, %parallel_loop3A_685 : vector<16xi32>
        %parallel_loop3A_687 = arith.addi %parallel_loop3A_686, %iota3A : vector<16xi32>
        %parallel_loop3A_688 = arith.constant 63 : i32
        %parallel_loop3A_689 = vector.broadcast %parallel_loop3A_688 : i32 to vector<16xi32>
        %parallel_loop3A_690 = arith.andi %parallel_loop3A_687, %parallel_loop3A_689 : vector<16xi32>
        %parallel_loop3A_691 = arith.constant 64 : i32
        %parallel_loop3A_692 = vector.broadcast %parallel_loop3A_691 : i32 to vector<16xi32>
        %parallel_loop3A_693 = arith.addi %parallel_loop3A_690, %parallel_loop3A_692 : vector<16xi32>
        %parallel_loop3A_694 = tpu.vector_load_idx %arg11[%add3A_584, %parallel_loop3A_693] : memref<80x128xi32, #tpu.memory_space<vmem>>[vector<16xi32>, vector<16xi32>], vector<16xi32>,
        %parallel_loop3A_695 = vector.bitcast %parallel_loop3A_694 : vector<16xi32> to vector<32xbf16>
        %parallel_loop3A_696 = tpu.unpack_subelements %parallel_loop3A_695, 0 {pack_format = #tpu.pack_format<interleaved>} : vector<32xbf16> -> vector<16xf32>
        %parallel_loop3A_697 = tpu.unpack_subelements %parallel_loop3A_695, 1 {pack_format = #tpu.pack_format<interleaved>} : vector<32xbf16> -> vector<16xf32>
        %parallel_loop3A_698 = arith.mulf %gather3A_585, %parallel_loop3A_696 : vector<16xf32>
        tpu.vector_store_idx %arg13[%add3A_584, %parallel_loop3A_690], %parallel_loop3A_698 : memref<80x128xf32, #tpu.memory_space<vmem>>[vector<16xi32>, vector<16xi32>], vector<16xf32>,
        %parallel_loop3A_699 = arith.constant 64 : i32
        %parallel_loop3A_700 = vector.broadcast %parallel_loop3A_699 : i32 to vector<16xi32>
        %parallel_loop3A_701 = arith.addi %parallel_loop3A_690, %parallel_loop3A_700 : vector<16xi32>
        %parallel_loop3A_702 = arith.mulf %gather3A_585, %parallel_loop3A_697 : vector<16xf32>
        tpu.vector_store_idx %arg13[%add3A_584, %parallel_loop3A_701], %parallel_loop3A_702 : memref<80x128xf32, #tpu.memory_space<vmem>>[vector<16xi32>, vector<16xi32>], vector<16xf32>,
      } {sc.loop_unroll_factor = 2 : i64, sc.parallel_access}
      %dma_start3A_589 = arith.constant 1 : i32
      "tpu.trace_stop"() : () -> ()
      "tpu.trace_start"() <{level = 10 : i32, message = "ph_scat"}> : () -> ()
      %dma_start3A_590 = arith.constant 0 : i32
      %dma_start3A_591 = arith.constant 0 : i32
      %dma_start3A_592 = tpu.memref_slice %arg9[%rem3A_337, %dma_start3A_590, %dma_start3A_591] : memref<3x3x80xi32, #tpu.memory_space<vmem>> -> memref<1x3x80xi32, #tpu.memory_space<vmem>>
      %dma_start3A_593 = tpu.memref_squeeze %dma_start3A_592 : memref<1x3x80xi32, #tpu.memory_space<vmem>> -> memref<3x80xi32, #tpu.memory_space<vmem>>
      %dma_start3A_594 = arith.constant 0 : i32
      %dma_start3A_595 = tpu.memref_slice %dma_start3A_593[%dma_start3A_589, %dma_start3A_594] : memref<3x80xi32, #tpu.memory_space<vmem>> -> memref<1x80xi32, #tpu.memory_space<vmem>>
      %dma_start3A_596 = tpu.memref_squeeze %dma_start3A_595 : memref<1x80xi32, #tpu.memory_space<vmem>> -> memref<80xi32, #tpu.memory_space<vmem>>
      %dma_start3A_597 = arith.constant 0 : i32
      %dma_start3A_598 = arith.constant 0 : i32
      %dma_start3A_599 = tpu.memref_slice %arg15[%dma_start3A_597, %dma_start3A_598] : memref<10000x128xf32, #tpu.memory_space<vmem_shared>> -> memref<10000x128xf32, #tpu.memory_space<vmem_shared>>
      tpu.enqueue_indirect_dma source(%arg13 : memref<80x128xf32, #tpu.memory_space<vmem>>) target(%dma_start3A_599 : memref<10000x128xf32, #tpu.memory_space<vmem_shared>>) offsets(%dma_start3A_596 : memref<80xi32, #tpu.memory_space<vmem>>) semaphore(%arg20 : memref<!tpu.dma_semaphore, #tpu.memory_space<semaphore_mem>>) {add = true}
      %dma_start3A_600 = arith.constant 1 : i32
      %dma_start3A_601 = arith.constant 0 : i32
      %dma_start3A_602 = arith.constant 0 : i32
      %dma_start3A_603 = tpu.memref_slice %arg9[%rem3A_337, %dma_start3A_601, %dma_start3A_602] : memref<3x3x80xi32, #tpu.memory_space<vmem>> -> memref<1x3x80xi32, #tpu.memory_space<vmem>>
      %dma_start3A_604 = tpu.memref_squeeze %dma_start3A_603 : memref<1x3x80xi32, #tpu.memory_space<vmem>> -> memref<3x80xi32, #tpu.memory_space<vmem>>
      %dma_start3A_605 = arith.constant 0 : i32
      %dma_start3A_606 = tpu.memref_slice %dma_start3A_604[%dma_start3A_600, %dma_start3A_605] : memref<3x80xi32, #tpu.memory_space<vmem>> -> memref<1x80xi32, #tpu.memory_space<vmem>>
      %dma_start3A_607 = tpu.memref_squeeze %dma_start3A_606 : memref<1x80xi32, #tpu.memory_space<vmem>> -> memref<80xi32, #tpu.memory_space<vmem>>
      %dma_start3A_608 = arith.constant 0 : i32
      %dma_start3A_609 = arith.constant 0 : i32
      %dma_start3A_610 = tpu.memref_slice %arg16[%dma_start3A_608, %dma_start3A_609] : memref<10000x16xf32, #tpu.memory_space<vmem_shared>> -> memref<10000x16xf32, #tpu.memory_space<vmem_shared>>
      tpu.enqueue_indirect_dma source(%arg14 : memref<80x16xf32, #tpu.memory_space<vmem>>) target(%dma_start3A_610 : memref<10000x16xf32, #tpu.memory_space<vmem_shared>>) offsets(%dma_start3A_607 : memref<80xi32, #tpu.memory_space<vmem>>) semaphore(%arg21 : memref<!tpu.dma_semaphore, #tpu.memory_space<semaphore_mem>>) {add = true}
      "tpu.trace_stop"() : () -> ()
      "tpu.trace_start"() <{level = 10 : i32, message = "ph_ipf"}> : () -> ()
      %mul3A_611 = arith.constant 125 : i32
      %mul3A_612 = arith.muli %add3A, %mul3A_611 : i32
      %add3A_613 = arith.addi %mul3A_612, %min3A_355 : i32
      %dma_start3A_614 = arith.constant 0 : i32
      %dma_start3A_615 = arith.constant 0 : i32
      %dma_start3A_616 = arith.constant 0 : i32
      %dma_start3A_617 = tpu.memref_slice %arg9[%rem3A_345, %dma_start3A_615, %dma_start3A_616] : memref<3x3x80xi32, #tpu.memory_space<vmem>> -> memref<1x1x80xi32, #tpu.memory_space<vmem>>
      %dma_start3A_618 = tpu.memref_squeeze %dma_start3A_617 : memref<1x1x80xi32, #tpu.memory_space<vmem>> -> memref<80xi32, #tpu.memory_space<vmem>>
      %dma_start3A_619 = arith.constant 0 : i32
      %dma_start3A_620 = tpu.memref_slice %arg5[%dma_start3A_614, %add3A_613, %dma_start3A_619] : memref<2x4000x80xi32, #tpu.memory_space<hbm>> -> memref<1x1x80xi32, #tpu.memory_space<hbm>>
      %dma_start3A_621 = tpu.memref_squeeze %dma_start3A_620 : memref<1x1x80xi32, #tpu.memory_space<hbm>> -> memref<80xi32, #tpu.memory_space<hbm>>
      %dma_start3A_622 = arith.constant 0 : i32
      %dma_start3A_623 = tpu.memref_slice %arg9[%rem3A_345, %dma_start3A_615, %dma_start3A_622] : memref<3x3x80xi32, #tpu.memory_space<vmem>> -> memref<1x1x80xi32, #tpu.memory_space<vmem>>
      %dma_start3A_624 = tpu.memref_squeeze %dma_start3A_623 : memref<1x1x80xi32, #tpu.memory_space<vmem>> -> memref<80xi32, #tpu.memory_space<vmem>>
      %dma_start3A_625 = arith.constant 0 : i32
      %dma_start3A_626 = tpu.memref_slice %arg5[%dma_start3A_614, %add3A_613, %dma_start3A_625] : memref<2x4000x80xi32, #tpu.memory_space<hbm>> -> memref<1x1x80xi32, #tpu.memory_space<hbm>>
      %dma_start3A_627 = tpu.memref_squeeze %dma_start3A_626 : memref<1x1x80xi32, #tpu.memory_space<hbm>> -> memref<80xi32, #tpu.memory_space<hbm>>
      tpu.enqueue_dma source(%dma_start3A_627 : memref<80xi32, #tpu.memory_space<hbm>>) target(%dma_start3A_624 : memref<80xi32, #tpu.memory_space<vmem>>) target_semaphore(%arg19 : memref<!tpu.dma_semaphore, #tpu.memory_space<semaphore_mem>>)
      %mul3A_628 = arith.constant 125 : i32
      %mul3A_629 = arith.muli %add3A, %mul3A_628 : i32
      %add3A_630 = arith.addi %mul3A_629, %min3A_355 : i32
      %dma_start3A_631 = arith.constant 1 : i32
      %dma_start3A_632 = arith.constant 1 : i32
      %dma_start3A_633 = arith.constant 0 : i32
      %dma_start3A_634 = tpu.memref_slice %arg9[%rem3A_345, %dma_start3A_632, %dma_start3A_633] : memref<3x3x80xi32, #tpu.memory_space<vmem>> -> memref<1x1x80xi32, #tpu.memory_space<vmem>>
      %dma_start3A_635 = tpu.memref_squeeze %dma_start3A_634 : memref<1x1x80xi32, #tpu.memory_space<vmem>> -> memref<80xi32, #tpu.memory_space<vmem>>
      %dma_start3A_636 = arith.constant 0 : i32
      %dma_start3A_637 = tpu.memref_slice %arg5[%dma_start3A_631, %add3A_630, %dma_start3A_636] : memref<2x4000x80xi32, #tpu.memory_space<hbm>> -> memref<1x1x80xi32, #tpu.memory_space<hbm>>
      %dma_start3A_638 = tpu.memref_squeeze %dma_start3A_637 : memref<1x1x80xi32, #tpu.memory_space<hbm>> -> memref<80xi32, #tpu.memory_space<hbm>>
      %dma_start3A_639 = arith.constant 0 : i32
      %dma_start3A_640 = tpu.memref_slice %arg9[%rem3A_345, %dma_start3A_632, %dma_start3A_639] : memref<3x3x80xi32, #tpu.memory_space<vmem>> -> memref<1x1x80xi32, #tpu.memory_space<vmem>>
      %dma_start3A_641 = tpu.memref_squeeze %dma_start3A_640 : memref<1x1x80xi32, #tpu.memory_space<vmem>> -> memref<80xi32, #tpu.memory_space<vmem>>
      %dma_start3A_642 = arith.constant 0 : i32
      %dma_start3A_643 = tpu.memref_slice %arg5[%dma_start3A_631, %add3A_630, %dma_start3A_642] : memref<2x4000x80xi32, #tpu.memory_space<hbm>> -> memref<1x1x80xi32, #tpu.memory_space<hbm>>
      %dma_start3A_644 = tpu.memref_squeeze %dma_start3A_643 : memref<1x1x80xi32, #tpu.memory_space<hbm>> -> memref<80xi32, #tpu.memory_space<hbm>>
      tpu.enqueue_dma source(%dma_start3A_644 : memref<80xi32, #tpu.memory_space<hbm>>) target(%dma_start3A_641 : memref<80xi32, #tpu.memory_space<vmem>>) target_semaphore(%arg19 : memref<!tpu.dma_semaphore, #tpu.memory_space<semaphore_mem>>)
      %mul3A_645 = arith.constant 125 : i32
      %mul3A_646 = arith.muli %add3A, %mul3A_645 : i32
      %add3A_647 = arith.addi %mul3A_646, %min3A_355 : i32
      %dma_start3A_648 = arith.constant 2 : i32
      %dma_start3A_649 = arith.constant 0 : i32
      %dma_start3A_650 = tpu.memref_slice %arg9[%rem3A_345, %dma_start3A_648, %dma_start3A_649] : memref<3x3x80xi32, #tpu.memory_space<vmem>> -> memref<1x1x80xi32, #tpu.memory_space<vmem>>
      %dma_start3A_651 = tpu.memref_squeeze %dma_start3A_650 : memref<1x1x80xi32, #tpu.memory_space<vmem>> -> memref<80xi32, #tpu.memory_space<vmem>>
      %dma_start3A_652 = arith.constant 0 : i32
      %dma_start3A_653 = tpu.memref_slice %arg6[%add3A_647, %dma_start3A_652] : memref<4000x80xi32, #tpu.memory_space<hbm>> -> memref<1x80xi32, #tpu.memory_space<hbm>>
      %dma_start3A_654 = tpu.memref_squeeze %dma_start3A_653 : memref<1x80xi32, #tpu.memory_space<hbm>> -> memref<80xi32, #tpu.memory_space<hbm>>
      %dma_start3A_655 = arith.constant 0 : i32
      %dma_start3A_656 = tpu.memref_slice %arg9[%rem3A_345, %dma_start3A_648, %dma_start3A_655] : memref<3x3x80xi32, #tpu.memory_space<vmem>> -> memref<1x1x80xi32, #tpu.memory_space<vmem>>
      %dma_start3A_657 = tpu.memref_squeeze %dma_start3A_656 : memref<1x1x80xi32, #tpu.memory_space<vmem>> -> memref<80xi32, #tpu.memory_space<vmem>>
      %dma_start3A_658 = arith.constant 0 : i32
      %dma_start3A_659 = tpu.memref_slice %arg6[%add3A_647, %dma_start3A_658] : memref<4000x80xi32, #tpu.memory_space<hbm>> -> memref<1x80xi32, #tpu.memory_space<hbm>>
      %dma_start3A_660 = tpu.memref_squeeze %dma_start3A_659 : memref<1x80xi32, #tpu.memory_space<hbm>> -> memref<80xi32, #tpu.memory_space<hbm>>
      tpu.enqueue_dma source(%dma_start3A_660 : memref<80xi32, #tpu.memory_space<hbm>>) target(%dma_start3A_657 : memref<80xi32, #tpu.memory_space<vmem>>) target_semaphore(%arg19 : memref<!tpu.dma_semaphore, #tpu.memory_space<semaphore_mem>>)
      "tpu.trace_stop"() : () -> ()
      %scan3A_661 = arith.constant 0 : i32
      scf.yield %scan3A_661 : i32
    }
    %scan3A_169 = arith.constant 125 : i32
    %dma_wait3A = arith.constant 0 : i32
    %dma_wait3A_170 = arith.constant 0 : i32
    %dma_wait3A_171 = arith.constant 0 : i32
    %dma_wait3A_172 = arith.constant 0 : i32
    %dma_wait3A_173 = tpu.memref_slice %arg9[%dma_wait3A, %dma_wait3A_171, %dma_wait3A_172] : memref<3x3x80xi32, #tpu.memory_space<vmem>> -> memref<1x3x80xi32, #tpu.memory_space<vmem>>
    %dma_wait3A_174 = tpu.memref_squeeze %dma_wait3A_173 : memref<1x3x80xi32, #tpu.memory_space<vmem>> -> memref<3x80xi32, #tpu.memory_space<vmem>>
    %dma_wait3A_175 = arith.constant 0 : i32
    %dma_wait3A_176 = tpu.memref_slice %dma_wait3A_174[%dma_wait3A_170, %dma_wait3A_175] : memref<3x80xi32, #tpu.memory_space<vmem>> -> memref<1x80xi32, #tpu.memory_space<vmem>>
    %dma_wait3A_177 = tpu.memref_squeeze %dma_wait3A_176 : memref<1x80xi32, #tpu.memory_space<vmem>> -> memref<80xi32, #tpu.memory_space<vmem>>
    %dma_wait3A_178 = arith.constant 0 : i32
    %dma_wait3A_179 = arith.constant 0 : i32
    %dma_wait3A_180 = tpu.memref_slice %arg2[%dma_wait3A_178, %dma_wait3A_179] : memref<10000x128xi32, #tpu.memory_space<hbm>> -> memref<10000x128xi32, #tpu.memory_space<hbm>>
    tpu.wait_indirect_dma semaphore(%arg17 : memref<!tpu.dma_semaphore, #tpu.memory_space<semaphore_mem>>) src(%dma_wait3A_180 : memref<10000x128xi32, #tpu.memory_space<hbm>>) dst(%arg11 : memref<80x128xi32, #tpu.memory_space<vmem>>)
    %dma_wait3A_181 = arith.constant 0 : i32
    %dma_wait3A_182 = arith.constant 1 : i32
    %dma_wait3A_183 = arith.constant 0 : i32
    %dma_wait3A_184 = arith.constant 0 : i32
    %dma_wait3A_185 = arith.constant 0 : i32
    %dma_wait3A_186 = tpu.memref_slice %arg12[%dma_wait3A_183, %dma_wait3A_184, %dma_wait3A_185] : memref<2x80x64xi32, #tpu.memory_space<vmem>> -> memref<1x80x64xi32, #tpu.memory_space<vmem>>
    %dma_wait3A_187 = tpu.memref_squeeze %dma_wait3A_186 : memref<1x80x64xi32, #tpu.memory_space<vmem>> -> memref<80x64xi32, #tpu.memory_space<vmem>>
    %dma_wait3A_188 = arith.constant 0 : i32
    %dma_wait3A_189 = arith.constant 0 : i32
    %dma_wait3A_190 = tpu.memref_slice %arg9[%dma_wait3A_181, %dma_wait3A_188, %dma_wait3A_189] : memref<3x3x80xi32, #tpu.memory_space<vmem>> -> memref<1x3x80xi32, #tpu.memory_space<vmem>>
    %dma_wait3A_191 = tpu.memref_squeeze %dma_wait3A_190 : memref<1x3x80xi32, #tpu.memory_space<vmem>> -> memref<3x80xi32, #tpu.memory_space<vmem>>
    %dma_wait3A_192 = arith.constant 0 : i32
    %dma_wait3A_193 = tpu.memref_slice %dma_wait3A_191[%dma_wait3A_182, %dma_wait3A_192] : memref<3x80xi32, #tpu.memory_space<vmem>> -> memref<1x80xi32, #tpu.memory_space<vmem>>
    %dma_wait3A_194 = tpu.memref_squeeze %dma_wait3A_193 : memref<1x80xi32, #tpu.memory_space<vmem>> -> memref<80xi32, #tpu.memory_space<vmem>>
    %dma_wait3A_195 = arith.constant 0 : i32
    %dma_wait3A_196 = arith.constant 0 : i32
    %dma_wait3A_197 = tpu.memref_slice %arg3[%dma_wait3A_195, %dma_wait3A_196] : memref<10000x64xi32, #tpu.memory_space<hbm>> -> memref<10000x64xi32, #tpu.memory_space<hbm>>
    tpu.wait_indirect_dma semaphore(%arg18 : memref<!tpu.dma_semaphore, #tpu.memory_space<semaphore_mem>>) src(%dma_wait3A_197 : memref<10000x64xi32, #tpu.memory_space<hbm>>) dst(%dma_wait3A_187 : memref<80x64xi32, #tpu.memory_space<vmem>>)
    %mul3A_198 = arith.constant 125 : i32
    %mul3A_199 = arith.muli %add3A, %mul3A_198 : i32
    %add3A_200 = arith.constant 0 : i32
    %add3A_201 = arith.addi %mul3A_199, %add3A_200 : i32
    %dma_wait3A_202 = arith.constant 0 : i32
    %dma_wait3A_203 = arith.constant 0 : i32
    %dma_wait3A_204 = arith.constant 0 : i32
    %dma_wait3A_205 = arith.constant 0 : i32
    %dma_wait3A_206 = tpu.memref_slice %arg9[%dma_wait3A_203, %dma_wait3A_204, %dma_wait3A_205] : memref<3x3x80xi32, #tpu.memory_space<vmem>> -> memref<1x1x80xi32, #tpu.memory_space<vmem>>
    %dma_wait3A_207 = tpu.memref_squeeze %dma_wait3A_206 : memref<1x1x80xi32, #tpu.memory_space<vmem>> -> memref<80xi32, #tpu.memory_space<vmem>>
    %dma_wait3A_208 = arith.constant 0 : i32
    %dma_wait3A_209 = tpu.memref_slice %arg5[%dma_wait3A_202, %add3A_201, %dma_wait3A_208] : memref<2x4000x80xi32, #tpu.memory_space<hbm>> -> memref<1x1x80xi32, #tpu.memory_space<hbm>>
    %dma_wait3A_210 = tpu.memref_squeeze %dma_wait3A_209 : memref<1x1x80xi32, #tpu.memory_space<hbm>> -> memref<80xi32, #tpu.memory_space<hbm>>
    %dma_wait3A_211 = arith.constant 0 : i32
    %dma_wait3A_212 = tpu.memref_slice %arg9[%dma_wait3A_203, %dma_wait3A_204, %dma_wait3A_211] : memref<3x3x80xi32, #tpu.memory_space<vmem>> -> memref<1x1x80xi32, #tpu.memory_space<vmem>>
    %dma_wait3A_213 = tpu.memref_squeeze %dma_wait3A_212 : memref<1x1x80xi32, #tpu.memory_space<vmem>> -> memref<80xi32, #tpu.memory_space<vmem>>
    %dma_wait3A_214 = arith.constant 0 : i32
    %dma_wait3A_215 = tpu.memref_slice %arg5[%dma_wait3A_202, %add3A_201, %dma_wait3A_214] : memref<2x4000x80xi32, #tpu.memory_space<hbm>> -> memref<1x1x80xi32, #tpu.memory_space<hbm>>
    %dma_wait3A_216 = tpu.memref_squeeze %dma_wait3A_215 : memref<1x1x80xi32, #tpu.memory_space<hbm>> -> memref<80xi32, #tpu.memory_space<hbm>>
    tpu.wait_dma2 semaphore(%arg19 : memref<!tpu.dma_semaphore, #tpu.memory_space<semaphore_mem>>) src(%dma_wait3A_216 : memref<80xi32, #tpu.memory_space<hbm>>) dst(%dma_wait3A_213 : memref<80xi32, #tpu.memory_space<vmem>>)
    %mul3A_217 = arith.constant 125 : i32
    %mul3A_218 = arith.muli %add3A, %mul3A_217 : i32
    %add3A_219 = arith.constant 0 : i32
    %add3A_220 = arith.addi %mul3A_218, %add3A_219 : i32
    %dma_wait3A_221 = arith.constant 1 : i32
    %dma_wait3A_222 = arith.constant 0 : i32
    %dma_wait3A_223 = arith.constant 1 : i32
    %dma_wait3A_224 = arith.constant 0 : i32
    %dma_wait3A_225 = tpu.memref_slice %arg9[%dma_wait3A_222, %dma_wait3A_223, %dma_wait3A_224] : memref<3x3x80xi32, #tpu.memory_space<vmem>> -> memref<1x1x80xi32, #tpu.memory_space<vmem>>
    %dma_wait3A_226 = tpu.memref_squeeze %dma_wait3A_225 : memref<1x1x80xi32, #tpu.memory_space<vmem>> -> memref<80xi32, #tpu.memory_space<vmem>>
    %dma_wait3A_227 = arith.constant 0 : i32
    %dma_wait3A_228 = tpu.memref_slice %arg5[%dma_wait3A_221, %add3A_220, %dma_wait3A_227] : memref<2x4000x80xi32, #tpu.memory_space<hbm>> -> memref<1x1x80xi32, #tpu.memory_space<hbm>>
    %dma_wait3A_229 = tpu.memref_squeeze %dma_wait3A_228 : memref<1x1x80xi32, #tpu.memory_space<hbm>> -> memref<80xi32, #tpu.memory_space<hbm>>
    %dma_wait3A_230 = arith.constant 0 : i32
    %dma_wait3A_231 = tpu.memref_slice %arg9[%dma_wait3A_222, %dma_wait3A_223, %dma_wait3A_230] : memref<3x3x80xi32, #tpu.memory_space<vmem>> -> memref<1x1x80xi32, #tpu.memory_space<vmem>>
    %dma_wait3A_232 = tpu.memref_squeeze %dma_wait3A_231 : memref<1x1x80xi32, #tpu.memory_space<vmem>> -> memref<80xi32, #tpu.memory_space<vmem>>
    %dma_wait3A_233 = arith.constant 0 : i32
    %dma_wait3A_234 = tpu.memref_slice %arg5[%dma_wait3A_221, %add3A_220, %dma_wait3A_233] : memref<2x4000x80xi32, #tpu.memory_space<hbm>> -> memref<1x1x80xi32, #tpu.memory_space<hbm>>
    %dma_wait3A_235 = tpu.memref_squeeze %dma_wait3A_234 : memref<1x1x80xi32, #tpu.memory_space<hbm>> -> memref<80xi32, #tpu.memory_space<hbm>>
    tpu.wait_dma2 semaphore(%arg19 : memref<!tpu.dma_semaphore, #tpu.memory_space<semaphore_mem>>) src(%dma_wait3A_235 : memref<80xi32, #tpu.memory_space<hbm>>) dst(%dma_wait3A_232 : memref<80xi32, #tpu.memory_space<vmem>>)
    %mul3A_236 = arith.constant 125 : i32
    %mul3A_237 = arith.muli %add3A, %mul3A_236 : i32
    %add3A_238 = arith.constant 0 : i32
    %add3A_239 = arith.addi %mul3A_237, %add3A_238 : i32
    %dma_wait3A_240 = arith.constant 0 : i32
    %dma_wait3A_241 = arith.constant 2 : i32
    %dma_wait3A_242 = arith.constant 0 : i32
    %dma_wait3A_243 = tpu.memref_slice %arg9[%dma_wait3A_240, %dma_wait3A_241, %dma_wait3A_242] : memref<3x3x80xi32, #tpu.memory_space<vmem>> -> memref<1x1x80xi32, #tpu.memory_space<vmem>>
    %dma_wait3A_244 = tpu.memref_squeeze %dma_wait3A_243 : memref<1x1x80xi32, #tpu.memory_space<vmem>> -> memref<80xi32, #tpu.memory_space<vmem>>
    %dma_wait3A_245 = arith.constant 0 : i32
    %dma_wait3A_246 = tpu.memref_slice %arg6[%add3A_239, %dma_wait3A_245] : memref<4000x80xi32, #tpu.memory_space<hbm>> -> memref<1x80xi32, #tpu.memory_space<hbm>>
    %dma_wait3A_247 = tpu.memref_squeeze %dma_wait3A_246 : memref<1x80xi32, #tpu.memory_space<hbm>> -> memref<80xi32, #tpu.memory_space<hbm>>
    %dma_wait3A_248 = arith.constant 0 : i32
    %dma_wait3A_249 = tpu.memref_slice %arg9[%dma_wait3A_240, %dma_wait3A_241, %dma_wait3A_248] : memref<3x3x80xi32, #tpu.memory_space<vmem>> -> memref<1x1x80xi32, #tpu.memory_space<vmem>>
    %dma_wait3A_250 = tpu.memref_squeeze %dma_wait3A_249 : memref<1x1x80xi32, #tpu.memory_space<vmem>> -> memref<80xi32, #tpu.memory_space<vmem>>
    %dma_wait3A_251 = arith.constant 0 : i32
    %dma_wait3A_252 = tpu.memref_slice %arg6[%add3A_239, %dma_wait3A_251] : memref<4000x80xi32, #tpu.memory_space<hbm>> -> memref<1x80xi32, #tpu.memory_space<hbm>>
    %dma_wait3A_253 = tpu.memref_squeeze %dma_wait3A_252 : memref<1x80xi32, #tpu.memory_space<hbm>> -> memref<80xi32, #tpu.memory_space<hbm>>
    tpu.wait_dma2 semaphore(%arg19 : memref<!tpu.dma_semaphore, #tpu.memory_space<semaphore_mem>>) src(%dma_wait3A_253 : memref<80xi32, #tpu.memory_space<hbm>>) dst(%dma_wait3A_250 : memref<80xi32, #tpu.memory_space<vmem>>)
    %dma_wait3A_254 = arith.constant 0 : i32
    %dma_wait3A_255 = arith.constant 1 : i32
    %dma_wait3A_256 = arith.constant 0 : i32
    %dma_wait3A_257 = arith.constant 0 : i32
    %dma_wait3A_258 = tpu.memref_slice %arg9[%dma_wait3A_254, %dma_wait3A_256, %dma_wait3A_257] : memref<3x3x80xi32, #tpu.memory_space<vmem>> -> memref<1x3x80xi32, #tpu.memory_space<vmem>>
    %dma_wait3A_259 = tpu.memref_squeeze %dma_wait3A_258 : memref<1x3x80xi32, #tpu.memory_space<vmem>> -> memref<3x80xi32, #tpu.memory_space<vmem>>
    %dma_wait3A_260 = arith.constant 0 : i32
    %dma_wait3A_261 = tpu.memref_slice %dma_wait3A_259[%dma_wait3A_255, %dma_wait3A_260] : memref<3x80xi32, #tpu.memory_space<vmem>> -> memref<1x80xi32, #tpu.memory_space<vmem>>
    %dma_wait3A_262 = tpu.memref_squeeze %dma_wait3A_261 : memref<1x80xi32, #tpu.memory_space<vmem>> -> memref<80xi32, #tpu.memory_space<vmem>>
    %dma_wait3A_263 = arith.constant 0 : i32
    %dma_wait3A_264 = arith.constant 0 : i32
    %dma_wait3A_265 = tpu.memref_slice %arg15[%dma_wait3A_263, %dma_wait3A_264] : memref<10000x128xf32, #tpu.memory_space<vmem_shared>> -> memref<10000x128xf32, #tpu.memory_space<vmem_shared>>
    tpu.wait_indirect_dma semaphore(%arg20 : memref<!tpu.dma_semaphore, #tpu.memory_space<semaphore_mem>>) src(%arg13 : memref<80x128xf32, #tpu.memory_space<vmem>>) dst(%dma_wait3A_265 : memref<10000x128xf32, #tpu.memory_space<vmem_shared>>)
    %dma_wait3A_266 = arith.constant 0 : i32
    %dma_wait3A_267 = arith.constant 1 : i32
    %dma_wait3A_268 = arith.constant 0 : i32
    %dma_wait3A_269 = arith.constant 0 : i32
    %dma_wait3A_270 = tpu.memref_slice %arg9[%dma_wait3A_266, %dma_wait3A_268, %dma_wait3A_269] : memref<3x3x80xi32, #tpu.memory_space<vmem>> -> memref<1x3x80xi32, #tpu.memory_space<vmem>>
    %dma_wait3A_271 = tpu.memref_squeeze %dma_wait3A_270 : memref<1x3x80xi32, #tpu.memory_space<vmem>> -> memref<3x80xi32, #tpu.memory_space<vmem>>
    %dma_wait3A_272 = arith.constant 0 : i32
    %dma_wait3A_273 = tpu.memref_slice %dma_wait3A_271[%dma_wait3A_267, %dma_wait3A_272] : memref<3x80xi32, #tpu.memory_space<vmem>> -> memref<1x80xi32, #tpu.memory_space<vmem>>
    %dma_wait3A_274 = tpu.memref_squeeze %dma_wait3A_273 : memref<1x80xi32, #tpu.memory_space<vmem>> -> memref<80xi32, #tpu.memory_space<vmem>>
    %dma_wait3A_275 = arith.constant 0 : i32
    %dma_wait3A_276 = arith.constant 0 : i32
    %dma_wait3A_277 = tpu.memref_slice %arg16[%dma_wait3A_275, %dma_wait3A_276] : memref<10000x16xf32, #tpu.memory_space<vmem_shared>> -> memref<10000x16xf32, #tpu.memory_space<vmem_shared>>
    tpu.wait_indirect_dma semaphore(%arg21 : memref<!tpu.dma_semaphore, #tpu.memory_space<semaphore_mem>>) src(%arg14 : memref<80x16xf32, #tpu.memory_space<vmem>>) dst(%dma_wait3A_277 : memref<10000x16xf32, #tpu.memory_space<vmem_shared>>)
    %barrier3A_278 = arith.constant 0 : index
    tpu.barrier barrier_id(%barrier3A_278)
    %add3A_279 = arith.constant 0 : i32
    %add3A_280 = arith.addi %arg1, %add3A_279 : i32
    %lt3A_281 = arith.constant 125 : i32
    %lt3A_282 = arith.cmpi slt, %add3A_280, %lt3A_281 : i32
    %convert_element_type3A_283 = arith.extui %lt3A_282 : i1 to i32
    %cond3A_284 = arith.constant 0 : i32
    %cond3A_285 = arith.cmpi ne, %convert_element_type3A_283, %cond3A_284 : i32
    scf.if %cond3A_285 {
      %mul3A_335 = arith.constant 80 : i32
      %mul3A_336 = arith.muli %add3A_280, %mul3A_335 : i32
      %mul3A_337 = arith.constant 80 : i32
      %mul3A_338 = arith.muli %add3A_280, %mul3A_337 : i32
      "tpu.region"() ({
        %run_scoped3A_343 = tpu.sem_alloc : memref<!tpu.dma_semaphore, #tpu.memory_space<semaphore_mem>>
        %dma_start3A_344 = arith.constant 0 : i32
        %dma_start3A_345 = tpu.memref_slice %arg7[%arg0, %mul3A_338, %dma_start3A_344] : memref<2x10000x128xf32, #tpu.memory_space<hbm>> -> memref<1x80x128xf32, #tpu.memory_space<hbm>>
        %dma_start3A_346 = tpu.memref_squeeze %dma_start3A_345 : memref<1x80x128xf32, #tpu.memory_space<hbm>> -> memref<80x128xf32, #tpu.memory_space<hbm>>
        %dma_start3A_347 = arith.constant 0 : i32
        %dma_start3A_348 = tpu.memref_slice %arg15[%mul3A_336, %dma_start3A_347] : memref<10000x128xf32, #tpu.memory_space<vmem_shared>> -> memref<80x128xf32, #tpu.memory_space<vmem_shared>>
        tpu.enqueue_dma source(%dma_start3A_348 : memref<80x128xf32, #tpu.memory_space<vmem_shared>>) target(%dma_start3A_346 : memref<80x128xf32, #tpu.memory_space<hbm>>) target_semaphore(%run_scoped3A_343 : memref<!tpu.dma_semaphore, #tpu.memory_space<semaphore_mem>>)
        %dma_wait3A_349 = arith.constant 0 : i32
        %dma_wait3A_350 = tpu.memref_slice %arg7[%arg0, %mul3A_338, %dma_wait3A_349] : memref<2x10000x128xf32, #tpu.memory_space<hbm>> -> memref<1x80x128xf32, #tpu.memory_space<hbm>>
        %dma_wait3A_351 = tpu.memref_squeeze %dma_wait3A_350 : memref<1x80x128xf32, #tpu.memory_space<hbm>> -> memref<80x128xf32, #tpu.memory_space<hbm>>
        %dma_wait3A_352 = arith.constant 0 : i32
        %dma_wait3A_353 = tpu.memref_slice %arg15[%mul3A_336, %dma_wait3A_352] : memref<10000x128xf32, #tpu.memory_space<vmem_shared>> -> memref<80x128xf32, #tpu.memory_space<vmem_shared>>
        tpu.wait_dma2 semaphore(%run_scoped3A_343 : memref<!tpu.dma_semaphore, #tpu.memory_space<semaphore_mem>>) src(%dma_wait3A_353 : memref<80x128xf32, #tpu.memory_space<vmem_shared>>) dst(%dma_wait3A_351 : memref<80x128xf32, #tpu.memory_space<hbm>>)
        tpu.yield
      }) : () -> ()
      %mul3A_339 = arith.constant 80 : i32
      %mul3A_340 = arith.muli %add3A_280, %mul3A_339 : i32
      %mul3A_341 = arith.constant 80 : i32
      %mul3A_342 = arith.muli %add3A_280, %mul3A_341 : i32
      "tpu.region"() ({
        %run_scoped3A_343 = tpu.sem_alloc : memref<!tpu.dma_semaphore, #tpu.memory_space<semaphore_mem>>
        %dma_start3A_344 = arith.constant 0 : i32
        %dma_start3A_345 = tpu.memref_slice %arg8[%arg0, %mul3A_342, %dma_start3A_344] : memref<2x10000x16xf32, #tpu.memory_space<hbm>> -> memref<1x80x16xf32, #tpu.memory_space<hbm>>
        %dma_start3A_346 = tpu.memref_squeeze %dma_start3A_345 : memref<1x80x16xf32, #tpu.memory_space<hbm>> -> memref<80x16xf32, #tpu.memory_space<hbm>>
        %dma_start3A_347 = arith.constant 0 : i32
        %dma_start3A_348 = tpu.memref_slice %arg16[%mul3A_340, %dma_start3A_347] : memref<10000x16xf32, #tpu.memory_space<vmem_shared>> -> memref<80x16xf32, #tpu.memory_space<vmem_shared>>
        tpu.enqueue_dma source(%dma_start3A_348 : memref<80x16xf32, #tpu.memory_space<vmem_shared>>) target(%dma_start3A_346 : memref<80x16xf32, #tpu.memory_space<hbm>>) target_semaphore(%run_scoped3A_343 : memref<!tpu.dma_semaphore, #tpu.memory_space<semaphore_mem>>)
        %dma_wait3A_349 = arith.constant 0 : i32
        %dma_wait3A_350 = tpu.memref_slice %arg8[%arg0, %mul3A_342, %dma_wait3A_349] : memref<2x10000x16xf32, #tpu.memory_space<hbm>> -> memref<1x80x16xf32, #tpu.memory_space<hbm>>
        %dma_wait3A_351 = tpu.memref_squeeze %dma_wait3A_350 : memref<1x80x16xf32, #tpu.memory_space<hbm>> -> memref<80x16xf32, #tpu.memory_space<hbm>>
        %dma_wait3A_352 = arith.constant 0 : i32
        %dma_wait3A_353 = tpu.memref_slice %arg16[%mul3A_340, %dma_wait3A_352] : memref<10000x16xf32, #tpu.memory_space<vmem_shared>> -> memref<80x16xf32, #tpu.memory_space<vmem_shared>>
        tpu.wait_dma2 semaphore(%run_scoped3A_343 : memref<!tpu.dma_semaphore, #tpu.memory_space<semaphore_mem>>) src(%dma_wait3A_353 : memref<80x16xf32, #tpu.memory_space<vmem_shared>>) dst(%dma_wait3A_351 : memref<80x16xf32, #tpu.memory_space<hbm>>)
        tpu.yield
      }) : () -> ()
    } else {
    }
    %add3A_286 = arith.constant 16 : i32
    %add3A_287 = arith.addi %arg1, %add3A_286 : i32
    %lt3A_288 = arith.constant 125 : i32
    %lt3A_289 = arith.cmpi slt, %add3A_287, %lt3A_288 : i32
    %convert_element_type3A_290 = arith.extui %lt3A_289 : i1 to i32
    %cond3A_291 = arith.constant 0 : i32
    %cond3A_292 = arith.cmpi ne, %convert_element_type3A_290, %cond3A_291 : i32
    scf.if %cond3A_292 {
      %mul3A_335 = arith.constant 80 : i32
      %mul3A_336 = arith.muli %add3A_287, %mul3A_335 : i32
      %mul3A_337 = arith.constant 80 : i32
      %mul3A_338 = arith.muli %add3A_287, %mul3A_337 : i32
      "tpu.region"() ({
        %run_scoped3A_343 = tpu.sem_alloc : memref<!tpu.dma_semaphore, #tpu.memory_space<semaphore_mem>>
        %dma_start3A_344 = arith.constant 0 : i32
        %dma_start3A_345 = tpu.memref_slice %arg7[%arg0, %mul3A_338, %dma_start3A_344] : memref<2x10000x128xf32, #tpu.memory_space<hbm>> -> memref<1x80x128xf32, #tpu.memory_space<hbm>>
        %dma_start3A_346 = tpu.memref_squeeze %dma_start3A_345 : memref<1x80x128xf32, #tpu.memory_space<hbm>> -> memref<80x128xf32, #tpu.memory_space<hbm>>
        %dma_start3A_347 = arith.constant 0 : i32
        %dma_start3A_348 = tpu.memref_slice %arg15[%mul3A_336, %dma_start3A_347] : memref<10000x128xf32, #tpu.memory_space<vmem_shared>> -> memref<80x128xf32, #tpu.memory_space<vmem_shared>>
        tpu.enqueue_dma source(%dma_start3A_348 : memref<80x128xf32, #tpu.memory_space<vmem_shared>>) target(%dma_start3A_346 : memref<80x128xf32, #tpu.memory_space<hbm>>) target_semaphore(%run_scoped3A_343 : memref<!tpu.dma_semaphore, #tpu.memory_space<semaphore_mem>>)
        %dma_wait3A_349 = arith.constant 0 : i32
        %dma_wait3A_350 = tpu.memref_slice %arg7[%arg0, %mul3A_338, %dma_wait3A_349] : memref<2x10000x128xf32, #tpu.memory_space<hbm>> -> memref<1x80x128xf32, #tpu.memory_space<hbm>>
        %dma_wait3A_351 = tpu.memref_squeeze %dma_wait3A_350 : memref<1x80x128xf32, #tpu.memory_space<hbm>> -> memref<80x128xf32, #tpu.memory_space<hbm>>
        %dma_wait3A_352 = arith.constant 0 : i32
        %dma_wait3A_353 = tpu.memref_slice %arg15[%mul3A_336, %dma_wait3A_352] : memref<10000x128xf32, #tpu.memory_space<vmem_shared>> -> memref<80x128xf32, #tpu.memory_space<vmem_shared>>
        tpu.wait_dma2 semaphore(%run_scoped3A_343 : memref<!tpu.dma_semaphore, #tpu.memory_space<semaphore_mem>>) src(%dma_wait3A_353 : memref<80x128xf32, #tpu.memory_space<vmem_shared>>) dst(%dma_wait3A_351 : memref<80x128xf32, #tpu.memory_space<hbm>>)
        tpu.yield
      }) : () -> ()
      %mul3A_339 = arith.constant 80 : i32
      %mul3A_340 = arith.muli %add3A_287, %mul3A_339 : i32
      %mul3A_341 = arith.constant 80 : i32
      %mul3A_342 = arith.muli %add3A_287, %mul3A_341 : i32
      "tpu.region"() ({
        %run_scoped3A_343 = tpu.sem_alloc : memref<!tpu.dma_semaphore, #tpu.memory_space<semaphore_mem>>
        %dma_start3A_344 = arith.constant 0 : i32
        %dma_start3A_345 = tpu.memref_slice %arg8[%arg0, %mul3A_342, %dma_start3A_344] : memref<2x10000x16xf32, #tpu.memory_space<hbm>> -> memref<1x80x16xf32, #tpu.memory_space<hbm>>
        %dma_start3A_346 = tpu.memref_squeeze %dma_start3A_345 : memref<1x80x16xf32, #tpu.memory_space<hbm>> -> memref<80x16xf32, #tpu.memory_space<hbm>>
        %dma_start3A_347 = arith.constant 0 : i32
        %dma_start3A_348 = tpu.memref_slice %arg16[%mul3A_340, %dma_start3A_347] : memref<10000x16xf32, #tpu.memory_space<vmem_shared>> -> memref<80x16xf32, #tpu.memory_space<vmem_shared>>
        tpu.enqueue_dma source(%dma_start3A_348 : memref<80x16xf32, #tpu.memory_space<vmem_shared>>) target(%dma_start3A_346 : memref<80x16xf32, #tpu.memory_space<hbm>>) target_semaphore(%run_scoped3A_343 : memref<!tpu.dma_semaphore, #tpu.memory_space<semaphore_mem>>)
        %dma_wait3A_349 = arith.constant 0 : i32
        %dma_wait3A_350 = tpu.memref_slice %arg8[%arg0, %mul3A_342, %dma_wait3A_349] : memref<2x10000x16xf32, #tpu.memory_space<hbm>> -> memref<1x80x16xf32, #tpu.memory_space<hbm>>
        %dma_wait3A_351 = tpu.memref_squeeze %dma_wait3A_350 : memref<1x80x16xf32, #tpu.memory_space<hbm>> -> memref<80x16xf32, #tpu.memory_space<hbm>>
        %dma_wait3A_352 = arith.constant 0 : i32
        %dma_wait3A_353 = tpu.memref_slice %arg16[%mul3A_340, %dma_wait3A_352] : memref<10000x16xf32, #tpu.memory_space<vmem_shared>> -> memref<80x16xf32, #tpu.memory_space<vmem_shared>>
        tpu.wait_dma2 semaphore(%run_scoped3A_343 : memref<!tpu.dma_semaphore, #tpu.memory_space<semaphore_mem>>) src(%dma_wait3A_353 : memref<80x16xf32, #tpu.memory_space<vmem_shared>>) dst(%dma_wait3A_351 : memref<80x16xf32, #tpu.memory_space<hbm>>)
        tpu.yield
      }) : () -> ()
    } else {
    }
    %add3A_293 = arith.constant 32 : i32
    %add3A_294 = arith.addi %arg1, %add3A_293 : i32
    %lt3A_295 = arith.constant 125 : i32
    %lt3A_296 = arith.cmpi slt, %add3A_294, %lt3A_295 : i32
    %convert_element_type3A_297 = arith.extui %lt3A_296 : i1 to i32
    %cond3A_298 = arith.constant 0 : i32
    %cond3A_299 = arith.cmpi ne, %convert_element_type3A_297, %cond3A_298 : i32
    scf.if %cond3A_299 {
      %mul3A_335 = arith.constant 80 : i32
      %mul3A_336 = arith.muli %add3A_294, %mul3A_335 : i32
      %mul3A_337 = arith.constant 80 : i32
      %mul3A_338 = arith.muli %add3A_294, %mul3A_337 : i32
      "tpu.region"() ({
        %run_scoped3A_343 = tpu.sem_alloc : memref<!tpu.dma_semaphore, #tpu.memory_space<semaphore_mem>>
        %dma_start3A_344 = arith.constant 0 : i32
        %dma_start3A_345 = tpu.memref_slice %arg7[%arg0, %mul3A_338, %dma_start3A_344] : memref<2x10000x128xf32, #tpu.memory_space<hbm>> -> memref<1x80x128xf32, #tpu.memory_space<hbm>>
        %dma_start3A_346 = tpu.memref_squeeze %dma_start3A_345 : memref<1x80x128xf32, #tpu.memory_space<hbm>> -> memref<80x128xf32, #tpu.memory_space<hbm>>
        %dma_start3A_347 = arith.constant 0 : i32
        %dma_start3A_348 = tpu.memref_slice %arg15[%mul3A_336, %dma_start3A_347] : memref<10000x128xf32, #tpu.memory_space<vmem_shared>> -> memref<80x128xf32, #tpu.memory_space<vmem_shared>>
        tpu.enqueue_dma source(%dma_start3A_348 : memref<80x128xf32, #tpu.memory_space<vmem_shared>>) target(%dma_start3A_346 : memref<80x128xf32, #tpu.memory_space<hbm>>) target_semaphore(%run_scoped3A_343 : memref<!tpu.dma_semaphore, #tpu.memory_space<semaphore_mem>>)
        %dma_wait3A_349 = arith.constant 0 : i32
        %dma_wait3A_350 = tpu.memref_slice %arg7[%arg0, %mul3A_338, %dma_wait3A_349] : memref<2x10000x128xf32, #tpu.memory_space<hbm>> -> memref<1x80x128xf32, #tpu.memory_space<hbm>>
        %dma_wait3A_351 = tpu.memref_squeeze %dma_wait3A_350 : memref<1x80x128xf32, #tpu.memory_space<hbm>> -> memref<80x128xf32, #tpu.memory_space<hbm>>
        %dma_wait3A_352 = arith.constant 0 : i32
        %dma_wait3A_353 = tpu.memref_slice %arg15[%mul3A_336, %dma_wait3A_352] : memref<10000x128xf32, #tpu.memory_space<vmem_shared>> -> memref<80x128xf32, #tpu.memory_space<vmem_shared>>
        tpu.wait_dma2 semaphore(%run_scoped3A_343 : memref<!tpu.dma_semaphore, #tpu.memory_space<semaphore_mem>>) src(%dma_wait3A_353 : memref<80x128xf32, #tpu.memory_space<vmem_shared>>) dst(%dma_wait3A_351 : memref<80x128xf32, #tpu.memory_space<hbm>>)
        tpu.yield
      }) : () -> ()
      %mul3A_339 = arith.constant 80 : i32
      %mul3A_340 = arith.muli %add3A_294, %mul3A_339 : i32
      %mul3A_341 = arith.constant 80 : i32
      %mul3A_342 = arith.muli %add3A_294, %mul3A_341 : i32
      "tpu.region"() ({
        %run_scoped3A_343 = tpu.sem_alloc : memref<!tpu.dma_semaphore, #tpu.memory_space<semaphore_mem>>
        %dma_start3A_344 = arith.constant 0 : i32
        %dma_start3A_345 = tpu.memref_slice %arg8[%arg0, %mul3A_342, %dma_start3A_344] : memref<2x10000x16xf32, #tpu.memory_space<hbm>> -> memref<1x80x16xf32, #tpu.memory_space<hbm>>
        %dma_start3A_346 = tpu.memref_squeeze %dma_start3A_345 : memref<1x80x16xf32, #tpu.memory_space<hbm>> -> memref<80x16xf32, #tpu.memory_space<hbm>>
        %dma_start3A_347 = arith.constant 0 : i32
        %dma_start3A_348 = tpu.memref_slice %arg16[%mul3A_340, %dma_start3A_347] : memref<10000x16xf32, #tpu.memory_space<vmem_shared>> -> memref<80x16xf32, #tpu.memory_space<vmem_shared>>
        tpu.enqueue_dma source(%dma_start3A_348 : memref<80x16xf32, #tpu.memory_space<vmem_shared>>) target(%dma_start3A_346 : memref<80x16xf32, #tpu.memory_space<hbm>>) target_semaphore(%run_scoped3A_343 : memref<!tpu.dma_semaphore, #tpu.memory_space<semaphore_mem>>)
        %dma_wait3A_349 = arith.constant 0 : i32
        %dma_wait3A_350 = tpu.memref_slice %arg8[%arg0, %mul3A_342, %dma_wait3A_349] : memref<2x10000x16xf32, #tpu.memory_space<hbm>> -> memref<1x80x16xf32, #tpu.memory_space<hbm>>
        %dma_wait3A_351 = tpu.memref_squeeze %dma_wait3A_350 : memref<1x80x16xf32, #tpu.memory_space<hbm>> -> memref<80x16xf32, #tpu.memory_space<hbm>>
        %dma_wait3A_352 = arith.constant 0 : i32
        %dma_wait3A_353 = tpu.memref_slice %arg16[%mul3A_340, %dma_wait3A_352] : memref<10000x16xf32, #tpu.memory_space<vmem_shared>> -> memref<80x16xf32, #tpu.memory_space<vmem_shared>>
        tpu.wait_dma2 semaphore(%run_scoped3A_343 : memref<!tpu.dma_semaphore, #tpu.memory_space<semaphore_mem>>) src(%dma_wait3A_353 : memref<80x16xf32, #tpu.memory_space<vmem_shared>>) dst(%dma_wait3A_351 : memref<80x16xf32, #tpu.memory_space<hbm>>)
        tpu.yield
      }) : () -> ()
    } else {
    }
    %add3A_300 = arith.constant 48 : i32
    %add3A_301 = arith.addi %arg1, %add3A_300 : i32
    %lt3A_302 = arith.constant 125 : i32
    %lt3A_303 = arith.cmpi slt, %add3A_301, %lt3A_302 : i32
    %convert_element_type3A_304 = arith.extui %lt3A_303 : i1 to i32
    %cond3A_305 = arith.constant 0 : i32
    %cond3A_306 = arith.cmpi ne, %convert_element_type3A_304, %cond3A_305 : i32
    scf.if %cond3A_306 {
      %mul3A_335 = arith.constant 80 : i32
      %mul3A_336 = arith.muli %add3A_301, %mul3A_335 : i32
      %mul3A_337 = arith.constant 80 : i32
      %mul3A_338 = arith.muli %add3A_301, %mul3A_337 : i32
      "tpu.region"() ({
        %run_scoped3A_343 = tpu.sem_alloc : memref<!tpu.dma_semaphore, #tpu.memory_space<semaphore_mem>>
        %dma_start3A_344 = arith.constant 0 : i32
        %dma_start3A_345 = tpu.memref_slice %arg7[%arg0, %mul3A_338, %dma_start3A_344] : memref<2x10000x128xf32, #tpu.memory_space<hbm>> -> memref<1x80x128xf32, #tpu.memory_space<hbm>>
        %dma_start3A_346 = tpu.memref_squeeze %dma_start3A_345 : memref<1x80x128xf32, #tpu.memory_space<hbm>> -> memref<80x128xf32, #tpu.memory_space<hbm>>
        %dma_start3A_347 = arith.constant 0 : i32
        %dma_start3A_348 = tpu.memref_slice %arg15[%mul3A_336, %dma_start3A_347] : memref<10000x128xf32, #tpu.memory_space<vmem_shared>> -> memref<80x128xf32, #tpu.memory_space<vmem_shared>>
        tpu.enqueue_dma source(%dma_start3A_348 : memref<80x128xf32, #tpu.memory_space<vmem_shared>>) target(%dma_start3A_346 : memref<80x128xf32, #tpu.memory_space<hbm>>) target_semaphore(%run_scoped3A_343 : memref<!tpu.dma_semaphore, #tpu.memory_space<semaphore_mem>>)
        %dma_wait3A_349 = arith.constant 0 : i32
        %dma_wait3A_350 = tpu.memref_slice %arg7[%arg0, %mul3A_338, %dma_wait3A_349] : memref<2x10000x128xf32, #tpu.memory_space<hbm>> -> memref<1x80x128xf32, #tpu.memory_space<hbm>>
        %dma_wait3A_351 = tpu.memref_squeeze %dma_wait3A_350 : memref<1x80x128xf32, #tpu.memory_space<hbm>> -> memref<80x128xf32, #tpu.memory_space<hbm>>
        %dma_wait3A_352 = arith.constant 0 : i32
        %dma_wait3A_353 = tpu.memref_slice %arg15[%mul3A_336, %dma_wait3A_352] : memref<10000x128xf32, #tpu.memory_space<vmem_shared>> -> memref<80x128xf32, #tpu.memory_space<vmem_shared>>
        tpu.wait_dma2 semaphore(%run_scoped3A_343 : memref<!tpu.dma_semaphore, #tpu.memory_space<semaphore_mem>>) src(%dma_wait3A_353 : memref<80x128xf32, #tpu.memory_space<vmem_shared>>) dst(%dma_wait3A_351 : memref<80x128xf32, #tpu.memory_space<hbm>>)
        tpu.yield
      }) : () -> ()
      %mul3A_339 = arith.constant 80 : i32
      %mul3A_340 = arith.muli %add3A_301, %mul3A_339 : i32
      %mul3A_341 = arith.constant 80 : i32
      %mul3A_342 = arith.muli %add3A_301, %mul3A_341 : i32
      "tpu.region"() ({
        %run_scoped3A_343 = tpu.sem_alloc : memref<!tpu.dma_semaphore, #tpu.memory_space<semaphore_mem>>
        %dma_start3A_344 = arith.constant 0 : i32
        %dma_start3A_345 = tpu.memref_slice %arg8[%arg0, %mul3A_342, %dma_start3A_344] : memref<2x10000x16xf32, #tpu.memory_space<hbm>> -> memref<1x80x16xf32, #tpu.memory_space<hbm>>
        %dma_start3A_346 = tpu.memref_squeeze %dma_start3A_345 : memref<1x80x16xf32, #tpu.memory_space<hbm>> -> memref<80x16xf32, #tpu.memory_space<hbm>>
        %dma_start3A_347 = arith.constant 0 : i32
        %dma_start3A_348 = tpu.memref_slice %arg16[%mul3A_340, %dma_start3A_347] : memref<10000x16xf32, #tpu.memory_space<vmem_shared>> -> memref<80x16xf32, #tpu.memory_space<vmem_shared>>
        tpu.enqueue_dma source(%dma_start3A_348 : memref<80x16xf32, #tpu.memory_space<vmem_shared>>) target(%dma_start3A_346 : memref<80x16xf32, #tpu.memory_space<hbm>>) target_semaphore(%run_scoped3A_343 : memref<!tpu.dma_semaphore, #tpu.memory_space<semaphore_mem>>)
        %dma_wait3A_349 = arith.constant 0 : i32
        %dma_wait3A_350 = tpu.memref_slice %arg8[%arg0, %mul3A_342, %dma_wait3A_349] : memref<2x10000x16xf32, #tpu.memory_space<hbm>> -> memref<1x80x16xf32, #tpu.memory_space<hbm>>
        %dma_wait3A_351 = tpu.memref_squeeze %dma_wait3A_350 : memref<1x80x16xf32, #tpu.memory_space<hbm>> -> memref<80x16xf32, #tpu.memory_space<hbm>>
        %dma_wait3A_352 = arith.constant 0 : i32
        %dma_wait3A_353 = tpu.memref_slice %arg16[%mul3A_340, %dma_wait3A_352] : memref<10000x16xf32, #tpu.memory_space<vmem_shared>> -> memref<80x16xf32, #tpu.memory_space<vmem_shared>>
        tpu.wait_dma2 semaphore(%run_scoped3A_343 : memref<!tpu.dma_semaphore, #tpu.memory_space<semaphore_mem>>) src(%dma_wait3A_353 : memref<80x16xf32, #tpu.memory_space<vmem_shared>>) dst(%dma_wait3A_351 : memref<80x16xf32, #tpu.memory_space<hbm>>)
        tpu.yield
      }) : () -> ()
    } else {
    }
    %add3A_307 = arith.constant 64 : i32
    %add3A_308 = arith.addi %arg1, %add3A_307 : i32
    %lt3A_309 = arith.constant 125 : i32
    %lt3A_310 = arith.cmpi slt, %add3A_308, %lt3A_309 : i32
    %convert_element_type3A_311 = arith.extui %lt3A_310 : i1 to i32
    %cond3A_312 = arith.constant 0 : i32
    %cond3A_313 = arith.cmpi ne, %convert_element_type3A_311, %cond3A_312 : i32
    scf.if %cond3A_313 {
      %mul3A_335 = arith.constant 80 : i32
      %mul3A_336 = arith.muli %add3A_308, %mul3A_335 : i32
      %mul3A_337 = arith.constant 80 : i32
      %mul3A_338 = arith.muli %add3A_308, %mul3A_337 : i32
      "tpu.region"() ({
        %run_scoped3A_343 = tpu.sem_alloc : memref<!tpu.dma_semaphore, #tpu.memory_space<semaphore_mem>>
        %dma_start3A_344 = arith.constant 0 : i32
        %dma_start3A_345 = tpu.memref_slice %arg7[%arg0, %mul3A_338, %dma_start3A_344] : memref<2x10000x128xf32, #tpu.memory_space<hbm>> -> memref<1x80x128xf32, #tpu.memory_space<hbm>>
        %dma_start3A_346 = tpu.memref_squeeze %dma_start3A_345 : memref<1x80x128xf32, #tpu.memory_space<hbm>> -> memref<80x128xf32, #tpu.memory_space<hbm>>
        %dma_start3A_347 = arith.constant 0 : i32
        %dma_start3A_348 = tpu.memref_slice %arg15[%mul3A_336, %dma_start3A_347] : memref<10000x128xf32, #tpu.memory_space<vmem_shared>> -> memref<80x128xf32, #tpu.memory_space<vmem_shared>>
        tpu.enqueue_dma source(%dma_start3A_348 : memref<80x128xf32, #tpu.memory_space<vmem_shared>>) target(%dma_start3A_346 : memref<80x128xf32, #tpu.memory_space<hbm>>) target_semaphore(%run_scoped3A_343 : memref<!tpu.dma_semaphore, #tpu.memory_space<semaphore_mem>>)
        %dma_wait3A_349 = arith.constant 0 : i32
        %dma_wait3A_350 = tpu.memref_slice %arg7[%arg0, %mul3A_338, %dma_wait3A_349] : memref<2x10000x128xf32, #tpu.memory_space<hbm>> -> memref<1x80x128xf32, #tpu.memory_space<hbm>>
        %dma_wait3A_351 = tpu.memref_squeeze %dma_wait3A_350 : memref<1x80x128xf32, #tpu.memory_space<hbm>> -> memref<80x128xf32, #tpu.memory_space<hbm>>
        %dma_wait3A_352 = arith.constant 0 : i32
        %dma_wait3A_353 = tpu.memref_slice %arg15[%mul3A_336, %dma_wait3A_352] : memref<10000x128xf32, #tpu.memory_space<vmem_shared>> -> memref<80x128xf32, #tpu.memory_space<vmem_shared>>
        tpu.wait_dma2 semaphore(%run_scoped3A_343 : memref<!tpu.dma_semaphore, #tpu.memory_space<semaphore_mem>>) src(%dma_wait3A_353 : memref<80x128xf32, #tpu.memory_space<vmem_shared>>) dst(%dma_wait3A_351 : memref<80x128xf32, #tpu.memory_space<hbm>>)
        tpu.yield
      }) : () -> ()
      %mul3A_339 = arith.constant 80 : i32
      %mul3A_340 = arith.muli %add3A_308, %mul3A_339 : i32
      %mul3A_341 = arith.constant 80 : i32
      %mul3A_342 = arith.muli %add3A_308, %mul3A_341 : i32
      "tpu.region"() ({
        %run_scoped3A_343 = tpu.sem_alloc : memref<!tpu.dma_semaphore, #tpu.memory_space<semaphore_mem>>
        %dma_start3A_344 = arith.constant 0 : i32
        %dma_start3A_345 = tpu.memref_slice %arg8[%arg0, %mul3A_342, %dma_start3A_344] : memref<2x10000x16xf32, #tpu.memory_space<hbm>> -> memref<1x80x16xf32, #tpu.memory_space<hbm>>
        %dma_start3A_346 = tpu.memref_squeeze %dma_start3A_345 : memref<1x80x16xf32, #tpu.memory_space<hbm>> -> memref<80x16xf32, #tpu.memory_space<hbm>>
        %dma_start3A_347 = arith.constant 0 : i32
        %dma_start3A_348 = tpu.memref_slice %arg16[%mul3A_340, %dma_start3A_347] : memref<10000x16xf32, #tpu.memory_space<vmem_shared>> -> memref<80x16xf32, #tpu.memory_space<vmem_shared>>
        tpu.enqueue_dma source(%dma_start3A_348 : memref<80x16xf32, #tpu.memory_space<vmem_shared>>) target(%dma_start3A_346 : memref<80x16xf32, #tpu.memory_space<hbm>>) target_semaphore(%run_scoped3A_343 : memref<!tpu.dma_semaphore, #tpu.memory_space<semaphore_mem>>)
        %dma_wait3A_349 = arith.constant 0 : i32
        %dma_wait3A_350 = tpu.memref_slice %arg8[%arg0, %mul3A_342, %dma_wait3A_349] : memref<2x10000x16xf32, #tpu.memory_space<hbm>> -> memref<1x80x16xf32, #tpu.memory_space<hbm>>
        %dma_wait3A_351 = tpu.memref_squeeze %dma_wait3A_350 : memref<1x80x16xf32, #tpu.memory_space<hbm>> -> memref<80x16xf32, #tpu.memory_space<hbm>>
        %dma_wait3A_352 = arith.constant 0 : i32
        %dma_wait3A_353 = tpu.memref_slice %arg16[%mul3A_340, %dma_wait3A_352] : memref<10000x16xf32, #tpu.memory_space<vmem_shared>> -> memref<80x16xf32, #tpu.memory_space<vmem_shared>>
        tpu.wait_dma2 semaphore(%run_scoped3A_343 : memref<!tpu.dma_semaphore, #tpu.memory_space<semaphore_mem>>) src(%dma_wait3A_353 : memref<80x16xf32, #tpu.memory_space<vmem_shared>>) dst(%dma_wait3A_351 : memref<80x16xf32, #tpu.memory_space<hbm>>)
        tpu.yield
      }) : () -> ()
    } else {
    }
    %add3A_314 = arith.constant 80 : i32
    %add3A_315 = arith.addi %arg1, %add3A_314 : i32
    %lt3A_316 = arith.constant 125 : i32
    %lt3A_317 = arith.cmpi slt, %add3A_315, %lt3A_316 : i32
    %convert_element_type3A_318 = arith.extui %lt3A_317 : i1 to i32
    %cond3A_319 = arith.constant 0 : i32
    %cond3A_320 = arith.cmpi ne, %convert_element_type3A_318, %cond3A_319 : i32
    scf.if %cond3A_320 {
      %mul3A_335 = arith.constant 80 : i32
      %mul3A_336 = arith.muli %add3A_315, %mul3A_335 : i32
      %mul3A_337 = arith.constant 80 : i32
      %mul3A_338 = arith.muli %add3A_315, %mul3A_337 : i32
      "tpu.region"() ({
        %run_scoped3A_343 = tpu.sem_alloc : memref<!tpu.dma_semaphore, #tpu.memory_space<semaphore_mem>>
        %dma_start3A_344 = arith.constant 0 : i32
        %dma_start3A_345 = tpu.memref_slice %arg7[%arg0, %mul3A_338, %dma_start3A_344] : memref<2x10000x128xf32, #tpu.memory_space<hbm>> -> memref<1x80x128xf32, #tpu.memory_space<hbm>>
        %dma_start3A_346 = tpu.memref_squeeze %dma_start3A_345 : memref<1x80x128xf32, #tpu.memory_space<hbm>> -> memref<80x128xf32, #tpu.memory_space<hbm>>
        %dma_start3A_347 = arith.constant 0 : i32
        %dma_start3A_348 = tpu.memref_slice %arg15[%mul3A_336, %dma_start3A_347] : memref<10000x128xf32, #tpu.memory_space<vmem_shared>> -> memref<80x128xf32, #tpu.memory_space<vmem_shared>>
        tpu.enqueue_dma source(%dma_start3A_348 : memref<80x128xf32, #tpu.memory_space<vmem_shared>>) target(%dma_start3A_346 : memref<80x128xf32, #tpu.memory_space<hbm>>) target_semaphore(%run_scoped3A_343 : memref<!tpu.dma_semaphore, #tpu.memory_space<semaphore_mem>>)
        %dma_wait3A_349 = arith.constant 0 : i32
        %dma_wait3A_350 = tpu.memref_slice %arg7[%arg0, %mul3A_338, %dma_wait3A_349] : memref<2x10000x128xf32, #tpu.memory_space<hbm>> -> memref<1x80x128xf32, #tpu.memory_space<hbm>>
        %dma_wait3A_351 = tpu.memref_squeeze %dma_wait3A_350 : memref<1x80x128xf32, #tpu.memory_space<hbm>> -> memref<80x128xf32, #tpu.memory_space<hbm>>
        %dma_wait3A_352 = arith.constant 0 : i32
        %dma_wait3A_353 = tpu.memref_slice %arg15[%mul3A_336, %dma_wait3A_352] : memref<10000x128xf32, #tpu.memory_space<vmem_shared>> -> memref<80x128xf32, #tpu.memory_space<vmem_shared>>
        tpu.wait_dma2 semaphore(%run_scoped3A_343 : memref<!tpu.dma_semaphore, #tpu.memory_space<semaphore_mem>>) src(%dma_wait3A_353 : memref<80x128xf32, #tpu.memory_space<vmem_shared>>) dst(%dma_wait3A_351 : memref<80x128xf32, #tpu.memory_space<hbm>>)
        tpu.yield
      }) : () -> ()
      %mul3A_339 = arith.constant 80 : i32
      %mul3A_340 = arith.muli %add3A_315, %mul3A_339 : i32
      %mul3A_341 = arith.constant 80 : i32
      %mul3A_342 = arith.muli %add3A_315, %mul3A_341 : i32
      "tpu.region"() ({
        %run_scoped3A_343 = tpu.sem_alloc : memref<!tpu.dma_semaphore, #tpu.memory_space<semaphore_mem>>
        %dma_start3A_344 = arith.constant 0 : i32
        %dma_start3A_345 = tpu.memref_slice %arg8[%arg0, %mul3A_342, %dma_start3A_344] : memref<2x10000x16xf32, #tpu.memory_space<hbm>> -> memref<1x80x16xf32, #tpu.memory_space<hbm>>
        %dma_start3A_346 = tpu.memref_squeeze %dma_start3A_345 : memref<1x80x16xf32, #tpu.memory_space<hbm>> -> memref<80x16xf32, #tpu.memory_space<hbm>>
        %dma_start3A_347 = arith.constant 0 : i32
        %dma_start3A_348 = tpu.memref_slice %arg16[%mul3A_340, %dma_start3A_347] : memref<10000x16xf32, #tpu.memory_space<vmem_shared>> -> memref<80x16xf32, #tpu.memory_space<vmem_shared>>
        tpu.enqueue_dma source(%dma_start3A_348 : memref<80x16xf32, #tpu.memory_space<vmem_shared>>) target(%dma_start3A_346 : memref<80x16xf32, #tpu.memory_space<hbm>>) target_semaphore(%run_scoped3A_343 : memref<!tpu.dma_semaphore, #tpu.memory_space<semaphore_mem>>)
        %dma_wait3A_349 = arith.constant 0 : i32
        %dma_wait3A_350 = tpu.memref_slice %arg8[%arg0, %mul3A_342, %dma_wait3A_349] : memref<2x10000x16xf32, #tpu.memory_space<hbm>> -> memref<1x80x16xf32, #tpu.memory_space<hbm>>
        %dma_wait3A_351 = tpu.memref_squeeze %dma_wait3A_350 : memref<1x80x16xf32, #tpu.memory_space<hbm>> -> memref<80x16xf32, #tpu.memory_space<hbm>>
        %dma_wait3A_352 = arith.constant 0 : i32
        %dma_wait3A_353 = tpu.memref_slice %arg16[%mul3A_340, %dma_wait3A_352] : memref<10000x16xf32, #tpu.memory_space<vmem_shared>> -> memref<80x16xf32, #tpu.memory_space<vmem_shared>>
        tpu.wait_dma2 semaphore(%run_scoped3A_343 : memref<!tpu.dma_semaphore, #tpu.memory_space<semaphore_mem>>) src(%dma_wait3A_353 : memref<80x16xf32, #tpu.memory_space<vmem_shared>>) dst(%dma_wait3A_351 : memref<80x16xf32, #tpu.memory_space<hbm>>)
        tpu.yield
      }) : () -> ()
    } else {
    }
    %add3A_321 = arith.constant 96 : i32
    %add3A_322 = arith.addi %arg1, %add3A_321 : i32
    %lt3A_323 = arith.constant 125 : i32
    %lt3A_324 = arith.cmpi slt, %add3A_322, %lt3A_323 : i32
    %convert_element_type3A_325 = arith.extui %lt3A_324 : i1 to i32
    %cond3A_326 = arith.constant 0 : i32
    %cond3A_327 = arith.cmpi ne, %convert_element_type3A_325, %cond3A_326 : i32
    scf.if %cond3A_327 {
      %mul3A_335 = arith.constant 80 : i32
      %mul3A_336 = arith.muli %add3A_322, %mul3A_335 : i32
      %mul3A_337 = arith.constant 80 : i32
      %mul3A_338 = arith.muli %add3A_322, %mul3A_337 : i32
      "tpu.region"() ({
        %run_scoped3A_343 = tpu.sem_alloc : memref<!tpu.dma_semaphore, #tpu.memory_space<semaphore_mem>>
        %dma_start3A_344 = arith.constant 0 : i32
        %dma_start3A_345 = tpu.memref_slice %arg7[%arg0, %mul3A_338, %dma_start3A_344] : memref<2x10000x128xf32, #tpu.memory_space<hbm>> -> memref<1x80x128xf32, #tpu.memory_space<hbm>>
        %dma_start3A_346 = tpu.memref_squeeze %dma_start3A_345 : memref<1x80x128xf32, #tpu.memory_space<hbm>> -> memref<80x128xf32, #tpu.memory_space<hbm>>
        %dma_start3A_347 = arith.constant 0 : i32
        %dma_start3A_348 = tpu.memref_slice %arg15[%mul3A_336, %dma_start3A_347] : memref<10000x128xf32, #tpu.memory_space<vmem_shared>> -> memref<80x128xf32, #tpu.memory_space<vmem_shared>>
        tpu.enqueue_dma source(%dma_start3A_348 : memref<80x128xf32, #tpu.memory_space<vmem_shared>>) target(%dma_start3A_346 : memref<80x128xf32, #tpu.memory_space<hbm>>) target_semaphore(%run_scoped3A_343 : memref<!tpu.dma_semaphore, #tpu.memory_space<semaphore_mem>>)
        %dma_wait3A_349 = arith.constant 0 : i32
        %dma_wait3A_350 = tpu.memref_slice %arg7[%arg0, %mul3A_338, %dma_wait3A_349] : memref<2x10000x128xf32, #tpu.memory_space<hbm>> -> memref<1x80x128xf32, #tpu.memory_space<hbm>>
        %dma_wait3A_351 = tpu.memref_squeeze %dma_wait3A_350 : memref<1x80x128xf32, #tpu.memory_space<hbm>> -> memref<80x128xf32, #tpu.memory_space<hbm>>
        %dma_wait3A_352 = arith.constant 0 : i32
        %dma_wait3A_353 = tpu.memref_slice %arg15[%mul3A_336, %dma_wait3A_352] : memref<10000x128xf32, #tpu.memory_space<vmem_shared>> -> memref<80x128xf32, #tpu.memory_space<vmem_shared>>
        tpu.wait_dma2 semaphore(%run_scoped3A_343 : memref<!tpu.dma_semaphore, #tpu.memory_space<semaphore_mem>>) src(%dma_wait3A_353 : memref<80x128xf32, #tpu.memory_space<vmem_shared>>) dst(%dma_wait3A_351 : memref<80x128xf32, #tpu.memory_space<hbm>>)
        tpu.yield
      }) : () -> ()
      %mul3A_339 = arith.constant 80 : i32
      %mul3A_340 = arith.muli %add3A_322, %mul3A_339 : i32
      %mul3A_341 = arith.constant 80 : i32
      %mul3A_342 = arith.muli %add3A_322, %mul3A_341 : i32
      "tpu.region"() ({
        %run_scoped3A_343 = tpu.sem_alloc : memref<!tpu.dma_semaphore, #tpu.memory_space<semaphore_mem>>
        %dma_start3A_344 = arith.constant 0 : i32
        %dma_start3A_345 = tpu.memref_slice %arg8[%arg0, %mul3A_342, %dma_start3A_344] : memref<2x10000x16xf32, #tpu.memory_space<hbm>> -> memref<1x80x16xf32, #tpu.memory_space<hbm>>
        %dma_start3A_346 = tpu.memref_squeeze %dma_start3A_345 : memref<1x80x16xf32, #tpu.memory_space<hbm>> -> memref<80x16xf32, #tpu.memory_space<hbm>>
        %dma_start3A_347 = arith.constant 0 : i32
        %dma_start3A_348 = tpu.memref_slice %arg16[%mul3A_340, %dma_start3A_347] : memref<10000x16xf32, #tpu.memory_space<vmem_shared>> -> memref<80x16xf32, #tpu.memory_space<vmem_shared>>
        tpu.enqueue_dma source(%dma_start3A_348 : memref<80x16xf32, #tpu.memory_space<vmem_shared>>) target(%dma_start3A_346 : memref<80x16xf32, #tpu.memory_space<hbm>>) target_semaphore(%run_scoped3A_343 : memref<!tpu.dma_semaphore, #tpu.memory_space<semaphore_mem>>)
        %dma_wait3A_349 = arith.constant 0 : i32
        %dma_wait3A_350 = tpu.memref_slice %arg8[%arg0, %mul3A_342, %dma_wait3A_349] : memref<2x10000x16xf32, #tpu.memory_space<hbm>> -> memref<1x80x16xf32, #tpu.memory_space<hbm>>
        %dma_wait3A_351 = tpu.memref_squeeze %dma_wait3A_350 : memref<1x80x16xf32, #tpu.memory_space<hbm>> -> memref<80x16xf32, #tpu.memory_space<hbm>>
        %dma_wait3A_352 = arith.constant 0 : i32
        %dma_wait3A_353 = tpu.memref_slice %arg16[%mul3A_340, %dma_wait3A_352] : memref<10000x16xf32, #tpu.memory_space<vmem_shared>> -> memref<80x16xf32, #tpu.memory_space<vmem_shared>>
        tpu.wait_dma2 semaphore(%run_scoped3A_343 : memref<!tpu.dma_semaphore, #tpu.memory_space<semaphore_mem>>) src(%dma_wait3A_353 : memref<80x16xf32, #tpu.memory_space<vmem_shared>>) dst(%dma_wait3A_351 : memref<80x16xf32, #tpu.memory_space<hbm>>)
        tpu.yield
      }) : () -> ()
    } else {
    }
    %add3A_328 = arith.constant 112 : i32
    %add3A_329 = arith.addi %arg1, %add3A_328 : i32
    %lt3A_330 = arith.constant 125 : i32
    %lt3A_331 = arith.cmpi slt, %add3A_329, %lt3A_330 : i32
    %convert_element_type3A_332 = arith.extui %lt3A_331 : i1 to i32
    %cond3A_333 = arith.constant 0 : i32
    %cond3A_334 = arith.cmpi ne, %convert_element_type3A_332, %cond3A_333 : i32
    scf.if %cond3A_334 {
      %mul3A_335 = arith.constant 80 : i32
      %mul3A_336 = arith.muli %add3A_329, %mul3A_335 : i32
      %mul3A_337 = arith.constant 80 : i32
      %mul3A_338 = arith.muli %add3A_329, %mul3A_337 : i32
      "tpu.region"() ({
        %run_scoped3A_343 = tpu.sem_alloc : memref<!tpu.dma_semaphore, #tpu.memory_space<semaphore_mem>>
        %dma_start3A_344 = arith.constant 0 : i32
        %dma_start3A_345 = tpu.memref_slice %arg7[%arg0, %mul3A_338, %dma_start3A_344] : memref<2x10000x128xf32, #tpu.memory_space<hbm>> -> memref<1x80x128xf32, #tpu.memory_space<hbm>>
        %dma_start3A_346 = tpu.memref_squeeze %dma_start3A_345 : memref<1x80x128xf32, #tpu.memory_space<hbm>> -> memref<80x128xf32, #tpu.memory_space<hbm>>
        %dma_start3A_347 = arith.constant 0 : i32
        %dma_start3A_348 = tpu.memref_slice %arg15[%mul3A_336, %dma_start3A_347] : memref<10000x128xf32, #tpu.memory_space<vmem_shared>> -> memref<80x128xf32, #tpu.memory_space<vmem_shared>>
        tpu.enqueue_dma source(%dma_start3A_348 : memref<80x128xf32, #tpu.memory_space<vmem_shared>>) target(%dma_start3A_346 : memref<80x128xf32, #tpu.memory_space<hbm>>) target_semaphore(%run_scoped3A_343 : memref<!tpu.dma_semaphore, #tpu.memory_space<semaphore_mem>>)
        %dma_wait3A_349 = arith.constant 0 : i32
        %dma_wait3A_350 = tpu.memref_slice %arg7[%arg0, %mul3A_338, %dma_wait3A_349] : memref<2x10000x128xf32, #tpu.memory_space<hbm>> -> memref<1x80x128xf32, #tpu.memory_space<hbm>>
        %dma_wait3A_351 = tpu.memref_squeeze %dma_wait3A_350 : memref<1x80x128xf32, #tpu.memory_space<hbm>> -> memref<80x128xf32, #tpu.memory_space<hbm>>
        %dma_wait3A_352 = arith.constant 0 : i32
        %dma_wait3A_353 = tpu.memref_slice %arg15[%mul3A_336, %dma_wait3A_352] : memref<10000x128xf32, #tpu.memory_space<vmem_shared>> -> memref<80x128xf32, #tpu.memory_space<vmem_shared>>
        tpu.wait_dma2 semaphore(%run_scoped3A_343 : memref<!tpu.dma_semaphore, #tpu.memory_space<semaphore_mem>>) src(%dma_wait3A_353 : memref<80x128xf32, #tpu.memory_space<vmem_shared>>) dst(%dma_wait3A_351 : memref<80x128xf32, #tpu.memory_space<hbm>>)
        tpu.yield
      }) : () -> ()
      %mul3A_339 = arith.constant 80 : i32
      %mul3A_340 = arith.muli %add3A_329, %mul3A_339 : i32
      %mul3A_341 = arith.constant 80 : i32
      %mul3A_342 = arith.muli %add3A_329, %mul3A_341 : i32
      "tpu.region"() ({
        %run_scoped3A_343 = tpu.sem_alloc : memref<!tpu.dma_semaphore, #tpu.memory_space<semaphore_mem>>
        %dma_start3A_344 = arith.constant 0 : i32
        %dma_start3A_345 = tpu.memref_slice %arg8[%arg0, %mul3A_342, %dma_start3A_344] : memref<2x10000x16xf32, #tpu.memory_space<hbm>> -> memref<1x80x16xf32, #tpu.memory_space<hbm>>
        %dma_start3A_346 = tpu.memref_squeeze %dma_start3A_345 : memref<1x80x16xf32, #tpu.memory_space<hbm>> -> memref<80x16xf32, #tpu.memory_space<hbm>>
        %dma_start3A_347 = arith.constant 0 : i32
        %dma_start3A_348 = tpu.memref_slice %arg16[%mul3A_340, %dma_start3A_347] : memref<10000x16xf32, #tpu.memory_space<vmem_shared>> -> memref<80x16xf32, #tpu.memory_space<vmem_shared>>
        tpu.enqueue_dma source(%dma_start3A_348 : memref<80x16xf32, #tpu.memory_space<vmem_shared>>) target(%dma_start3A_346 : memref<80x16xf32, #tpu.memory_space<hbm>>) target_semaphore(%run_scoped3A_343 : memref<!tpu.dma_semaphore, #tpu.memory_space<semaphore_mem>>)
        %dma_wait3A_349 = arith.constant 0 : i32
        %dma_wait3A_350 = tpu.memref_slice %arg8[%arg0, %mul3A_342, %dma_wait3A_349] : memref<2x10000x16xf32, #tpu.memory_space<hbm>> -> memref<1x80x16xf32, #tpu.memory_space<hbm>>
        %dma_wait3A_351 = tpu.memref_squeeze %dma_wait3A_350 : memref<1x80x16xf32, #tpu.memory_space<hbm>> -> memref<80x16xf32, #tpu.memory_space<hbm>>
        %dma_wait3A_352 = arith.constant 0 : i32
        %dma_wait3A_353 = tpu.memref_slice %arg16[%mul3A_340, %dma_wait3A_352] : memref<10000x16xf32, #tpu.memory_space<vmem_shared>> -> memref<80x16xf32, #tpu.memory_space<vmem_shared>>
        tpu.wait_dma2 semaphore(%run_scoped3A_343 : memref<!tpu.dma_semaphore, #tpu.memory_space<semaphore_mem>>) src(%dma_wait3A_353 : memref<80x16xf32, #tpu.memory_space<vmem_shared>>) dst(%dma_wait3A_351 : memref<80x16xf32, #tpu.memory_space<hbm>>)
        tpu.yield
      }) : () -> ()
    } else {
    }
    return
  }
}

module attributes {stable_mosaic.version = 14 : i64} {
  func.func @_dense_body(%arg0: memref<10000x128xf32, #tpu.memory_space<vmem>>, %arg1: memref<128x128xf32, #tpu.memory_space<vmem>>, %arg2: memref<1x128xf32, #tpu.memory_space<vmem>>, %arg3: memref<128x128xf32, #tpu.memory_space<vmem>>, %arg4: memref<1x128xf32, #tpu.memory_space<vmem>>, %arg5: memref<128x128xf32, #tpu.memory_space<vmem>>, %arg6: memref<1x128xf32, #tpu.memory_space<vmem>>, %arg7: memref<128x128xf32, #tpu.memory_space<vmem>>, %arg8: memref<1x128xf32, #tpu.memory_space<vmem>>, %arg9: memref<50x25xf32, #tpu.memory_space<vmem>>, %arg10: memref<25x128xf32, #tpu.memory_space<vmem>>, %arg11: memref<49x128xf32, #tpu.memory_space<vmem>>, %arg12: memref<128x128xf32, #tpu.memory_space<vmem>>, %arg13: memref<1x128xf32, #tpu.memory_space<vmem>>, %arg14: memref<10000x128xi32, #tpu.memory_space<vmem>>, %arg15: memref<10000x64xi32, #tpu.memory_space<vmem>>, %arg16: memref<10000x128xf32, #tpu.memory_space<vmem>>, %arg17: memref<50x64xi32, #tpu.memory_space<vmem>>, %arg18: memref<49x128xf32, #tpu.memory_space<vmem>>) attributes {dimension_semantics = [], scalar_prefetch = 0 : i64, scratch_operands = 0 : i64, tpu.core_type = #tpu.core_type<tc>} {
    %get3A = arith.constant 0 : index
    %get3A_0 = arith.constant 0 : index
    %get3A_1 = vector.load %arg0[%get3A, %get3A_0] : memref<10000x128xf32, #tpu.memory_space<vmem>>, vector<10000x128xf32>
    %get3A_2 = arith.constant 0 : index
    %get3A_3 = arith.constant 0 : index
    %get3A_4 = vector.load %arg1[%get3A_2, %get3A_3] : memref<128x128xf32, #tpu.memory_space<vmem>>, vector<128x128xf32>
    %dot_general3A = arith.constant dense<0.000000e+00> : vector<10000x128xf32>
    %dot_general3A_5 = tpu.matmul %get3A_1, %get3A_4, %dot_general3A {dimension_numbers = #tpu.dot_dimension_numbers<[1], [1], [0], [0], [0, 0, 1, 0], [], []>, transpose_lhs_hint = false} : vector<10000x128xf32>, vector<128x128xf32>, vector<10000x128xf32> -> vector<10000x128xf32>
    %get3A_6 = arith.constant 0 : index
    %get3A_7 = arith.constant 0 : index
    %get3A_8 = vector.load %arg2[%get3A_6, %get3A_7] : memref<1x128xf32, #tpu.memory_space<vmem>>, vector<1x128xf32>
    %add3A = vector.broadcast %get3A_8 : vector<1x128xf32> to vector<10000x128xf32>
    %add3A_9 = arith.addf %dot_general3A_5, %add3A : vector<10000x128xf32>
    %slice3A = vector.extract_strided_slice %add3A_9 {offsets = [0, 0], sizes = [10000, 64], strides = [1, 1]} : vector<10000x128xf32> to vector<10000x64xf32>
    %bitcast_convert_type3A = tpu.bitcast %slice3A : vector<10000x64xf32> -> vector<10000x64xi32>
    %add3A_10 = arith.constant 32767 : i32
    %add3A_11 = vector.broadcast %add3A_10 : i32 to vector<10000x64xi32>
    %add3A_12 = arith.addi %bitcast_convert_type3A, %add3A_11 : vector<10000x64xi32>
    %shift_right_arithmetic3A = arith.constant 16 : i32
    %shift_right_arithmetic3A_13 = vector.broadcast %shift_right_arithmetic3A : i32 to vector<10000x64xi32>
    %shift_right_arithmetic3A_14 = arith.shrsi %bitcast_convert_type3A, %shift_right_arithmetic3A_13 : vector<10000x64xi32>
    %and3A = arith.constant 1 : i32
    %and3A_15 = vector.broadcast %and3A : i32 to vector<10000x64xi32>
    %and3A_16 = arith.andi %shift_right_arithmetic3A_14, %and3A_15 : vector<10000x64xi32>
    %add3A_17 = arith.addi %add3A_12, %and3A_16 : vector<10000x64xi32>
    %shift_right_logical3A = arith.constant 16 : i32
    %shift_right_logical3A_18 = vector.broadcast %shift_right_logical3A : i32 to vector<10000x64xi32>
    %shift_right_logical3A_19 = arith.shrui %add3A_17, %shift_right_logical3A_18 : vector<10000x64xi32>
    %slice3A_20 = vector.extract_strided_slice %add3A_9 {offsets = [0, 64], sizes = [10000, 64], strides = [1, 1]} : vector<10000x128xf32> to vector<10000x64xf32>
    %bitcast_convert_type3A_21 = tpu.bitcast %slice3A_20 : vector<10000x64xf32> -> vector<10000x64xi32>
    %add3A_22 = arith.constant 32767 : i32
    %add3A_23 = vector.broadcast %add3A_22 : i32 to vector<10000x64xi32>
    %add3A_24 = arith.addi %bitcast_convert_type3A_21, %add3A_23 : vector<10000x64xi32>
    %shift_right_arithmetic3A_25 = arith.constant 16 : i32
    %shift_right_arithmetic3A_26 = vector.broadcast %shift_right_arithmetic3A_25 : i32 to vector<10000x64xi32>
    %shift_right_arithmetic3A_27 = arith.shrsi %bitcast_convert_type3A_21, %shift_right_arithmetic3A_26 : vector<10000x64xi32>
    %and3A_28 = arith.constant 1 : i32
    %and3A_29 = vector.broadcast %and3A_28 : i32 to vector<10000x64xi32>
    %and3A_30 = arith.andi %shift_right_arithmetic3A_27, %and3A_29 : vector<10000x64xi32>
    %add3A_31 = arith.addi %add3A_24, %and3A_30 : vector<10000x64xi32>
    %and3A_32 = arith.constant -65536 : i32
    %and3A_33 = vector.broadcast %and3A_32 : i32 to vector<10000x64xi32>
    %and3A_34 = arith.andi %add3A_31, %and3A_33 : vector<10000x64xi32>
    %or3A = arith.ori %and3A_34, %shift_right_logical3A_19 : vector<10000x64xi32>
    %swap3A = arith.constant 0 : index
    %swap3A_35 = arith.constant 0 : index
    %swap3A_36 = vector.load %arg14[%swap3A, %swap3A_35] : memref<10000x128xi32, #tpu.memory_space<vmem>>, vector<10000x64xi32>
    tpu.vector_store %arg14[%swap3A, %swap3A_35], %or3A {strides = array<i32>} : memref<10000x128xi32, #tpu.memory_space<vmem>>, vector<10000x64xi32>,
    %get3A_37 = arith.constant 0 : index
    %get3A_38 = arith.constant 0 : index
    %get3A_39 = vector.load %arg5[%get3A_37, %get3A_38] : memref<128x128xf32, #tpu.memory_space<vmem>>, vector<128x128xf32>
    %dot_general3A_40 = arith.constant dense<0.000000e+00> : vector<10000x128xf32>
    %dot_general3A_41 = tpu.matmul %get3A_1, %get3A_39, %dot_general3A_40 {dimension_numbers = #tpu.dot_dimension_numbers<[1], [1], [0], [0], [0, 0, 1, 0], [], []>, transpose_lhs_hint = false} : vector<10000x128xf32>, vector<128x128xf32>, vector<10000x128xf32> -> vector<10000x128xf32>
    %get3A_42 = arith.constant 0 : index
    %get3A_43 = arith.constant 0 : index
    %get3A_44 = vector.load %arg6[%get3A_42, %get3A_43] : memref<1x128xf32, #tpu.memory_space<vmem>>, vector<1x128xf32>
    %add3A_45 = vector.broadcast %get3A_44 : vector<1x128xf32> to vector<10000x128xf32>
    %add3A_46 = arith.addf %dot_general3A_41, %add3A_45 : vector<10000x128xf32>
    %slice3A_47 = vector.extract_strided_slice %add3A_46 {offsets = [0, 0], sizes = [10000, 64], strides = [1, 1]} : vector<10000x128xf32> to vector<10000x64xf32>
    %bitcast_convert_type3A_48 = tpu.bitcast %slice3A_47 : vector<10000x64xf32> -> vector<10000x64xi32>
    %add3A_49 = arith.constant 32767 : i32
    %add3A_50 = vector.broadcast %add3A_49 : i32 to vector<10000x64xi32>
    %add3A_51 = arith.addi %bitcast_convert_type3A_48, %add3A_50 : vector<10000x64xi32>
    %shift_right_arithmetic3A_52 = arith.constant 16 : i32
    %shift_right_arithmetic3A_53 = vector.broadcast %shift_right_arithmetic3A_52 : i32 to vector<10000x64xi32>
    %shift_right_arithmetic3A_54 = arith.shrsi %bitcast_convert_type3A_48, %shift_right_arithmetic3A_53 : vector<10000x64xi32>
    %and3A_55 = arith.constant 1 : i32
    %and3A_56 = vector.broadcast %and3A_55 : i32 to vector<10000x64xi32>
    %and3A_57 = arith.andi %shift_right_arithmetic3A_54, %and3A_56 : vector<10000x64xi32>
    %add3A_58 = arith.addi %add3A_51, %and3A_57 : vector<10000x64xi32>
    %shift_right_logical3A_59 = arith.constant 16 : i32
    %shift_right_logical3A_60 = vector.broadcast %shift_right_logical3A_59 : i32 to vector<10000x64xi32>
    %shift_right_logical3A_61 = arith.shrui %add3A_58, %shift_right_logical3A_60 : vector<10000x64xi32>
    %slice3A_62 = vector.extract_strided_slice %add3A_46 {offsets = [0, 64], sizes = [10000, 64], strides = [1, 1]} : vector<10000x128xf32> to vector<10000x64xf32>
    %bitcast_convert_type3A_63 = tpu.bitcast %slice3A_62 : vector<10000x64xf32> -> vector<10000x64xi32>
    %add3A_64 = arith.constant 32767 : i32
    %add3A_65 = vector.broadcast %add3A_64 : i32 to vector<10000x64xi32>
    %add3A_66 = arith.addi %bitcast_convert_type3A_63, %add3A_65 : vector<10000x64xi32>
    %shift_right_arithmetic3A_67 = arith.constant 16 : i32
    %shift_right_arithmetic3A_68 = vector.broadcast %shift_right_arithmetic3A_67 : i32 to vector<10000x64xi32>
    %shift_right_arithmetic3A_69 = arith.shrsi %bitcast_convert_type3A_63, %shift_right_arithmetic3A_68 : vector<10000x64xi32>
    %and3A_70 = arith.constant 1 : i32
    %and3A_71 = vector.broadcast %and3A_70 : i32 to vector<10000x64xi32>
    %and3A_72 = arith.andi %shift_right_arithmetic3A_69, %and3A_71 : vector<10000x64xi32>
    %add3A_73 = arith.addi %add3A_66, %and3A_72 : vector<10000x64xi32>
    %and3A_74 = arith.constant -65536 : i32
    %and3A_75 = vector.broadcast %and3A_74 : i32 to vector<10000x64xi32>
    %and3A_76 = arith.andi %add3A_73, %and3A_75 : vector<10000x64xi32>
    %or3A_77 = arith.ori %and3A_76, %shift_right_logical3A_61 : vector<10000x64xi32>
    %swap3A_78 = arith.constant 0 : index
    %swap3A_79 = arith.constant 64 : index
    %swap3A_80 = vector.load %arg14[%swap3A_78, %swap3A_79] : memref<10000x128xi32, #tpu.memory_space<vmem>>, vector<10000x64xi32>
    tpu.vector_store %arg14[%swap3A_78, %swap3A_79], %or3A_77 {strides = array<i32>} : memref<10000x128xi32, #tpu.memory_space<vmem>>, vector<10000x64xi32>,
    %get3A_81 = arith.constant 0 : index
    %get3A_82 = arith.constant 0 : index
    %get3A_83 = vector.load %arg3[%get3A_81, %get3A_82] : memref<128x128xf32, #tpu.memory_space<vmem>>, vector<128x128xf32>
    %dot_general3A_84 = arith.constant dense<0.000000e+00> : vector<10000x128xf32>
    %dot_general3A_85 = tpu.matmul %get3A_1, %get3A_83, %dot_general3A_84 {dimension_numbers = #tpu.dot_dimension_numbers<[1], [1], [0], [0], [0, 0, 1, 0], [], []>, transpose_lhs_hint = false} : vector<10000x128xf32>, vector<128x128xf32>, vector<10000x128xf32> -> vector<10000x128xf32>
    %get3A_86 = arith.constant 0 : index
    %get3A_87 = arith.constant 0 : index
    %get3A_88 = vector.load %arg4[%get3A_86, %get3A_87] : memref<1x128xf32, #tpu.memory_space<vmem>>, vector<1x128xf32>
    %add3A_89 = vector.broadcast %get3A_88 : vector<1x128xf32> to vector<10000x128xf32>
    %add3A_90 = arith.addf %dot_general3A_85, %add3A_89 : vector<10000x128xf32>
    %slice3A_91 = vector.extract_strided_slice %add3A_90 {offsets = [0, 0], sizes = [10000, 64], strides = [1, 1]} : vector<10000x128xf32> to vector<10000x64xf32>
    %bitcast_convert_type3A_92 = tpu.bitcast %slice3A_91 : vector<10000x64xf32> -> vector<10000x64xi32>
    %add3A_93 = arith.constant 32767 : i32
    %add3A_94 = vector.broadcast %add3A_93 : i32 to vector<10000x64xi32>
    %add3A_95 = arith.addi %bitcast_convert_type3A_92, %add3A_94 : vector<10000x64xi32>
    %shift_right_arithmetic3A_96 = arith.constant 16 : i32
    %shift_right_arithmetic3A_97 = vector.broadcast %shift_right_arithmetic3A_96 : i32 to vector<10000x64xi32>
    %shift_right_arithmetic3A_98 = arith.shrsi %bitcast_convert_type3A_92, %shift_right_arithmetic3A_97 : vector<10000x64xi32>
    %and3A_99 = arith.constant 1 : i32
    %and3A_100 = vector.broadcast %and3A_99 : i32 to vector<10000x64xi32>
    %and3A_101 = arith.andi %shift_right_arithmetic3A_98, %and3A_100 : vector<10000x64xi32>
    %add3A_102 = arith.addi %add3A_95, %and3A_101 : vector<10000x64xi32>
    %shift_right_logical3A_103 = arith.constant 16 : i32
    %shift_right_logical3A_104 = vector.broadcast %shift_right_logical3A_103 : i32 to vector<10000x64xi32>
    %shift_right_logical3A_105 = arith.shrui %add3A_102, %shift_right_logical3A_104 : vector<10000x64xi32>
    %slice3A_106 = vector.extract_strided_slice %add3A_90 {offsets = [0, 64], sizes = [10000, 64], strides = [1, 1]} : vector<10000x128xf32> to vector<10000x64xf32>
    %bitcast_convert_type3A_107 = tpu.bitcast %slice3A_106 : vector<10000x64xf32> -> vector<10000x64xi32>
    %add3A_108 = arith.constant 32767 : i32
    %add3A_109 = vector.broadcast %add3A_108 : i32 to vector<10000x64xi32>
    %add3A_110 = arith.addi %bitcast_convert_type3A_107, %add3A_109 : vector<10000x64xi32>
    %shift_right_arithmetic3A_111 = arith.constant 16 : i32
    %shift_right_arithmetic3A_112 = vector.broadcast %shift_right_arithmetic3A_111 : i32 to vector<10000x64xi32>
    %shift_right_arithmetic3A_113 = arith.shrsi %bitcast_convert_type3A_107, %shift_right_arithmetic3A_112 : vector<10000x64xi32>
    %and3A_114 = arith.constant 1 : i32
    %and3A_115 = vector.broadcast %and3A_114 : i32 to vector<10000x64xi32>
    %and3A_116 = arith.andi %shift_right_arithmetic3A_113, %and3A_115 : vector<10000x64xi32>
    %add3A_117 = arith.addi %add3A_110, %and3A_116 : vector<10000x64xi32>
    %and3A_118 = arith.constant -65536 : i32
    %and3A_119 = vector.broadcast %and3A_118 : i32 to vector<10000x64xi32>
    %and3A_120 = arith.andi %add3A_117, %and3A_119 : vector<10000x64xi32>
    %or3A_121 = arith.ori %and3A_120, %shift_right_logical3A_105 : vector<10000x64xi32>
    %swap3A_122 = arith.constant 0 : index
    %swap3A_123 = arith.constant 0 : index
    %swap3A_124 = vector.load %arg15[%swap3A_122, %swap3A_123] : memref<10000x64xi32, #tpu.memory_space<vmem>>, vector<10000x64xi32>
    tpu.vector_store %arg15[%swap3A_122, %swap3A_123], %or3A_121 {strides = array<i32>} : memref<10000x64xi32, #tpu.memory_space<vmem>>, vector<10000x64xi32>,
    %get3A_125 = arith.constant 0 : index
    %get3A_126 = arith.constant 0 : index
    %get3A_127 = vector.load %arg7[%get3A_125, %get3A_126] : memref<128x128xf32, #tpu.memory_space<vmem>>, vector<128x128xf32>
    %dot_general3A_128 = arith.constant dense<0.000000e+00> : vector<10000x128xf32>
    %dot_general3A_129 = tpu.matmul %get3A_1, %get3A_127, %dot_general3A_128 {dimension_numbers = #tpu.dot_dimension_numbers<[1], [1], [0], [0], [0, 0, 1, 0], [], []>, transpose_lhs_hint = false} : vector<10000x128xf32>, vector<128x128xf32>, vector<10000x128xf32> -> vector<10000x128xf32>
    %get3A_130 = arith.constant 0 : index
    %get3A_131 = arith.constant 0 : index
    %get3A_132 = vector.load %arg8[%get3A_130, %get3A_131] : memref<1x128xf32, #tpu.memory_space<vmem>>, vector<1x128xf32>
    %add3A_133 = vector.broadcast %get3A_132 : vector<1x128xf32> to vector<10000x128xf32>
    %add3A_134 = arith.addf %dot_general3A_129, %add3A_133 : vector<10000x128xf32>
    %swap3A_135 = arith.constant 0 : index
    %swap3A_136 = arith.constant 0 : index
    %swap3A_137 = vector.load %arg16[%swap3A_135, %swap3A_136] : memref<10000x128xf32, #tpu.memory_space<vmem>>, vector<10000x128xf32>
    tpu.vector_store %arg16[%swap3A_135, %swap3A_136], %add3A_134 {strides = array<i32>} : memref<10000x128xf32, #tpu.memory_space<vmem>>, vector<10000x128xf32>,
    %get3A_138 = arith.constant 0 : index
    %get3A_139 = arith.constant 0 : index
    %get3A_140 = vector.load %arg9[%get3A_138, %get3A_139] : memref<50x25xf32, #tpu.memory_space<vmem>>, vector<50x25xf32>
    %get3A_141 = arith.constant 0 : index
    %get3A_142 = arith.constant 0 : index
    %get3A_143 = vector.load %arg10[%get3A_141, %get3A_142] : memref<25x128xf32, #tpu.memory_space<vmem>>, vector<25x128xf32>
    %dot_general3A_144 = arith.constant dense<0.000000e+00> : vector<50x128xf32>
    %dot_general3A_145 = tpu.matmul %get3A_140, %get3A_143, %dot_general3A_144 {dimension_numbers = #tpu.dot_dimension_numbers<[1], [0], [0], [1], [0, 0, 1, 1], [], []>, transpose_lhs_hint = false} : vector<50x25xf32>, vector<25x128xf32>, vector<50x128xf32> -> vector<50x128xf32>
    %slice3A_146 = vector.extract_strided_slice %dot_general3A_145 {offsets = [0, 0], sizes = [50, 64], strides = [1, 1]} : vector<50x128xf32> to vector<50x64xf32>
    %bitcast_convert_type3A_147 = tpu.bitcast %slice3A_146 : vector<50x64xf32> -> vector<50x64xi32>
    %add3A_148 = arith.constant 32767 : i32
    %add3A_149 = vector.broadcast %add3A_148 : i32 to vector<50x64xi32>
    %add3A_150 = arith.addi %bitcast_convert_type3A_147, %add3A_149 : vector<50x64xi32>
    %shift_right_arithmetic3A_151 = arith.constant 16 : i32
    %shift_right_arithmetic3A_152 = vector.broadcast %shift_right_arithmetic3A_151 : i32 to vector<50x64xi32>
    %shift_right_arithmetic3A_153 = arith.shrsi %bitcast_convert_type3A_147, %shift_right_arithmetic3A_152 : vector<50x64xi32>
    %and3A_154 = arith.constant 1 : i32
    %and3A_155 = vector.broadcast %and3A_154 : i32 to vector<50x64xi32>
    %and3A_156 = arith.andi %shift_right_arithmetic3A_153, %and3A_155 : vector<50x64xi32>
    %add3A_157 = arith.addi %add3A_150, %and3A_156 : vector<50x64xi32>
    %shift_right_logical3A_158 = arith.constant 16 : i32
    %shift_right_logical3A_159 = vector.broadcast %shift_right_logical3A_158 : i32 to vector<50x64xi32>
    %shift_right_logical3A_160 = arith.shrui %add3A_157, %shift_right_logical3A_159 : vector<50x64xi32>
    %slice3A_161 = vector.extract_strided_slice %dot_general3A_145 {offsets = [0, 64], sizes = [50, 64], strides = [1, 1]} : vector<50x128xf32> to vector<50x64xf32>
    %bitcast_convert_type3A_162 = tpu.bitcast %slice3A_161 : vector<50x64xf32> -> vector<50x64xi32>
    %add3A_163 = arith.constant 32767 : i32
    %add3A_164 = vector.broadcast %add3A_163 : i32 to vector<50x64xi32>
    %add3A_165 = arith.addi %bitcast_convert_type3A_162, %add3A_164 : vector<50x64xi32>
    %shift_right_arithmetic3A_166 = arith.constant 16 : i32
    %shift_right_arithmetic3A_167 = vector.broadcast %shift_right_arithmetic3A_166 : i32 to vector<50x64xi32>
    %shift_right_arithmetic3A_168 = arith.shrsi %bitcast_convert_type3A_162, %shift_right_arithmetic3A_167 : vector<50x64xi32>
    %and3A_169 = arith.constant 1 : i32
    %and3A_170 = vector.broadcast %and3A_169 : i32 to vector<50x64xi32>
    %and3A_171 = arith.andi %shift_right_arithmetic3A_168, %and3A_170 : vector<50x64xi32>
    %add3A_172 = arith.addi %add3A_165, %and3A_171 : vector<50x64xi32>
    %and3A_173 = arith.constant -65536 : i32
    %and3A_174 = vector.broadcast %and3A_173 : i32 to vector<50x64xi32>
    %and3A_175 = arith.andi %add3A_172, %and3A_174 : vector<50x64xi32>
    %or3A_176 = arith.ori %and3A_175, %shift_right_logical3A_160 : vector<50x64xi32>
    %swap3A_177 = arith.constant 0 : index
    %swap3A_178 = arith.constant 0 : index
    %swap3A_179 = vector.load %arg17[%swap3A_177, %swap3A_178] : memref<50x64xi32, #tpu.memory_space<vmem>>, vector<50x64xi32>
    tpu.vector_store %arg17[%swap3A_177, %swap3A_178], %or3A_176 {strides = array<i32>} : memref<50x64xi32, #tpu.memory_space<vmem>>, vector<50x64xi32>,
    %get3A_180 = arith.constant 0 : index
    %get3A_181 = arith.constant 0 : index
    %get3A_182 = vector.load %arg11[%get3A_180, %get3A_181] : memref<49x128xf32, #tpu.memory_space<vmem>>, vector<49x128xf32>
    %get3A_183 = arith.constant 0 : index
    %get3A_184 = arith.constant 0 : index
    %get3A_185 = vector.load %arg12[%get3A_183, %get3A_184] : memref<128x128xf32, #tpu.memory_space<vmem>>, vector<128x128xf32>
    %dot_general3A_186 = arith.constant dense<0.000000e+00> : vector<49x128xf32>
    %dot_general3A_187 = tpu.matmul %get3A_182, %get3A_185, %dot_general3A_186 {dimension_numbers = #tpu.dot_dimension_numbers<[1], [1], [0], [0], [0, 0, 1, 0], [], []>, transpose_lhs_hint = false} : vector<49x128xf32>, vector<128x128xf32>, vector<49x128xf32> -> vector<49x128xf32>
    %get3A_188 = arith.constant 0 : index
    %get3A_189 = arith.constant 0 : index
    %get3A_190 = vector.load %arg13[%get3A_188, %get3A_189] : memref<1x128xf32, #tpu.memory_space<vmem>>, vector<1x128xf32>
    %add3A_191 = vector.broadcast %get3A_190 : vector<1x128xf32> to vector<49x128xf32>
    %add3A_192 = arith.addf %dot_general3A_187, %add3A_191 : vector<49x128xf32>
    %swap3A_193 = arith.constant 0 : index
    %swap3A_194 = arith.constant 0 : index
    %swap3A_195 = vector.load %arg18[%swap3A_193, %swap3A_194] : memref<49x128xf32, #tpu.memory_space<vmem>>, vector<49x128xf32>
    tpu.vector_store %arg18[%swap3A_193, %swap3A_194], %add3A_192 {strides = array<i32>} : memref<49x128xf32, #tpu.memory_space<vmem>>, vector<49x128xf32>,
    return
  }
}

module attributes {stable_mosaic.version = 14 : i64} {
  func.func @_fin_body(%arg0: memref<2x10000x128xf32, #tpu.memory_space<vmem>>, %arg1: memref<2x10000x16xf32, #tpu.memory_space<vmem>>, %arg2: memref<10000x128xf32, #tpu.memory_space<vmem>>, %arg3: memref<1x1xf32, #tpu.memory_space<vmem>>, %arg4: memref<1x128xf32, #tpu.memory_space<vmem>>, %arg5: memref<1x128xf32, #tpu.memory_space<vmem>>, %arg6: memref<10000x128xf32, #tpu.memory_space<vmem>>) attributes {dimension_semantics = [], scalar_prefetch = 0 : i64, scratch_operands = 0 : i64, tpu.core_type = #tpu.core_type<tc>} {
    %get3A = arith.constant 0 : index
    %get3A_0 = arith.constant 0 : index
    %get3A_1 = arith.constant 0 : index
    %get3A_2 = vector.load %arg0[%get3A, %get3A_0, %get3A_1] : memref<2x10000x128xf32, #tpu.memory_space<vmem>>, vector<1x10000x128xf32>
    %get3A_3 = vector.shape_cast %get3A_2 : vector<1x10000x128xf32> to vector<10000x128xf32>
    %get3A_4 = arith.constant 1 : index
    %get3A_5 = arith.constant 0 : index
    %get3A_6 = arith.constant 0 : index
    %get3A_7 = vector.load %arg0[%get3A_4, %get3A_5, %get3A_6] : memref<2x10000x128xf32, #tpu.memory_space<vmem>>, vector<1x10000x128xf32>
    %get3A_8 = vector.shape_cast %get3A_7 : vector<1x10000x128xf32> to vector<10000x128xf32>
    %add3A = arith.addf %get3A_3, %get3A_8 : vector<10000x128xf32>
    %get3A_9 = arith.constant 0 : index
    %get3A_10 = arith.constant 0 : index
    %get3A_11 = arith.constant 0 : index
    %get3A_12 = vector.load %arg1[%get3A_9, %get3A_10, %get3A_11] : memref<2x10000x16xf32, #tpu.memory_space<vmem>>, vector<1x10000x16xf32>
    %get3A_13 = vector.shape_cast %get3A_12 : vector<1x10000x16xf32> to vector<10000x16xf32>
    %get3A_14 = arith.constant 1 : index
    %get3A_15 = arith.constant 0 : index
    %get3A_16 = arith.constant 0 : index
    %get3A_17 = vector.load %arg1[%get3A_14, %get3A_15, %get3A_16] : memref<2x10000x16xf32, #tpu.memory_space<vmem>>, vector<1x10000x16xf32>
    %get3A_18 = vector.shape_cast %get3A_17 : vector<1x10000x16xf32> to vector<10000x16xf32>
    %add3A_19 = arith.addf %get3A_13, %get3A_18 : vector<10000x16xf32>
    %reduce_sum3A = arith.constant dense<0.000000e+00> : vector<10000xf32>
    %reduce_sum3A_20 = vector.multi_reduction <add>, %add3A_19, %reduce_sum3A [1] : vector<10000x16xf32> to vector<10000xf32>
    %broadcast_in_dim3A = vector.shape_cast %reduce_sum3A_20 : vector<10000xf32> to vector<10000x1xf32>
    %gt3A = arith.constant 0.000000e+00 : f32
    %gt3A_21 = vector.broadcast %gt3A : f32 to vector<10000x1xf32>
    %gt3A_22 = arith.cmpf ogt, %broadcast_in_dim3A, %gt3A_21 : vector<10000x1xf32>
    %jit3A = arith.constant 1.000000e+00 : f32
    %broadcast_in_dim3A_23 = vector.broadcast %jit3A : f32 to vector<10000x1xf32>
    %select_n3A = arith.select %gt3A_22, %broadcast_in_dim3A, %broadcast_in_dim3A_23 : vector<10000x1xi1>, vector<10000x1xf32>
    %div3A = vector.broadcast %select_n3A : vector<10000x1xf32> to vector<10000x128xf32>
    %div3A_24 = arith.divf %add3A, %div3A : vector<10000x128xf32>
    %get3A_25 = arith.constant 0 : index
    %get3A_26 = arith.constant 0 : index
    %get3A_27 = vector.load %arg3[%get3A_25, %get3A_26] : memref<1x1xf32, #tpu.memory_space<vmem>>, vector<1x1xf32>
    %get3A_28 = vector.extract %get3A_27[0, 0] : f32 from vector<1x1xf32>
    %logistic3A = arith.negf %get3A_28 : f32
    %logistic3A_29 = math.exp %logistic3A : f32
    %logistic3A_30 = arith.constant 1.000000e+00 : f32
    %logistic3A_31 = arith.addf %logistic3A_30, %logistic3A_29 : f32
    %logistic3A_32 = arith.divf %logistic3A_30, %logistic3A_31 : f32
    %get3A_33 = arith.constant 0 : index
    %get3A_34 = arith.constant 0 : index
    %get3A_35 = vector.load %arg2[%get3A_33, %get3A_34] : memref<10000x128xf32, #tpu.memory_space<vmem>>, vector<10000x128xf32>
    %mul3A = vector.broadcast %logistic3A_32 : f32 to vector<10000x128xf32>
    %mul3A_36 = arith.mulf %mul3A, %get3A_35 : vector<10000x128xf32>
    %sub3A = arith.constant 1.000000e+00 : f32
    %sub3A_37 = arith.subf %sub3A, %logistic3A_32 : f32
    %mul3A_38 = vector.broadcast %sub3A_37 : f32 to vector<10000x128xf32>
    %mul3A_39 = arith.mulf %mul3A_38, %div3A_24 : vector<10000x128xf32>
    %add3A_40 = arith.addf %mul3A_36, %mul3A_39 : vector<10000x128xf32>
    %reduce_sum3A_41 = arith.constant dense<0.000000e+00> : vector<128xf32>
    %reduce_sum3A_42 = vector.multi_reduction <add>, %add3A_40, %reduce_sum3A_41 [0] : vector<10000x128xf32> to vector<128xf32>
    %broadcast_in_dim3A_43 = vector.shape_cast %reduce_sum3A_42 : vector<128xf32> to vector<1x128xf32>
    %div3A_44 = arith.constant 1.000000e+04 : f32
    %div3A_45 = vector.broadcast %div3A_44 : f32 to vector<1x128xf32>
    %div3A_46 = arith.divf %broadcast_in_dim3A_43, %div3A_45 : vector<1x128xf32>
    %sub3A_47 = vector.broadcast %div3A_46 : vector<1x128xf32> to vector<10000x128xf32>
    %sub3A_48 = arith.subf %add3A_40, %sub3A_47 : vector<10000x128xf32>
    %integer_pow3A = arith.mulf %sub3A_48, %sub3A_48 : vector<10000x128xf32>
    %reduce_sum3A_49 = arith.constant dense<0.000000e+00> : vector<128xf32>
    %reduce_sum3A_50 = vector.multi_reduction <add>, %integer_pow3A, %reduce_sum3A_49 [0] : vector<10000x128xf32> to vector<128xf32>
    %broadcast_in_dim3A_51 = vector.shape_cast %reduce_sum3A_50 : vector<128xf32> to vector<1x128xf32>
    %div3A_52 = arith.constant 1.000000e+04 : f32
    %div3A_53 = vector.broadcast %div3A_52 : f32 to vector<1x128xf32>
    %div3A_54 = arith.divf %broadcast_in_dim3A_51, %div3A_53 : vector<1x128xf32>
    %sub3A_55 = vector.broadcast %div3A_46 : vector<1x128xf32> to vector<10000x128xf32>
    %sub3A_56 = arith.subf %add3A_40, %sub3A_55 : vector<10000x128xf32>
    %add3A_57 = arith.constant 9.99999974E-6 : f32
    %add3A_58 = vector.broadcast %add3A_57 : f32 to vector<1x128xf32>
    %add3A_59 = arith.addf %div3A_54, %add3A_58 : vector<1x128xf32>
    %rsqrt3A = math.rsqrt %add3A_59 : vector<1x128xf32>
    %mul3A_60 = vector.broadcast %rsqrt3A : vector<1x128xf32> to vector<10000x128xf32>
    %mul3A_61 = arith.mulf %sub3A_56, %mul3A_60 : vector<10000x128xf32>
    %get3A_62 = arith.constant 0 : index
    %get3A_63 = arith.constant 0 : index
    %get3A_64 = vector.load %arg4[%get3A_62, %get3A_63] : memref<1x128xf32, #tpu.memory_space<vmem>>, vector<1x128xf32>
    %mul3A_65 = vector.broadcast %get3A_64 : vector<1x128xf32> to vector<10000x128xf32>
    %mul3A_66 = arith.mulf %mul3A_61, %mul3A_65 : vector<10000x128xf32>
    %get3A_67 = arith.constant 0 : index
    %get3A_68 = arith.constant 0 : index
    %get3A_69 = vector.load %arg5[%get3A_67, %get3A_68] : memref<1x128xf32, #tpu.memory_space<vmem>>, vector<1x128xf32>
    %add3A_70 = vector.broadcast %get3A_69 : vector<1x128xf32> to vector<10000x128xf32>
    %add3A_71 = arith.addf %mul3A_66, %add3A_70 : vector<10000x128xf32>
    %tanh3A = math.tanh %add3A_71 : vector<10000x128xf32>
    %swap3A = arith.constant 0 : index
    %swap3A_72 = arith.constant 0 : index
    %swap3A_73 = vector.load %arg6[%swap3A, %swap3A_72] : memref<10000x128xf32, #tpu.memory_space<vmem>>, vector<10000x128xf32>
    tpu.vector_store %arg6[%swap3A, %swap3A_72], %tanh3A {strides = array<i32>} : memref<10000x128xf32, #tpu.memory_space<vmem>>, vector<10000x128xf32>,
    return
  }
}

</mosaic_0001>

<sc_bundles>
// kernel: kernel.5.cloned.1.call-start
scs
__scs_entry_jumppad:
0x0: {  	(pc) =	sbr.rel $0x88, $3  }
0x1: {  	(tag) =	ssettag $0x0;
	lr =	simm.s32 $0x1  }
0x2: {  	[smem:$0x3F8E] =	sst lr;
	_ =	strace $0xD0000000  }
0x3: {  	_ = 	snop  }
0x4: {  	_ = 	snop  }
0x5: {  	_ = 	snop  }
0x6: {  	_ = 	snop  }
0x7: {  	_ = 	snop  }
__scs_overlays_trampoline_lowered:
0x8: {  	[smem:$0x3F9D] =	sst s0  }
0x9: {  	[smem:$0x3F9E] =	sst s1  }
0xa: {  	[smem:$0x3F9F] =	sst s2  }
0xb: {  	[smem:$0x3FA0] =	sst s3  }
0xc: {  	[smem:$0x3FA1] =	sst s4  }
0xd: {  	[smem:$0x3FA2] =	sst s5  }
0xe: {  	[smem:$0x3FA3] =	sst s6  }
0xf: {  	[smem:$0x3FA4] =	sst s7  }
0x10: {  	[smem:$0x3FA5] =	sst s8  }
0x11: {  	[smem:$0x3FA6] =	sst s9;
	s0 =	simm.s32 @!p0 $0x0  }
0x12: {  	s1 =	sld [smem:$0x3F8C];
	s0 =	simm.s32 @p0 $0x1  }
0x13: {  	[smem:$0x3FA7] =	sst s0;
	s0 =	simm.s32 @!p1 $0x0  }
0x14: {  	s2 =	sld [smem:$0x3F8B];
	s0 =	simm.s32 @p1 $0x1  }
0x15: {  	[smem:$0x3FA8] =	sst s0;
	s0 =	simm.s32 @!p2 $0x0  }
0x16: {  	s3 =	sld [smem:$0x3FDB];
	s0 =	simm.s32 @p2 $0x1  }
0x17: {  	s4 =	simm.s32 $0x1BF5;
	[smem:$0x3FAA] =	sst s0  }
0x18: {  	s0 =	sld [smem:$0x3F8D];
	_ =	swait.ge [sflag:s4], $0x0  }
0x19: {  	s7 =	sld [smem:$0x3F8E]  }
0x1a: {  	s8 =	sadd.s32 $0xFFFFE003, lr  }
0x1b: {  	s9 =	sadd.s32 $0xFFFFFEF7, lr;
	s5 =	simm.s32 $0xFFFFFFFF;
	p2 =	slt.u32 s8, $0xFFFFF086  }
0x1c: {  	p1 =	slt.u32 s9, $0xF7A;
	s5 =	simm.s32 @!p2 $0x0  }
0x1d: {  	s5 =	simm.s32 @p1 $0x1;
	p0 =	seq.s32 s7, s2  }
0x1e: {  	s7 =	smul.u32 @!p0 $0xF7A, s2;
	p2 =	seq.s32 @!p0 s5, $0x0  }
0x1f: {  	s9 =	smul.u32 $0xF7A, s1;
	s8 =	simm.s32 @!p0 $0x1BF5;
	p2 =	por !p2, p0  }
0x20: {  	[sflag:s8] =	ssyncset.s32 @!p0 $0xFFFFF086;
	s6 =	sadd.s32 @!p0 s3, s7;
	s7 =	simm.s32 @!p0 $0x108  }
0x21: {  	s3 =	sadd.s32 s3, s9;
	s6 =	sadd.s32 @!p0 $0x88, s6;
	s7 =	simm.s32 @p2 $0x1082  }
0x22: {  	[simem:s7], [sflag:s8] =	dma.local @!p0 [hbm:s6], $0xF7A  }
0x23: {  	s9 =	sor.u32 $0xD0000000, s2;
	s6 =	simm.s32 $0x108;
	_ =	swait.ge @!p0 [sflag:s8], $0x0  }
0x24: {  	s3 =	sadd.s32 $0x88, s3;
	s6 =	simm.s32 @!p1 $0x1082;
	[sflag:s4] =	ssyncset.s32 $0xFFFFF086  }
0x25: {  	[simem:s6], [sflag:s4] =	dma.local [hbm:s3], $0xF7A  }
0x26: {  	[smem:$0x3F8E] =	sst s1;
	(tag) =	ssettag s2;
	_ =	strace s9  }
0x27: {  	s1 =	sld [smem:$0x3F9E]  }
0x28: {  	s2 =	sld [smem:$0x3F9F]  }
0x29: {  	s4 =	sld [smem:$0x3FA1]  }
0x2a: {  	p0 =	seq.s32 s5, $0x0;
	s5 =	sld [smem:$0x3FA2]  }
0x2b: {  	s6 =	sld [smem:$0x3FA3]  }
0x2c: {  	s7 =	sld [smem:$0x3FA4]  }
0x2d: {  	s3 =	simm.s32 $0x108;
	s8 =	sld [smem:$0x3FA5]  }
0x2e: {  	s3 =	simm.s32 @!p0 $0x1082;
	s9 =	sld [smem:$0x3FA6]  }
0x2f: {  	lr =	sadd.s32 s0, s3;
	s0 =	sld [smem:$0x3F9D]  }
0x30: {  	s3 =	sld [smem:$0x3FA0]  }
0x31: {  	[smem:$0x3FA9] =	sst s10  }
0x32: {  	s10 =	sld [smem:$0x3FA7];
	_ =	sdelay $0x3  }
0x33: {  	p0 =	seq.s32 s10, $0x1;
	s10 =	sld [smem:$0x3FA9];
	_ =	sdelay $0x3  }
0x34: {  	[smem:$0x3FA9] =	sst s10  }
0x35: {  	s10 =	sld [smem:$0x3FA8];
	_ =	sdelay $0x3  }
0x36: {  	p1 =	seq.s32 s10, $0x1;
	s10 =	sld [smem:$0x3FA9];
	_ =	sdelay $0x3  }
0x37: {  	[smem:$0x3FA9] =	sst s10  }
0x38: {  	s10 =	sld [smem:$0x3FAA]  }
0x39: {  	_ = 	snop;
	(pc) =	sbr.ind lr, $3  }
0x3a: {  	_ = 	snop  }
0x3b: {  	_ = 	snop  }
0x3c: {  	p2 =	seq.s32 s10, $0x1;
	s10 =	sld [smem:$0x3FA9]  }
0x3d: {  	_ =	shalt  }
0x3e: {  	_ =	shalt  }
0x3f: {  	_ =	shalt  }
0x40: {  	_ =	shalt  }
0x41: {  	_ =	shalt  }
0x42: {  	_ =	shalt  }
0x43: {  	_ =	shalt  }
0x44: {  	_ =	shalt  }
0x45: {  	_ =	shalt  }
0x46: {  	_ =	shalt  }
0x47: {  	_ =	shalt  }
0x48: {  	_ =	shalt  }
0x49: {  	_ =	shalt  }
0x4a: {  	_ =	shalt  }
0x4b: {  	_ =	shalt  }
0x4c: {  	_ =	shalt  }
0x4d: {  	_ =	shalt  }
0x4e: {  	_ =	shalt  }
0x4f: {  	_ =	shalt  }
0x50: {  	_ =	shalt  }
0x51: {  	_ =	shalt  }
0x52: {  	_ =	shalt  }
0x53: {  	_ =	shalt  }
0x54: {  	_ =	shalt  }
0x55: {  	_ =	shalt  }
0x56: {  	_ =	shalt  }
0x57: {  	_ =	shalt  }
0x58: {  	_ =	shalt  }
0x59: {  	_ =	shalt  }
0x5a: {  	_ =	shalt  }
0x5b: {  	_ =	shalt  }
0x5c: {  	_ =	shalt  }
0x5d: {  	_ =	shalt  }
0x5e: {  	_ =	shalt  }
0x5f: {  	_ =	shalt  }
0x60: {  	_ =	shalt  }
0x61: {  	_ =	shalt  }
0x62: {  	_ =	shalt  }
0x63: {  	_ =	shalt  }
0x64: {  	_ =	shalt  }
0x65: {  	_ =	shalt  }
0x66: {  	_ =	shalt  }
0x67: {  	_ =	shalt  }
0x68: {  	_ =	shalt  }
0x69: {  	_ =	shalt  }
0x6a: {  	_ =	shalt  }
0x6b: {  	_ =	shalt  }
0x6c: {  	_ =	shalt  }
0x6d: {  	_ =	shalt  }
0x6e: {  	_ =	shalt  }
0x6f: {  	_ =	shalt  }
0x70: {  	_ =	shalt  }
0x71: {  	_ =	shalt  }
0x72: {  	_ =	shalt  }
0x73: {  	_ =	shalt  }
0x74: {  	_ =	shalt  }
0x75: {  	_ =	shalt  }
0x76: {  	_ =	shalt  }
0x77: {  	_ =	shalt  }
0x78: {  	_ =	shalt  }
0x79: {  	_ =	shalt  }
0x7a: {  	_ =	shalt  }
0x7b: {  	_ =	shalt  }
0x7c: {  	_ =	shalt  }
0x7d: {  	_ =	shalt  }
0x7e: {  	_ =	shalt  }
0x7f: {  	_ =	shalt  }
0x80: {  	_ =	shalt  }
0x81: {  	_ =	shalt  }
0x82: {  	_ =	shalt  }
0x83: {  	_ =	shalt  }
0x84: {  	_ =	shalt  }
0x85: {  	_ =	shalt  }
0x86: {  	_ =	shalt  }
0x87: {  	_ =	shalt  }
.Lfunc_end0:
.L_simem_size_0:
called_computation_lowered:
.L_overlay_start_0:
0x88: {  	s2 =	sld [smem:$0x3FD9]  }
0x89: {  	s3 =	sld [smem:$0x3FFE];
	_ =	sdelay $0x1  }
0x8a: {  	s1 =	srdreg.scid  }
0x8b: {  	s0 =	sand.u32 $0x1, s1  }
0x8c: {  	s14 =	sshll.u32 s0, $0xA;
	s2 =	sadd.s32 s3, s2  }
0x8d: {  	s2 =	sadd.s32 s2, s14  }
0x8e: {  	[smem:$0x3FB5] =	sst s2  }
0x8f: {  	_ = 	snop  }
0x90: {  	s2 =	sld [smem:$0x3FD0];
	_ =	sdelay $0x2  }
0x91: {  	s4 =	simm.s32 $0xA;
	s5 =	simm.s32 $0x10;
	s15 =	sld [smem:$0x3FC6]  }
0x92: {  	[smem:s5], [sflag:s4] =	dma.local [hbm:s2], $0x1  }
0x93: {  	_ =	swait.eq [sflag:s4], $0x1  }
0x94: {  	[sflag:s4] =	ssyncset.done $0x0  }
0x95: {  	[sflag:s4] =	ssyncadd.s32 $0xFFFFFFFF  }
0x96: {  	s16 =	sld [smem:$0x10];
	(tm) =	ssettm $0x1  }
0x97: {  	s17 =	sld [smem:$0x3FFB];
	_ =	sdelay $0x3  }
0x98: {  	_ =	strace s17  }
0x99: {  	s4 =	sld [smem:$0x3FFC];
	_ =	sdelay $0x3  }
0x9a: {  	_ =	strace s4  }
0x9b: {  	s4 =	sld [smem:$0x3FFD];
	_ =	sdelay $0x3  }
0x9c: {  	_ =	strace s4  }
0x9d: {  	_ =	strace $0x8FFFFFFF  }
0x9e: {  	s18 =	sld [smem:$0x3FDB];
	_ =	sdelay $0x1  }
0x9f: {  	s19 =	simm.s32 $_scs_section_size  }
0xa0: {  	s6 =	simm.s32 $_size__tile_overlayer_lowered;
	s7 =	simm.s32 $_tile_overlayer_lowered  }
0xa1: {  	s22 =	simm.s32 $0x1BFF;
	s21 =	sshll.u32 s7, $0x1;
	s4 =	sadd.s32 s19, s18  }
0xa2: {  	s8 =	simm.s32 $0x0;
	s20 =	sshll.u32 s6, $0x1;
	s6 =	sadd.s32 s21, s4  }
0xa3: {  	[timem:s8], [sflag:s22] =	dma.local [hbm:s6], s20  }
0xa4: {  	_ =	swait.ge [sflag:s22], s20  }
0xa5: {  	s5 =	ssub.s32 $0x0, s20;
	[sflag:s22] =	ssyncset.done $0x0  }
0xa6: {  	[sflag:s22] =	ssyncadd.s32 s5;
	_ =	sdelay $0x1  }
0xa7: {  	s23 =	simm.s32 $0x1B8B  }
0xa8: {  	_ =	swait.ge [sflag:s23], $0x1  }
0xa9: {  	[sflag:s23] =	ssyncset.done $0x0  }
0xaa: {  	s25 =	simm.s32 $0x1B8E;
	s24 =	sld [smem:$0x3FFE];
	[sflag:s23] =	ssyncadd.s32 $0xFFFFFFFF  }
0xab: {  	s26 =	simm.s32 $execute0_lowered;
	[smem:$0x3FD2] =	sst s25  }
0xac: {  	s6 =	sshll.u32 s26, $0x1;
	_ =	strace $0x80000046;
	[dreg:$0x1] =	wrdreg $0xFFFFFFFF  }
0xad: {  	s28 =	simm.s32 $_size_execute0_lowered;
	s4 =	sadd.s32 s4, s6;
	[dreg:$0x0] =	wrdreg $0x0  }
0xae: {  	s6 =	sshll.u32 s28, $0x1;
	[dreg:$0x2] =	wrdreg s4  }
0xaf: {  	[dreg:$0x3] =	wrdreg s6  }
0xb0: {  	[dreg:$0x4] =	wrdreg $0xC0  }
0xb1: {  	_ =	task [dreg:s8], $0x5FFFF  }
0xb2: {  	[dreg:$0x1] =	wrdreg $0xFFFFFFFF  }
0xb3: {  	[dreg:$0x0] =	wrdreg $0x60  }
0xb4: {  	[dreg:$0x2] =	wrdreg s16  }
0xb5: {  	[dreg:$0x3] =	wrdreg s24  }
0xb6: {  	[dreg:$0x4] =	wrdreg s15  }
0xb7: {  	[dreg:$0x5] =	wrdreg $0x8C500  }
0xb8: {  	[dreg:$0x6] =	wrdreg $0x1C4D00  }
0xb9: {  	[dreg:$0x7] =	wrdreg $0x9  }
0xba: {  	_ =	task.clear_ibuf [dreg:s8], $0x8FFFF;
	_ =	strace $0x90000046  }
0xbb: {  	s29 =	simm.s32 $0x9;
	_ =	strace $0x80000050  }
0xbc: {  	_ =	swait.ge [sflag:s29], $0x1  }
0xbd: {  	[sflag:s29] =	ssyncadd.s32 $0xFFFFFFFF  }
0xbe: {  	_ =	strace $0x90000050  }
0xbf: {  	_ =	sfence  }
0xc0: {  	s30 =	sld [smem:$0x0];
	_ =	sdelay $0x2  }
0xc1: {  	s31 =	sshll.u32 s1, $0xD;
	s1 =	sshrl.u32 s1, $0x2  }
0xc2: {  	s3 =	sand.u32 $0x4000, s31;
	s1 =	sadd.s32 s1, s30  }
0xc3: {  	s0 =	sor.u32 s3, s0;
	s1 =	sshll.u32 s1, $0x11  }
0xc4: {  	s0 =	sor.u32 s1, s0  }
0xc5: {  	s0 =	sadd.s32 $0x8F2B, s0  }
0xc6: {  	[sflag:s0] =	ssyncadd.remote.s32 $0x1  }
0xc7: {  	_ =	sfence.sel $0xFFFF  }
0xc8: {  	[dreg:$0x0] =	wrdreg $0xFFFFFFFF;
	(pc) =	sbr.abs _section_cstart, $3  }
0xc9: {  	[dreg:$0x1] =	wrdreg $0xFFFFFFFF  }
0xca: {  	_ =	task.clear_ibuf [dreg:s8], $0x2FFFF;
	_ =	strace $0x9FFFFFFF  }
0xcb: {  	(tm) =	ssettm $0x7FFFFFFF  }
tec
execute0_lowered:
.L_overlay_start_1:
0x0: {  	(tag) =	ssettag $0x1  }
0x1: {  	s0 =	srdreg.scid;
	s25 =	rddreg [dreg:$0x1]  }
0x2: {  	s1 =	simm.s32 $0x0;
	s22 =	stileid.u32;
	s7 =	sand.u32 $0x1, s0  }
0x3: {  	[smem:$0x7FF] =	sst s1;
	s3 =	sshll.u32 s22, $0x1;
	s12 =	sadd.s32 $0x34000, s25  }
0x4: {  	s5 =	sor.u32 $0x10, s22;
	s29 =	sor.u32 $0x20, s22;
	s24 =	sor.u32 $0x30, s22  }
0x5: {  	s19 =	sor.u32 $0x40, s22;
	s10 =	smul.u32 $0x2800, s22;
	s17 =	sor.u32 $0x50, s22  }
0x6: {  	s16 =	sor.u32 $0x60, s22;
	s9 =	sor.u32 s7, s3;
	s8 =	smul.u32 $0x138800, s7  }
0x7: {  	s15 =	sor.u32 $0x70, s22;
	s11 =	smul.u32 $0x2800, s5;
	[smem:$0x7DD] =	sst s9  }
0x8: {  	s0 =	ssub.s32 $0x2, s7;
	s13 =	smul.u32 $0x2800, s29;
	[smem:$0x7E5] =	sst s10  }
0x9: {  	s21 =	smul.u32 $0x2800, s19;
	s2 =	sshrl.u32 s0, $0x1;
	[smem:$0x7E6] =	sst s11  }
0xa: {  	s23 =	smul.u32 $0x27100, s7;
	s0 =	ssub.s32 s0, s2;
	[smem:$0x7E7] =	sst s13  }
0xb: {  	s6 =	sadd.s32 s10, s8;
	s10 =	sadd.s32 s8, s11;
	[smem:$0x7E8] =	sst s21  }
0xc: {  	s20 =	sadd.s32 s8, s13;
	s4 =	sadd.s32 s8, s21;
	[smem:$0x7E9] =	sst s0  }
0xd: {  	s9 =	sshrl.u32 s6, $0x3;
	s6 =	smul.u32 $0x2800, s24;
	s18 =	sshrl.u32 s10, $0x3  }
0xe: {  	s13 =	sshrl.u32 s20, $0x3;
	s10 =	smul.u32 $0x2800, s17;
	s14 =	sadd.s32 s12, s9  }
0xf: {  	s26 =	sadd.s32 s12, s18;
	s30 =	sadd.s32 s12, s13;
	[dreg:$0x6] =	wrdreg s14  }
0x10: {  	s9 =	sshrl.u32 s4, $0x3;
	s11 =	sadd.s32 s8, s6;
	[dreg:$0x7] =	wrdreg s26  }
0x11: {  	[dreg:$0x8] =	wrdreg s30;
	s7 =	sadd.s32 s8, s10;
	s9 =	sadd.s32 s12, s9  }
0x12: {  	s14 =	smul.u32 $0x2800, s15;
	s11 =	sshrl.u32 s11, $0x3;
	[dreg:$0xa] =	wrdreg s9  }
0x13: {  	s13 =	sshrl.u32 s7, $0x3;
	s9 =	rddreg [dreg:$0x2];
	s7 =	smul.u32 $0x500, s24  }
0x14: {  	s3 =	sadd.s32 s12, s11;
	s18 =	sadd.s32 s12, s13;
	s13 =	rddreg [dreg:$0x4]  }
0x15: {  	s0 =	sadd.s32 $0x2A200, s25;
	s11 =	smul.u32 $0x2800, s16;
	[dreg:$0x9] =	wrdreg s3  }
0x16: {  	s26 =	sadd.s32 s8, s14;
	[dreg:$0xb] =	wrdreg s18;
	s18 =	smul.u32 $0x500, s22  }
0x17: {  	s31 =	sadd.s32 s23, s7;
	s20 =	sadd.s32 s8, s11;
	s8 =	rddreg [dreg:$0x0]  }
0x18: {  	s31 =	sshrl.u32 s31, $0x3;
	s21 =	sshrl.u32 s20, $0x3;
	s20 =	sshrl.u32 s26, $0x3  }
0x19: {  	s30 =	sadd.s32 s12, s21;
	s2 =	sadd.s32 s12, s20;
	s12 =	rddreg [dreg:$0x3]  }
0x1a: {  	s21 =	sadd.s32 s18, s23;
	s20 =	smul.u32 $0x500, s5;
	[dreg:$0xc] =	wrdreg s30  }
0x1b: {  	[dreg:$0xd] =	wrdreg s2;
	s26 =	sshrl.u32 s21, $0x3;
	s21 =	smul.u32 $0x500, s29  }
0x1c: {  	s28 =	sadd.s32 s23, s20;
	_ =	strace $0x80000047;
	s3 =	sadd.s32 s0, s26  }
0x1d: {  	v0 =	vimm.s32 $0x787;
	s26 =	smul.u32 $0x500, s19;
	s30 =	sshrl.u32 s28, $0x3;
	s28 =	sadd.s32 s23, s21  }
0x1e: {  	vm14 =	vcmask $0x300;
	vm11 =	vcmask $0x704;
	vm9 =	vcmask $0xB08;
	[dreg:$0xe] =	wrdreg s3;
	s2 =	sshrl.u32 s28, $0x3;
	s4 =	sadd.s32 s0, s30  }
0x1f: {  	vm12 =	vcmask $0xF0C;
	vm13 =	vcmask $0x1310;
	vm10 =	vcmask $0x1714;
	s28 =	smul.u32 $0x500, s17;
	s30 =	sadd.s32 s0, s31;
	[dreg:$0xf] =	wrdreg s4  }
0x20: {  	vm8 =	vcmask $0x1B18;
	vm7 =	vcmask $0x1F1C;
	vm5 =	vcmask $0x2320;
	s3 =	sadd.s32 s23, s26;
	s2 =	sadd.s32 s0, s2;
	[dreg:$0x11] =	wrdreg s30  }
0x21: {  	vm4 =	vcmask $0x2724;
	vm3 =	vcmask $0x2B28;
	vm0 =	vcmask $0x2F2C;
	[dreg:$0x10] =	wrdreg s2;
	s31 =	sadd.s32 s23, s28;
	s2 =	sshrl.u32 s3, $0x3  }
0x22: {  	vm1 =	vcmask $0x3330;
	v2 =	vimm.s32 $0xC3824100;
	vm2 =	vcmask $0x3734;
	s30 =	smul.u32 $0x500, s16;
	s4 =	sshrl.u32 s31, $0x3;
	s2 =	sadd.s32 s0, s2  }
0x23: {  	vm6 =	vcmask $0x3B38;
	vm15 =	vcmask $0xF00;
	v5 =	vimm.s32 $0xF87;
	s31 =	smul.u32 $0x500, s15;
	[dreg:$0x12] =	wrdreg s2;
	s3 =	sadd.s32 s0, s4  }
0x24: {  	v6 =	vimm.s32 $0x7C7;
	v14 =	vimm.s32 $0x1787;
	v15 =	vimm.s32 $0xBC7;
	s4 =	sadd.s32 s23, s30;
	[dreg:$0x13] =	wrdreg s3  }
0x25: {  	v16 =	vimm.s32 $0x1F87;
	v19 =	vimm.s32 $0xFC7;
	v20 =	vimm.s32 $0x2787;
	s2 =	sshrl.u32 s4, $0x3;
	s23 =	sadd.s32 s23, s31;
	s4 =	smul.u32 $0xA000, s22  }
0x26: {  	v21 =	vimm.s32 $0x13C7;
	v0 =	vsel vm14, $0x0, v0;
	v4 =	vunpack.c.0.s8.s32 v2;
	s3 =	smul.u32 $0x1400, s22;
	s2 =	sadd.s32 s0, s2;
	s23 =	sshrl.u32 s23, $0x3  }
0x27: {  	v5 =	vsel vm14, $0x800, v5;
	v6 =	vsel vm14, $0x400, v6;
	v14 =	vsel vm14, $0x1000, v14;
	[dreg:$0x14] =	wrdreg s2;
	s0 =	sadd.s32 s0, s23;
	s2 =	sadd.s32 $0x16600, s25  }
0x28: {  	v15 =	vsel vm14, $0x800, v15;
	v16 =	vsel vm14, $0x1800, v16;
	v19 =	vsel vm14, $0xC00, v19;
	s4 =	sshrl.u32 s4, $0x2;
	s3 =	sshrl.u32 s3, $0x2;
	[dreg:$0x15] =	wrdreg s0  }
0x29: {  	v20 =	vsel vm14, $0x2000, v20;
	v21 =	vsel vm14, $0x1000, v21;
	v0 =	vsel vm11, $0x81, v0;
	s0 =	smul.u32 $0xA000, s5;
	[dreg:$0x16] =	wrdreg s2;
	s4 =	sadd.s32 s4, s12  }
0x2a: {  	v5 =	vsel vm11, $0x881, v5;
	v6 =	vsel vm11, $0x441, v6;
	v14 =	vsel vm11, $0x1081, v14;
	s2 =	smul.u32 $0x1400, s5;
	s3 =	sadd.s32 s3, s13;
	[dreg:$0x17] =	wrdreg s4  }
0x2b: {  	v15 =	vsel vm11, $0x841, v15;
	v16 =	vsel vm11, $0x1881, v16;
	v19 =	vsel vm11, $0xC41, v19;
	[dreg:$0x18] =	wrdreg s3;
	s0 =	sshrl.u32 s0, $0x2  }
0x2c: {  	v20 =	vsel vm11, $0x2081, v20;
	v21 =	vsel vm11, $0x1041, v21;
	v0 =	vsel vm9, $0x102, v0;
	s3 =	smul.u32 $0x1400, s29;
	s2 =	sshrl.u32 s2, $0x2;
	s0 =	sadd.s32 s0, s12  }
0x2d: {  	v4 =	vand.u32 $0xFF, v4;
	v5 =	vsel vm9, $0x902, v5;
	v6 =	vsel vm9, $0x482, v6;
	s5 =	smul.u32 $0xA000, s29;
	s2 =	sadd.s32 s2, s13;
	[dreg:$0x19] =	wrdreg s0  }
0x2e: {  	v14 =	vsel vm9, $0x1102, v14;
	v15 =	vsel vm9, $0x882, v15;
	v16 =	vsel vm9, $0x1902, v16;
	s4 =	smul.u32 $0xA000, s24;
	s3 =	sshrl.u32 s3, $0x2;
	[dreg:$0x1a] =	wrdreg s2  }
0x2f: {  	v19 =	vsel vm9, $0xC82, v19;
	v20 =	vsel vm9, $0x2102, v20;
	v21 =	vsel vm9, $0x1082, v21;
	s0 =	smul.u32 $0x1400, s24;
	s24 =	sshrl.u32 s5, $0x2;
	s3 =	sadd.s32 s3, s13  }
0x30: {  	v0 =	vsel vm12, $0x183, v0;
	v4 =	vnsel vm15, $0x3C7, v4;
	v5 =	vsel vm12, $0x983, v5;
	s5 =	smul.u32 $0xA000, s19;
	s2 =	sadd.s32 s24, s12;
	[dreg:$0x1c] =	wrdreg s3  }
0x31: {  	v6 =	vsel vm12, $0x4C3, v6;
	v14 =	vsel vm12, $0x1183, v14;
	v15 =	vsel vm12, $0x8C3, v15;
	s24 =	smul.u32 $0xA000, s17;
	[dreg:$0x1b] =	wrdreg s2  }
0x32: {  	v16 =	vsel vm12, $0x1983, v16;
	v19 =	vsel vm12, $0xCC3, v19;
	v20 =	vsel vm12, $0x2183, v20;
	s2 =	smul.u32 $0x1400, s19;
	s19 =	sshrl.u32 s4, $0x2;
	s0 =	sshrl.u32 s0, $0x2  }
0x33: {  	v21 =	vsel vm12, $0x10C3, v21;
	v0 =	vsel vm13, $0x204, v0;
	v4 =	vsel vm13, $0x104, v4;
	s5 =	sshrl.u32 s5, $0x2;
	s3 =	sadd.s32 s19, s12;
	s0 =	sadd.s32 s0, s13  }
0x34: {  	v5 =	vsel vm13, $0xA04, v5;
	v6 =	vsel vm13, $0x504, v6;
	v14 =	vsel vm13, $0x1204, v14;
	s19 =	smul.u32 $0x1400, s16;
	s24 =	sshrl.u32 s24, $0x2;
	[dreg:$0x1d] =	wrdreg s3  }
0x35: {  	v15 =	vsel vm13, $0x904, v15;
	v16 =	vsel vm13, $0x1A04, v16;
	v19 =	vsel vm13, $0xD04, v19;
	[dreg:$0x1e] =	wrdreg s0;
	s2 =	sshrl.u32 s2, $0x2;
	s3 =	sadd.s32 s5, s12  }
0x36: {  	v20 =	vsel vm13, $0x2204, v20;
	v21 =	vsel vm13, $0x1104, v21;
	v0 =	vsel vm10, $0x285, v0;
	s0 =	smul.u32 $0x1400, s17;
	[dreg:$0x1f] =	wrdreg s3;
	s2 =	sadd.s32 s2, s13  }
0x37: {  	v4 =	vsel vm10, $0x145, v4;
	v5 =	vsel vm10, $0xA85, v5;
	v6 =	vsel vm10, $0x545, v6;
	s17 =	smul.u32 $0xA000, s16;
	s3 =	sadd.s32 s24, s12;
	[smem:$0x7DA] =	sst s2  }
0x38: {  	v14 =	vsel vm10, $0x1285, v14;
	v15 =	vsel vm10, $0x945, v15;
	v16 =	vsel vm10, $0x1A85, v16;
	s0 =	sshrl.u32 s0, $0x2;
	[smem:$0x7DB] =	sst s3  }
0x39: {  	v19 =	vsel vm10, $0xD45, v19;
	v20 =	vsel vm10, $0x2285, v20;
	v21 =	vsel vm10, $0x1145, v21;
	s17 =	sshrl.u32 s17, $0x2;
	s2 =	sshrl.u32 s19, $0x2;
	s19 =	sld [smem:$0x7DD]  }
0x3a: {  	v0 =	vsel vm8, $0x306, v0;
	v4 =	vsel vm8, $0x186, v4;
	v5 =	vsel vm8, $0xB06, v5;
	s0 =	sadd.s32 s0, s13;
	s3 =	sadd.s32 s17, s12;
	s17 =	sld [smem:$0x7E5]  }
0x3b: {  	v6 =	vsel vm8, $0x586, v6;
	v14 =	vsel vm8, $0x1306, v14;
	v15 =	vsel vm8, $0x986, v15;
	s4 =	smul.u32 $0xA000, s15;
	[smem:$0x7DC] =	sst s0  }
0x3c: {  	v16 =	vsel vm8, $0x1B06, v16;
	v19 =	vsel vm8, $0xD86, v19;
	v20 =	vsel vm8, $0x2306, v20;
	s16 =	smul.u32 $0x1400, s15;
	s2 =	sadd.s32 s2, s13;
	[smem:$0x7DE] =	sst s3  }
0x3d: {  	v21 =	vsel vm8, $0x1186, v21;
	v0 =	vsel vm7, $0x387, v0;
	v4 =	vsel vm7, $0x1C7, v4;
	s23 =	sadd.s32 $0x16800, s25;
	s25 =	sadd.s32 $0x2C00, s25;
	[smem:$0x7DF] =	sst s2  }
0x3e: {  	v5 =	vsel vm7, $0xB87, v5;
	v6 =	vsel vm7, $0x5C7, v6;
	v14 =	vsel vm7, $0x1387, v14;
	s3 =	sshrl.u32 s4, $0x2;
	s0 =	sshrl.u32 s16, $0x2;
	s24 =	smul.u32 $0x2710, s19  }
0x3f: {  	v15 =	vsel vm7, $0x9C7, v15;
	v16 =	vsel vm7, $0x1B87, v16;
	v19 =	vsel vm7, $0xDC7, v19;
	s2 =	sadd.s32 s3, s12;
	s16 =	smul.u32 $0x7D, s19;
	s19 =	sld [smem:$0x7E6]  }
0x40: {  	v20 =	vsel vm7, $0x2387, v20;
	v21 =	vsel vm7, $0x11C7, v21;
	v0 =	vsel vm5, $0x400, v0;
	s0 =	sadd.s32 s0, s13;
	[smem:$0x7E0] =	sst s2;
	s4 =	sshrl.u32 s24, $0x3  }
0x41: {  	v4 =	vsel vm5, $0x200, v4;
	v5 =	vsel vm5, $0xC00, v5;
	v6 =	vsel vm5, $0x600, v6;
	[smem:$0x7E1] =	sst s0;
	s5 =	sadd.s32 $0xA, s4;
	s24 =	sadd.s32 s25, s4  }
0x42: {  	v14 =	vsel vm5, $0x1400, v14;
	v15 =	vsel vm5, $0xA00, v15;
	v16 =	vsel vm5, $0x1C00, v16;
	s2 =	sadd.s32 s9, s4;
	s4 =	sadd.s32 s20, s13;
	s20 =	sld [smem:$0x7E7]  }
0x43: {  	v19 =	vsel vm5, $0xE00, v19;
	v20 =	vsel vm5, $0x2400, v20;
	v21 =	vsel vm5, $0x1200, v21;
	[smem:$0x7E2] =	sst s2  }
0x44: {  	p0 =	sgt.u32 s22, $0xC;
	v1 =	vsel vm4, $0x481, v0;
	v0 =	vlaneseq.u32;
	v4 =	vsel vm4, $0x241, v4;
	s15 =	sadd.s32 s25, s5;
	[smem:$0x7FC] =	sst s24  }
0x45: {  	v5 =	vsel vm4, $0xC81, v5;
	v6 =	vsel vm4, $0x641, v6;
	v14 =	vsel vm4, $0x1481, v14;
	s6 =	sadd.s32 s6, s12;
	s0 =	sadd.s32 s9, s5;
	[smem:$0x7E3] =	sst s15  }
0x46: {  	v15 =	vsel vm4, $0xA41, v15;
	v16 =	vsel vm4, $0x1C81, v16;
	v19 =	vsel vm4, $0xE41, v19;
	s14 =	sadd.s32 s14, s12;
	[smem:$0x7E4] =	sst s0;
	s0 =	sadd.s32 s17, s12  }
0x47: {  	v20 =	vsel vm4, $0x2481, v20;
	v21 =	vsel vm4, $0x1241, v21;
	v1 =	vsel vm3, $0x502, v1;
	s15 =	sadd.s32 s21, s13;
	s21 =	sld [smem:$0x7E8];
	s5 =	sadd.s32 s20, s12  }
0x48: {  	v2 =	vand.u32 $0x7, v0;
	v4 =	vsel vm3, $0x282, v4;
	v7 =	vsel vm3, $0xD02, v5;
	s20 =	sadd.s32 s30, s13;
	s30 =	sld [smem:$0x7E9];
	s0 =	sshrl.u32 s0, $0x3  }
0x49: {  	v5 =	vadd.s32 $0x1, v0;
	v8 =	vsel vm3, $0x682, v6;
	v6 =	vmul.u32 $0x80, v0;
	s3 =	sadd.s32 s19, s12;
	[smem:$0x7EB] =	sst s0;
	s22 =	sshrl.u32 s20, $0x3  }
0x4a: {  	v14 =	vsel vm3, $0x1502, v14;
	v15 =	vsel vm3, $0xA82, v15;
	v16 =	vsel vm3, $0x1D02, v16;
	s2 =	sadd.s32 s18, s13;
	s0 =	sshrl.u32 @!p0 s14, $0x3;
	[smem:$0x7F8] =	sst s22  }
0x4b: {  	v19 =	vsel vm3, $0xE82, v19;
	v20 =	vsel vm3, $0x2502, v20;
	v21 =	vsel vm3, $0x1282, v21;
	s18 =	sadd.s32 s26, s13;
	[smem:$0x7F9] =	sst s0;
	s26 =	smax.u32 s30, $0x1  }
0x4c: {  	v1 =	vsel vm0, $0x583, v1;
	v4 =	vsel vm0, $0x2C3, v4;
	v7 =	vsel vm0, $0xD83, v7;
	s10 =	sadd.s32 s10, s12;
	s30 =	sshrl.u32 s3, $0x3;
	[smem:$0x7EA] =	sst s26  }
0x4d: {  	v8 =	vsel vm0, $0x6C3, v8;
	v14 =	vsel vm0, $0x1583, v14;
	v15 =	vsel vm0, $0xAC3, v15;
	s11 =	sadd.s32 s11, s12;
	s3 =	sshrl.u32 s5, $0x3;
	[smem:$0x7ED] =	sst s30  }
0x4e: {  	v16 =	vsel vm0, $0x1D83, v16;
	v19 =	vsel vm0, $0xEC3, v19;
	v20 =	vsel vm0, $0x2583, v20;
	s17 =	sadd.s32 s7, s13;
	s5 =	sshrl.u32 s6, $0x3;
	[smem:$0x7EF] =	sst s3  }
0x4f: {  	v21 =	vsel vm0, $0x12C3, v21;
	v3 =	vsel vm1, $0x604, v1;
	v4 =	vsel vm1, $0x304, v4;
	s7 =	sadd.s32 s21, s12;
	s6 =	sshrl.u32 s17, $0x3;
	[smem:$0x7F1] =	sst s5  }
0x50: {  	v9 =	vsel vm1, $0xE04, v7;
	v7 =	vmul.u32 $0x40, v0;
	v10 =	vsel vm1, $0x704, v8;
	s29 =	simm.s32 $0x3;
	s7 =	sshrl.u32 s7, $0x3;
	[smem:$0x7F2] =	sst s6  }
0x51: {  	v8 =	vmul.u32 $0x11, v0;
	v11 =	vor.u32 $0x800, v6;
	v14 =	vsel vm1, $0x1604, v14;
	s21 =	sadd.s32 s31, s13;
	s17 =	sshrl.u32 s10, $0x3;
	[smem:$0x7F3] =	sst s7  }
0x52: {  	v15 =	vsel vm1, $0xB04, v15;
	v16 =	vsel vm1, $0x1E04, v16;
	v19 =	vsel vm1, $0xF04, v19;
	s19 =	sadd.s32 s28, s13;
	s0 =	sshrl.u32 @!p0 s21, $0x3;
	[smem:$0x7F5] =	sst s17  }
0x53: {  	v20 =	vsel vm1, $0x2604, v20;
	v21 =	vsel vm1, $0x1304, v21;
	v3 =	vsel vm2, $0x685, v3;
	s28 =	simm.s32 $0x2;
	s26 =	sshrl.u32 s2, $0x3;
	[smem:$0x7FA] =	sst s0  }
0x54: {  	v4 =	vsel vm2, $0x345, v4;
	v9 =	vsel vm2, $0xE85, v9;
	v10 =	vsel vm2, $0x745, v10;
	s20 =	simm.s32 $0x5F50;
	s2 =	sshrl.u32 s4, $0x3;
	[smem:$0x7EC] =	sst s26  }
0x55: {  	v14 =	vsel vm2, $0x1685, v14;
	v15 =	vsel vm2, $0xB45, v15;
	v18 =	vsel vm2, $0x1E85, v16;
	s14 =	simm.s32 $0x0;
	s4 =	sshrl.u32 s15, $0x3;
	[smem:$0x7EE] =	sst s2  }
0x56: {  	v16 =	vor.u32 $0x1000, v6;
	v19 =	vsel vm2, $0xF45, v19;
	v20 =	vsel vm2, $0x2685, v20;
	s22 =	simm.s32 $0x50;
	s15 =	sshrl.u32 s18, $0x3;
	[smem:$0x7F0] =	sst s4  }
0x57: {  	v21 =	vsel vm2, $0x1345, v21;
	v3 =	vsel vm6, $0x706, v3;
	v4 =	vsel vm6, $0x386, v4;
	s31 =	simm.s32 $0x5;
	s18 =	sshrl.u32 s19, $0x3;
	[smem:$0x7F4] =	sst s15  }
0x58: {  	v9 =	vsel vm6, $0xF06, v9;
	v10 =	vsel vm6, $0x786, v10;
	v12 =	vor.u32 $0x400, v7;
	s21 =	simm.s32 $0x8750;
	s19 =	sshrl.u32 s11, $0x3;
	[smem:$0x7F6] =	sst s18  }
0x59: {  	v1 =	vimm.f32 $0.0e+00;
	v61 =	vor.u32 $0x100, v8;
	v14 =	vsel vm6, $0x1706, v14;
	[tilespmem:$0x1FFD0] =	vst v2;
	s30 =	sadd.s32 $0x9C4A, s24;
	[smem:$0x7F7] =	sst s19;
	s26 =	sadd.s32 $0x9C40, s24  }
0x5a: {  	v15 =	vsel vm6, $0xB86, v15;
	v17 =	vor.u32 $0x800, v7;
	v18 =	vsel vm6, $0x1F06, v18;
	[tilespmem:$0x1FFE0] =	vst v8;
	[smem:$0x7FD] =	sst s30;
	s18 =	simm.s32 $0x2D0;
	s19 =	simm.s32 $0x6  }
0x5b: {  	v19 =	vsel vm6, $0xF86, v19;
	v20 =	vsel vm6, $0x2706, v20;
	v21 =	vsel vm6, $0x1386, v21;
	[tilespmem:$0x1FFF0] =	vst v61;
	s24 =	simm.s32 $0xF50;
	[smem:$0x7FB] =	sst s26;
	s26 =	simm.s32 $0x1  }
.LBB2_1:
0x5c: {  	s0 =	rddreg [dreg:$0x16]  }
0x5d: {  	[tilespmem:s18], [sflag:$0x6] =	stream.linear.gather [hbm4b:s0+s1], $0xC80, $0x38;
	[tilespmem:$0x1EBE0] =	vst v63  }
0x5e: {  	_ =	swait.ge [sflag:s19], $0xC80  }
0x5f: {  	[sflag:s19] =	ssyncset.done $0x0  }
0x60: {  	s0 =	simm.s32 $0x5F90;
	[sflag:s19] =	ssyncadd.s32 $0xFFFFF380  }
0x61: {  	[tilespmem:s0+$0xFFFFFFD0] =	vst v1  }
0x62: {  	[tilespmem:s0+$0xFFFFFFE0] =	vst v1  }
0x63: {  	[tilespmem:s0+$0xFFFFFFF0] =	vst v1  }
0x64: {  	[tilespmem:s0+$0x0] =	vst v1  }
0x65: {  	[tilespmem:s0+$0x10] =	vst v1  }
0x66: {  	[tilespmem:s0+$0x20] =	vst v1  }
0x67: {  	[tilespmem:s0+$0x30] =	vst v1  }
0x68: {  	s3 =	simm.s32 $0x0;
	s2 =	simm.s32 $0x40;
	[tilespmem:s0+$0xFFFFFFC0] =	vst v1  }
.LBB2_2:
0x69: {  	p1 =	sne.s32 s2, $0x13C0;
	[tilespmem:s3+$0x8750] =	vst v1;
	s0 =	sadd.s32 $0x80, s0  }
0x6a: {  	[tilespmem:s0+$0xFFFFFFD0] =	vst v1  }
0x6b: {  	[tilespmem:s0+$0xFFFFFFE0] =	vst v1  }
0x6c: {  	[tilespmem:s0+$0xFFFFFFF0] =	vst v1  }
.Ltmp0:
0x6d: {  	[tilespmem:s0+$0x0] =	vst v1;
	(pc) =	sbr.rel @p1 .LBB2_2-.Ltmp0, $4  }
0x6e: {  	[tilespmem:s0+$0x10] =	vst v1  }
0x6f: {  	[tilespmem:s0+$0x20] =	vst v1  }
0x70: {  	[tilespmem:s0+$0x30] =	vst v1  }
0x71: {  	s3 =	sshra.s32 s2, $0x2;
	s2 =	sadd.s32 $0x40, s2;
	[tilespmem:s0+$0xFFFFFFC0] =	vst v1  }
0x72: {  	[tilespmem:s3+$0x8750] =	vst v1;
	s0 =	rddreg [dreg:$0x17]  }
0x73: {  	[spmem:s0] =	stream.linear.scatter [tilespmem:s20], [sflag:$0x6], $0x2800, $0x38;
	[tilespmem:$0x1EBE0] =	vst v63  }
0x74: {  	_ =	swait.ge [sflag:s19], $0x2800  }
0x75: {  	[sflag:s19] =	ssyncset.done $0x0  }
0x76: {  	s15 =	rddreg [dreg:$0x18];
	[sflag:s19] =	ssyncadd.s32 $0xFFFFD800  }
0x77: {  	[spmem:s15] =	stream.linear.scatter [tilespmem:s21], [sflag:$0x6], $0x500, $0x38;
	[tilespmem:$0x1EBE0] =	vst v63  }
0x78: {  	_ =	swait.ge [sflag:s19], $0x500  }
0x79: {  	[sflag:s19] =	ssyncset.done $0x0  }
0x7a: {  	s17 =	rddreg [dreg:$0x19];
	[sflag:s19] =	ssyncadd.s32 $0xFFFFFB00  }
0x7b: {  	[spmem:s17] =	stream.linear.scatter [tilespmem:s20], [sflag:$0x6], $0x2800, $0x38;
	[tilespmem:$0x1EBE0] =	vst v63  }
0x7c: {  	_ =	swait.ge [sflag:s19], $0x2800  }
0x7d: {  	[sflag:s19] =	ssyncset.done $0x0  }
0x7e: {  	s30 =	rddreg [dreg:$0x1a];
	[sflag:s19] =	ssyncadd.s32 $0xFFFFD800  }
0x7f: {  	[spmem:s30] =	stream.linear.scatter [tilespmem:s21], [sflag:$0x6], $0x500, $0x38;
	[tilespmem:$0x1EBE0] =	vst v63  }
0x80: {  	_ =	swait.ge [sflag:s19], $0x500  }
0x81: {  	[sflag:s19] =	ssyncset.done $0x0  }
0x82: {  	s2 =	rddreg [dreg:$0x1b];
	[sflag:s19] =	ssyncadd.s32 $0xFFFFFB00  }
0x83: {  	[spmem:s2] =	stream.linear.scatter [tilespmem:s20], [sflag:$0x6], $0x2800, $0x38;
	[tilespmem:$0x1EBE0] =	vst v63  }
0x84: {  	_ =	swait.ge [sflag:s19], $0x2800  }
0x85: {  	[sflag:s19] =	ssyncset.done $0x0  }
0x86: {  	s3 =	rddreg [dreg:$0x1c];
	[sflag:s19] =	ssyncadd.s32 $0xFFFFD800  }
0x87: {  	[spmem:s3] =	stream.linear.scatter [tilespmem:s21], [sflag:$0x6], $0x500, $0x38;
	[tilespmem:$0x1EBE0] =	vst v63  }
0x88: {  	_ =	swait.ge [sflag:s19], $0x500  }
0x89: {  	[sflag:s19] =	ssyncset.done $0x0  }
0x8a: {  	s4 =	rddreg [dreg:$0x1d];
	[sflag:s19] =	ssyncadd.s32 $0xFFFFFB00  }
0x8b: {  	[spmem:s4] =	stream.linear.scatter [tilespmem:s20], [sflag:$0x6], $0x2800, $0x38;
	[tilespmem:$0x1EBE0] =	vst v63  }
0x8c: {  	_ =	swait.ge [sflag:s19], $0x2800  }
0x8d: {  	[sflag:s19] =	ssyncset.done $0x0  }
0x8e: {  	s5 =	rddreg [dreg:$0x1e];
	[sflag:s19] =	ssyncadd.s32 $0xFFFFD800  }
0x8f: {  	[spmem:s5] =	stream.linear.scatter [tilespmem:s21], [sflag:$0x6], $0x500, $0x38;
	[tilespmem:$0x1EBE0] =	vst v63  }
0x90: {  	_ =	swait.ge [sflag:s19], $0x500  }
0x91: {  	[sflag:s19] =	ssyncset.done $0x0  }
0x92: {  	s6 =	rddreg [dreg:$0x1f];
	[sflag:s19] =	ssyncadd.s32 $0xFFFFFB00  }
0x93: {  	[spmem:s6] =	stream.linear.scatter [tilespmem:s20], [sflag:$0x6], $0x2800, $0x38;
	[tilespmem:$0x1EBE0] =	vst v63  }
0x94: {  	_ =	swait.ge [sflag:s19], $0x2800  }
0x95: {  	s7 =	sld [smem:$0x7DA]  }
0x96: {  	[sflag:s19] =	ssyncset.done $0x0  }
0x97: {  	[sflag:s19] =	ssyncadd.s32 $0xFFFFD800  }
0x98: {  	[spmem:s7] =	stream.linear.scatter [tilespmem:s21], [sflag:$0x6], $0x500, $0x38;
	[tilespmem:$0x1EBE0] =	vst v63  }
0x99: {  	_ =	swait.ge [sflag:s19], $0x500  }
0x9a: {  	s10 =	sld [smem:$0x7DB]  }
0x9b: {  	[sflag:s19] =	ssyncset.done $0x0  }
0x9c: {  	[sflag:s19] =	ssyncadd.s32 $0xFFFFFB00  }
0x9d: {  	[spmem:s10] =	stream.linear.scatter [tilespmem:s20], [sflag:$0x6], $0x2800, $0x38;
	[tilespmem:$0x1EBE0] =	vst v63  }
0x9e: {  	_ =	swait.ge [sflag:s19], $0x2800  }
0x9f: {  	s11 =	sld [smem:$0x7DC]  }
0xa0: {  	[sflag:s19] =	ssyncset.done $0x0  }
0xa1: {  	[sflag:s19] =	ssyncadd.s32 $0xFFFFD800  }
0xa2: {  	[spmem:s11] =	stream.linear.scatter [tilespmem:s21], [sflag:$0x6], $0x500, $0x38;
	[tilespmem:$0x1EBE0] =	vst v63  }
0xa3: {  	_ =	swait.ge [sflag:s19], $0x500  }
0xa4: {  	s15 =	sld [smem:$0x7DE]  }
0xa5: {  	[sflag:s19] =	ssyncset.done $0x0  }
0xa6: {  	[sflag:s19] =	ssyncadd.s32 $0xFFFFFB00  }
0xa7: {  	[spmem:s15] =	stream.linear.scatter [tilespmem:s20], [sflag:$0x6], $0x2800, $0x38;
	[tilespmem:$0x1EBE0] =	vst v63  }
0xa8: {  	_ =	swait.ge [sflag:s19], $0x2800  }
0xa9: {  	s17 =	sld [smem:$0x7DF]  }
0xaa: {  	[sflag:s19] =	ssyncset.done $0x0  }
0xab: {  	[sflag:s19] =	ssyncadd.s32 $0xFFFFD800  }
0xac: {  	[spmem:s17] =	stream.linear.scatter [tilespmem:s21], [sflag:$0x6], $0x500, $0x38;
	[tilespmem:$0x1EBE0] =	vst v63  }
0xad: {  	_ =	swait.ge [sflag:s19], $0x500  }
0xae: {  	s2 =	sld [smem:$0x7E0]  }
0xaf: {  	[sflag:s19] =	ssyncset.done $0x0  }
0xb0: {  	s0 =	simm.s32 @!p0 $0x5F50;
	[sflag:s19] =	ssyncadd.s32 $0xFFFFFB00  }
0xb1: {  	[spmem:s2] =	stream.linear.scatter @!p0 [tilespmem:s0], [sflag:$0x6], $0x2800, $0x38;
	[tilespmem:$0x1EBE0] =	vst v63  }
0xb2: {  	s0 =	simm.s32 @!p0 $0x6  }
0xb3: {  	_ =	swait.ge @!p0 [sflag:s0], $0x2800  }
0xb4: {  	s3 =	sld [smem:$0x7E1]  }
0xb5: {  	[sflag:s0] =	ssyncset.done @!p0 $0x0  }
0xb6: {  	s2 =	simm.s32 @!p0 $0x8750;
	[sflag:s0] =	ssyncadd.s32 @!p0 $0xFFFFD800  }
0xb7: {  	[spmem:s3] =	stream.linear.scatter @!p0 [tilespmem:s2], [sflag:$0x6], $0x500, $0x38;
	[tilespmem:$0x1EBE0] =	vst v63  }
0xb8: {  	_ =	swait.ge @!p0 [sflag:s0], $0x500  }
0xb9: {  	[sflag:s0] =	ssyncset.done @!p0 $0x0  }
0xba: {  	[sflag:s0] =	ssyncadd.s32 @!p0 $0xFFFFFB00  }
0xbb: {  	[bflag:$0x0] =	sbarrier.arrive $0xFFFF  }
0xbc: {  	s30 =	sld [smem:$0x7FC];
	_ =	sdelay $0x1  }
0xbd: {  	s0 =	simm.s32 $0x0  }
0xbe: {  	[tilespmem:s0], [sflag:$0x6] =	stream.linear.gather [hbm4b:s30+s0], $0x50, $0x38;
	[tilespmem:$0x1EBE0] =	vst v63  }
0xbf: {  	_ =	swait.ge [sflag:s19], $0x50  }
0xc0: {  	s3 =	sld [smem:$0x7FB]  }
0xc1: {  	[sflag:s19] =	ssyncset.done $0x0  }
0xc2: {  	[sflag:s19] =	ssyncadd.s32 $0xFFFFFFB0  }
0xc3: {  	[tilespmem:s22], [sflag:$0x6] =	stream.linear.gather [hbm4b:s3+s0], $0x50, $0x38;
	[tilespmem:$0x1EBE0] =	vst v63  }
0xc4: {  	_ =	swait.ge [sflag:s19], $0x50  }
0xc5: {  	s4 =	sld [smem:$0x7E2]  }
0xc6: {  	[sflag:s19] =	ssyncset.done $0x0  }
0xc7: {  	s5 =	simm.s32 $0xA0;
	[sflag:s19] =	ssyncadd.s32 $0xFFFFFFB0  }
0xc8: {  	[tilespmem:s5], [sflag:$0x6] =	stream.linear.gather [hbm4b:s4+s0], $0x50, $0x38;
	[tilespmem:$0x1EBE0] =	vst v63  }
0xc9: {  	_ =	swait.ge [sflag:s19], $0x50  }
0xca: {  	s6 =	sld [smem:$0x7E3]  }
0xcb: {  	[sflag:s19] =	ssyncset.done $0x0  }
0xcc: {  	s7 =	simm.s32 $0xF0;
	s10 =	sld [smem:$0x7FD];
	[sflag:s19] =	ssyncadd.s32 $0xFFFFFFB0  }
0xcd: {  	[tilespmem:s7], [sflag:$0x3] =	stream.linear.gather [hbm4b:s6+s0], $0x50, $0x38;
	[tilespmem:$0x1EBE0] =	vst v63  }
0xce: {  	s11 =	simm.s32 $0x140;
	s15 =	sld [smem:$0x7E4]  }
0xcf: {  	[tilespmem:s11], [sflag:$0x3] =	stream.linear.gather [hbm4b:s10+s0], $0x50, $0x38;
	[tilespmem:$0x1EBE0] =	vst v63  }
0xd0: {  	s17 =	simm.s32 $0x190  }
0xd1: {  	[tilespmem:s17], [sflag:$0x3] =	stream.linear.gather [hbm4b:s15+s0], $0x50, $0x38;
	[tilespmem:$0x1EBE0] =	vst v63  }
0xd2: {  	_ = 	snop  }
0xd3: {  	[tilespmem:s24], [sflag:$0x1] =	stream.indirect.gather [hbm4b:s8+s22], $0x80, s0, s22, $0xb8;
	[tilespmem:$0x1EBE0] =	vst v63  }
0xd4: {  	s2 =	simm.s32 $0x0;
	s30 =	simm.s32 $0x3750  }
0xd5: {  	[tilespmem:s30], [sflag:$0x2] =	stream.indirect.gather [hbm4b:s23+s22], $0x40, s22, s22, $0xb8;
	[tilespmem:$0x1EBE0] =	vst v63  }
.LBB2_4:
0xd6: {  	_ =	strace $0x80000048  }
0xd7: {  	_ =	swait.ge [sflag:s26], $0x2800  }
0xd8: {  	[sflag:s26] =	ssyncset.done $0x0  }
0xd9: {  	[sflag:s26] =	ssyncadd.s32 $0xFFFFD800  }
0xda: {  	_ =	swait.ge [sflag:s28], $0x1400  }
0xdb: {  	p1 =	seq.s32 s2, $0x0;
	[sflag:s28] =	ssyncset.done $0x0  }
0xdc: {  	s4 =	smov.u32 s2;
	s2 =	simm.s32 @!p1 $0x5;
	[sflag:s28] =	ssyncadd.s32 $0xFFFFEC00  }
0xdd: {  	_ =	swait.ge @!p1 [sflag:s2], $0x500  }
0xde: {  	s5 =	smul.u32 $0xAB, s4;
	[sflag:s2] =	ssyncset.done @!p1 $0x0  }
0xdf: {  	[sflag:s2] =	ssyncadd.s32 @!p1 $0xFFFFFB00  }
0xe0: {  	s7 =	sand.u32 $0x1, s4;
	s3 =	sadd.s32 $0xAB, s5;
	_ =	strace $0x90000048  }
0xe1: {  	s10 =	sxor.u32 $0x1, s7;
	s3 =	sshrl.u32 s3, $0x9;
	_ =	strace $0x80000049  }
0xe2: {  	s11 =	sshrl.u32 s5, $0x9;
	s15 =	sand.u32 $0x7F, s3;
	_ =	swait.ge [sflag:s29], $0x50  }
0xe3: {  	s3 =	smul.u32 $0x3, s15;
	s2 =	sand.u32 $0x7F, s11;
	[sflag:s29] =	ssyncset.done $0x0  }
0xe4: {  	s6 =	smul.u32 $0x3, s2;
	s2 =	sadd.s32 $0x1, s4;
	[sflag:s29] =	ssyncadd.s32 $0xFFFFFFB0  }
0xe5: {  	s10 =	smul.u32 $0x5000, s10;
	s3 =	ssub.s32 s2, s3;
	_ =	swait.ge [sflag:s29], $0x50  }
0xe6: {  	s3 =	sand.u32 $0xFF, s3;
	[sflag:s29] =	ssyncset.done $0x0  }
0xe7: {  	s10 =	sshrl.u32 s10, $0x2;
	s3 =	smul.u32 $0x3C0, s3;
	[sflag:s29] =	ssyncadd.s32 $0xFFFFFFB0  }
0xe8: {  	s17 =	sadd.s32 $0x3750, s10;
	s6 =	ssub.s32 s4, s6;
	_ =	swait.ge [sflag:s29], $0x50  }
0xe9: {  	s11 =	sand.u32 $0xFF, s6;
	s6 =	sshrl.u32 s3, $0x2;
	[sflag:s29] =	ssyncset.done $0x0  }
0xea: {  	s10 =	smul.u32 $0x3C0, s11;
	s30 =	sadd.s32 $0x50, s6;
	[sflag:s29] =	ssyncadd.s32 $0xFFFFFFB0  }
0xeb: {  	[tilespmem:s17], [sflag:$0x2] =	stream.indirect.gather [hbm4b:s23+s22], $0x40, s30, s22, $0x2000b8;
	[tilespmem:$0x1EBE0] =	vst v63  }
0xec: {  	_ =	strace $0x90000049  }
0xed: {  	s3 =	sshrl.u32 s10, $0x2;
	_ =	strace $0x8000004A  }
0xee: {  	s11 =	simm.s32 $0x2;
	v22 =	vld [tilespmem:s3+$0xA0]  }
0xef: {  	v23 =	vadd.s32 s11, v0  }
0xf0: {  	v28 =	vadd.s32 s0, v5;
	v24 =	vand.u32 $0x3F, v23  }
0xf1: {  	v26 =	vadd.s32 s0, v0;
	v28 =	vand.u32 $0x3F, v28;
	v25 =	vor.u32 v6, v24  }
0xf2: {  	v26 =	vand.u32 $0x38, v26;
	v31 =	vor.u32 v7, v28  }
0xf3: {  	s7 =	smul.u32 $0x5000, s7;
	v32 =	vor.u32 v3, v26;
	v22 =	vshll.u32 v22, $0x6  }
0xf4: {  	v30 =	vadd.s32 s11, v5;
	v27 =	vor.u32 v22, v24  }
0xf5: {  	s7 =	sshrl.u32 s7, $0x2;
	v30 =	vand.u32 $0x3F, v30;
	v24 =	vor.u32 v7, v24  }
0xf6: {  	s7 =	sadd.s32 $0x3750, s7;
	v25 =	vld.idx.msk [tilespmem:v25+s24+$0x0], $0xffff;
	v33 =	vor.u32 v22, v30  }
0xf7: {  	s15 =	simm.s32 $0x4;
	v39 =	vld.idx.msk [tilespmem:v31+s7+$0x0], $0xffff;
	v36 =	vor.u32 v22, v28  }
0xf8: {  	v35 =	vadd.s32 s15, v0;
	v41 =	vld.idx.msk [tilespmem:v32+s24+$0x0], $0xffff;
	v28 =	vor.u32 v6, v28  }
0xf9: {  	v35 =	vand.u32 $0x3F, v35;
	v34 =	vld.idx.msk [tilespmem:v27+s18+$0x0], $0xffff;
	v27 =	vor.u32 v6, v30  }
0xfa: {  	v23 =	vor.u32 v2, v22;
	v37 =	vld.idx.msk [tilespmem:v24+s7+$0x0], $0xffff;
	v24 =	vor.u32 v7, v35  }
0xfb: {  	v29 =	vor.u32 v26, v23;
	v46 =	vld.idx.msk [tilespmem:v33+s18+$0x0], $0xffff  }
0xfc: {  	v26 =	vor.u32 v4, v26;
	v36 =	vld.idx.msk [tilespmem:v36+s18+$0x0], $0xffff  }
0xfd: {  	s17 =	simm.s32 $0x6;
	v63 =	vor.u32 v22, v35;
	v28 =	vld.idx.msk [tilespmem:v28+s24+$0x0], $0xffff  }
0xfe: {  	v31 =	vadd.s32 s17, v5;
	v30 =	vor.u32 v7, v30;
	v43 =	vld.idx.msk [tilespmem:v27+s24+$0x0], $0xffff  }
0xff: {  	v35 =	vor.u32 v6, v35;
	v27 =	vld.idx.msk [tilespmem:v24+s7+$0x0], $0xffff;
	v24 =	vand.u32 $0x3F, v31  }
0x100: {  	v29 =	vld.idx.msk [tilespmem:v29+s18+$0x0], $0xffff;
	v42 =	vor.u32 v6, v24  }
0x101: {  	v40 =	vld.idx.msk [tilespmem:v26+s7+$0x0], $0xffff;
	v26 =	vadd.s32 s17, v0;
	v31 =	vadd.s32 s15, v5;
	v45 =	vor.u32 v22, v24  }
0x102: {  	s5 =	sadd.s32 $0x156, s5;
	v32 =	vld.idx.msk [tilespmem:v63+s18+$0x0], $0xffff;
	v25 =	vmul.bf16 v34, v25;
	v38 =	vand.u32 $0x3F, v31;
	v48 =	vor.u32 v7, v24  }
0x103: {  	s5 =	sshrl.u32 s5, $0x9;
	v33 =	vimm.f32 $0.0e+00;
	v26 =	vand.u32 $0x3F, v26;
	v31 =	vld.idx.msk [tilespmem:v30+s7+$0x0], $0xffff;
	v47 =	vor.u32 v22, v38  }
0x104: {  	s5 =	sand.u32 $0x7F, s5;
	v30 =	vor.u32 v6, v38;
	v24 =	vor.u32 v7, v38;
	v49 =	vmul.bf16 v37, v25;
	v38 =	vld.idx.msk [tilespmem:v35+s24+$0x0], $0xffff  }
0x105: {  	s5 =	smul.u32 $0x3, s5;
	v44 =	vor.u32 v22, v26;
	v28 =	vmul.bf16 v36, v28;
	v37 =	vmul.bf16 v29, v41;
	v34 =	vld.idx.msk [tilespmem:v42+s24+$0x0], $0xffff  }
0x106: {  	s30 =	sadd.s32 $0x2, s4;
	v41 =	vor.u32 v7, v26;
	v29 =	vimm.f32 $0.0e+00;
	v25 =	vunpack.i.u.bf16.f32 v49;
	v35 =	vld.idx.msk [tilespmem:v45+s18+$0x0], $0xffff  }
0x107: {  	s4 =	ssub.s32 s30, s5;
	v46 =	vmul.bf16 v46, v43;
	v43 =	vimm.f32 $0.0e+00;
	v45 =	vmul.bf16 v39, v28;
	v39 =	vld.idx.msk [tilespmem:v48+s7+$0x0], $0xffff  }
0x108: {  	s10 =	simm.s32 $0x8;
	s5 =	smin.u32 s30, $0x7C;
	s4 =	sand.u32 $0xFF, s4;
	v42 =	vor.u32 v6, v26;
	v26 =	vunpack.i.l.bf16.f32 v49;
	v28 =	vimm.f32 $0.0e+00;
	v36 =	vld.idx.msk [tilespmem:v47+s18+$0x0], $0xffff  }
.LBB2_5:
0x109: {  	s15 =	sadd.s32 $0x2, s10  }
0x10a: {  	p2 =	slt.u32 s10, $0x38;
	v37 =	vmul.bf16 v40, v37;
	v30 =	vld.idx.msk [tilespmem:v30+s24+$0x0], $0xffff;
	s11 =	smov.u32 s10;
	s10 =	sadd.s32 $0x8, s10  }
0x10b: {  	v40 =	vadd.s32 s15, v0;
	v47 =	vunpack.i.u.bf16.f32 v45;
	v31 =	vmul.bf16 v31, v46  }
0x10c: {  	v32 =	vmul.bf16 v32, v38;
	v46 =	vadd.s32 s15, v5;
	v48 =	vunpack.i.u.bf16.f32 v37;
	v38 =	vld.idx.msk [tilespmem:v44+s18+$0x0], $0xffff  }
0x10d: {  	v40 =	vand.u32 $0x3F, v40;
	v44 =	vunpack.i.l.bf16.f32 v45;
	v33 =	vadd.f32 v47, v33;
	v42 =	vld.idx.msk [tilespmem:v42+s24+$0x0], $0xffff  }
0x10e: {  	v46 =	vand.u32 $0x3F, v46;
	v27 =	vmul.bf16 v27, v32;
	v45 =	vor.u32 v7, v40  }
0x10f: {  	v32 =	vor.u32 v6, v40;
	v40 =	vor.u32 v22, v40;
	v43 =	vadd.f32 v44, v43;
	v41 =	vld.idx.msk [tilespmem:v41+s7+$0x0], $0xffff  }
0x110: {  	v47 =	vadd.s32 s11, v5;
	v44 =	vadd.s32 s11, v0;
	v36 =	vmul.bf16 v36, v30  }
0x111: {  	v34 =	vmul.bf16 v35, v34;
	v30 =	vand.u32 $0x38, v44;
	v44 =	vand.u32 $0x3F, v47  }
0x112: {  	v49 =	vunpack.i.u.bf16.f32 v27;
	v35 =	vor.u32 v3, v30;
	v47 =	vor.u32 v30, v23  }
0x113: {  	v34 =	vmul.bf16 v39, v34;
	v50 =	vor.u32 v22, v44;
	v51 =	vor.u32 v7, v44  }
0x114: {  	s15 =	sadd.s32 $0x4, s11;
	v52 =	vunpack.i.l.bf16.f32 v27;
	v39 =	vor.u32 v6, v44;
	v44 =	vor.u32 v7, v46;
	v32 =	vld.idx.msk [tilespmem:v32+s24+$0x0], $0xffff  }
0x115: {  	v53 =	vadd.s32 s15, v0;
	v38 =	vmul.bf16 v38, v42;
	v27 =	vld.idx.msk [tilespmem:v40+s18+$0x0], $0xffff;
	v40 =	vor.u32 v22, v46  }
0x116: {  	v54 =	vunpack.i.l.bf16.f32 v34;
	v42 =	vor.u32 v6, v46;
	v46 =	vand.u32 $0x3F, v53;
	v53 =	vld.idx.msk [tilespmem:v24+s7+$0x0], $0xffff  }
0x117: {  	v55 =	vor.u32 v4, v30;
	v56 =	vor.u32 v6, v46;
	v24 =	vunpack.i.u.bf16.f32 v31;
	v47 =	vld.idx.msk [tilespmem:v47+s18+$0x0], $0xffff  }
0x118: {  	v57 =	vor.u32 v22, v46;
	v46 =	vor.u32 v7, v46;
	v33 =	vadd.f32 v24, v33;
	v45 =	vld.idx.msk [tilespmem:v45+s7+$0x0], $0xffff  }
0x119: {  	v37 =	vunpack.i.l.bf16.f32 v37;
	v38 =	vmul.bf16 v41, v38;
	v24 =	vadd.s32 s15, v5;
	v51 =	vld.idx.msk [tilespmem:v51+s7+$0x0], $0xffff  }
0x11a: {  	v29 =	vadd.f32 v48, v29;
	v41 =	vunpack.i.u.bf16.f32 v34;
	v24 =	vand.u32 $0x3F, v24;
	v35 =	vld.idx.msk [tilespmem:v35+s24+$0x0], $0xffff  }
0x11b: {  	v28 =	vadd.f32 v37, v28;
	v30 =	vor.u32 v6, v24;
	v58 =	vor.u32 v22, v24;
	v48 =	vld.idx.msk [tilespmem:v42+s24+$0x0], $0xffff  }
0x11c: {  	s11 =	sadd.s32 $0x6, s11;
	v31 =	vunpack.i.l.bf16.f32 v31;
	v24 =	vor.u32 v7, v24;
	v27 =	vmul.bf16 v27, v32;
	v59 =	vld.idx.msk [tilespmem:v40+s18+$0x0], $0xffff  }
0x11d: {  	v25 =	vadd.f32 v25, v29;
	v32 =	vadd.s32 s11, v5;
	v42 =	vld.idx.msk [tilespmem:v50+s18+$0x0], $0xffff;
	v50 =	vunpack.i.l.bf16.f32 v38  }
0x11e: {  	v29 =	vand.u32 $0x3F, v32;
	v34 =	vmul.bf16 v53, v36;
	v60 =	vmul.bf16 v45, v27;
	v27 =	vld.idx.msk [tilespmem:v46+s7+$0x0], $0xffff  }
0x11f: {  	v26 =	vadd.f32 v26, v28;
	v28 =	vadd.f32 v31, v43;
	v36 =	vld.idx.msk [tilespmem:v39+s24+$0x0], $0xffff;
	v39 =	vor.u32 v6, v29  }
0x120: {  	v43 =	vunpack.i.u.bf16.f32 v34;
	v37 =	vmul.bf16 v47, v35;
	v35 =	vor.u32 v22, v29;
	v31 =	vld.idx.msk [tilespmem:v44+s7+$0x0], $0xffff  }
0x121: {  	v26 =	vadd.f32 v52, v26;
	v25 =	vadd.f32 v49, v25;
	v44 =	vunpack.i.u.bf16.f32 v38;
	v32 =	vld.idx.msk [tilespmem:v57+s18+$0x0], $0xffff  }
0x122: {  	v33 =	vadd.f32 v43, v33;
	v47 =	vor.u32 v7, v29;
	v29 =	vunpack.i.l.bf16.f32 v34;
	v40 =	vld.idx.msk [tilespmem:v55+s7+$0x0], $0xffff  }
.Ltmp1:
0x123: {  	v34 =	vadd.s32 s11, v0;
	v43 =	vadd.f32 v29, v28;
	v29 =	vadd.f32 v44, v25;
	v38 =	vld.idx.msk [tilespmem:v56+s24+$0x0], $0xffff;
	(pc) =	sbr.rel @p2 .LBB2_5-.Ltmp1, $4  }
0x124: {  	v45 =	vand.u32 $0x3F, v34;
	v28 =	vadd.f32 v50, v26;
	v33 =	vadd.f32 v41, v33;
	v34 =	vld.idx.msk [tilespmem:v39+s24+$0x0], $0xffff  }
0x125: {  	v44 =	vor.u32 v22, v45;
	v26 =	vmul.bf16 v42, v36;
	v42 =	vor.u32 v6, v45;
	v35 =	vld.idx.msk [tilespmem:v35+s18+$0x0], $0xffff  }
0x126: {  	v25 =	vunpack.i.u.bf16.f32 v60;
	v41 =	vor.u32 v7, v45;
	v43 =	vadd.f32 v54, v43;
	v36 =	vld.idx.msk [tilespmem:v58+s18+$0x0], $0xffff  }
0x127: {  	v46 =	vmul.bf16 v59, v48;
	v45 =	vmul.bf16 v51, v26;
	v26 =	vunpack.i.l.bf16.f32 v60;
	v39 =	vld.idx.msk [tilespmem:v47+s7+$0x0], $0xffff  }
0x128: {  	_ =	sdelay $0x3  }
0x129: {  	v22 =	vld.idx.msk [tilespmem:v30+s24+$0x0], $0xffff  }
0x12a: {  	v23 =	vld.idx.msk [tilespmem:v44+s18+$0x0], $0xffff  }
0x12b: {  	v30 =	vmul.bf16 v40, v37;
	v32 =	vmul.bf16 v32, v38;
	v58 =	vld.idx.msk [tilespmem:v42+s24+$0x0], $0xffff  }
0x12c: {  	v59 =	vunpack.i.u.bf16.f32 v45;
	v31 =	vmul.bf16 v31, v46;
	v63 =	vunpack.i.l.bf16.f32 v45  }
0x12d: {  	v60 =	vld.idx.msk [tilespmem:v41+s7+$0x0], $0xffff;
	v34 =	vmul.bf16 v35, v34;
	v62 =	vunpack.i.u.bf16.f32 v30;
	v27 =	vmul.bf16 v27, v32  }
0x12e: {  	v24 =	vld.idx.msk [tilespmem:v24+s7+$0x0], $0xffff;
	v44 =	vadd.f32 v59, v33;
	v45 =	vadd.f32 v63, v43;
	v30 =	vunpack.i.l.bf16.f32 v30  }
0x12f: {  	v48 =	vunpack.i.u.bf16.f32 v31;
	v29 =	vadd.f32 v62, v29;
	v28 =	vadd.f32 v30, v28  }
0x130: {  	v34 =	vmul.bf16 v39, v34;
	v46 =	vunpack.i.u.bf16.f32 v27;
	v23 =	vmul.bf16 v23, v58  }
0x131: {  	v27 =	vunpack.i.l.bf16.f32 v27;
	v22 =	vmul.bf16 v36, v22;
	v26 =	vadd.f32 v26, v28  }
0x132: {  	v30 =	vadd.f32 v48, v44;
	v25 =	vadd.f32 v25, v29;
	v23 =	vmul.bf16 v60, v23  }
0x133: {  	v22 =	vmul.bf16 v24, v22;
	v24 =	vunpack.i.l.bf16.f32 v31;
	v26 =	vadd.f32 v27, v26  }
0x134: {  	v47 =	vunpack.i.l.bf16.f32 v34;
	v25 =	vadd.f32 v46, v25;
	v24 =	vadd.f32 v24, v45  }
0x135: {  	v28 =	vunpack.i.l.bf16.f32 v23;
	v29 =	vunpack.i.u.bf16.f32 v22;
	v22 =	vunpack.i.l.bf16.f32 v22  }
0x136: {  	v23 =	vunpack.i.u.bf16.f32 v23;
	v27 =	vadd.f32 v29, v30;
	v22 =	vadd.f32 v22, v24  }
0x137: {  	v24 =	vunpack.i.u.bf16.f32 v34;
	v23 =	vadd.f32 v23, v25;
	v25 =	vadd.f32 v28, v26  }
0x138: {  	v24 =	vadd.f32 v24, v27;
	v22 =	vadd.f32 v47, v22;
	_ =	sdelay $0x1  }
0x139: {  	v23 =	vadd.f32 v23, v25;
	v22 =	vadd.f32 v24, v22;
	_ =	sdelay $0x1  }
0x13a: {  	v22 =	vadd.f32 v22, v23;
	_ =	sdelay $0x1  }
0x13b: {  	v22 =	vmul.f32 $1.442695020e+00, v22;
	_ =	sdelay $0x1  }
0x13c: {  	(erf) = vpow2.f32 v22;
	_ =	sdelay $0x8  }
0x13d: {  	v22 =	vpop (erf)  }
0x13e: {  	[tilespmem:v8+s21+$0x0] =	vst.idx.msk $0xffff, v22  }
0x13f: {  	v22 =	vld [tilespmem:s3+$0xB0]  }
0x140: {  	s10 =	simm.s32 $0x2  }
0x141: {  	s11 =	simm.s32 $0x0;
	v23 =	vadd.s32 s10, v0  }
0x142: {  	v28 =	vadd.s32 s11, v5;
	v24 =	vand.u32 $0x3F, v23  }
0x143: {  	v26 =	vadd.s32 s11, v0;
	v28 =	vand.u32 $0x3F, v28;
	v25 =	vor.u32 v11, v24  }
0x144: {  	v26 =	vand.u32 $0x38, v26;
	v31 =	vor.u32 v12, v28;
	v22 =	vshll.u32 v22, $0x6  }
0x145: {  	v49 =	vor.u32 v9, v26;
	v23 =	vor.u32 v2, v22  }
0x146: {  	v30 =	vadd.s32 s10, v5;
	v29 =	vor.u32 v26, v23  }
0x147: {  	v30 =	vand.u32 $0x3F, v30;
	v27 =	vor.u32 v22, v24;
	v24 =	vor.u32 v12, v24  }
0x148: {  	v50 =	vor.u32 v11, v30;
	v25 =	vld.idx.msk [tilespmem:v25+s24+$0x0], $0xffff  }
0x149: {  	s17 =	simm.s32 $0x4;
	v55 =	vld.idx.msk [tilespmem:v31+s7+$0x0], $0xffff  }
0x14a: {  	v52 =	vadd.s32 s17, v0;
	v32 =	vld.idx.msk [tilespmem:v49+s24+$0x0], $0xffff;
	v51 =	vor.u32 v22, v30  }
0x14b: {  	v35 =	vand.u32 $0x3F, v52;
	v53 =	vld.idx.msk [tilespmem:v29+s18+$0x0], $0xffff;
	v29 =	vor.u32 v22, v28  }
0x14c: {  	v54 =	vld.idx.msk [tilespmem:v24+s7+$0x0], $0xffff;
	v24 =	vor.u32 v12, v35  }
0x14d: {  	v56 =	vld.idx.msk [tilespmem:v50+s24+$0x0], $0xffff;
	v26 =	vor.u32 v10, v26  }
0x14e: {  	v27 =	vld.idx.msk [tilespmem:v27+s18+$0x0], $0xffff;
	v28 =	vor.u32 v11, v28  }
0x14f: {  	s30 =	simm.s32 $0x6;
	v57 =	vor.u32 v22, v35;
	v47 =	vld.idx.msk [tilespmem:v51+s18+$0x0], $0xffff  }
0x150: {  	v31 =	vadd.s32 s30, v5;
	v35 =	vor.u32 v11, v35;
	v58 =	vld.idx.msk [tilespmem:v29+s18+$0x0], $0xffff  }
0x151: {  	v30 =	vor.u32 v12, v30;
	v29 =	vld.idx.msk [tilespmem:v24+s7+$0x0], $0xffff;
	v24 =	vand.u32 $0x3F, v31  }
0x152: {  	v40 =	vld.idx.msk [tilespmem:v26+s7+$0x0], $0xffff;
	v59 =	vor.u32 v11, v24  }
0x153: {  	v26 =	vadd.s32 s30, v0;
	v31 =	vadd.s32 s17, v5;
	v28 =	vld.idx.msk [tilespmem:v28+s24+$0x0], $0xffff;
	v62 =	vor.u32 v22, v24  }
0x154: {  	v33 =	vld.idx.msk [tilespmem:v57+s18+$0x0], $0xffff;
	v25 =	vmul.bf16 v27, v25;
	v60 =	vand.u32 $0x3F, v31;
	v27 =	vor.u32 v12, v24  }
0x155: {  	v43 =	vimm.f32 $0.0e+00;
	v63 =	vand.u32 $0x3F, v26;
	v39 =	vld.idx.msk [tilespmem:v35+s24+$0x0], $0xffff;
	v48 =	vor.u32 v22, v60  }
0x156: {  	v34 =	vimm.f32 $0.0e+00;
	v42 =	vor.u32 v11, v63;
	v44 =	vor.u32 v22, v63;
	v31 =	vld.idx.msk [tilespmem:v30+s7+$0x0], $0xffff  }
0x157: {  	v38 =	vmul.bf16 v53, v32;
	v25 =	vmul.bf16 v54, v25;
	v30 =	vor.u32 v11, v60;
	v32 =	vld.idx.msk [tilespmem:v59+s24+$0x0], $0xffff  }
0x158: {  	v41 =	vor.u32 v12, v63;
	v46 =	vmul.bf16 v47, v56;
	v28 =	vmul.bf16 v58, v28;
	v35 =	vld.idx.msk [tilespmem:v62+s18+$0x0], $0xffff  }
0x159: {  	v24 =	vor.u32 v12, v60;
	v26 =	vunpack.i.u.bf16.f32 v25;
	v25 =	vunpack.i.l.bf16.f32 v25;
	v37 =	vld.idx.msk [tilespmem:v27+s7+$0x0], $0xffff  }
0x15a: {  	s10 =	simm.s32 $0x8;
	v27 =	vimm.f32 $0.0e+00;
	v36 =	vld.idx.msk [tilespmem:v48+s18+$0x0], $0xffff;
	v45 =	vmul.bf16 v55, v28;
	v28 =	vimm.f32 $0.0e+00  }
.LBB2_7:
0x15b: {  	s15 =	sadd.s32 $0x2, s10  }
0x15c: {  	p2 =	slt.u32 s10, $0x38;
	v38 =	vmul.bf16 v40, v38;
	v30 =	vld.idx.msk [tilespmem:v30+s24+$0x0], $0xffff;
	s11 =	smov.u32 s10;
	s10 =	sadd.s32 $0x8, s10  }
0x15d: {  	v40 =	vadd.s32 s15, v0;
	v47 =	vunpack.i.u.bf16.f32 v45;
	v31 =	vmul.bf16 v31, v46  }
0x15e: {  	v33 =	vmul.bf16 v33, v39;
	v46 =	vadd.s32 s15, v5;
	v48 =	vunpack.i.u.bf16.f32 v38;
	v39 =	vld.idx.msk [tilespmem:v44+s18+$0x0], $0xffff  }
0x15f: {  	v40 =	vand.u32 $0x3F, v40;
	v44 =	vunpack.i.l.bf16.f32 v45;
	v34 =	vadd.f32 v47, v34;
	v42 =	vld.idx.msk [tilespmem:v42+s24+$0x0], $0xffff  }
0x160: {  	v46 =	vand.u32 $0x3F, v46;
	v29 =	vmul.bf16 v29, v33;
	v45 =	vor.u32 v12, v40  }
0x161: {  	v33 =	vor.u32 v11, v40;
	v40 =	vor.u32 v22, v40;
	v43 =	vadd.f32 v44, v43;
	v41 =	vld.idx.msk [tilespmem:v41+s7+$0x0], $0xffff  }
0x162: {  	v47 =	vadd.s32 s11, v5;
	v44 =	vadd.s32 s11, v0;
	v36 =	vmul.bf16 v36, v30  }
0x163: {  	v32 =	vmul.bf16 v35, v32;
	v30 =	vand.u32 $0x38, v44;
	v44 =	vand.u32 $0x3F, v47  }
0x164: {  	v49 =	vunpack.i.u.bf16.f32 v29;
	v35 =	vor.u32 v9, v30;
	v47 =	vor.u32 v30, v23  }
0x165: {  	v32 =	vmul.bf16 v37, v32;
	v50 =	vor.u32 v22, v44;
	v51 =	vor.u32 v12, v44  }
0x166: {  	s15 =	sadd.s32 $0x4, s11;
	v52 =	vunpack.i.l.bf16.f32 v29;
	v37 =	vor.u32 v11, v44;
	v44 =	vor.u32 v12, v46;
	v33 =	vld.idx.msk [tilespmem:v33+s24+$0x0], $0xffff  }
0x167: {  	v53 =	vadd.s32 s15, v0;
	v39 =	vmul.bf16 v39, v42;
	v29 =	vld.idx.msk [tilespmem:v40+s18+$0x0], $0xffff;
	v40 =	vor.u32 v22, v46  }
0x168: {  	v54 =	vunpack.i.l.bf16.f32 v32;
	v42 =	vor.u32 v11, v46;
	v46 =	vand.u32 $0x3F, v53;
	v53 =	vld.idx.msk [tilespmem:v24+s7+$0x0], $0xffff  }
0x169: {  	v55 =	vor.u32 v10, v30;
	v56 =	vor.u32 v11, v46;
	v24 =	vunpack.i.u.bf16.f32 v31;
	v47 =	vld.idx.msk [tilespmem:v47+s18+$0x0], $0xffff  }
0x16a: {  	v57 =	vor.u32 v22, v46;
	v46 =	vor.u32 v12, v46;
	v34 =	vadd.f32 v24, v34;
	v45 =	vld.idx.msk [tilespmem:v45+s7+$0x0], $0xffff  }
0x16b: {  	v38 =	vunpack.i.l.bf16.f32 v38;
	v39 =	vmul.bf16 v41, v39;
	v24 =	vadd.s32 s15, v5;
	v51 =	vld.idx.msk [tilespmem:v51+s7+$0x0], $0xffff  }
0x16c: {  	v28 =	vadd.f32 v48, v28;
	v41 =	vunpack.i.u.bf16.f32 v32;
	v24 =	vand.u32 $0x3F, v24;
	v35 =	vld.idx.msk [tilespmem:v35+s24+$0x0], $0xffff  }
0x16d: {  	v27 =	vadd.f32 v38, v27;
	v30 =	vor.u32 v11, v24;
	v58 =	vor.u32 v22, v24;
	v48 =	vld.idx.msk [tilespmem:v42+s24+$0x0], $0xffff  }
0x16e: {  	s11 =	sadd.s32 $0x6, s11;
	v31 =	vunpack.i.l.bf16.f32 v31;
	v24 =	vor.u32 v12, v24;
	v29 =	vmul.bf16 v29, v33;
	v59 =	vld.idx.msk [tilespmem:v40+s18+$0x0], $0xffff  }
0x16f: {  	v26 =	vadd.f32 v26, v28;
	v32 =	vadd.s32 s11, v5;
	v42 =	vld.idx.msk [tilespmem:v50+s18+$0x0], $0xffff;
	v50 =	vunpack.i.l.bf16.f32 v39  }
0x170: {  	v28 =	vand.u32 $0x3F, v32;
	v32 =	vmul.bf16 v53, v36;
	v60 =	vmul.bf16 v45, v29;
	v29 =	vld.idx.msk [tilespmem:v46+s7+$0x0], $0xffff  }
0x171: {  	v25 =	vadd.f32 v25, v27;
	v27 =	vadd.f32 v31, v43;
	v36 =	vld.idx.msk [tilespmem:v37+s24+$0x0], $0xffff;
	v37 =	vor.u32 v11, v28  }
0x172: {  	v43 =	vunpack.i.u.bf16.f32 v32;
	v38 =	vmul.bf16 v47, v35;
	v35 =	vor.u32 v22, v28;
	v31 =	vld.idx.msk [tilespmem:v44+s7+$0x0], $0xffff  }
0x173: {  	v25 =	vadd.f32 v52, v25;
	v26 =	vadd.f32 v49, v26;
	v44 =	vunpack.i.u.bf16.f32 v39;
	v33 =	vld.idx.msk [tilespmem:v57+s18+$0x0], $0xffff  }
0x174: {  	v34 =	vadd.f32 v43, v34;
	v47 =	vor.u32 v12, v28;
	v28 =	vunpack.i.l.bf16.f32 v32;
	v40 =	vld.idx.msk [tilespmem:v55+s7+$0x0], $0xffff  }
.Ltmp2:
0x175: {  	v32 =	vadd.s32 s11, v0;
	v43 =	vadd.f32 v28, v27;
	v28 =	vadd.f32 v44, v26;
	v39 =	vld.idx.msk [tilespmem:v56+s24+$0x0], $0xffff;
	(pc) =	sbr.rel @p2 .LBB2_7-.Ltmp2, $4  }
0x176: {  	v45 =	vand.u32 $0x3F, v32;
	v27 =	vadd.f32 v50, v25;
	v34 =	vadd.f32 v41, v34;
	v32 =	vld.idx.msk [tilespmem:v37+s24+$0x0], $0xffff  }
0x177: {  	v44 =	vor.u32 v22, v45;
	v25 =	vmul.bf16 v42, v36;
	v42 =	vor.u32 v11, v45;
	v35 =	vld.idx.msk [tilespmem:v35+s18+$0x0], $0xffff  }
0x178: {  	v26 =	vunpack.i.u.bf16.f32 v60;
	v41 =	vor.u32 v12, v45;
	v43 =	vadd.f32 v54, v43;
	v36 =	vld.idx.msk [tilespmem:v58+s18+$0x0], $0xffff  }
0x179: {  	v46 =	vmul.bf16 v59, v48;
	v45 =	vmul.bf16 v51, v25;
	v25 =	vunpack.i.l.bf16.f32 v60;
	v37 =	vld.idx.msk [tilespmem:v47+s7+$0x0], $0xffff  }
0x17a: {  	_ =	sdelay $0x3  }
0x17b: {  	v22 =	vld.idx.msk [tilespmem:v30+s24+$0x0], $0xffff  }
0x17c: {  	v23 =	vld.idx.msk [tilespmem:v44+s18+$0x0], $0xffff  }
0x17d: {  	v30 =	vmul.bf16 v40, v38;
	v33 =	vmul.bf16 v33, v39;
	v60 =	vld.idx.msk [tilespmem:v42+s24+$0x0], $0xffff  }
0x17e: {  	v62 =	vunpack.i.u.bf16.f32 v45;
	v31 =	vmul.bf16 v31, v46;
	v45 =	vunpack.i.l.bf16.f32 v45  }
0x17f: {  	v63 =	vld.idx.msk [tilespmem:v41+s7+$0x0], $0xffff;
	v32 =	vmul.bf16 v35, v32;
	v44 =	vunpack.i.u.bf16.f32 v30;
	v29 =	vmul.bf16 v29, v33  }
0x180: {  	v24 =	vld.idx.msk [tilespmem:v24+s7+$0x0], $0xffff;
	v46 =	vadd.f32 v62, v34;
	v47 =	vadd.f32 v45, v43;
	v30 =	vunpack.i.l.bf16.f32 v30  }
0x181: {  	v49 =	vunpack.i.u.bf16.f32 v31;
	v28 =	vadd.f32 v44, v28;
	v27 =	vadd.f32 v30, v27  }
0x182: {  	v32 =	vmul.bf16 v37, v32;
	v48 =	vunpack.i.u.bf16.f32 v29;
	v23 =	vmul.bf16 v23, v60  }
0x183: {  	v29 =	vunpack.i.l.bf16.f32 v29;
	v22 =	vmul.bf16 v36, v22;
	v25 =	vadd.f32 v25, v27  }
0x184: {  	v30 =	vadd.f32 v49, v46;
	v26 =	vadd.f32 v26, v28;
	v23 =	vmul.bf16 v63, v23  }
0x185: {  	v22 =	vmul.bf16 v24, v22;
	v24 =	vunpack.i.l.bf16.f32 v31;
	v25 =	vadd.f32 v29, v25  }
0x186: {  	v37 =	vunpack.i.l.bf16.f32 v32;
	v26 =	vadd.f32 v48, v26;
	v24 =	vadd.f32 v24, v47  }
0x187: {  	v27 =	vunpack.i.l.bf16.f32 v23;
	v28 =	vunpack.i.u.bf16.f32 v22;
	v22 =	vunpack.i.l.bf16.f32 v22  }
0x188: {  	v23 =	vunpack.i.u.bf16.f32 v23;
	v28 =	vadd.f32 v28, v30;
	v22 =	vadd.f32 v22, v24  }
0x189: {  	v24 =	vunpack.i.u.bf16.f32 v32;
	v23 =	vadd.f32 v23, v26;
	v25 =	vadd.f32 v27, v25  }
0x18a: {  	v24 =	vadd.f32 v24, v28;
	v22 =	vadd.f32 v37, v22;
	_ =	sdelay $0x1  }
0x18b: {  	v23 =	vadd.f32 v23, v25;
	v22 =	vadd.f32 v24, v22;
	_ =	sdelay $0x1  }
0x18c: {  	v22 =	vadd.f32 v22, v23;
	_ =	sdelay $0x1  }
0x18d: {  	v22 =	vmul.f32 $1.442695020e+00, v22;
	_ =	sdelay $0x1  }
0x18e: {  	(erf) = vpow2.f32 v22;
	_ =	sdelay $0x8  }
0x18f: {  	v22 =	vpop (erf)  }
0x190: {  	[tilespmem:v61+s21+$0x0] =	vst.idx.msk $0xffff, v22  }
0x191: {  	v22 =	vld [tilespmem:s3+$0xC0]  }
0x192: {  	s10 =	simm.s32 $0x2  }
0x193: {  	s11 =	simm.s32 $0x0;
	v23 =	vadd.s32 s10, v0  }
0x194: {  	v28 =	vadd.s32 s11, v5;
	v24 =	vand.u32 $0x3F, v23  }
0x195: {  	v26 =	vadd.s32 s11, v0;
	v28 =	vand.u32 $0x3F, v28;
	v25 =	vor.u32 v16, v24  }
0x196: {  	v26 =	vand.u32 $0x38, v26;
	v31 =	vor.u32 v17, v28;
	v22 =	vshll.u32 v22, $0x6  }
0x197: {  	v50 =	vor.u32 v14, v26;
	v23 =	vor.u32 v2, v22  }
0x198: {  	v30 =	vadd.s32 s10, v5;
	v29 =	vor.u32 v26, v23  }
0x199: {  	v30 =	vand.u32 $0x3F, v30;
	v27 =	vor.u32 v22, v24;
	v24 =	vor.u32 v17, v24  }
0x19a: {  	v51 =	vor.u32 v16, v30;
	v25 =	vld.idx.msk [tilespmem:v25+s24+$0x0], $0xffff  }
0x19b: {  	s17 =	simm.s32 $0x4;
	v56 =	vld.idx.msk [tilespmem:v31+s7+$0x0], $0xffff  }
0x19c: {  	v53 =	vadd.s32 s17, v0;
	v32 =	vld.idx.msk [tilespmem:v50+s24+$0x0], $0xffff;
	v52 =	vor.u32 v22, v30  }
0x19d: {  	v35 =	vand.u32 $0x3F, v53;
	v54 =	vld.idx.msk [tilespmem:v29+s18+$0x0], $0xffff;
	v29 =	vor.u32 v22, v28  }
0x19e: {  	v55 =	vld.idx.msk [tilespmem:v24+s7+$0x0], $0xffff;
	v24 =	vor.u32 v17, v35  }
0x19f: {  	v57 =	vld.idx.msk [tilespmem:v51+s24+$0x0], $0xffff;
	v26 =	vor.u32 v15, v26  }
0x1a0: {  	v27 =	vld.idx.msk [tilespmem:v27+s18+$0x0], $0xffff;
	v28 =	vor.u32 v16, v28  }
0x1a1: {  	s30 =	simm.s32 $0x6;
	v58 =	vor.u32 v22, v35;
	v47 =	vld.idx.msk [tilespmem:v52+s18+$0x0], $0xffff  }
0x1a2: {  	v31 =	vadd.s32 s30, v5;
	v35 =	vor.u32 v16, v35;
	v59 =	vld.idx.msk [tilespmem:v29+s18+$0x0], $0xffff  }
0x1a3: {  	v30 =	vor.u32 v17, v30;
	v29 =	vld.idx.msk [tilespmem:v24+s7+$0x0], $0xffff;
	v24 =	vand.u32 $0x3F, v31  }
0x1a4: {  	v40 =	vld.idx.msk [tilespmem:v26+s7+$0x0], $0xffff;
	v60 =	vor.u32 v16, v24  }
0x1a5: {  	v26 =	vadd.s32 s30, v0;
	v31 =	vadd.s32 s17, v5;
	v28 =	vld.idx.msk [tilespmem:v28+s24+$0x0], $0xffff;
	v62 =	vor.u32 v22, v24  }
0x1a6: {  	v33 =	vld.idx.msk [tilespmem:v58+s18+$0x0], $0xffff;
	v25 =	vmul.bf16 v27, v25;
	v61 =	vand.u32 $0x3F, v31;
	v27 =	vor.u32 v17, v24  }
0x1a7: {  	v34 =	vimm.f32 $0.0e+00;
	v63 =	vand.u32 $0x3F, v26;
	v39 =	vld.idx.msk [tilespmem:v35+s24+$0x0], $0xffff;
	v48 =	vor.u32 v22, v61  }
0x1a8: {  	v43 =	vimm.f32 $0.0e+00;
	v42 =	vor.u32 v16, v63;
	v44 =	vor.u32 v22, v63;
	v31 =	vld.idx.msk [tilespmem:v30+s7+$0x0], $0xffff  }
0x1a9: {  	v38 =	vmul.bf16 v54, v32;
	v25 =	vmul.bf16 v55, v25;
	v30 =	vor.u32 v16, v61;
	v32 =	vld.idx.msk [tilespmem:v60+s24+$0x0], $0xffff  }
0x1aa: {  	v41 =	vor.u32 v17, v63;
	v46 =	vmul.bf16 v47, v57;
	v28 =	vmul.bf16 v59, v28;
	v35 =	vld.idx.msk [tilespmem:v62+s18+$0x0], $0xffff  }
0x1ab: {  	v24 =	vor.u32 v17, v61;
	v26 =	vunpack.i.u.bf16.f32 v25;
	v25 =	vunpack.i.l.bf16.f32 v25;
	v37 =	vld.idx.msk [tilespmem:v27+s7+$0x0], $0xffff  }
0x1ac: {  	s10 =	simm.s32 $0x8;
	v27 =	vimm.f32 $0.0e+00;
	v36 =	vld.idx.msk [tilespmem:v48+s18+$0x0], $0xffff;
	v45 =	vmul.bf16 v56, v28;
	v28 =	vimm.f32 $0.0e+00  }
.LBB2_9:
0x1ad: {  	s15 =	sadd.s32 $0x2, s10  }
0x1ae: {  	p2 =	slt.u32 s10, $0x38;
	v38 =	vmul.bf16 v40, v38;
	v30 =	vld.idx.msk [tilespmem:v30+s24+$0x0], $0xffff;
	s11 =	smov.u32 s10;
	s10 =	sadd.s32 $0x8, s10  }
0x1af: {  	v40 =	vadd.s32 s15, v0;
	v47 =	vunpack.i.u.bf16.f32 v45;
	v31 =	vmul.bf16 v31, v46  }
0x1b0: {  	v33 =	vmul.bf16 v33, v39;
	v46 =	vadd.s32 s15, v5;
	v48 =	vunpack.i.u.bf16.f32 v38;
	v39 =	vld.idx.msk [tilespmem:v44+s18+$0x0], $0xffff  }
0x1b1: {  	v40 =	vand.u32 $0x3F, v40;
	v44 =	vunpack.i.l.bf16.f32 v45;
	v34 =	vadd.f32 v47, v34;
	v42 =	vld.idx.msk [tilespmem:v42+s24+$0x0], $0xffff  }
0x1b2: {  	v46 =	vand.u32 $0x3F, v46;
	v29 =	vmul.bf16 v29, v33;
	v45 =	vor.u32 v17, v40  }
0x1b3: {  	v33 =	vor.u32 v16, v40;
	v40 =	vor.u32 v22, v40;
	v43 =	vadd.f32 v44, v43;
	v41 =	vld.idx.msk [tilespmem:v41+s7+$0x0], $0xffff  }
0x1b4: {  	v47 =	vadd.s32 s11, v5;
	v44 =	vadd.s32 s11, v0;
	v36 =	vmul.bf16 v36, v30  }
0x1b5: {  	v32 =	vmul.bf16 v35, v32;
	v30 =	vand.u32 $0x38, v44;
	v44 =	vand.u32 $0x3F, v47  }
0x1b6: {  	v49 =	vunpack.i.u.bf16.f32 v29;
	v35 =	vor.u32 v14, v30;
	v47 =	vor.u32 v30, v23  }
0x1b7: {  	v32 =	vmul.bf16 v37, v32;
	v50 =	vor.u32 v22, v44;
	v51 =	vor.u32 v17, v44  }
0x1b8: {  	s15 =	sadd.s32 $0x4, s11;
	v52 =	vunpack.i.l.bf16.f32 v29;
	v37 =	vor.u32 v16, v44;
	v44 =	vor.u32 v17, v46;
	v33 =	vld.idx.msk [tilespmem:v33+s24+$0x0], $0xffff  }
0x1b9: {  	v53 =	vadd.s32 s15, v0;
	v39 =	vmul.bf16 v39, v42;
	v29 =	vld.idx.msk [tilespmem:v40+s18+$0x0], $0xffff;
	v40 =	vor.u32 v22, v46  }
0x1ba: {  	v54 =	vunpack.i.l.bf16.f32 v32;
	v42 =	vor.u32 v16, v46;
	v46 =	vand.u32 $0x3F, v53;
	v53 =	vld.idx.msk [tilespmem:v24+s7+$0x0], $0xffff  }
0x1bb: {  	v55 =	vor.u32 v15, v30;
	v56 =	vor.u32 v16, v46;
	v24 =	vunpack.i.u.bf16.f32 v31;
	v47 =	vld.idx.msk [tilespmem:v47+s18+$0x0], $0xffff  }
0x1bc: {  	v57 =	vor.u32 v22, v46;
	v46 =	vor.u32 v17, v46;
	v34 =	vadd.f32 v24, v34;
	v45 =	vld.idx.msk [tilespmem:v45+s7+$0x0], $0xffff  }
0x1bd: {  	v38 =	vunpack.i.l.bf16.f32 v38;
	v39 =	vmul.bf16 v41, v39;
	v24 =	vadd.s32 s15, v5;
	v51 =	vld.idx.msk [tilespmem:v51+s7+$0x0], $0xffff  }
0x1be: {  	v28 =	vadd.f32 v48, v28;
	v41 =	vunpack.i.u.bf16.f32 v32;
	v24 =	vand.u32 $0x3F, v24;
	v35 =	vld.idx.msk [tilespmem:v35+s24+$0x0], $0xffff  }
0x1bf: {  	v27 =	vadd.f32 v38, v27;
	v30 =	vor.u32 v16, v24;
	v58 =	vor.u32 v22, v24;
	v48 =	vld.idx.msk [tilespmem:v42+s24+$0x0], $0xffff  }
0x1c0: {  	s11 =	sadd.s32 $0x6, s11;
	v31 =	vunpack.i.l.bf16.f32 v31;
	v24 =	vor.u32 v17, v24;
	v29 =	vmul.bf16 v29, v33;
	v59 =	vld.idx.msk [tilespmem:v40+s18+$0x0], $0xffff  }
0x1c1: {  	v26 =	vadd.f32 v26, v28;
	v32 =	vadd.s32 s11, v5;
	v42 =	vld.idx.msk [tilespmem:v50+s18+$0x0], $0xffff;
	v50 =	vunpack.i.l.bf16.f32 v39  }
0x1c2: {  	v28 =	vand.u32 $0x3F, v32;
	v32 =	vmul.bf16 v53, v36;
	v60 =	vmul.bf16 v45, v29;
	v29 =	vld.idx.msk [tilespmem:v46+s7+$0x0], $0xffff  }
0x1c3: {  	v25 =	vadd.f32 v25, v27;
	v27 =	vadd.f32 v31, v43;
	v36 =	vld.idx.msk [tilespmem:v37+s24+$0x0], $0xffff;
	v37 =	vor.u32 v16, v28  }
0x1c4: {  	v43 =	vunpack.i.u.bf16.f32 v32;
	v38 =	vmul.bf16 v47, v35;
	v35 =	vor.u32 v22, v28;
	v31 =	vld.idx.msk [tilespmem:v44+s7+$0x0], $0xffff  }
0x1c5: {  	v25 =	vadd.f32 v52, v25;
	v26 =	vadd.f32 v49, v26;
	v44 =	vunpack.i.u.bf16.f32 v39;
	v33 =	vld.idx.msk [tilespmem:v57+s18+$0x0], $0xffff  }
0x1c6: {  	v34 =	vadd.f32 v43, v34;
	v47 =	vor.u32 v17, v28;
	v28 =	vunpack.i.l.bf16.f32 v32;
	v40 =	vld.idx.msk [tilespmem:v55+s7+$0x0], $0xffff  }
.Ltmp3:
0x1c7: {  	v32 =	vadd.s32 s11, v0;
	v43 =	vadd.f32 v28, v27;
	v28 =	vadd.f32 v44, v26;
	v39 =	vld.idx.msk [tilespmem:v56+s24+$0x0], $0xffff;
	(pc) =	sbr.rel @p2 .LBB2_9-.Ltmp3, $4  }
0x1c8: {  	v45 =	vand.u32 $0x3F, v32;
	v27 =	vadd.f32 v50, v25;
	v34 =	vadd.f32 v41, v34;
	v32 =	vld.idx.msk [tilespmem:v37+s24+$0x0], $0xffff  }
0x1c9: {  	v44 =	vor.u32 v22, v45;
	v25 =	vmul.bf16 v42, v36;
	v42 =	vor.u32 v16, v45;
	v35 =	vld.idx.msk [tilespmem:v35+s18+$0x0], $0xffff  }
0x1ca: {  	v26 =	vunpack.i.u.bf16.f32 v60;
	v41 =	vor.u32 v17, v45;
	v43 =	vadd.f32 v54, v43;
	v36 =	vld.idx.msk [tilespmem:v58+s18+$0x0], $0xffff  }
0x1cb: {  	v46 =	vmul.bf16 v59, v48;
	v45 =	vmul.bf16 v51, v25;
	v25 =	vunpack.i.l.bf16.f32 v60;
	v37 =	vld.idx.msk [tilespmem:v47+s7+$0x0], $0xffff  }
0x1cc: {  	_ =	sdelay $0x3  }
0x1cd: {  	v22 =	vld.idx.msk [tilespmem:v30+s24+$0x0], $0xffff  }
0x1ce: {  	v23 =	vld.idx.msk [tilespmem:v44+s18+$0x0], $0xffff  }
0x1cf: {  	v30 =	vmul.bf16 v40, v38;
	v33 =	vmul.bf16 v33, v39;
	v54 =	vld.idx.msk [tilespmem:v42+s24+$0x0], $0xffff  }
0x1d0: {  	v55 =	vunpack.i.u.bf16.f32 v45;
	v31 =	vmul.bf16 v31, v46;
	v58 =	vunpack.i.l.bf16.f32 v45  }
0x1d1: {  	v56 =	vld.idx.msk [tilespmem:v41+s7+$0x0], $0xffff;
	v32 =	vmul.bf16 v35, v32;
	v57 =	vunpack.i.u.bf16.f32 v30;
	v29 =	vmul.bf16 v29, v33  }
0x1d2: {  	v24 =	vld.idx.msk [tilespmem:v24+s7+$0x0], $0xffff;
	v59 =	vadd.f32 v55, v34;
	v60 =	vadd.f32 v58, v43;
	v30 =	vunpack.i.l.bf16.f32 v30  }
0x1d3: {  	v62 =	vunpack.i.u.bf16.f32 v31;
	v28 =	vadd.f32 v57, v28;
	v27 =	vadd.f32 v30, v27  }
0x1d4: {  	v32 =	vmul.bf16 v37, v32;
	v61 =	vunpack.i.u.bf16.f32 v29;
	v23 =	vmul.bf16 v23, v54  }
0x1d5: {  	v29 =	vunpack.i.l.bf16.f32 v29;
	v22 =	vmul.bf16 v36, v22;
	v25 =	vadd.f32 v25, v27  }
0x1d6: {  	v30 =	vadd.f32 v62, v59;
	v26 =	vadd.f32 v26, v28;
	v23 =	vmul.bf16 v56, v23  }
0x1d7: {  	v22 =	vmul.bf16 v24, v22;
	v24 =	vunpack.i.l.bf16.f32 v31;
	v25 =	vadd.f32 v29, v25  }
0x1d8: {  	v37 =	vunpack.i.l.bf16.f32 v32;
	v26 =	vadd.f32 v61, v26;
	v24 =	vadd.f32 v24, v60  }
0x1d9: {  	v27 =	vunpack.i.l.bf16.f32 v23;
	v28 =	vunpack.i.u.bf16.f32 v22;
	v22 =	vunpack.i.l.bf16.f32 v22  }
0x1da: {  	v23 =	vunpack.i.u.bf16.f32 v23;
	v28 =	vadd.f32 v28, v30;
	v22 =	vadd.f32 v22, v24  }
0x1db: {  	v24 =	vunpack.i.u.bf16.f32 v32;
	v23 =	vadd.f32 v23, v26;
	v25 =	vadd.f32 v27, v25  }
0x1dc: {  	v24 =	vadd.f32 v24, v28;
	v22 =	vadd.f32 v37, v22;
	_ =	sdelay $0x1  }
0x1dd: {  	v23 =	vadd.f32 v23, v25;
	v22 =	vadd.f32 v24, v22;
	_ =	sdelay $0x1  }
0x1de: {  	v22 =	vadd.f32 v22, v23;
	_ =	sdelay $0x1  }
0x1df: {  	v22 =	vmul.f32 $1.442695020e+00, v22;
	_ =	sdelay $0x1  }
0x1e0: {  	(erf) = vpow2.f32 v22;
	_ =	sdelay $0x4  }
0x1e1: {  	v13 =	vor.u32 $0x200, v8;
	_ =	sdelay $0x3  }
0x1e2: {  	v22 =	vpop (erf)  }
0x1e3: {  	[tilespmem:v13+s21+$0x0] =	vst.idx.msk $0xffff, v22  }
0x1e4: {  	v22 =	vld [tilespmem:s3+$0xD0];
	_ =	sdelay $0x1  }
0x1e5: {  	s10 =	simm.s32 $0x2;
	s11 =	simm.s32 $0x0  }
0x1e6: {  	v29 =	vadd.s32 s11, v5;
	v26 =	vadd.s32 s10, v5  }
0x1e7: {  	v29 =	vand.u32 $0x3F, v29;
	v63 =	vand.u32 $0x3F, v26;
	v25 =	vor.u32 $0xC00, v7  }
0x1e8: {  	v32 =	vor.u32 v25, v63;
	v23 =	vshll.u32 v22, $0x6;
	v22 =	vadd.s32 s10, v0  }
0x1e9: {  	v28 =	vand.u32 $0x3F, v22;
	v53 =	vor.u32 v23, v29  }
0x1ea: {  	v27 =	vor.u32 v23, v28  }
0x1eb: {  	v26 =	vor.u32 v25, v29;
	v22 =	vadd.s32 s11, v0  }
0x1ec: {  	s17 =	simm.s32 $0x4;
	[tilespmem:$0x1FFC0] =	vst v13;
	v30 =	vand.u32 $0x38, v22;
	v51 =	vor.u32 v25, v28  }
0x1ed: {  	v49 =	vadd.s32 s17, v0;
	v45 =	vld.idx.msk [tilespmem:v32+s7+$0x0], $0xffff;
	v22 =	vor.u32 $0x1800, v6;
	v31 =	vor.u32 v18, v30  }
0x1ee: {  	v33 =	vand.u32 $0x3F, v49;
	v50 =	vor.u32 v22, v63;
	v49 =	vld.idx.msk [tilespmem:v53+s18+$0x0], $0xffff  }
0x1ef: {  	v52 =	vor.u32 v22, v33;
	v41 =	vld.idx.msk [tilespmem:v27+s18+$0x0], $0xffff  }
0x1f0: {  	v54 =	vor.u32 v22, v28;
	v27 =	vld.idx.msk [tilespmem:v26+s7+$0x0], $0xffff  }
0x1f1: {  	v58 =	vor.u32 v22, v29;
	v56 =	vld.idx.msk [tilespmem:v51+s7+$0x0], $0xffff  }
0x1f2: {  	v57 =	vadd.s32 s17, v5;
	v26 =	vor.u32 v2, v23;
	v42 =	vld.idx.msk [tilespmem:v31+s24+$0x0], $0xffff;
	v31 =	vor.u32 v23, v63  }
0x1f3: {  	v35 =	vand.u32 $0x3F, v57;
	v34 =	vld.idx.msk [tilespmem:v50+s24+$0x0], $0xffff;
	v55 =	vor.u32 v30, v26  }
0x1f4: {  	v59 =	vor.u32 v23, v35;
	v28 =	vld.idx.msk [tilespmem:v52+s24+$0x0], $0xffff  }
0x1f5: {  	s30 =	simm.s32 $0x6;
	v30 =	vor.u32 v19, v30;
	v47 =	vld.idx.msk [tilespmem:v54+s24+$0x0], $0xffff  }
0x1f6: {  	v62 =	vadd.s32 s30, v0;
	v61 =	vor.u32 v22, v35;
	v51 =	vld.idx.msk [tilespmem:v58+s24+$0x0], $0xffff  }
0x1f7: {  	v32 =	vimm.f32 $0.0e+00;
	v52 =	vor.u32 v25, v35;
	v63 =	vadd.s32 s30, v5;
	v60 =	vld.idx.msk [tilespmem:v31+s18+$0x0], $0xffff  }
0x1f8: {  	v29 =	vimm.f32 $0.0e+00;
	v50 =	vor.u32 v23, v33;
	v35 =	vand.u32 $0x3F, v63;
	v48 =	vld.idx.msk [tilespmem:v55+s18+$0x0], $0xffff  }
0x1f9: {  	v39 =	vld.idx.msk [tilespmem:v59+s18+$0x0], $0xffff;
	v36 =	vor.u32 v22, v35;
	v37 =	vor.u32 v23, v35;
	v35 =	vor.u32 v25, v35  }
0x1fa: {  	v31 =	vor.u32 v25, v33;
	v33 =	vand.u32 $0x3F, v62;
	v44 =	vld.idx.msk [tilespmem:v30+s7+$0x0], $0xffff;
	v30 =	vmul.bf16 v41, v47  }
0x1fb: {  	v43 =	vld.idx.msk [tilespmem:v61+s24+$0x0], $0xffff;
	v49 =	vmul.bf16 v49, v51;
	v40 =	vor.u32 v23, v33;
	v38 =	vor.u32 v25, v33  }
0x1fc: {  	v46 =	vld.idx.msk [tilespmem:v52+s7+$0x0], $0xffff;
	v47 =	vor.u32 v22, v33;
	v33 =	vimm.f32 $0.0e+00;
	v41 =	vmul.bf16 v60, v34  }
0x1fd: {  	s10 =	simm.s32 $0x8;
	v48 =	vmul.bf16 v48, v42;
	v42 =	vld.idx.msk [tilespmem:v50+s18+$0x0], $0xffff;
	v34 =	vmul.bf16 v56, v30;
	v30 =	vimm.f32 $0.0e+00  }
.LBB2_11:
0x1fe: {  	s30 =	sadd.s32 $0x2, s10  }
0x1ff: {  	s15 =	sadd.s32 $0x4, s10;
	v44 =	vmul.bf16 v44, v48;
	v48 =	vmul.bf16 v27, v49;
	s11 =	smov.u32 s10;
	s17 =	sadd.s32 $0x8, s10  }
0x200: {  	p2 =	slt.u32 s10, $0x38;
	v39 =	vmul.bf16 v39, v43;
	v27 =	vadd.s32 s30, v5;
	v49 =	vadd.s32 s15, v0;
	v40 =	vld.idx.msk [tilespmem:v40+s18+$0x0], $0xffff  }
0x201: {  	v43 =	vadd.s32 s30, v0;
	v50 =	vunpack.i.l.bf16.f32 v34;
	v49 =	vand.u32 $0x3F, v49;
	v47 =	vld.idx.msk [tilespmem:v47+s24+$0x0], $0xffff  }
0x202: {  	v28 =	vmul.bf16 v42, v28;
	v41 =	vmul.bf16 v45, v41;
	v31 =	vld.idx.msk [tilespmem:v31+s7+$0x0], $0xffff  }
0x203: {  	v42 =	vand.u32 $0x3F, v43;
	v43 =	vunpack.i.u.bf16.f32 v48;
	v39 =	vmul.bf16 v46, v39;
	v38 =	vld.idx.msk [tilespmem:v38+s7+$0x0], $0xffff  }
0x204: {  	v27 =	vand.u32 $0x3F, v27;
	v45 =	vor.u32 v23, v42;
	v46 =	vunpack.i.l.bf16.f32 v44  }
0x205: {  	v51 =	vadd.s32 s11, v0;
	v52 =	vadd.s32 s11, v5;
	v44 =	vunpack.i.u.bf16.f32 v44  }
0x206: {  	v51 =	vand.u32 $0x38, v51;
	v52 =	vand.u32 $0x3F, v52;
	v53 =	vunpack.i.l.bf16.f32 v41  }
0x207: {  	v54 =	vor.u32 v18, v51;
	v55 =	vor.u32 v51, v26;
	v40 =	vmul.bf16 v40, v47  }
0x208: {  	v56 =	vor.u32 v25, v52;
	v47 =	vor.u32 v23, v52;
	v57 =	vmul.bf16 v31, v28;
	v28 =	vld.idx.msk [tilespmem:v37+s18+$0x0], $0xffff  }
0x209: {  	v31 =	vor.u32 v22, v27;
	v37 =	vor.u32 v22, v42;
	v38 =	vmul.bf16 v38, v40;
	v36 =	vld.idx.msk [tilespmem:v36+s24+$0x0], $0xffff  }
0x20a: {  	v58 =	vunpack.i.u.bf16.f32 v39;
	v40 =	vor.u32 v25, v42;
	v42 =	vor.u32 v22, v49;
	v35 =	vld.idx.msk [tilespmem:v35+s7+$0x0], $0xffff  }
0x20b: {  	v51 =	vor.u32 v19, v51;
	v52 =	vor.u32 v22, v52;
	v59 =	vunpack.i.u.bf16.f32 v38;
	v45 =	vld.idx.msk [tilespmem:v45+s18+$0x0], $0xffff  }
0x20c: {  	v60 =	vor.u32 v23, v27;
	v61 =	vor.u32 v25, v27;
	v62 =	vunpack.i.l.bf16.f32 v38;
	v54 =	vld.idx.msk [tilespmem:v54+s24+$0x0], $0xffff  }
0x20d: {  	v38 =	vunpack.i.l.bf16.f32 v48;
	v48 =	vunpack.i.l.bf16.f32 v39;
	v27 =	vld.idx.msk [tilespmem:v56+s7+$0x0], $0xffff;
	v56 =	vor.u32 v23, v49  }
0x20e: {  	v34 =	vunpack.i.u.bf16.f32 v34;
	v29 =	vadd.f32 v46, v29;
	v63 =	vld.idx.msk [tilespmem:v31+s24+$0x0], $0xffff;
	v31 =	vor.u32 v25, v49  }
0x20f: {  	v41 =	vunpack.i.u.bf16.f32 v41;
	v39 =	vadd.s32 s15, v5;
	v36 =	vmul.bf16 v28, v36;
	v13 =	vld.idx.msk [tilespmem:v40+s7+$0x0], $0xffff  }
0x210: {  	v33 =	vadd.f32 v43, v33;
	v39 =	vand.u32 $0x3F, v39;
	v32 =	vadd.f32 v38, v32;
	v28 =	vld.idx.msk [tilespmem:v42+s24+$0x0], $0xffff  }
0x211: {  	v30 =	vadd.f32 v44, v30;
	v38 =	vor.u32 v23, v39;
	v42 =	vor.u32 v22, v39;
	v46 =	vld.idx.msk [tilespmem:v47+s18+$0x0], $0xffff  }
0x212: {  	s10 =	sadd.s32 $0x6, s11;
	v49 =	vunpack.i.l.bf16.f32 v57;
	v47 =	vmul.bf16 v35, v36;
	v43 =	vld.idx.msk [tilespmem:v60+s18+$0x0], $0xffff;
	v60 =	vor.u32 v25, v39  }
0x213: {  	v29 =	vadd.f32 v50, v29;
	v30 =	vadd.f32 v34, v30;
	v35 =	vadd.s32 s10, v0;
	v55 =	vld.idx.msk [tilespmem:v55+s18+$0x0], $0xffff  }
0x214: {  	v32 =	vadd.f32 v53, v32;
	v50 =	vand.u32 $0x3F, v35;
	v35 =	vadd.s32 s10, v5;
	v34 =	vld.idx.msk [tilespmem:v37+s24+$0x0], $0xffff  }
0x215: {  	v33 =	vadd.f32 v41, v33;
	v40 =	vor.u32 v23, v50;
	v53 =	vunpack.i.u.bf16.f32 v47;
	v52 =	vld.idx.msk [tilespmem:v52+s24+$0x0], $0xffff  }
0x216: {  	v32 =	vadd.f32 v48, v32;
	v35 =	vand.u32 $0x3F, v35;
	v39 =	vld.idx.msk [tilespmem:v38+s18+$0x0], $0xffff;
	v38 =	vor.u32 v25, v50  }
0x217: {  	v36 =	vor.u32 v22, v35;
	v37 =	vor.u32 v23, v35;
	v44 =	vld.idx.msk [tilespmem:v51+s7+$0x0], $0xffff;
	v51 =	vunpack.i.u.bf16.f32 v57  }
.Ltmp4:
0x218: {  	v33 =	vadd.f32 v58, v33;
	v35 =	vor.u32 v25, v35;
	v41 =	vmul.bf16 v43, v63;
	v43 =	vld.idx.msk [tilespmem:v42+s24+$0x0], $0xffff;
	(pc) =	sbr.rel @p2 .LBB2_11-.Ltmp4, $4  }
0x219: {  	v48 =	vmul.bf16 v55, v54;
	v30 =	vadd.f32 v51, v30;
	v51 =	vunpack.i.l.bf16.f32 v47;
	v42 =	vld.idx.msk [tilespmem:v56+s18+$0x0], $0xffff  }
0x21a: {  	v29 =	vadd.f32 v49, v29;
	v47 =	vor.u32 v22, v50;
	v34 =	vmul.bf16 v45, v34;
	v45 =	vld.idx.msk [tilespmem:v61+s7+$0x0], $0xffff  }
0x21b: {  	v32 =	vadd.f32 v51, v32;
	v49 =	vmul.bf16 v46, v52;
	v30 =	vadd.f32 v59, v30;
	v46 =	vld.idx.msk [tilespmem:v60+s7+$0x0], $0xffff  }
0x21c: {  	v29 =	vadd.f32 v62, v29;
	s10 =	smov.u32 s17;
	v33 =	vadd.f32 v53, v33;
	v34 =	vmul.bf16 v13, v34  }
0x21d: {  	_ =	sdelay $0x3  }
0x21e: {  	v13 =	vld.idx.msk [tilespmem:v40+s18+$0x0], $0xffff  }
0x21f: {  	v23 =	vld.idx.msk [tilespmem:v47+s24+$0x0], $0xffff  }
0x220: {  	v26 =	vld.idx.msk [tilespmem:v31+s7+$0x0], $0xffff;
	v31 =	vmul.bf16 v44, v48  }
0x221: {  	v27 =	vmul.bf16 v27, v49;
	v59 =	vmul.bf16 v39, v43  }
0x222: {  	v25 =	vld.idx.msk [tilespmem:v38+s7+$0x0], $0xffff;
	v28 =	vmul.bf16 v42, v28;
	v61 =	vmul.bf16 v45, v41  }
0x223: {  	v36 =	vld.idx.msk [tilespmem:v36+s24+$0x0], $0xffff;
	v62 =	vunpack.i.u.bf16.f32 v27;
	v63 =	vunpack.i.l.bf16.f32 v31;
	v27 =	vunpack.i.l.bf16.f32 v27  }
0x224: {  	v38 =	vmul.bf16 v46, v59;
	v29 =	vadd.f32 v63, v29;
	v13 =	vmul.bf16 v13, v23;
	v23 =	vld.idx.msk [tilespmem:v37+s18+$0x0], $0xffff  }
0x225: {  	v60 =	vunpack.i.l.bf16.f32 v34;
	v27 =	vadd.f32 v27, v32;
	v33 =	vadd.f32 v62, v33  }
0x226: {  	v47 =	vunpack.i.u.bf16.f32 v61;
	v26 =	vmul.bf16 v26, v28;
	v28 =	vld.idx.msk [tilespmem:v35+s7+$0x0], $0xffff;
	v45 =	vunpack.i.u.bf16.f32 v38  }
0x227: {  	v38 =	vunpack.i.l.bf16.f32 v38;
	v13 =	vmul.bf16 v25, v13;
	v25 =	vunpack.i.u.bf16.f32 v31  }
0x228: {  	v31 =	vunpack.i.l.bf16.f32 v61;
	v25 =	vadd.f32 v25, v30;
	v30 =	vunpack.i.u.bf16.f32 v34  }
0x229: {  	v27 =	vadd.f32 v31, v27;
	v46 =	vunpack.i.u.bf16.f32 v13;
	v23 =	vmul.bf16 v23, v36  }
0x22a: {  	v13 =	vunpack.i.l.bf16.f32 v13;
	v25 =	vadd.f32 v30, v25;
	v30 =	vunpack.i.u.bf16.f32 v26  }
0x22b: {  	v23 =	vmul.bf16 v28, v23;
	v28 =	vadd.f32 v60, v29;
	v29 =	vadd.f32 v47, v33  }
0x22c: {  	v26 =	vunpack.i.l.bf16.f32 v26;
	v27 =	vadd.f32 v38, v27;
	v25 =	vadd.f32 v30, v25  }
0x22d: {  	v29 =	vadd.f32 v45, v29;
	v30 =	vunpack.i.l.bf16.f32 v23;
	v26 =	vadd.f32 v26, v28  }
0x22e: {  	v23 =	vunpack.i.u.bf16.f32 v23;
	v25 =	vadd.f32 v46, v25;
	v27 =	vadd.f32 v30, v27  }
0x22f: {  	v13 =	vadd.f32 v13, v26;
	v23 =	vadd.f32 v23, v29;
	_ =	sdelay $0x1  }
0x230: {  	v13 =	vadd.f32 v25, v13;
	v23 =	vadd.f32 v23, v27;
	_ =	sdelay $0x1  }
0x231: {  	v13 =	vadd.f32 v23, v13;
	_ =	sdelay $0x1  }
0x232: {  	v13 =	vmul.f32 $1.442695020e+00, v13;
	_ =	sdelay $0x1  }
0x233: {  	(erf) = vpow2.f32 v13;
	_ =	sdelay $0x4  }
0x234: {  	v25 =	vor.u32 $0x300, v8;
	_ =	sdelay $0x3  }
0x235: {  	v13 =	vpop (erf)  }
0x236: {  	[tilespmem:v25+s21+$0x0] =	vst.idx.msk $0xffff, v13  }
0x237: {  	s11 =	simm.s32 $0x0;
	v13 =	vld [tilespmem:s3+$0xE0]  }
0x238: {  	s10 =	simm.s32 $0x2;
	s17 =	simm.s32 $0x4;
	v23 =	vadd.s32 s11, v0  }
0x239: {  	v49 =	vadd.s32 s17, v0;
	v28 =	vadd.s32 s10, v5;
	v31 =	vand.u32 $0x38, v23  }
0x23a: {  	v33 =	vand.u32 $0x3F, v28;
	v23 =	vor.u32 $0x2000, v6;
	v48 =	vor.u32 v20, v31  }
0x23b: {  	v34 =	vand.u32 $0x3F, v49;
	v50 =	vor.u32 v23, v33  }
0x23c: {  	v58 =	vor.u32 v21, v31;
	v26 =	vshll.u32 v13, $0x6;
	v13 =	vadd.s32 s10, v0  }
0x23d: {  	v30 =	vadd.s32 s11, v5;
	v52 =	vor.u32 v23, v34;
	v13 =	vand.u32 $0x3F, v13  }
0x23e: {  	v30 =	vand.u32 $0x3F, v30;
	v27 =	vor.u32 $0x1000, v7;
	v29 =	vor.u32 v26, v13  }
0x23f: {  	v28 =	vor.u32 v27, v30;
	v32 =	vld.idx.msk [tilespmem:v48+s24+$0x0], $0xffff  }
0x240: {  	v63 =	vor.u32 v23, v30;
	v35 =	vld.idx.msk [tilespmem:v50+s24+$0x0], $0xffff  }
0x241: {  	v46 =	vld.idx.msk [tilespmem:v58+s7+$0x0], $0xffff;
	v53 =	vor.u32 v26, v30  }
0x242: {  	v54 =	vor.u32 v26, v33;
	v30 =	vld.idx.msk [tilespmem:v52+s24+$0x0], $0xffff  }
0x243: {  	v51 =	vor.u32 v27, v13;
	v13 =	vor.u32 v23, v13;
	v43 =	vld.idx.msk [tilespmem:v29+s18+$0x0], $0xffff  }
0x244: {  	v62 =	vadd.s32 s17, v5;
	v29 =	vld.idx.msk [tilespmem:v28+s7+$0x0], $0xffff;
	v28 =	vor.u32 v2, v26  }
0x245: {  	v41 =	vand.u32 $0x3F, v62;
	v52 =	vld.idx.msk [tilespmem:v63+s24+$0x0], $0xffff;
	v55 =	vor.u32 v31, v28  }
0x246: {  	v60 =	vor.u32 v23, v41;
	v56 =	vld.idx.msk [tilespmem:v53+s18+$0x0], $0xffff  }
0x247: {  	s30 =	simm.s32 $0x6;
	v57 =	vor.u32 v26, v41;
	v59 =	vld.idx.msk [tilespmem:v54+s18+$0x0], $0xffff  }
0x248: {  	v61 =	vor.u32 v26, v34;
	v63 =	vadd.s32 s30, v5;
	v13 =	vld.idx.msk [tilespmem:v13+s24+$0x0], $0xffff  }
0x249: {  	v62 =	vadd.s32 s30, v0;
	v37 =	vand.u32 $0x3F, v63;
	v36 =	vld.idx.msk [tilespmem:v51+s7+$0x0], $0xffff;
	v51 =	vor.u32 v27, v33  }
0x24a: {  	v38 =	vor.u32 v23, v37;
	v39 =	vor.u32 v26, v37;
	v53 =	vor.u32 v27, v41;
	v50 =	vld.idx.msk [tilespmem:v55+s18+$0x0], $0xffff  }
0x24b: {  	v45 =	vld.idx.msk [tilespmem:v60+s24+$0x0], $0xffff;
	v37 =	vor.u32 v27, v37;
	v33 =	vor.u32 v27, v34;
	v34 =	vand.u32 $0x3F, v62  }
0x24c: {  	v41 =	vld.idx.msk [tilespmem:v57+s18+$0x0], $0xffff;
	v31 =	vimm.f32 $0.0e+00;
	v42 =	vor.u32 v26, v34;
	v40 =	vor.u32 v27, v34  }
0x24d: {  	v44 =	vld.idx.msk [tilespmem:v61+s18+$0x0], $0xffff;
	v49 =	vor.u32 v23, v34;
	v34 =	vimm.f32 $0.0e+00;
	v13 =	vmul.bf16 v43, v13  }
0x24e: {  	v43 =	vmul.bf16 v59, v35;
	v47 =	vld.idx.msk [tilespmem:v51+s7+$0x0], $0xffff;
	v51 =	vmul.bf16 v56, v52;
	v35 =	vimm.f32 $0.0e+00  }
0x24f: {  	s17 =	simm.s32 $0x8;
	v48 =	vld.idx.msk [tilespmem:v53+s7+$0x0], $0xffff;
	v36 =	vmul.bf16 v36, v13;
	v50 =	vmul.bf16 v50, v32;
	v32 =	vimm.f32 $0.0e+00  }
.LBB2_13:
0x250: {  	s30 =	sadd.s32 $0x2, s17  }
0x251: {  	s15 =	sadd.s32 $0x4, s17;
	v13 =	vmul.bf16 v46, v50;
	v46 =	vmul.bf16 v29, v51;
	s11 =	smov.u32 s17;
	s10 =	sadd.s32 $0x8, s17  }
0x252: {  	p2 =	slt.u32 s17, $0x38;
	v41 =	vmul.bf16 v41, v45;
	v29 =	vadd.s32 s30, v5;
	v50 =	vadd.s32 s15, v0;
	v42 =	vld.idx.msk [tilespmem:v42+s18+$0x0], $0xffff  }
0x253: {  	v45 =	vadd.s32 s30, v0;
	v51 =	vunpack.i.l.bf16.f32 v36;
	v50 =	vand.u32 $0x3F, v50;
	v49 =	vld.idx.msk [tilespmem:v49+s24+$0x0], $0xffff  }
0x254: {  	v30 =	vmul.bf16 v44, v30;
	v43 =	vmul.bf16 v47, v43;
	v33 =	vld.idx.msk [tilespmem:v33+s7+$0x0], $0xffff  }
0x255: {  	v44 =	vand.u32 $0x3F, v45;
	v45 =	vunpack.i.u.bf16.f32 v46;
	v41 =	vmul.bf16 v48, v41;
	v40 =	vld.idx.msk [tilespmem:v40+s7+$0x0], $0xffff  }
0x256: {  	v29 =	vand.u32 $0x3F, v29;
	v47 =	vor.u32 v26, v44;
	v48 =	vunpack.i.l.bf16.f32 v13  }
0x257: {  	v52 =	vadd.s32 s11, v0;
	v53 =	vadd.s32 s11, v5;
	v13 =	vunpack.i.u.bf16.f32 v13  }
0x258: {  	v52 =	vand.u32 $0x38, v52;
	v53 =	vand.u32 $0x3F, v53;
	v54 =	vunpack.i.l.bf16.f32 v43  }
0x259: {  	v55 =	vor.u32 v20, v52;
	v56 =	vor.u32 v52, v28;
	v42 =	vmul.bf16 v42, v49  }
0x25a: {  	v57 =	vor.u32 v27, v53;
	v49 =	vor.u32 v26, v53;
	v58 =	vmul.bf16 v33, v30;
	v30 =	vld.idx.msk [tilespmem:v39+s18+$0x0], $0xffff  }
0x25b: {  	v33 =	vor.u32 v23, v29;
	v39 =	vor.u32 v23, v44;
	v40 =	vmul.bf16 v40, v42;
	v38 =	vld.idx.msk [tilespmem:v38+s24+$0x0], $0xffff  }
0x25c: {  	v59 =	vunpack.i.u.bf16.f32 v41;
	v42 =	vor.u32 v27, v44;
	v44 =	vor.u32 v23, v50;
	v37 =	vld.idx.msk [tilespmem:v37+s7+$0x0], $0xffff  }
0x25d: {  	v52 =	vor.u32 v21, v52;
	v53 =	vor.u32 v23, v53;
	v60 =	vunpack.i.u.bf16.f32 v40;
	v47 =	vld.idx.msk [tilespmem:v47+s18+$0x0], $0xffff  }
0x25e: {  	v61 =	vor.u32 v26, v29;
	v62 =	vor.u32 v27, v29;
	v63 =	vunpack.i.l.bf16.f32 v40;
	v55 =	vld.idx.msk [tilespmem:v55+s24+$0x0], $0xffff  }
0x25f: {  	v40 =	vunpack.i.l.bf16.f32 v46;
	v46 =	vunpack.i.l.bf16.f32 v41;
	v29 =	vld.idx.msk [tilespmem:v57+s7+$0x0], $0xffff;
	v57 =	vor.u32 v26, v50  }
0x260: {  	v36 =	vunpack.i.u.bf16.f32 v36;
	v31 =	vadd.f32 v48, v31;
	v2 =	vld.idx.msk [tilespmem:v33+s24+$0x0], $0xffff;
	v33 =	vor.u32 v27, v50  }
0x261: {  	v43 =	vunpack.i.u.bf16.f32 v43;
	v41 =	vadd.s32 s15, v5;
	v38 =	vmul.bf16 v30, v38;
	v8 =	vld.idx.msk [tilespmem:v42+s7+$0x0], $0xffff  }
0x262: {  	v35 =	vadd.f32 v45, v35;
	v41 =	vand.u32 $0x3F, v41;
	v34 =	vadd.f32 v40, v34;
	v30 =	vld.idx.msk [tilespmem:v44+s24+$0x0], $0xffff  }
0x263: {  	v13 =	vadd.f32 v13, v32;
	v40 =	vor.u32 v26, v41;
	v44 =	vor.u32 v23, v41;
	v48 =	vld.idx.msk [tilespmem:v49+s18+$0x0], $0xffff  }
0x264: {  	s11 =	sadd.s32 $0x6, s11;
	v24 =	vunpack.i.l.bf16.f32 v58;
	v49 =	vmul.bf16 v37, v38;
	v32 =	vld.idx.msk [tilespmem:v61+s18+$0x0], $0xffff;
	v61 =	vor.u32 v27, v41  }
0x265: {  	v31 =	vadd.f32 v51, v31;
	v13 =	vadd.f32 v36, v13;
	v37 =	vadd.s32 s11, v0;
	v50 =	vld.idx.msk [tilespmem:v56+s18+$0x0], $0xffff  }
0x266: {  	v34 =	vadd.f32 v54, v34;
	v51 =	vand.u32 $0x3F, v37;
	v37 =	vadd.s32 s11, v5;
	v36 =	vld.idx.msk [tilespmem:v39+s24+$0x0], $0xffff  }
0x267: {  	v35 =	vadd.f32 v43, v35;
	v42 =	vor.u32 v26, v51;
	v54 =	vunpack.i.u.bf16.f32 v49;
	v53 =	vld.idx.msk [tilespmem:v53+s24+$0x0], $0xffff  }
0x268: {  	v34 =	vadd.f32 v46, v34;
	v37 =	vand.u32 $0x3F, v37;
	v41 =	vld.idx.msk [tilespmem:v40+s18+$0x0], $0xffff;
	v40 =	vor.u32 v27, v51  }
0x269: {  	v38 =	vor.u32 v23, v37;
	v39 =	vor.u32 v26, v37;
	v46 =	vld.idx.msk [tilespmem:v52+s7+$0x0], $0xffff;
	v52 =	vunpack.i.u.bf16.f32 v58  }
.Ltmp5:
0x26a: {  	v37 =	vor.u32 v27, v37;
	v43 =	vmul.bf16 v32, v2;
	v2 =	vadd.f32 v59, v35;
	v45 =	vld.idx.msk [tilespmem:v44+s24+$0x0], $0xffff;
	(pc) =	sbr.rel @p2 .LBB2_13-.Ltmp5, $4  }
0x26b: {  	v35 =	vunpack.i.l.bf16.f32 v49;
	v50 =	vmul.bf16 v50, v55;
	v13 =	vadd.f32 v52, v13;
	v44 =	vld.idx.msk [tilespmem:v57+s18+$0x0], $0xffff  }
0x26c: {  	v24 =	vadd.f32 v24, v31;
	v49 =	vor.u32 v23, v51;
	v36 =	vmul.bf16 v47, v36;
	v47 =	vld.idx.msk [tilespmem:v62+s7+$0x0], $0xffff  }
0x26d: {  	v34 =	vadd.f32 v35, v34;
	v51 =	vmul.bf16 v48, v53;
	v32 =	vadd.f32 v60, v13;
	v48 =	vld.idx.msk [tilespmem:v61+s7+$0x0], $0xffff  }
0x26e: {  	s17 =	smov.u32 s10;
	v31 =	vadd.f32 v63, v24;
	v35 =	vadd.f32 v54, v2;
	v36 =	vmul.bf16 v8, v36  }
0x26f: {  	_ =	sdelay $0x3  }
0x270: {  	v2 =	vld.idx.msk [tilespmem:v42+s18+$0x0], $0xffff  }
0x271: {  	v8 =	vld.idx.msk [tilespmem:v49+s24+$0x0], $0xffff;
	_ =	sdelay $0x1  }
0x272: {  	v24 =	vld.idx.msk [tilespmem:v33+s7+$0x0], $0xffff;
	v26 =	vmul.bf16 v46, v50;
	v27 =	vmul.bf16 v29, v51  }
0x273: {  	v13 =	vld.idx.msk [tilespmem:v40+s7+$0x0], $0xffff;
	v28 =	vmul.bf16 v41, v45;
	v29 =	vunpack.i.l.bf16.f32 v36;
	v30 =	vmul.bf16 v44, v30  }
0x274: {  	v38 =	vld.idx.msk [tilespmem:v38+s24+$0x0], $0xffff;
	v58 =	vunpack.i.u.bf16.f32 v36;
	v53 =	vmul.bf16 v47, v43;
	v54 =	vunpack.i.u.bf16.f32 v27  }
0x275: {  	v55 =	vunpack.i.l.bf16.f32 v26;
	v27 =	vunpack.i.l.bf16.f32 v27;
	v2 =	vmul.bf16 v2, v8;
	v8 =	vld.idx.msk [tilespmem:v39+s18+$0x0], $0xffff  }
0x276: {  	v28 =	vmul.bf16 v48, v28;
	v31 =	vadd.f32 v55, v31;
	v27 =	vadd.f32 v27, v34  }
0x277: {  	v59 =	vadd.f32 v54, v35;
	v33 =	vunpack.i.u.bf16.f32 v53;
	v24 =	vmul.bf16 v24, v30;
	v30 =	vld.idx.msk [tilespmem:v37+s7+$0x0], $0xffff  }
0x278: {  	v56 =	vunpack.i.u.bf16.f32 v28;
	v2 =	vmul.bf16 v13, v2;
	v13 =	vunpack.i.u.bf16.f32 v26  }
0x279: {  	v28 =	vunpack.i.l.bf16.f32 v28;
	v26 =	vunpack.i.l.bf16.f32 v53;
	v13 =	vadd.f32 v13, v32  }
0x27a: {  	v26 =	vadd.f32 v26, v27;
	v27 =	vadd.f32 v29, v31;
	v8 =	vmul.bf16 v8, v38  }
0x27b: {  	v29 =	vadd.f32 v33, v59;
	v57 =	vunpack.i.u.bf16.f32 v2;
	v13 =	vadd.f32 v58, v13  }
0x27c: {  	v2 =	vunpack.i.l.bf16.f32 v2;
	v8 =	vmul.bf16 v30, v8;
	v30 =	vunpack.i.u.bf16.f32 v24  }
0x27d: {  	v26 =	vadd.f32 v28, v26;
	v24 =	vunpack.i.l.bf16.f32 v24;
	v13 =	vadd.f32 v30, v13  }
0x27e: {  	v28 =	vadd.f32 v56, v29;
	v24 =	vadd.f32 v24, v27;
	v29 =	vunpack.i.l.bf16.f32 v8  }
0x27f: {  	v8 =	vunpack.i.u.bf16.f32 v8;
	v13 =	vadd.f32 v57, v13;
	v26 =	vadd.f32 v29, v26  }
0x280: {  	v2 =	vadd.f32 v2, v24;
	v8 =	vadd.f32 v8, v28;
	_ =	sdelay $0x1  }
0x281: {  	v2 =	vadd.f32 v13, v2;
	v8 =	vadd.f32 v8, v26;
	_ =	sdelay $0x1  }
0x282: {  	v2 =	vadd.f32 v8, v2;
	_ =	sdelay $0x1  }
0x283: {  	v2 =	vmul.f32 $1.442695020e+00, v2;
	_ =	sdelay $0x1  }
0x284: {  	v27 =	vld [tilespmem:$0x1FFE0];
	(erf) = vpow2.f32 v2;
	_ =	sdelay $0x4  }
0x285: {  	v26 =	vor.u32 $0x400, v27;
	_ =	sdelay $0x3  }
0x286: {  	v2 =	vpop (erf)  }
0x287: {  	[tilespmem:v26+s21+$0x0] =	vst.idx.msk $0xffff, v2  }
0x288: {  	_ =	strace $0x9000004A  }
0x289: {  	_ =	strace $0x8000004B  }
0x28a: {  	[tilespmem:s24], [sflag:$0x1] =	stream.indirect.gather [hbm4b:s8+s22], $0x80, s6, s22, $0x2000b8;
	[tilespmem:$0x1EBE0] =	vst v63  }
0x28b: {  	s15 =	simm.s32 $0x2;
	_ =	strace $0x9000004B  }
0x28c: {  	s7 =	simm.s32 @!p1 $0x4;
	v28 =	vor.u32 $0x40, v6;
	v2 =	vadd.s32 s15, v0;
	_ =	strace $0x8000004C  }
0x28d: {  	v8 =	vor.u32 v28, v2;
	_ =	swait.ge @!p1 [sflag:s7], $0x2800  }
0x28e: {  	s10 =	simm.s32 $0x0;
	[sflag:s7] =	ssyncset.done @!p1 $0x0  }
0x28f: {  	v13 =	vadd.s32 s10, v0;
	[sflag:s7] =	ssyncadd.s32 @!p1 $0xFFFFD800  }
0x290: {  	s17 =	simm.s32 $0x6;
	v24 =	vor.u32 v28, v13;
	_ =	strace $0x9000004C  }
0x291: {  	v61 =	vadd.s32 s17, v0;
	_ =	strace $0x8000004D  }
0x292: {  	s11 =	simm.s32 $0x4;
	v63 =	vor.u32 v28, v61;
	v30 =	vld.idx.msk [tilespmem:v8+s24+$0x0], $0xffff  }
0x293: {  	v62 =	vadd.s32 s11, v0;
	v47 =	vadd.s32 s10, v5;
	v33 =	vand.u32 $0x3F, v61;
	v27 =	vld.idx.msk [tilespmem:v27+s21+$0x0], $0xffff  }
0x294: {  	v48 =	vand.u32 $0x3F, v47;
	v53 =	vor.u32 v6, v33;
	v2 =	vand.u32 $0x3F, v2  }
0x295: {  	v56 =	vadd.s32 s11, v5;
	v29 =	vadd.s32 s15, v5;
	v2 =	vor.u32 v6, v2;
	v60 =	vld.idx.msk [tilespmem:v24+s24+$0x0], $0xffff  }
0x296: {  	v57 =	vand.u32 $0x3F, v56;
	v45 =	vand.u32 $0x3F, v29;
	v31 =	vor.u32 v28, v62  }
0x297: {  	v35 =	vor.u32 v6, v57;
	v13 =	vand.u32 $0x3F, v13;
	v52 =	vld.idx.msk [tilespmem:v63+s24+$0x0], $0xffff;
	v46 =	vunpack.i.l.bf16.f32 v30  }
0x298: {  	v29 =	vor.u32 v28, v45;
	v13 =	vor.u32 v6, v13;
	s6 =	simm.s32 $0x8;
	v36 =	vmul.f32 v46, v27  }
0x299: {  	v34 =	vor.u32 v28, v56;
	v58 =	vadd.s32 s6, v0;
	v30 =	vunpack.i.u.bf16.f32 v30  }
0x29a: {  	v49 =	vunpack.i.l.bf16.f32 v60;
	[tilespmem:v2+s20+$0x0] =	vst.idx.msk $0xffff, v36;
	v2 =	vmul.f32 v30, v27;
	v30 =	vor.u32 v28, v47  }
0x29b: {  	v37 =	vor.u32 v28, v58;
	v32 =	vunpack.i.u.bf16.f32 v60;
	v50 =	vmul.f32 v49, v27  }
0x29c: {  	v59 =	vunpack.i.l.bf16.f32 v52;
	v41 =	vunpack.i.u.bf16.f32 v52;
	v51 =	vmul.f32 v32, v27;
	[tilespmem:v8+s20+$0x0] =	vst.idx.msk $0xffff, v2;
	v2 =	vld.idx.msk [tilespmem:v31+s24+$0x0], $0xffff  }
0x29d: {  	v32 =	vor.u32 v6, v48;
	v44 =	vmul.f32 v59, v27;
	[tilespmem:v13+s20+$0x0] =	vst.idx.msk $0xffff, v50;
	v54 =	vld.idx.msk [tilespmem:v29+s24+$0x0], $0xffff  }
0x29e: {  	s30 =	simm.s32 $0xA;
	v55 =	vand.u32 $0x3F, v62;
	v41 =	vmul.f32 v41, v27;
	v36 =	vor.u32 v6, v45;
	[tilespmem:v24+s20+$0x0] =	vst.idx.msk $0xffff, v51  }
0x29f: {  	v13 =	vor.u32 v6, v55;
	[tilespmem:v53+s20+$0x0] =	vst.idx.msk $0xffff, v44;
	v24 =	vadd.s32 s30, v0;
	v8 =	vadd.s32 s17, v5;
	v40 =	vld.idx.msk [tilespmem:v30+s24+$0x0], $0xffff  }
0x2a0: {  	[tilespmem:v63+s20+$0x0] =	vst.idx.msk $0xffff, v41;
	v39 =	vor.u32 v28, v24;
	v24 =	vand.u32 $0x3F, v24;
	v8 =	vand.u32 $0x3F, v8  }
0x2a1: {  	v41 =	vor.u32 v6, v24;
	v33 =	vor.u32 v28, v8;
	v48 =	vor.u32 v6, v8  }
0x2a2: {  	v60 =	vunpack.i.l.bf16.f32 v2;
	v2 =	vunpack.i.u.bf16.f32 v2;
	v61 =	vunpack.i.u.bf16.f32 v54  }
0x2a3: {  	v62 =	vunpack.i.l.bf16.f32 v54;
	v52 =	vmul.f32 v60, v27;
	v47 =	vmul.f32 v2, v27  }
0x2a4: {  	v44 =	vld.idx.msk [tilespmem:v37+s24+$0x0], $0xffff;
	v50 =	vmul.f32 v62, v27;
	v49 =	vmul.f32 v61, v27;
	v2 =	vunpack.i.u.bf16.f32 v40  }
0x2a5: {  	v46 =	vmovc v28;
	v45 =	vld.idx.msk [tilespmem:v39+s24+$0x0], $0xffff;
	v63 =	vunpack.i.l.bf16.f32 v40;
	v40 =	vmul.f32 v2, v27;
	v2 =	vadd.s32 s30, v5  }
0x2a6: {  	s7 =	simm.s32 $0xC;
	v51 =	vand.u32 $0x3F, v58;
	v42 =	vld.idx.msk [tilespmem:v33+s24+$0x0], $0xffff;
	[tilespmem:v13+s20+$0x0] =	vst.idx.msk $0xffff, v52;
	v43 =	vmul.f32 v63, v27;
	v38 =	vand.u32 $0x3F, v2  }
.LBB2_15:
0x2a7: {  	s10 =	sadd.s32 $0x2, s7;
	v2 =	vor.u32 v6, v51  }
0x2a8: {  	p1 =	slt.u32 s7, $0x3C;
	v8 =	vadd.s32 s6, v5;
	v13 =	vor.u32 v46, v38;
	[tilespmem:v31+s20+$0x0] =	vst.idx.msk $0xffff, v47;
	v31 =	vmov v37;
	s6 =	smov.u32 s7;
	s7 =	sadd.s32 $0x4, s7  }
0x2a9: {  	v24 =	vadd.s32 s10, v0;
	v51 =	vand.u32 $0x3F, v8;
	v52 =	vld.idx.msk [tilespmem:v34+s24+$0x0], $0xffff;
	[tilespmem:v36+s20+$0x0] =	vst.idx.msk $0xffff, v50;
	v36 =	vmov v48  }
0x2aa: {  	v48 =	vadd.s32 s6, v0;
	v47 =	vunpack.i.l.bf16.f32 v45;
	v53 =	vor.u32 v28, v24;
	[tilespmem:v29+s20+$0x0] =	vst.idx.msk $0xffff, v49;
	v29 =	vmovc v33  }
0x2ab: {  	v37 =	vor.u32 v28, v48;
	v24 =	vand.u32 $0x3F, v24;
	v47 =	vmul.f32 v47, v27;
	[tilespmem:v32+s20+$0x0] =	vst.idx.msk $0xffff, v43  }
0x2ac: {  	v45 =	vunpack.i.u.bf16.f32 v45;
	v33 =	vmovc v13;
	v43 =	vunpack.i.l.bf16.f32 v44;
	v49 =	vunpack.i.u.bf16.f32 v42;
	v32 =	vmovc v35;
	[tilespmem:v30+s20+$0x0] =	vst.idx.msk $0xffff, v40  }
0x2ad: {  	v13 =	vunpack.i.u.bf16.f32 v44;
	v50 =	vunpack.i.l.bf16.f32 v42;
	v40 =	vmul.f32 v45, v27;
	v30 =	vmovc v34;
	[tilespmem:v41+s20+$0x0] =	vst.idx.msk $0xffff, v47  }
.Ltmp6:
0x2ae: {  	v35 =	vor.u32 v6, v51;
	v54 =	vmul.f32 v43, v27;
	v47 =	vmul.f32 v13, v27;
	(pc) =	sbr.rel @p1 .LBB2_15-.Ltmp6, $4  }
0x2af: {  	v34 =	vor.u32 v46, v8;
	v8 =	vunpack.i.u.bf16.f32 v52;
	v13 =	vunpack.i.l.bf16.f32 v52;
	v45 =	vld.idx.msk [tilespmem:v53+s24+$0x0], $0xffff;
	[tilespmem:v39+s20+$0x0] =	vst.idx.msk $0xffff, v40  }
0x2b0: {  	v41 =	vor.u32 v6, v24;
	v43 =	vmul.f32 v13, v27;
	v40 =	vmul.f32 v8, v27;
	v44 =	vld.idx.msk [tilespmem:v37+s24+$0x0], $0xffff  }
0x2b1: {  	v50 =	vmul.f32 v50, v27;
	v49 =	vmul.f32 v49, v27;
	v46 =	vmovc v28;
	v8 =	vadd.s32 s10, v5;
	v42 =	vld.idx.msk [tilespmem:v33+s24+$0x0], $0xffff  }
0x2b2: {  	v51 =	vand.u32 $0x3F, v48;
	v48 =	vor.u32 v6, v38;
	v39 =	vmovc v53;
	v38 =	vand.u32 $0x3F, v8;
	[tilespmem:v2+s20+$0x0] =	vst.idx.msk $0xffff, v54  }
0x2b3: {  	_ =	sdelay $0x3  }
0x2b4: {  	v2 =	vor.u32 v6, v51;
	v8 =	vor.u32 v46, v38;
	[tilespmem:v31+s20+$0x0] =	vst.idx.msk $0xffff, v47;
	v13 =	vunpack.i.l.bf16.f32 v45  }
0x2b5: {  	v24 =	vadd.s32 s6, v5;
	[tilespmem:v36+s20+$0x0] =	vst.idx.msk $0xffff, v50;
	v28 =	vunpack.i.u.bf16.f32 v45;
	v13 =	vmul.f32 v13, v27  }
0x2b6: {  	[tilespmem:v29+s20+$0x0] =	vst.idx.msk $0xffff, v49;
	v31 =	vor.u32 v46, v24;
	v29 =	vunpack.i.l.bf16.f32 v44;
	v28 =	vmul.f32 v28, v27  }
0x2b7: {  	v55 =	vld.idx.msk [tilespmem:v34+s24+$0x0], $0xffff;
	v56 =	vunpack.i.u.bf16.f32 v44;
	[tilespmem:v41+s20+$0x0] =	vst.idx.msk $0xffff, v13;
	v13 =	vmul.f32 v29, v27  }
0x2b8: {  	v29 =	vmul.f32 v56, v27;
	[tilespmem:v39+s20+$0x0] =	vst.idx.msk $0xffff, v28  }
0x2b9: {  	v28 =	vld.idx.msk [tilespmem:v8+s24+$0x0], $0xffff;
	[tilespmem:v2+s20+$0x0] =	vst.idx.msk $0xffff, v13  }
0x2ba: {  	v2 =	vunpack.i.l.bf16.f32 v42;
	[tilespmem:v37+s20+$0x0] =	vst.idx.msk $0xffff, v29  }
0x2bb: {  	[tilespmem:v32+s20+$0x0] =	vst.idx.msk $0xffff, v43;
	v13 =	vand.u32 $0x3F, v24;
	v24 =	vunpack.i.u.bf16.f32 v42;
	v2 =	vmul.f32 v2, v27;
	v29 =	vld.idx.msk [tilespmem:v31+s24+$0x0], $0xffff  }
0x2bc: {  	v57 =	vor.u32 v6, v38;
	[tilespmem:v30+s20+$0x0] =	vst.idx.msk $0xffff, v40;
	v30 =	vunpack.i.l.bf16.f32 v55;
	v24 =	vmul.f32 v24, v27  }
0x2bd: {  	v36 =	vunpack.i.u.bf16.f32 v55;
	v13 =	vor.u32 v6, v13;
	v30 =	vmul.f32 v30, v27;
	[tilespmem:v48+s20+$0x0] =	vst.idx.msk $0xffff, v2  }
0x2be: {  	v2 =	vmul.f32 v36, v27;
	[tilespmem:v33+s20+$0x0] =	vst.idx.msk $0xffff, v24;
	v24 =	vunpack.i.u.bf16.f32 v28;
	v28 =	vunpack.i.l.bf16.f32 v28  }
0x2bf: {  	[tilespmem:v35+s20+$0x0] =	vst.idx.msk $0xffff, v30;
	v30 =	vmul.f32 v28, v27  }
0x2c0: {  	[tilespmem:v34+s20+$0x0] =	vst.idx.msk $0xffff, v2;
	v24 =	vmul.f32 v24, v27;
	v2 =	vunpack.i.l.bf16.f32 v29  }
0x2c1: {  	v29 =	vunpack.i.u.bf16.f32 v29;
	v2 =	vmul.f32 v2, v27;
	[tilespmem:v57+s20+$0x0] =	vst.idx.msk $0xffff, v30  }
0x2c2: {  	v27 =	vmul.f32 v29, v27;
	[tilespmem:v8+s20+$0x0] =	vst.idx.msk $0xffff, v24  }
0x2c3: {  	[tilespmem:v13+s20+$0x0] =	vst.idx.msk $0xffff, v2  }
0x2c4: {  	s17 =	simm.s32 $0x2;
	[tilespmem:v31+s20+$0x0] =	vst.idx.msk $0xffff, v27  }
0x2c5: {  	s7 =	simm.s32 $0x0;
	v58 =	vadd.s32 s17, v0;
	v28 =	vor.u32 $0x840, v6;
	v61 =	vld [tilespmem:$0x1FFF0]  }
0x2c6: {  	v59 =	vor.u32 v28, v58;
	v8 =	vadd.s32 s7, v0  }
0x2c7: {  	v2 =	vor.u32 v28, v8;
	_ =	sdelay $0x2  }
0x2c8: {  	s10 =	simm.s32 $0x6  }
0x2c9: {  	s11 =	simm.s32 $0x4;
	v60 =	vadd.s32 s10, v0;
	v49 =	vadd.s32 s7, v5;
	v13 =	vld.idx.msk [tilespmem:v59+s24+$0x0], $0xffff  }
0x2ca: {  	v62 =	vadd.s32 s11, v0;
	v50 =	vand.u32 $0x3F, v49;
	v38 =	vor.u32 v28, v60;
	v30 =	vld.idx.msk [tilespmem:v2+s24+$0x0], $0xffff  }
0x2cb: {  	v54 =	vadd.s32 s10, v5;
	v53 =	vand.u32 $0x3F, v60;
	v32 =	vor.u32 v11, v50;
	v27 =	vld.idx.msk [tilespmem:v61+s21+$0x0], $0xffff  }
0x2cc: {  	s6 =	simm.s32 $0x8;
	v55 =	vor.u32 v11, v53;
	v29 =	vadd.s32 s17, v5;
	v24 =	vand.u32 $0x3F, v58  }
0x2cd: {  	v63 =	vand.u32 $0x3F, v29;
	v58 =	vadd.s32 s6, v0;
	v24 =	vor.u32 v11, v24  }
0x2ce: {  	v8 =	vand.u32 $0x3F, v8;
	v29 =	vor.u32 v28, v63;
	v31 =	vor.u32 v28, v62  }
0x2cf: {  	v8 =	vor.u32 v11, v8;
	v41 =	vld.idx.msk [tilespmem:v38+s24+$0x0], $0xffff;
	v48 =	vunpack.i.l.bf16.f32 v13;
	v13 =	vunpack.i.u.bf16.f32 v13  }
0x2d0: {  	v51 =	vunpack.i.l.bf16.f32 v30;
	v30 =	vunpack.i.u.bf16.f32 v30;
	v36 =	vmul.f32 v48, v27  }
0x2d1: {  	v37 =	vor.u32 v28, v58;
	v13 =	vmul.f32 v13, v27;
	v52 =	vmul.f32 v30, v27  }
0x2d2: {  	v56 =	vand.u32 $0x3F, v54;
	v30 =	vor.u32 v28, v49;
	[tilespmem:v24+s20+$0x0] =	vst.idx.msk $0xffff, v36;
	v24 =	vmul.f32 v51, v27  }
0x2d3: {  	v33 =	vand.u32 $0x3F, v62;
	v48 =	vor.u32 v11, v56;
	v36 =	vor.u32 v11, v63;
	[tilespmem:v59+s20+$0x0] =	vst.idx.msk $0xffff, v13  }
0x2d4: {  	v13 =	vld.idx.msk [tilespmem:v31+s24+$0x0], $0xffff;
	v59 =	vunpack.i.l.bf16.f32 v41;
	v41 =	vunpack.i.u.bf16.f32 v41;
	[tilespmem:v8+s20+$0x0] =	vst.idx.msk $0xffff, v24;
	v8 =	vor.u32 v11, v33  }
0x2d5: {  	s30 =	simm.s32 $0xA;
	v43 =	vld.idx.msk [tilespmem:v29+s24+$0x0], $0xffff;
	v24 =	vadd.s32 s11, v5;
	v33 =	vor.u32 v28, v56;
	v35 =	vmul.f32 v59, v27  }
0x2d6: {  	v41 =	vmul.f32 v41, v27;
	[tilespmem:v2+s20+$0x0] =	vst.idx.msk $0xffff, v52;
	v2 =	vadd.s32 s30, v0;
	v34 =	vor.u32 v28, v24  }
0x2d7: {  	v57 =	vand.u32 $0x3F, v24;
	v40 =	vld.idx.msk [tilespmem:v30+s24+$0x0], $0xffff;
	v39 =	vor.u32 v28, v2;
	v2 =	vand.u32 $0x3F, v2;
	[tilespmem:v55+s20+$0x0] =	vst.idx.msk $0xffff, v35  }
0x2d8: {  	v51 =	vand.u32 $0x3F, v58;
	v35 =	vor.u32 v11, v57;
	[tilespmem:v38+s20+$0x0] =	vst.idx.msk $0xffff, v41;
	v41 =	vor.u32 v11, v2  }
0x2d9: {  	v2 =	vadd.s32 s30, v5;
	v60 =	vunpack.i.l.bf16.f32 v13;
	v13 =	vunpack.i.u.bf16.f32 v13  }
0x2da: {  	v38 =	vand.u32 $0x3F, v2;
	v63 =	vunpack.i.l.bf16.f32 v43;
	v52 =	vmul.f32 v60, v27  }
0x2db: {  	v44 =	vld.idx.msk [tilespmem:v37+s24+$0x0], $0xffff;
	v62 =	vunpack.i.u.bf16.f32 v43;
	v47 =	vmul.f32 v13, v27;
	v50 =	vmul.f32 v63, v27  }
0x2dc: {  	v46 =	vmovc v28;
	v49 =	vmul.f32 v62, v27;
	v13 =	vunpack.i.u.bf16.f32 v40;
	v24 =	vunpack.i.l.bf16.f32 v40;
	v45 =	vld.idx.msk [tilespmem:v39+s24+$0x0], $0xffff  }
0x2dd: {  	s7 =	simm.s32 $0xC;
	v42 =	vld.idx.msk [tilespmem:v33+s24+$0x0], $0xffff;
	[tilespmem:v8+s20+$0x0] =	vst.idx.msk $0xffff, v52;
	v43 =	vmul.f32 v24, v27;
	v40 =	vmul.f32 v13, v27  }
.LBB2_17:
0x2de: {  	s10 =	sadd.s32 $0x2, s7;
	v2 =	vor.u32 v11, v51  }
0x2df: {  	p1 =	slt.u32 s7, $0x3C;
	v8 =	vadd.s32 s6, v5;
	v13 =	vor.u32 v46, v38;
	[tilespmem:v31+s20+$0x0] =	vst.idx.msk $0xffff, v47;
	v31 =	vmov v37;
	s6 =	smov.u32 s7;
	s7 =	sadd.s32 $0x4, s7  }
0x2e0: {  	v24 =	vadd.s32 s10, v0;
	v51 =	vand.u32 $0x3F, v8;
	v52 =	vld.idx.msk [tilespmem:v34+s24+$0x0], $0xffff;
	[tilespmem:v36+s20+$0x0] =	vst.idx.msk $0xffff, v50;
	v36 =	vmov v48  }
0x2e1: {  	v48 =	vadd.s32 s6, v0;
	v47 =	vunpack.i.l.bf16.f32 v45;
	v53 =	vor.u32 v28, v24;
	[tilespmem:v29+s20+$0x0] =	vst.idx.msk $0xffff, v49;
	v29 =	vmovc v33  }
0x2e2: {  	v37 =	vor.u32 v28, v48;
	v24 =	vand.u32 $0x3F, v24;
	v47 =	vmul.f32 v47, v27;
	[tilespmem:v32+s20+$0x0] =	vst.idx.msk $0xffff, v43  }
0x2e3: {  	v45 =	vunpack.i.u.bf16.f32 v45;
	v33 =	vmovc v13;
	v43 =	vunpack.i.l.bf16.f32 v44;
	v49 =	vunpack.i.u.bf16.f32 v42;
	v32 =	vmovc v35;
	[tilespmem:v30+s20+$0x0] =	vst.idx.msk $0xffff, v40  }
0x2e4: {  	v13 =	vunpack.i.u.bf16.f32 v44;
	v50 =	vunpack.i.l.bf16.f32 v42;
	v40 =	vmul.f32 v45, v27;
	v30 =	vmovc v34;
	[tilespmem:v41+s20+$0x0] =	vst.idx.msk $0xffff, v47  }
.Ltmp7:
0x2e5: {  	v35 =	vor.u32 v11, v51;
	v54 =	vmul.f32 v43, v27;
	v47 =	vmul.f32 v13, v27;
	(pc) =	sbr.rel @p1 .LBB2_17-.Ltmp7, $4  }
0x2e6: {  	v34 =	vor.u32 v46, v8;
	v8 =	vunpack.i.u.bf16.f32 v52;
	v13 =	vunpack.i.l.bf16.f32 v52;
	v45 =	vld.idx.msk [tilespmem:v53+s24+$0x0], $0xffff;
	[tilespmem:v39+s20+$0x0] =	vst.idx.msk $0xffff, v40  }
0x2e7: {  	v41 =	vor.u32 v11, v24;
	v43 =	vmul.f32 v13, v27;
	v40 =	vmul.f32 v8, v27;
	v44 =	vld.idx.msk [tilespmem:v37+s24+$0x0], $0xffff  }
0x2e8: {  	v50 =	vmul.f32 v50, v27;
	v49 =	vmul.f32 v49, v27;
	v46 =	vmovc v28;
	v8 =	vadd.s32 s10, v5;
	v42 =	vld.idx.msk [tilespmem:v33+s24+$0x0], $0xffff  }
0x2e9: {  	v51 =	vand.u32 $0x3F, v48;
	v48 =	vor.u32 v11, v38;
	v39 =	vmovc v53;
	v38 =	vand.u32 $0x3F, v8;
	[tilespmem:v2+s20+$0x0] =	vst.idx.msk $0xffff, v54  }
0x2ea: {  	_ =	sdelay $0x3  }
0x2eb: {  	v2 =	vor.u32 v11, v51;
	v8 =	vor.u32 v46, v38;
	[tilespmem:v31+s20+$0x0] =	vst.idx.msk $0xffff, v47;
	v13 =	vunpack.i.l.bf16.f32 v45  }
0x2ec: {  	v24 =	vadd.s32 s6, v5;
	[tilespmem:v36+s20+$0x0] =	vst.idx.msk $0xffff, v50;
	v28 =	vunpack.i.u.bf16.f32 v45;
	v13 =	vmul.f32 v13, v27  }
0x2ed: {  	[tilespmem:v29+s20+$0x0] =	vst.idx.msk $0xffff, v49;
	v31 =	vor.u32 v46, v24;
	v29 =	vunpack.i.l.bf16.f32 v44;
	v28 =	vmul.f32 v28, v27  }
0x2ee: {  	v62 =	vld.idx.msk [tilespmem:v34+s24+$0x0], $0xffff;
	v63 =	vunpack.i.u.bf16.f32 v44;
	[tilespmem:v41+s20+$0x0] =	vst.idx.msk $0xffff, v13;
	v13 =	vmul.f32 v29, v27  }
0x2ef: {  	v29 =	vmul.f32 v63, v27;
	[tilespmem:v39+s20+$0x0] =	vst.idx.msk $0xffff, v28  }
0x2f0: {  	v28 =	vld.idx.msk [tilespmem:v8+s24+$0x0], $0xffff;
	[tilespmem:v2+s20+$0x0] =	vst.idx.msk $0xffff, v13  }
0x2f1: {  	v2 =	vunpack.i.l.bf16.f32 v42;
	[tilespmem:v37+s20+$0x0] =	vst.idx.msk $0xffff, v29  }
0x2f2: {  	[tilespmem:v32+s20+$0x0] =	vst.idx.msk $0xffff, v43;
	v13 =	vand.u32 $0x3F, v24;
	v24 =	vunpack.i.u.bf16.f32 v42;
	v2 =	vmul.f32 v2, v27;
	v29 =	vld.idx.msk [tilespmem:v31+s24+$0x0], $0xffff  }
0x2f3: {  	[tilespmem:v30+s20+$0x0] =	vst.idx.msk $0xffff, v40;
	v46 =	vor.u32 v11, v38;
	v30 =	vunpack.i.l.bf16.f32 v62;
	v24 =	vmul.f32 v24, v27  }
0x2f4: {  	v36 =	vunpack.i.u.bf16.f32 v62;
	v13 =	vor.u32 v11, v13;
	v30 =	vmul.f32 v30, v27;
	[tilespmem:v48+s20+$0x0] =	vst.idx.msk $0xffff, v2  }
0x2f5: {  	v2 =	vmul.f32 v36, v27;
	[tilespmem:v33+s20+$0x0] =	vst.idx.msk $0xffff, v24;
	v24 =	vunpack.i.u.bf16.f32 v28;
	v28 =	vunpack.i.l.bf16.f32 v28  }
0x2f6: {  	[tilespmem:v35+s20+$0x0] =	vst.idx.msk $0xffff, v30;
	v30 =	vmul.f32 v28, v27  }
0x2f7: {  	[tilespmem:v34+s20+$0x0] =	vst.idx.msk $0xffff, v2;
	v24 =	vmul.f32 v24, v27;
	v2 =	vunpack.i.l.bf16.f32 v29  }
0x2f8: {  	v29 =	vunpack.i.u.bf16.f32 v29;
	v2 =	vmul.f32 v2, v27;
	[tilespmem:v46+s20+$0x0] =	vst.idx.msk $0xffff, v30  }
0x2f9: {  	v27 =	vmul.f32 v29, v27;
	[tilespmem:v8+s20+$0x0] =	vst.idx.msk $0xffff, v24  }
0x2fa: {  	[tilespmem:v13+s20+$0x0] =	vst.idx.msk $0xffff, v2  }
0x2fb: {  	s17 =	simm.s32 $0x2;
	[tilespmem:v31+s20+$0x0] =	vst.idx.msk $0xffff, v27  }
0x2fc: {  	s7 =	simm.s32 $0x0;
	v47 =	vadd.s32 s17, v0;
	v28 =	vor.u32 $0x1040, v6;
	v24 =	vld [tilespmem:$0x1FFC0]  }
0x2fd: {  	v48 =	vor.u32 v28, v47;
	v8 =	vadd.s32 s7, v0  }
0x2fe: {  	v2 =	vor.u32 v28, v8;
	_ =	sdelay $0x2  }
0x2ff: {  	s10 =	simm.s32 $0x6;
	s11 =	simm.s32 $0x4  }
0x300: {  	v49 =	vadd.s32 s10, v0;
	v50 =	vadd.s32 s11, v0;
	v13 =	vld.idx.msk [tilespmem:v48+s24+$0x0], $0xffff  }
0x301: {  	v53 =	vadd.s32 s7, v5;
	v58 =	vadd.s32 s10, v5;
	v37 =	vor.u32 v28, v49;
	v29 =	vld.idx.msk [tilespmem:v2+s24+$0x0], $0xffff  }
0x302: {  	v54 =	vand.u32 $0x3F, v53;
	v32 =	vand.u32 $0x3F, v49;
	v45 =	vand.u32 $0x3F, v58;
	v24 =	vld.idx.msk [tilespmem:v24+s21+$0x0], $0xffff  }
0x303: {  	v59 =	vor.u32 v16, v32;
	v63 =	vadd.s32 s11, v5;
	v27 =	vand.u32 $0x3F, v47  }
0x304: {  	v8 =	vand.u32 $0x3F, v8;
	v31 =	vor.u32 v16, v27;
	v27 =	vadd.s32 s17, v5  }
0x305: {  	v30 =	vor.u32 v28, v50;
	v8 =	vor.u32 v16, v8;
	v51 =	vand.u32 $0x3F, v27  }
0x306: {  	v41 =	vld.idx.msk [tilespmem:v37+s24+$0x0], $0xffff;
	v27 =	vor.u32 v28, v51;
	v52 =	vunpack.i.l.bf16.f32 v13;
	v13 =	vunpack.i.u.bf16.f32 v13  }
0x307: {  	v55 =	vunpack.i.l.bf16.f32 v29;
	v29 =	vunpack.i.u.bf16.f32 v29;
	v36 =	vmul.f32 v52, v24  }
0x308: {  	v13 =	vmul.f32 v13, v24;
	v57 =	vmul.f32 v29, v24;
	v29 =	vor.u32 v28, v53  }
0x309: {  	v62 =	vand.u32 $0x3F, v50;
	v32 =	vor.u32 v28, v45;
	v56 =	vmul.f32 v55, v24;
	[tilespmem:v31+s20+$0x0] =	vst.idx.msk $0xffff, v36  }
0x30a: {  	s6 =	simm.s32 $0x8;
	v33 =	vor.u32 v28, v63;
	v47 =	vor.u32 v16, v45;
	[tilespmem:v48+s20+$0x0] =	vst.idx.msk $0xffff, v13;
	v13 =	vld.idx.msk [tilespmem:v30+s24+$0x0], $0xffff  }
0x30b: {  	v35 =	vor.u32 v16, v51;
	v55 =	vadd.s32 s6, v0;
	[tilespmem:v8+s20+$0x0] =	vst.idx.msk $0xffff, v56;
	v56 =	vunpack.i.l.bf16.f32 v41;
	v60 =	vld.idx.msk [tilespmem:v27+s24+$0x0], $0xffff  }
0x30c: {  	s30 =	simm.s32 $0xA;
	v50 =	vand.u32 $0x3F, v55;
	v36 =	vor.u32 v28, v55;
	[tilespmem:v2+s20+$0x0] =	vst.idx.msk $0xffff, v57;
	v43 =	vmul.f32 v56, v24  }
0x30d: {  	v31 =	vor.u32 v16, v54;
	v41 =	vunpack.i.u.bf16.f32 v41;
	v2 =	vadd.s32 s30, v0;
	v40 =	vld.idx.msk [tilespmem:v29+s24+$0x0], $0xffff  }
0x30e: {  	v54 =	vand.u32 $0x3F, v63;
	v38 =	vor.u32 v28, v2;
	[tilespmem:v59+s20+$0x0] =	vst.idx.msk $0xffff, v43;
	v59 =	vmul.f32 v41, v24  }
0x30f: {  	v8 =	vor.u32 v16, v62;
	v34 =	vor.u32 v16, v54;
	v2 =	vand.u32 $0x3F, v2  }
0x310: {  	[tilespmem:v37+s20+$0x0] =	vst.idx.msk $0xffff, v59;
	v57 =	vunpack.i.l.bf16.f32 v13;
	v13 =	vunpack.i.u.bf16.f32 v13;
	v58 =	vunpack.i.u.bf16.f32 v60  }
0x311: {  	v43 =	vld.idx.msk [tilespmem:v36+s24+$0x0], $0xffff;
	v60 =	vunpack.i.l.bf16.f32 v60;
	v62 =	vmul.f32 v57, v24;
	v46 =	vmul.f32 v13, v24  }
0x312: {  	v41 =	vld.idx.msk [tilespmem:v32+s24+$0x0], $0xffff;
	v13 =	vunpack.i.u.bf16.f32 v40;
	v63 =	vunpack.i.l.bf16.f32 v40;
	v40 =	vor.u32 v16, v2  }
0x313: {  	v45 =	vmovc v28;
	v44 =	vld.idx.msk [tilespmem:v38+s24+$0x0], $0xffff;
	v2 =	vadd.s32 s30, v5;
	v49 =	vmul.f32 v60, v24;
	v48 =	vmul.f32 v58, v24  }
0x314: {  	s7 =	simm.s32 $0xC;
	v42 =	vmul.f32 v63, v24;
	v39 =	vmul.f32 v13, v24;
	v37 =	vand.u32 $0x3F, v2;
	[tilespmem:v8+s20+$0x0] =	vst.idx.msk $0xffff, v62  }
.LBB2_19:
0x315: {  	s10 =	sadd.s32 $0x2, s7;
	v2 =	vor.u32 v16, v50  }
0x316: {  	p1 =	slt.u32 s7, $0x3C;
	v8 =	vadd.s32 s6, v5;
	v13 =	vor.u32 v45, v37;
	[tilespmem:v30+s20+$0x0] =	vst.idx.msk $0xffff, v46;
	v30 =	vmov v36;
	s6 =	smov.u32 s7;
	s7 =	sadd.s32 $0x4, s7  }
0x317: {  	v46 =	vadd.s32 s10, v0;
	v50 =	vand.u32 $0x3F, v8;
	v51 =	vld.idx.msk [tilespmem:v33+s24+$0x0], $0xffff;
	[tilespmem:v35+s20+$0x0] =	vst.idx.msk $0xffff, v49;
	v35 =	vmov v47  }
0x318: {  	v47 =	vadd.s32 s6, v0;
	v49 =	vunpack.i.l.bf16.f32 v44;
	v52 =	vor.u32 v28, v46;
	[tilespmem:v27+s20+$0x0] =	vst.idx.msk $0xffff, v48;
	v27 =	vmovc v32  }
0x319: {  	v36 =	vor.u32 v28, v47;
	v48 =	vand.u32 $0x3F, v46;
	v46 =	vmul.f32 v49, v24;
	[tilespmem:v31+s20+$0x0] =	vst.idx.msk $0xffff, v42  }
0x31a: {  	v44 =	vunpack.i.u.bf16.f32 v44;
	v32 =	vmovc v13;
	v42 =	vunpack.i.l.bf16.f32 v43;
	v53 =	vunpack.i.u.bf16.f32 v41;
	v31 =	vmovc v34;
	[tilespmem:v29+s20+$0x0] =	vst.idx.msk $0xffff, v39  }
0x31b: {  	v13 =	vunpack.i.u.bf16.f32 v43;
	v49 =	vunpack.i.l.bf16.f32 v41;
	v39 =	vmul.f32 v44, v24;
	v29 =	vmovc v33;
	[tilespmem:v40+s20+$0x0] =	vst.idx.msk $0xffff, v46  }
.Ltmp8:
0x31c: {  	v34 =	vor.u32 v16, v50;
	v54 =	vmul.f32 v42, v24;
	v46 =	vmul.f32 v13, v24;
	(pc) =	sbr.rel @p1 .LBB2_19-.Ltmp8, $4  }
0x31d: {  	v33 =	vor.u32 v45, v8;
	v8 =	vunpack.i.u.bf16.f32 v51;
	v13 =	vunpack.i.l.bf16.f32 v51;
	v44 =	vld.idx.msk [tilespmem:v52+s24+$0x0], $0xffff;
	[tilespmem:v38+s20+$0x0] =	vst.idx.msk $0xffff, v39  }
0x31e: {  	v40 =	vor.u32 v16, v48;
	v42 =	vmul.f32 v13, v24;
	v39 =	vmul.f32 v8, v24;
	v43 =	vld.idx.msk [tilespmem:v36+s24+$0x0], $0xffff  }
0x31f: {  	v49 =	vmul.f32 v49, v24;
	v45 =	vmovc v28;
	v48 =	vmul.f32 v53, v24;
	v8 =	vadd.s32 s10, v5;
	v41 =	vld.idx.msk [tilespmem:v32+s24+$0x0], $0xffff  }
0x320: {  	v50 =	vand.u32 $0x3F, v47;
	v47 =	vor.u32 v16, v37;
	v38 =	vmovc v52;
	v37 =	vand.u32 $0x3F, v8;
	[tilespmem:v2+s20+$0x0] =	vst.idx.msk $0xffff, v54  }
0x321: {  	_ =	sdelay $0x3  }
0x322: {  	v2 =	vor.u32 v16, v50;
	v8 =	vor.u32 v45, v37;
	[tilespmem:v30+s20+$0x0] =	vst.idx.msk $0xffff, v46;
	v13 =	vunpack.i.l.bf16.f32 v44  }
0x323: {  	v28 =	vadd.s32 s6, v5;
	[tilespmem:v35+s20+$0x0] =	vst.idx.msk $0xffff, v49;
	v30 =	vunpack.i.u.bf16.f32 v44;
	v13 =	vmul.f32 v13, v24  }
0x324: {  	[tilespmem:v27+s20+$0x0] =	vst.idx.msk $0xffff, v48;
	v50 =	vor.u32 v45, v28;
	v27 =	vunpack.i.l.bf16.f32 v43;
	v30 =	vmul.f32 v30, v24  }
0x325: {  	v51 =	vld.idx.msk [tilespmem:v33+s24+$0x0], $0xffff;
	v52 =	vunpack.i.u.bf16.f32 v43;
	[tilespmem:v40+s20+$0x0] =	vst.idx.msk $0xffff, v13;
	v13 =	vmul.f32 v27, v24  }
0x326: {  	v27 =	vmul.f32 v52, v24;
	[tilespmem:v38+s20+$0x0] =	vst.idx.msk $0xffff, v30  }
0x327: {  	v30 =	vld.idx.msk [tilespmem:v8+s24+$0x0], $0xffff;
	[tilespmem:v2+s20+$0x0] =	vst.idx.msk $0xffff, v13  }
0x328: {  	v2 =	vunpack.i.l.bf16.f32 v41;
	[tilespmem:v36+s20+$0x0] =	vst.idx.msk $0xffff, v27  }
0x329: {  	[tilespmem:v31+s20+$0x0] =	vst.idx.msk $0xffff, v42;
	v13 =	vand.u32 $0x3F, v28;
	v27 =	vunpack.i.u.bf16.f32 v41;
	v2 =	vmul.f32 v2, v24;
	v28 =	vld.idx.msk [tilespmem:v50+s24+$0x0], $0xffff  }
0x32a: {  	v31 =	vor.u32 v16, v37;
	[tilespmem:v29+s20+$0x0] =	vst.idx.msk $0xffff, v39;
	v29 =	vunpack.i.l.bf16.f32 v51;
	v27 =	vmul.f32 v27, v24  }
0x32b: {  	v53 =	vunpack.i.u.bf16.f32 v51;
	v29 =	vmul.f32 v29, v24;
	[tilespmem:v47+s20+$0x0] =	vst.idx.msk $0xffff, v2  }
0x32c: {  	s17 =	simm.s32 $0x2;
	v13 =	vor.u32 v16, v13;
	v2 =	vmul.f32 v53, v24;
	[tilespmem:v32+s20+$0x0] =	vst.idx.msk $0xffff, v27;
	v27 =	vunpack.i.l.bf16.f32 v30  }
0x32d: {  	[tilespmem:v34+s20+$0x0] =	vst.idx.msk $0xffff, v29;
	v54 =	vunpack.i.u.bf16.f32 v30;
	v30 =	vadd.s32 s17, v0;
	v29 =	vmul.f32 v27, v24  }
0x32e: {  	[tilespmem:v33+s20+$0x0] =	vst.idx.msk $0xffff, v2;
	v27 =	vor.u32 $0x1840, v6;
	v32 =	vmul.f32 v54, v24;
	v2 =	vunpack.i.l.bf16.f32 v28  }
0x32f: {  	s7 =	simm.s32 $0x0;
	v55 =	vor.u32 v27, v30;
	v2 =	vmul.f32 v2, v24;
	[tilespmem:v31+s20+$0x0] =	vst.idx.msk $0xffff, v29  }
0x330: {  	v28 =	vunpack.i.u.bf16.f32 v28;
	[tilespmem:v8+s20+$0x0] =	vst.idx.msk $0xffff, v32;
	v8 =	vadd.s32 s7, v0  }
0x331: {  	v24 =	vmul.f32 v28, v24;
	[tilespmem:v13+s20+$0x0] =	vst.idx.msk $0xffff, v2;
	v2 =	vor.u32 v27, v8;
	_ =	sdelay $0x1  }
0x332: {  	s10 =	simm.s32 $0x6;
	s11 =	simm.s32 $0x4;
	[tilespmem:v50+s20+$0x0] =	vst.idx.msk $0xffff, v24  }
0x333: {  	v56 =	vadd.s32 s11, v0;
	v31 =	vadd.s32 s10, v0;
	v13 =	vld.idx.msk [tilespmem:v55+s24+$0x0], $0xffff  }
0x334: {  	v59 =	vadd.s32 s7, v5;
	v49 =	vadd.s32 s10, v5;
	v36 =	vor.u32 v27, v31;
	v24 =	vld.idx.msk [tilespmem:v25+s21+$0x0], $0xffff  }
0x335: {  	v60 =	vand.u32 $0x3F, v59;
	v52 =	vand.u32 $0x3F, v49;
	v53 =	vadd.s32 s11, v5;
	v28 =	vld.idx.msk [tilespmem:v2+s24+$0x0], $0xffff  }
0x336: {  	v46 =	vor.u32 v22, v52;
	v54 =	vand.u32 $0x3F, v53;
	v25 =	vand.u32 $0x3F, v30  }
0x337: {  	v8 =	vand.u32 $0x3F, v8;
	v30 =	vor.u32 v22, v25;
	v25 =	vadd.s32 s17, v5  }
0x338: {  	v29 =	vor.u32 v27, v56;
	v8 =	vor.u32 v22, v8;
	v57 =	vand.u32 $0x3F, v25  }
0x339: {  	v40 =	vld.idx.msk [tilespmem:v36+s24+$0x0], $0xffff;
	v25 =	vor.u32 v27, v57;
	v58 =	vunpack.i.l.bf16.f32 v13;
	v13 =	vunpack.i.u.bf16.f32 v13  }
0x33a: {  	v35 =	vmul.f32 v58, v24;
	v62 =	vunpack.i.l.bf16.f32 v28;
	v28 =	vunpack.i.u.bf16.f32 v28  }
0x33b: {  	v13 =	vmul.f32 v13, v24;
	v48 =	vmul.f32 v28, v24;
	v28 =	vor.u32 v27, v59  }
0x33c: {  	v33 =	vor.u32 v22, v54;
	v31 =	vand.u32 $0x3F, v31;
	[tilespmem:v30+s20+$0x0] =	vst.idx.msk $0xffff, v35;
	v63 =	vmul.f32 v62, v24  }
0x33d: {  	s6 =	simm.s32 $0x8;
	v32 =	vor.u32 v27, v53;
	v50 =	vor.u32 v22, v31;
	[tilespmem:v55+s20+$0x0] =	vst.idx.msk $0xffff, v13;
	v13 =	vld.idx.msk [tilespmem:v29+s24+$0x0], $0xffff  }
0x33e: {  	v31 =	vand.u32 $0x3F, v56;
	v56 =	vunpack.i.l.bf16.f32 v40;
	v55 =	vadd.s32 s6, v0;
	v51 =	vld.idx.msk [tilespmem:v25+s24+$0x0], $0xffff;
	[tilespmem:v8+s20+$0x0] =	vst.idx.msk $0xffff, v63  }
0x33f: {  	s30 =	simm.s32 $0xA;
	v40 =	vunpack.i.u.bf16.f32 v40;
	v42 =	vmul.f32 v56, v24;
	v35 =	vor.u32 v27, v55;
	[tilespmem:v2+s20+$0x0] =	vst.idx.msk $0xffff, v48  }
0x340: {  	v8 =	vor.u32 v22, v31;
	v31 =	vor.u32 v27, v52;
	v2 =	vadd.s32 s30, v0;
	v39 =	vld.idx.msk [tilespmem:v28+s24+$0x0], $0xffff  }
0x341: {  	v34 =	vor.u32 v22, v57;
	v59 =	vmul.f32 v40, v24;
	v37 =	vor.u32 v27, v2  }
0x342: {  	v30 =	vor.u32 v22, v60;
	[tilespmem:v50+s20+$0x0] =	vst.idx.msk $0xffff, v42;
	v49 =	vand.u32 $0x3F, v55;
	v2 =	vand.u32 $0x3F, v2  }
0x343: {  	[tilespmem:v36+s20+$0x0] =	vst.idx.msk $0xffff, v59;
	v57 =	vunpack.i.l.bf16.f32 v13;
	v13 =	vunpack.i.u.bf16.f32 v13;
	v58 =	vunpack.i.u.bf16.f32 v51  }
0x344: {  	v60 =	vunpack.i.l.bf16.f32 v51;
	v62 =	vmul.f32 v57, v24;
	v45 =	vmul.f32 v13, v24;
	v42 =	vld.idx.msk [tilespmem:v35+s24+$0x0], $0xffff  }
0x345: {  	v48 =	vmul.f32 v60, v24;
	v47 =	vmul.f32 v58, v24;
	v40 =	vld.idx.msk [tilespmem:v31+s24+$0x0], $0xffff;
	v13 =	vunpack.i.u.bf16.f32 v39  }
0x346: {  	v44 =	vmovc v27;
	v43 =	vld.idx.msk [tilespmem:v37+s24+$0x0], $0xffff;
	v63 =	vunpack.i.l.bf16.f32 v39;
	v39 =	vor.u32 v22, v2;
	v2 =	vadd.s32 s30, v5  }
0x347: {  	s7 =	simm.s32 $0xC;
	[tilespmem:v8+s20+$0x0] =	vst.idx.msk $0xffff, v62;
	v41 =	vmul.f32 v63, v24;
	v38 =	vmul.f32 v13, v24;
	v36 =	vand.u32 $0x3F, v2  }
.LBB2_21:
0x348: {  	s10 =	sadd.s32 $0x2, s7;
	v2 =	vor.u32 v22, v49  }
0x349: {  	p1 =	slt.u32 s7, $0x3C;
	v8 =	vadd.s32 s6, v5;
	v13 =	vor.u32 v44, v36;
	[tilespmem:v29+s20+$0x0] =	vst.idx.msk $0xffff, v45;
	v29 =	vmov v35;
	s6 =	smov.u32 s7;
	s7 =	sadd.s32 $0x4, s7  }
0x34a: {  	v45 =	vadd.s32 s10, v0;
	v49 =	vand.u32 $0x3F, v8;
	v50 =	vld.idx.msk [tilespmem:v32+s24+$0x0], $0xffff;
	[tilespmem:v34+s20+$0x0] =	vst.idx.msk $0xffff, v48;
	v34 =	vmov v46  }
0x34b: {  	v46 =	vadd.s32 s6, v0;
	v48 =	vunpack.i.l.bf16.f32 v43;
	v51 =	vor.u32 v27, v45;
	[tilespmem:v25+s20+$0x0] =	vst.idx.msk $0xffff, v47;
	v25 =	vmovc v31  }
0x34c: {  	v35 =	vor.u32 v27, v46;
	v47 =	vand.u32 $0x3F, v45;
	v45 =	vmul.f32 v48, v24;
	[tilespmem:v30+s20+$0x0] =	vst.idx.msk $0xffff, v41  }
0x34d: {  	v43 =	vunpack.i.u.bf16.f32 v43;
	v31 =	vmovc v13;
	v41 =	vunpack.i.l.bf16.f32 v42;
	v52 =	vunpack.i.u.bf16.f32 v40;
	v30 =	vmovc v33;
	[tilespmem:v28+s20+$0x0] =	vst.idx.msk $0xffff, v38  }
0x34e: {  	v13 =	vunpack.i.u.bf16.f32 v42;
	v48 =	vunpack.i.l.bf16.f32 v40;
	v38 =	vmul.f32 v43, v24;
	v28 =	vmovc v32;
	[tilespmem:v39+s20+$0x0] =	vst.idx.msk $0xffff, v45  }
.Ltmp9:
0x34f: {  	v33 =	vor.u32 v22, v49;
	v53 =	vmul.f32 v41, v24;
	v45 =	vmul.f32 v13, v24;
	(pc) =	sbr.rel @p1 .LBB2_21-.Ltmp9, $4  }
0x350: {  	v32 =	vor.u32 v44, v8;
	v8 =	vunpack.i.u.bf16.f32 v50;
	v13 =	vunpack.i.l.bf16.f32 v50;
	v43 =	vld.idx.msk [tilespmem:v51+s24+$0x0], $0xffff;
	[tilespmem:v37+s20+$0x0] =	vst.idx.msk $0xffff, v38  }
0x351: {  	v39 =	vor.u32 v22, v47;
	v41 =	vmul.f32 v13, v24;
	v38 =	vmul.f32 v8, v24;
	v42 =	vld.idx.msk [tilespmem:v35+s24+$0x0], $0xffff  }
0x352: {  	v48 =	vmul.f32 v48, v24;
	v44 =	vmovc v27;
	v47 =	vmul.f32 v52, v24;
	v8 =	vadd.s32 s10, v5;
	v40 =	vld.idx.msk [tilespmem:v31+s24+$0x0], $0xffff  }
0x353: {  	v49 =	vand.u32 $0x3F, v46;
	v46 =	vor.u32 v22, v36;
	v37 =	vmovc v51;
	v36 =	vand.u32 $0x3F, v8;
	[tilespmem:v2+s20+$0x0] =	vst.idx.msk $0xffff, v53  }
0x354: {  	_ =	sdelay $0x3  }
0x355: {  	v2 =	vor.u32 v22, v49;
	v8 =	vor.u32 v44, v36;
	[tilespmem:v29+s20+$0x0] =	vst.idx.msk $0xffff, v45;
	v13 =	vunpack.i.l.bf16.f32 v43  }
0x356: {  	v27 =	vadd.s32 s6, v5;
	[tilespmem:v34+s20+$0x0] =	vst.idx.msk $0xffff, v48;
	v29 =	vunpack.i.u.bf16.f32 v43;
	v13 =	vmul.f32 v13, v24  }
0x357: {  	[tilespmem:v25+s20+$0x0] =	vst.idx.msk $0xffff, v47;
	v59 =	vor.u32 v44, v27;
	v25 =	vunpack.i.l.bf16.f32 v42;
	v29 =	vmul.f32 v29, v24  }
0x358: {  	v60 =	vld.idx.msk [tilespmem:v32+s24+$0x0], $0xffff;
	v62 =	vunpack.i.u.bf16.f32 v42;
	[tilespmem:v39+s20+$0x0] =	vst.idx.msk $0xffff, v13;
	v13 =	vmul.f32 v25, v24  }
0x359: {  	v25 =	vmul.f32 v62, v24;
	[tilespmem:v37+s20+$0x0] =	vst.idx.msk $0xffff, v29  }
0x35a: {  	v29 =	vld.idx.msk [tilespmem:v8+s24+$0x0], $0xffff;
	[tilespmem:v2+s20+$0x0] =	vst.idx.msk $0xffff, v13  }
0x35b: {  	v2 =	vunpack.i.l.bf16.f32 v40;
	[tilespmem:v35+s20+$0x0] =	vst.idx.msk $0xffff, v25  }
0x35c: {  	[tilespmem:v30+s20+$0x0] =	vst.idx.msk $0xffff, v41;
	v13 =	vand.u32 $0x3F, v27;
	v25 =	vunpack.i.u.bf16.f32 v40;
	v2 =	vmul.f32 v2, v24;
	v27 =	vld.idx.msk [tilespmem:v59+s24+$0x0], $0xffff  }
0x35d: {  	v30 =	vor.u32 v22, v36;
	[tilespmem:v28+s20+$0x0] =	vst.idx.msk $0xffff, v38;
	v28 =	vunpack.i.l.bf16.f32 v60;
	v25 =	vmul.f32 v25, v24  }
0x35e: {  	v13 =	vor.u32 v22, v13;
	v22 =	vunpack.i.u.bf16.f32 v60;
	v28 =	vmul.f32 v28, v24;
	[tilespmem:v46+s20+$0x0] =	vst.idx.msk $0xffff, v2  }
0x35f: {  	s17 =	simm.s32 $0x2;
	v2 =	vmul.f32 v22, v24;
	[tilespmem:v31+s20+$0x0] =	vst.idx.msk $0xffff, v25;
	v25 =	vunpack.i.l.bf16.f32 v29  }
0x360: {  	[tilespmem:v33+s20+$0x0] =	vst.idx.msk $0xffff, v28;
	v22 =	vunpack.i.u.bf16.f32 v29;
	v29 =	vadd.s32 s17, v0;
	v28 =	vmul.f32 v25, v24  }
0x361: {  	[tilespmem:v32+s20+$0x0] =	vst.idx.msk $0xffff, v2;
	v25 =	vor.u32 $0x2040, v6;
	v22 =	vmul.f32 v22, v24;
	v2 =	vunpack.i.l.bf16.f32 v27  }
0x362: {  	s7 =	simm.s32 $0x0;
	v31 =	vor.u32 v25, v29;
	v2 =	vmul.f32 v2, v24;
	[tilespmem:v30+s20+$0x0] =	vst.idx.msk $0xffff, v28  }
0x363: {  	v27 =	vunpack.i.u.bf16.f32 v27;
	[tilespmem:v8+s20+$0x0] =	vst.idx.msk $0xffff, v22;
	v8 =	vadd.s32 s7, v0  }
0x364: {  	v24 =	vmul.f32 v27, v24;
	[tilespmem:v13+s20+$0x0] =	vst.idx.msk $0xffff, v2;
	v2 =	vor.u32 v25, v8;
	_ =	sdelay $0x1  }
0x365: {  	s6 =	simm.s32 $0x8;
	[tilespmem:v59+s20+$0x0] =	vst.idx.msk $0xffff, v24  }
0x366: {  	s10 =	simm.s32 $0x6;
	s11 =	simm.s32 $0x4;
	v47 =	vadd.s32 s7, v5;
	v55 =	vadd.s32 s6, v0;
	v13 =	vld.idx.msk [tilespmem:v31+s24+$0x0], $0xffff  }
0x367: {  	v30 =	vadd.s32 s11, v0;
	v24 =	vand.u32 $0x3F, v29;
	v29 =	vadd.s32 s10, v0;
	v22 =	vld.idx.msk [tilespmem:v26+s21+$0x0], $0xffff  }
0x368: {  	v48 =	vand.u32 $0x3F, v47;
	v27 =	vor.u32 v25, v30;
	v63 =	vor.u32 v25, v29;
	v26 =	vld.idx.msk [tilespmem:v2+s24+$0x0], $0xffff  }
0x369: {  	v8 =	vand.u32 $0x3F, v8;
	v28 =	vor.u32 v23, v24;
	v24 =	vadd.s32 s17, v5  }
0x36a: {  	v8 =	vor.u32 v23, v8;
	v29 =	vand.u32 $0x3F, v29;
	v45 =	vand.u32 $0x3F, v24  }
0x36b: {  	v52 =	vor.u32 v23, v29;
	v29 =	vand.u32 $0x3F, v30;
	v30 =	vadd.s32 s11, v5  }
0x36c: {  	v24 =	vor.u32 v25, v45;
	v46 =	vunpack.i.l.bf16.f32 v13;
	v13 =	vunpack.i.u.bf16.f32 v13  }
0x36d: {  	v38 =	vld.idx.msk [tilespmem:v63+s24+$0x0], $0xffff;
	v33 =	vmul.f32 v46, v22;
	v49 =	vunpack.i.l.bf16.f32 v26;
	v26 =	vunpack.i.u.bf16.f32 v26  }
0x36e: {  	v13 =	vmul.f32 v13, v22;
	v51 =	vmul.f32 v26, v22;
	v26 =	vor.u32 v25, v47  }
0x36f: {  	v54 =	vand.u32 $0x3F, v30;
	v30 =	vor.u32 v25, v30;
	[tilespmem:v28+s20+$0x0] =	vst.idx.msk $0xffff, v33;
	v50 =	vmul.f32 v49, v22  }
0x370: {  	v32 =	vor.u32 v23, v54;
	v28 =	vor.u32 v23, v48;
	[tilespmem:v31+s20+$0x0] =	vst.idx.msk $0xffff, v13;
	v13 =	vld.idx.msk [tilespmem:v27+s24+$0x0], $0xffff  }
0x371: {  	v33 =	vor.u32 v25, v55;
	v31 =	vadd.s32 s10, v5;
	v47 =	vand.u32 $0x3F, v55;
	v39 =	vld.idx.msk [tilespmem:v24+s24+$0x0], $0xffff;
	[tilespmem:v8+s20+$0x0] =	vst.idx.msk $0xffff, v50  }
0x372: {  	s30 =	simm.s32 $0xA;
	v53 =	vand.u32 $0x3F, v31;
	v31 =	vor.u32 v23, v45;
	v56 =	vunpack.i.l.bf16.f32 v38;
	[tilespmem:v2+s20+$0x0] =	vst.idx.msk $0xffff, v51  }
0x373: {  	v8 =	vor.u32 v23, v29;
	v29 =	vor.u32 v25, v53;
	v2 =	vadd.s32 s30, v0;
	v37 =	vld.idx.msk [tilespmem:v26+s24+$0x0], $0xffff  }
0x374: {  	v38 =	vunpack.i.u.bf16.f32 v38;
	v40 =	vmul.f32 v56, v22;
	v34 =	vor.u32 v25, v2  }
0x375: {  	v59 =	vmul.f32 v38, v22;
	v44 =	vor.u32 v23, v53;
	v2 =	vand.u32 $0x3F, v2  }
0x376: {  	[tilespmem:v52+s20+$0x0] =	vst.idx.msk $0xffff, v40;
	v40 =	vld.idx.msk [tilespmem:v33+s24+$0x0], $0xffff;
	v57 =	vunpack.i.l.bf16.f32 v13;
	v13 =	vunpack.i.u.bf16.f32 v13;
	v58 =	vunpack.i.u.bf16.f32 v39  }
0x377: {  	[tilespmem:v63+s20+$0x0] =	vst.idx.msk $0xffff, v59;
	v60 =	vunpack.i.l.bf16.f32 v39;
	v62 =	vmul.f32 v57, v22;
	v43 =	vmul.f32 v13, v22  }
0x378: {  	v46 =	vmul.f32 v60, v22;
	v45 =	vmul.f32 v58, v22;
	v38 =	vld.idx.msk [tilespmem:v29+s24+$0x0], $0xffff;
	v13 =	vunpack.i.u.bf16.f32 v37  }
0x379: {  	v42 =	vmovc v25;
	v41 =	vld.idx.msk [tilespmem:v34+s24+$0x0], $0xffff;
	v63 =	vunpack.i.l.bf16.f32 v37;
	v37 =	vor.u32 v23, v2;
	v2 =	vadd.s32 s30, v5  }
0x37a: {  	s7 =	simm.s32 $0xC;
	[tilespmem:v8+s20+$0x0] =	vst.idx.msk $0xffff, v62;
	v39 =	vmul.f32 v63, v22;
	v36 =	vmul.f32 v13, v22;
	v35 =	vand.u32 $0x3F, v2  }
.LBB2_23:
0x37b: {  	s10 =	sadd.s32 $0x2, s7;
	v2 =	vor.u32 v23, v47  }
0x37c: {  	p1 =	slt.u32 s7, $0x3C;
	v8 =	vadd.s32 s6, v5;
	v13 =	vor.u32 v42, v35;
	[tilespmem:v27+s20+$0x0] =	vst.idx.msk $0xffff, v43;
	v27 =	vmov v33;
	s6 =	smov.u32 s7;
	s7 =	sadd.s32 $0x4, s7  }
0x37d: {  	v43 =	vadd.s32 s10, v0;
	v47 =	vand.u32 $0x3F, v8;
	v48 =	vld.idx.msk [tilespmem:v30+s24+$0x0], $0xffff;
	[tilespmem:v31+s20+$0x0] =	vst.idx.msk $0xffff, v46;
	v31 =	vmov v44  }
0x37e: {  	v44 =	vadd.s32 s6, v0;
	v46 =	vunpack.i.l.bf16.f32 v41;
	v49 =	vor.u32 v25, v43;
	[tilespmem:v24+s20+$0x0] =	vst.idx.msk $0xffff, v45;
	v24 =	vmovc v29  }
0x37f: {  	v33 =	vor.u32 v25, v44;
	v45 =	vand.u32 $0x3F, v43;
	v43 =	vmul.f32 v46, v22;
	[tilespmem:v28+s20+$0x0] =	vst.idx.msk $0xffff, v39  }
0x380: {  	v41 =	vunpack.i.u.bf16.f32 v41;
	v29 =	vmovc v13;
	v39 =	vunpack.i.l.bf16.f32 v40;
	v50 =	vunpack.i.u.bf16.f32 v38;
	v28 =	vmovc v32;
	[tilespmem:v26+s20+$0x0] =	vst.idx.msk $0xffff, v36  }
0x381: {  	v13 =	vunpack.i.u.bf16.f32 v40;
	v46 =	vunpack.i.l.bf16.f32 v38;
	v36 =	vmul.f32 v41, v22;
	v26 =	vmovc v30;
	[tilespmem:v37+s20+$0x0] =	vst.idx.msk $0xffff, v43  }
.Ltmp10:
0x382: {  	v32 =	vor.u32 v23, v47;
	v51 =	vmul.f32 v39, v22;
	v43 =	vmul.f32 v13, v22;
	(pc) =	sbr.rel @p1 .LBB2_23-.Ltmp10, $4  }
0x383: {  	v30 =	vor.u32 v42, v8;
	v8 =	vunpack.i.u.bf16.f32 v48;
	v13 =	vunpack.i.l.bf16.f32 v48;
	v41 =	vld.idx.msk [tilespmem:v49+s24+$0x0], $0xffff;
	[tilespmem:v34+s20+$0x0] =	vst.idx.msk $0xffff, v36  }
0x384: {  	v37 =	vor.u32 v23, v45;
	v39 =	vmul.f32 v13, v22;
	v36 =	vmul.f32 v8, v22;
	v40 =	vld.idx.msk [tilespmem:v33+s24+$0x0], $0xffff  }
0x385: {  	v46 =	vmul.f32 v46, v22;
	v42 =	vmovc v25;
	v45 =	vmul.f32 v50, v22;
	v8 =	vadd.s32 s10, v5;
	v38 =	vld.idx.msk [tilespmem:v29+s24+$0x0], $0xffff  }
0x386: {  	v47 =	vand.u32 $0x3F, v44;
	v44 =	vor.u32 v23, v35;
	v34 =	vmovc v49;
	v35 =	vand.u32 $0x3F, v8;
	[tilespmem:v2+s20+$0x0] =	vst.idx.msk $0xffff, v51  }
0x387: {  	_ =	sdelay $0x3  }
0x388: {  	v2 =	vor.u32 v23, v47;
	v8 =	vor.u32 v42, v35;
	[tilespmem:v27+s20+$0x0] =	vst.idx.msk $0xffff, v43;
	v13 =	vunpack.i.l.bf16.f32 v41  }
0x389: {  	v25 =	vadd.s32 s6, v5;
	[tilespmem:v31+s20+$0x0] =	vst.idx.msk $0xffff, v46;
	v53 =	vunpack.i.u.bf16.f32 v41;
	v13 =	vmul.f32 v13, v22  }
0x38a: {  	[tilespmem:v28+s20+$0x0] =	vst.idx.msk $0xffff, v39;
	v55 =	vor.u32 v42, v25;
	v54 =	vunpack.i.l.bf16.f32 v40;
	v27 =	vmul.f32 v53, v22  }
0x38b: {  	v56 =	vld.idx.msk [tilespmem:v30+s24+$0x0], $0xffff;
	v57 =	vunpack.i.u.bf16.f32 v40;
	[tilespmem:v37+s20+$0x0] =	vst.idx.msk $0xffff, v13;
	v13 =	vmul.f32 v54, v22  }
0x38c: {  	v58 =	vmul.f32 v57, v22;
	[tilespmem:v34+s20+$0x0] =	vst.idx.msk $0xffff, v27  }
0x38d: {  	v27 =	vld.idx.msk [tilespmem:v8+s24+$0x0], $0xffff;
	[tilespmem:v2+s20+$0x0] =	vst.idx.msk $0xffff, v13  }
0x38e: {  	v2 =	vunpack.i.l.bf16.f32 v38;
	[tilespmem:v33+s20+$0x0] =	vst.idx.msk $0xffff, v58  }
0x38f: {  	[tilespmem:v24+s20+$0x0] =	vst.idx.msk $0xffff, v45;
	v13 =	vunpack.i.u.bf16.f32 v38;
	v2 =	vmul.f32 v2, v22;
	v24 =	vld.idx.msk [tilespmem:v55+s24+$0x0], $0xffff  }
0x390: {  	v60 =	vor.u32 v23, v35;
	[tilespmem:v26+s20+$0x0] =	vst.idx.msk $0xffff, v36;
	v59 =	vunpack.i.l.bf16.f32 v56;
	v13 =	vmul.f32 v13, v22  }
0x391: {  	v25 =	vand.u32 $0x3F, v25;
	v62 =	vunpack.i.u.bf16.f32 v56;
	v26 =	vmul.f32 v59, v22;
	[tilespmem:v44+s20+$0x0] =	vst.idx.msk $0xffff, v2  }
0x392: {  	v2 =	vor.u32 v23, v25;
	v23 =	vmul.f32 v62, v22;
	[tilespmem:v29+s20+$0x0] =	vst.idx.msk $0xffff, v13;
	v13 =	vunpack.i.l.bf16.f32 v27  }
0x393: {  	[tilespmem:v32+s20+$0x0] =	vst.idx.msk $0xffff, v26;
	v63 =	vunpack.i.u.bf16.f32 v27;
	v13 =	vmul.f32 v13, v22  }
0x394: {  	[tilespmem:v30+s20+$0x0] =	vst.idx.msk $0xffff, v23;
	v25 =	vmul.f32 v63, v22;
	v23 =	vunpack.i.l.bf16.f32 v24  }
0x395: {  	v24 =	vunpack.i.u.bf16.f32 v24;
	v23 =	vmul.f32 v23, v22;
	[tilespmem:v60+s20+$0x0] =	vst.idx.msk $0xffff, v13  }
0x396: {  	v13 =	vmul.f32 v24, v22;
	[tilespmem:v8+s20+$0x0] =	vst.idx.msk $0xffff, v25  }
0x397: {  	[tilespmem:v2+s20+$0x0] =	vst.idx.msk $0xffff, v23  }
0x398: {  	[tilespmem:v55+s20+$0x0] =	vst.idx.msk $0xffff, v13  }
0x399: {  	_ =	strace $0x9000004D  }
0x39a: {  	s3 =	sadd.s32 $0x50, s3;
	_ =	strace $0x8000004E  }
0x39b: {  	[spmem:s12] =	stream.indirect.scatter.add.f32 [tilespmem:s20], [sflag:$0x4], $0x80, s3, s22, $0x2000b8;
	[tilespmem:$0x1EBE0] =	vst v63  }
0x39c: {  	s15 =	sadd.s32 s16, s5  }
0x39d: {  	[spmem:s13] =	stream.indirect.scatter.add.f32 [tilespmem:s21], [sflag:$0x5], $0x10, s3, s22, $0x2000b8;
	[tilespmem:$0x1EBE0] =	vst v63  }
0x39e: {  	s3 =	smul.u32 $0x50, s15  }
0x39f: {  	s4 =	smul.u32 $0x3C0, s4  }
0x3a0: {  	_ =	strace $0x9000004E;
	s3 =	sshrl.u32 s3, $0x3  }
0x3a1: {  	s4 =	sshrl.u32 s4, $0x2;
	_ =	strace $0x8000004F;
	s17 =	sadd.s32 s25, s3  }
0x3a2: {  	[tilespmem:s4], [sflag:$0x3] =	stream.linear.gather [hbm4b:s17+s1], $0x50, $0x200038;
	[tilespmem:$0x1EBE0] =	vst v63  }
0x3a3: {  	p1 =	sne.s32 s2, $0x7D;
	s30 =	sadd.s32 $0x50, s4;
	s5 =	sadd.s32 $0x9C40, s17  }
0x3a4: {  	[tilespmem:s30], [sflag:$0x3] =	stream.linear.gather [hbm4b:s5+s1], $0x50, $0x200038;
	[tilespmem:$0x1EBE0] =	vst v63  }
.Ltmp11:
0x3a5: {  	s3 =	sadd.s32 s9, s3;
	s4 =	sadd.s32 $0xA0, s4;
	(pc) =	sbr.rel @p1 .LBB2_4-.Ltmp11, $4  }
0x3a6: {  	[tilespmem:s4], [sflag:$0x3] =	stream.linear.gather [hbm4b:s3+s1], $0x50, $0x200038;
	[tilespmem:$0x1EBE0] =	vst v63  }
0x3a7: {  	_ =	strace $0x9000004F  }
0x3a8: {  	v2 =	vld [tilespmem:$0x1FFD0]  }
0x3a9: {  	v8 =	vld [tilespmem:$0x1FFE0]  }
0x3aa: {  	_ =	swait.ge [sflag:s26], $0x2800  }
0x3ab: {  	[sflag:s26] =	ssyncset.done $0x0  }
0x3ac: {  	[sflag:s26] =	ssyncadd.s32 $0xFFFFD800  }
0x3ad: {  	_ =	swait.ge [sflag:s28], $0x1400  }
0x3ae: {  	[sflag:s28] =	ssyncset.done $0x0  }
0x3af: {  	[sflag:s28] =	ssyncadd.s32 $0xFFFFEC00  }
0x3b0: {  	_ =	swait.ge [sflag:s29], $0x50  }
0x3b1: {  	[sflag:s29] =	ssyncset.done $0x0  }
0x3b2: {  	[sflag:s29] =	ssyncadd.s32 $0xFFFFFFB0  }
0x3b3: {  	_ =	swait.ge [sflag:s29], $0x50  }
0x3b4: {  	[sflag:s29] =	ssyncset.done $0x0  }
0x3b5: {  	[sflag:s29] =	ssyncadd.s32 $0xFFFFFFB0  }
0x3b6: {  	_ =	swait.ge [sflag:s29], $0x50  }
0x3b7: {  	[sflag:s29] =	ssyncset.done $0x0  }
0x3b8: {  	s0 =	simm.s32 $0x4;
	[sflag:s29] =	ssyncadd.s32 $0xFFFFFFB0  }
0x3b9: {  	_ =	swait.ge [sflag:s0], $0x2800  }
0x3ba: {  	[sflag:s0] =	ssyncset.done $0x0  }
0x3bb: {  	[sflag:s0] =	ssyncadd.s32 $0xFFFFD800  }
0x3bc: {  	_ =	swait.ge [sflag:s31], $0x500  }
0x3bd: {  	[sflag:s31] =	ssyncset.done $0x0  }
0x3be: {  	[sflag:s31] =	ssyncadd.s32 $0xFFFFFB00  }
0x3bf: {  	[bflag:$0x0] =	sbarrier.arrive $0xFFFF  }
0x3c0: {  	s4 =	stileid.u32;
	s3 =	sld [smem:$0x7EB]  }
0x3c1: {  	s0 =	sshll.u32 s4, $0x6  }
0x3c2: {  	s0 =	sor.u32 $0x1C06, s0;
	s2 =	rddreg [dreg:$0x6]  }
0x3c3: {  	[hbm:s2], [sflag:s0] =	dma.local [spmem:s3], $0x500  }
0x3c4: {  	_ =	swait.ge [sflag:s19], $0x500  }
0x3c5: {  	s6 =	sld [smem:$0x7EC]  }
0x3c6: {  	[sflag:s19] =	ssyncset.done $0x0  }
0x3c7: {  	s5 =	rddreg [dreg:$0xe];
	[sflag:s19] =	ssyncadd.s32 $0xFFFFFB00  }
0x3c8: {  	[hbm:s5], [sflag:s0] =	dma.local [spmem:s6], $0xA0  }
0x3c9: {  	_ =	swait.ge [sflag:s19], $0xA0  }
0x3ca: {  	s10 =	sld [smem:$0x7ED]  }
0x3cb: {  	[sflag:s19] =	ssyncset.done $0x0  }
0x3cc: {  	s7 =	rddreg [dreg:$0x7];
	[sflag:s19] =	ssyncadd.s32 $0xFFFFFF60  }
0x3cd: {  	[hbm:s7], [sflag:s0] =	dma.local [spmem:s10], $0x500  }
0x3ce: {  	_ =	swait.ge [sflag:s19], $0x500  }
0x3cf: {  	s15 =	sld [smem:$0x7EE]  }
0x3d0: {  	[sflag:s19] =	ssyncset.done $0x0  }
0x3d1: {  	s11 =	rddreg [dreg:$0xf];
	[sflag:s19] =	ssyncadd.s32 $0xFFFFFB00  }
0x3d2: {  	[hbm:s11], [sflag:s0] =	dma.local [spmem:s15], $0xA0  }
0x3d3: {  	_ =	swait.ge [sflag:s19], $0xA0  }
0x3d4: {  	s30 =	sld [smem:$0x7EF]  }
0x3d5: {  	[sflag:s19] =	ssyncset.done $0x0  }
0x3d6: {  	s17 =	rddreg [dreg:$0x8];
	[sflag:s19] =	ssyncadd.s32 $0xFFFFFF60  }
0x3d7: {  	[hbm:s17], [sflag:s0] =	dma.local [spmem:s30], $0x500  }
0x3d8: {  	_ =	swait.ge [sflag:s19], $0x500  }
0x3d9: {  	s4 =	sld [smem:$0x7F0]  }
0x3da: {  	[sflag:s19] =	ssyncset.done $0x0  }
0x3db: {  	s3 =	rddreg [dreg:$0x10];
	[sflag:s19] =	ssyncadd.s32 $0xFFFFFB00  }
0x3dc: {  	[hbm:s3], [sflag:s0] =	dma.local [spmem:s4], $0xA0  }
0x3dd: {  	_ =	swait.ge [sflag:s19], $0xA0  }
0x3de: {  	s6 =	sld [smem:$0x7F1]  }
0x3df: {  	[sflag:s19] =	ssyncset.done $0x0  }
0x3e0: {  	s5 =	rddreg [dreg:$0x9];
	[sflag:s19] =	ssyncadd.s32 $0xFFFFFF60  }
0x3e1: {  	[hbm:s5], [sflag:s0] =	dma.local [spmem:s6], $0x500  }
0x3e2: {  	_ =	swait.ge [sflag:s19], $0x500  }
0x3e3: {  	s10 =	sld [smem:$0x7F2]  }
0x3e4: {  	[sflag:s19] =	ssyncset.done $0x0  }
0x3e5: {  	s7 =	rddreg [dreg:$0x11];
	[sflag:s19] =	ssyncadd.s32 $0xFFFFFB00  }
0x3e6: {  	[hbm:s7], [sflag:s0] =	dma.local [spmem:s10], $0xA0  }
0x3e7: {  	_ =	swait.ge [sflag:s19], $0xA0  }
0x3e8: {  	s15 =	sld [smem:$0x7F3]  }
0x3e9: {  	[sflag:s19] =	ssyncset.done $0x0  }
0x3ea: {  	s11 =	rddreg [dreg:$0xa];
	[sflag:s19] =	ssyncadd.s32 $0xFFFFFF60  }
0x3eb: {  	[hbm:s11], [sflag:s0] =	dma.local [spmem:s15], $0x500  }
0x3ec: {  	_ =	swait.ge [sflag:s19], $0x500  }
0x3ed: {  	s30 =	sld [smem:$0x7F4]  }
0x3ee: {  	[sflag:s19] =	ssyncset.done $0x0  }
0x3ef: {  	s17 =	rddreg [dreg:$0x12];
	[sflag:s19] =	ssyncadd.s32 $0xFFFFFB00  }
0x3f0: {  	[hbm:s17], [sflag:s0] =	dma.local [spmem:s30], $0xA0  }
0x3f1: {  	_ =	swait.ge [sflag:s19], $0xA0  }
0x3f2: {  	s5 =	sld [smem:$0x7F5]  }
0x3f3: {  	[sflag:s19] =	ssyncset.done $0x0  }
0x3f4: {  	s4 =	rddreg [dreg:$0xb];
	[sflag:s19] =	ssyncadd.s32 $0xFFFFFF60  }
0x3f5: {  	[hbm:s4], [sflag:s0] =	dma.local [spmem:s5], $0x500  }
0x3f6: {  	_ =	swait.ge [sflag:s19], $0x500  }
0x3f7: {  	s7 =	sld [smem:$0x7F6]  }
0x3f8: {  	[sflag:s19] =	ssyncset.done $0x0  }
0x3f9: {  	s6 =	rddreg [dreg:$0x13];
	[sflag:s19] =	ssyncadd.s32 $0xFFFFFB00  }
0x3fa: {  	[hbm:s6], [sflag:s0] =	dma.local [spmem:s7], $0xA0  }
0x3fb: {  	_ =	swait.ge [sflag:s19], $0xA0  }
0x3fc: {  	s11 =	sld [smem:$0x7F7]  }
0x3fd: {  	[sflag:s19] =	ssyncset.done $0x0  }
0x3fe: {  	s10 =	rddreg [dreg:$0xc];
	[sflag:s19] =	ssyncadd.s32 $0xFFFFFF60  }
0x3ff: {  	[hbm:s10], [sflag:s0] =	dma.local [spmem:s11], $0x500  }
0x400: {  	_ =	swait.ge [sflag:s19], $0x500  }
0x401: {  	s17 =	sld [smem:$0x7F8]  }
0x402: {  	[sflag:s19] =	ssyncset.done $0x0  }
0x403: {  	s15 =	rddreg [dreg:$0x14];
	[sflag:s19] =	ssyncadd.s32 $0xFFFFFB00  }
0x404: {  	[hbm:s15], [sflag:s0] =	dma.local [spmem:s17], $0xA0  }
0x405: {  	_ =	swait.ge [sflag:s19], $0xA0  }
0x406: {  	s3 =	sld [smem:$0x7F9]  }
0x407: {  	[sflag:s19] =	ssyncset.done $0x0  }
0x408: {  	s2 =	rddreg [dreg:$0xd];
	[sflag:s19] =	ssyncadd.s32 $0xFFFFFF60  }
0x409: {  	[hbm:s2], [sflag:s0] =	dma.local @!p0 [spmem:s3], $0x500  }
0x40a: {  	s2 =	simm.s32 @!p0 $0x6  }
0x40b: {  	_ =	swait.ge @!p0 [sflag:s2], $0x500  }
0x40c: {  	s4 =	sld [smem:$0x7FA]  }
0x40d: {  	[sflag:s2] =	ssyncset.done @!p0 $0x0  }
0x40e: {  	s3 =	rddreg [dreg:$0x15];
	[sflag:s2] =	ssyncadd.s32 @!p0 $0xFFFFFB00  }
0x40f: {  	[hbm:s3], [sflag:s0] =	dma.local @!p0 [spmem:s4], $0xA0  }
0x410: {  	_ =	swait.ge @!p0 [sflag:s2], $0xA0  }
0x411: {  	s30 =	sld [smem:$0x7EA];
	_ =	sdelay $0x1  }
0x412: {  	s14 =	sadd.s32 $0x1, s14  }
0x413: {  	p1 =	sne.s32 s14, s30  }
.Ltmp12:
0x414: {  	_ = 	snop;
	(pc) =	sbr.rel @p1 .LBB2_1-.Ltmp12, $3  }
0x415: {  	_ =	sdelay $0x1  }
0x416: {  	[sflag:s2] =	ssyncset.done @!p0 $0x0  }
0x417: {  	[sflag:s2] =	ssyncadd.s32 @!p0 $0xFFFFFF60  }
0x418: {  	_ =	sfence.sel $0x180000  }
0x419: {  	[bflag:$0x0] =	sbarrier.arrive $0xFFFF  }
0x41a: {  	_ =	strace $0x90000047  }
0x41b: {  	s0 =	stileid.u32;
	[bflag:$0x2] =	sbarrier.arrive $0xFFFF  }
0x41c: {  	p0 =	sne.s32 s0, $0x0;
	s0 =	rddreg [dreg:$0x5]  }
0x41d: {  	s0 =	sadd.s32 @!p0 $0x100000, s0  }
0x41e: {  	[sflag:s0] =	ssyncadd.tile.s32 @!p0 $0x1;
	_ =	shalt  }
.Lfunc_end2:
_tile_overlayer_lowered:
.L_overlay_start_2:
0x41f: {  	(tag) =	ssettag $0x2  }
0x420: {  	s0 =	rddreg [dreg:$0x0];
	s2 =	stileid.u32  }
0x421: {  	s1 =	rddreg [dreg:$0x1];
	p0 =	sne.s32 s2, $0x0  }
0x422: {  	s3 =	rddreg [dreg:$0x2];
	[bflag:$0x3] =	sbarrier.arrive $0xFFFF;
	s2 =	simm.s32 @!p0 $0x1C06  }
0x423: {  	[timem:s3], [sflag:s2] =	dma.local @!p0 [hbm:s0], s1  }
0x424: {  	s0 =	simm.s32 @!p0 $0x6  }
0x425: {  	_ =	swait.ge @!p0 [sflag:s0], s1  }
0x426: {  	s1 =	ssub.s32 @!p0 $0x0, s1;
	[sflag:s0] =	ssyncset.done @!p0 $0x0  }
0x427: {  	[sflag:s0] =	ssyncadd.s32 @!p0 s1  }
0x428: {  	[bflag:$0x3] =	sbarrier.arrive $0xFFFF  }
0x429: {  	_ =	shalt  }

</sc_bundles>
